<compile_context>
chip_gen: v7x
topology: tpu7x:2x2x1
jax: 0.10.2.dev20260603
libtpu: 0.0.44.dev20260713+nightly
codegen_flags: <defaults>
</compile_context>

<pallas_src>
import math

import jax
import jax.numpy as jnp
from jax import lax
from jax.experimental import pallas as pl
from jax.experimental.pallas import tpu as pltpu
from jax.experimental.pallas import tpu_sc as plsc

_N = 8192
_ROWS = 128
_NB = 2048
_NSUB = 4
_CAP = 2048
_RPW = 4
_SPARSITY = 0.05
_K1 = math.ceil(_SPARSITY * _N)
_K2 = _K1 + 1


def _sc_kwta_body(x_hbm, out_hbm, rowa_v, rowb_v, hist_v, cand_v,
                  semi0, semi1, semo0, semo1):
    SIGN = jnp.int32(-2**31)
    IMIN = jnp.int32(-2**31)
    IMAX = jnp.int32(2**31 - 1)
    i16 = jnp.int32(16)
    cid = lax.axis_index("c")
    sid = lax.axis_index("s")
    wid = sid * 2 + cid
    lane = lax.iota(jnp.int32, 16)
    ones = jnp.ones((16,), jnp.int32)
    zero = jnp.zeros((16,), jnp.int32)
    k1v = jnp.full((16,), jnp.int32(_K1), jnp.int32)
    laneoff = (lane & jnp.int32(3)) * jnp.int32(_NB)

    def keys_of(v):
        bi = plsc.bitcast(v, jnp.int32)
        return jnp.where(bi < 0, ~bi ^ SIGN, bi)

    @plsc.parallel_loop(0, _NSUB * _NB // 16, unroll=8)
    def _zeros(i):
        hist_v[pl.ds(i * 16, 16)] = zero

    def compute_row(row_v, row):
        @plsc.parallel_loop(0, _N // 16, unroll=8)
        def _hist(i):
            sk = keys_of(row_v[pl.ds(i * 16, 16)])
            bucket = (sk >> jnp.int32(21)) + jnp.int32(1024) + laneoff
            plsc.addupdate_scatter(hist_v, [bucket], ones)

        @plsc.parallel_loop(
            0, _NB // 16, unroll=4,
            carry=(jnp.int32(0), zero, zero,
                   jnp.full((16,), IMAX, jnp.int32)))
        def _suffix(i, carry):
            tot, nge1_v, na1_v, s1_v = carry
            c = jnp.int32(_NB // 16 - 1) - i
            v = (hist_v[pl.ds(c * 16, 16)] +
                 hist_v[pl.ds(_NB + c * 16, 16)] +
                 hist_v[pl.ds(2 * _NB + c * 16, 16)] +
                 hist_v[pl.ds(3 * _NB + c * 16, 16)])
            hist_v[pl.ds(c * 16, 16)] = zero
            hist_v[pl.ds(_NB + c * 16, 16)] = zero
            hist_v[pl.ds(2 * _NB + c * 16, 16)] = zero
            hist_v[pl.ds(3 * _NB + c * 16, 16)] = zero
            rc = plsc.cumsum(v)
            t = jnp.max(rc)
            s = jnp.full((16,), tot + t, jnp.int32) - rc + v
            ge = s >= k1v
            nge1_v = nge1_v + ge.astype(jnp.int32)
            na1_v = jnp.maximum(na1_v, jnp.where(ge, zero, s))
            s1_v = jnp.minimum(s1_v, jnp.where(ge, s, IMAX))
            return tot + t, nge1_v, na1_v, s1_v
        _, nge1_v, na1_v, s1_v = _suffix
        b1 = jnp.sum(nge1_v) - jnp.int32(1)
        n_above1 = jnp.max(na1_v)
        cnt_b1 = jnp.min(s1_v) - n_above1
        r1 = jnp.int32(_K1) - n_above1
        b1s = b1 - jnp.int32(1024)
        b1sv = jnp.full((16,), b1s, jnp.int32)

        @plsc.parallel_loop(
            0, _N // 16, unroll=8,
            carry=(zero, jnp.full((16,), IMIN, jnp.int32)))
        def _compact(i, carry):
            cntv, mxb_v = carry
            sk = keys_of(row_v[pl.ds(i * 16, 16)])
            bb = sk >> jnp.int32(21)
            m_in = bb == b1sv
            m_bel = bb < b1sv
            mi = m_in.astype(jnp.int32)
            pos = jnp.minimum(cntv + plsc.cumsum(mi) - ones,
                              jnp.int32(_CAP - 1))
            plsc.store_scatter(cand_v, [pos], sk, mask=m_in)
            mxb_v = jnp.maximum(mxb_v, jnp.where(m_bel, sk, IMIN))
            cntv = cntv + plsc.all_reduce_population_count(m_in)
            return cntv, mxb_v
        (_, mxb_v) = _compact
        mx_below = jnp.max(mxb_v)

        ncap = jnp.minimum(cnt_b1, jnp.int32(_CAP))
        nch = (ncap + jnp.int32(15)) // i16
        cntv16 = jnp.full((16,), ncap, jnp.int32)
        kbase = b1s << jnp.int32(21)

        def resolve(nchunks, load):
            def count_ge(ck):
                ckv = jnp.full((16,), ck, jnp.int32)

                def ccb(j, acc):
                    c, dom = load(j)
                    hit = dom & (c >= ckv)
                    return acc + hit.astype(jnp.int32)
                return jnp.sum(lax.fori_loop(0, nchunks, ccb, zero))

            def bbody(i, kk):
                cand_k = kk | (jnp.int32(1) << (jnp.int32(20) - i))
                return jnp.where(count_ge(cand_k) >= r1, cand_k, kk)
            k410 = lax.fori_loop(0, 21, bbody, kbase)
            cnt_at = count_ge(k410)
            kv410 = jnp.full((16,), k410, jnp.int32)

            def mbb(j, mv):
                c, dom = load(j)
                m = dom & (c < kv410)
                return jnp.maximum(mv, jnp.where(m, c, IMIN))
            mxc_v = lax.fori_loop(0, nchunks, mbb,
                                  jnp.full((16,), IMIN, jnp.int32))
            return k410, cnt_at, jnp.max(mxc_v)

        def load_small(j):
            return cand_v[pl.ds(j * 16, 16)], (lane + j * i16) < cntv16

        def load_full(j):
            sk = keys_of(row_v[pl.ds(j * 16, 16)])
            return sk, (sk >> jnp.int32(21)) == b1sv

        def resolve_small():
            return resolve(nch, load_small)

        def resolve_full():
            return resolve(jnp.int32(_N // 16), load_full)

        k410, cnt_at, mx_cand = lax.cond(
            cnt_b1 <= jnp.int32(_CAP), resolve_small, resolve_full)
        k411 = jnp.where(n_above1 + cnt_at >= jnp.int32(_K2), k410,
                         jnp.maximum(mx_below, mx_cand))

        def key_to_f(k):
            fb = jnp.where(k < 0, ~(k ^ SIGN), k)
            return plsc.bitcast(fb, jnp.float32)
        tv = (key_to_f(jnp.full((16,), k410, jnp.int32)) +
              key_to_f(jnp.full((16,), k411, jnp.int32))) * jnp.float32(0.5)

        onef = jnp.full((16,), 1.0, jnp.float32)
        zerof = jnp.zeros((16,), jnp.float32)

        @plsc.parallel_loop(0, _N // 16, unroll=8)
        def _mask(i):
            v = row_v[pl.ds(i * 16, 16)]
            row_v[pl.ds(i * 16, 16)] = jnp.where(v > tv, onef, zerof)

    bufs = (rowa_v, rowb_v)
    sin = (semi0, semi1)
    sout = (semo0, semo1)
    rows = [wid * jnp.int32(_RPW) + jnp.int32(rr) for rr in range(_RPW)]
    pltpu.async_copy(x_hbm.at[rows[0]], bufs[0], sin[0])
    for rr in range(_RPW):
        h = rr & 1
        pltpu.make_async_copy(x_hbm.at[rows[rr]], bufs[h], sin[h]).wait()
        if rr + 1 < _RPW:
            if rr >= 1:
                pltpu.make_async_copy(
                    bufs[1 - h], out_hbm.at[rows[rr - 1]],
                    sout[1 - h]).wait()
            pltpu.async_copy(x_hbm.at[rows[rr + 1]], bufs[1 - h],
                             sin[1 - h])
        compute_row(bufs[h], rows[rr])
        pltpu.async_copy(bufs[h], out_hbm.at[rows[rr]], sout[h])
    pltpu.make_async_copy(bufs[0], out_hbm.at[rows[_RPW - 2]],
                          sout[0]).wait()
    pltpu.make_async_copy(bufs[1], out_hbm.at[rows[_RPW - 1]],
                          sout[1]).wait()


def kernel(x):
    mesh = plsc.VectorSubcoreMesh(core_axis_name="c", subcore_axis_name="s")
    return pl.kernel(
        _sc_kwta_body,
        mesh=mesh,
        out_type=jax.ShapeDtypeStruct((_ROWS, _N), jnp.float32),
        scratch_types=[
            pltpu.VMEM((_N,), jnp.float32),
            pltpu.VMEM((_N,), jnp.float32),
            pltpu.VMEM((_NSUB * _NB,), jnp.int32),
            pltpu.VMEM((_CAP,), jnp.int32),
            pltpu.SemaphoreType.DMA,
            pltpu.SemaphoreType.DMA,
            pltpu.SemaphoreType.DMA,
            pltpu.SemaphoreType.DMA,
        ],
        compiler_params=pltpu.CompilerParams(needs_layout_passes=False),
    )(x)

# --- scband reference (transcript-rebuilt; emitter-appended) ---
"""Pipeline reference for scband-kwinners-take-all-51462298140725 (READ-ONLY COPY).

The authoritative reference and input builder live on the scoring server;
editing this copy changes nothing except your own understanding.
"""

import jax, jax.numpy as jnp
import numpy as np
import math

SPARSITY = 0.05

def get_kwta_threshold(tensor, sparsity):
    # tensor: (batch, embedding_dim)
    unsqueeze_dims = tensor.ndim - 1
    flat = tensor.reshape(tensor.shape[0], -1)
    embedding_dim = flat.shape[1]
    k_active = math.ceil(sparsity * embedding_dim)
    if k_active == embedding_dim:
        k_active -= 1
    # descending sort along dim 1
    x_sorted = -jnp.sort(-flat, axis=1)
    threshold = (x_sorted[:, k_active - 1] + x_sorted[:, k_active]) / 2.0
    threshold = threshold.reshape((-1,) + (1,) * unsqueeze_dims)
    return threshold

def setup_inputs(seed: int = 0) -> dict:
    key = jax.random.key(seed)
    x = jax.random.normal(key, (128, 8192), dtype=jnp.float32)
    return {"x": x}

def reference(x) -> jnp.ndarray:
    threshold = get_kwta_threshold(x, SPARSITY)
    mask_active = x > threshold
    return mask_active.astype(jnp.float32)

if __name__ == "__main__":
    import jax
    _d = setup_inputs()
    print(jax.jit(kernel)(*tuple(_d.values())))

</pallas_src>

<mosaic_0001>
#map = affine_map<(d0, d1) -> (0, 0)>
module attributes {stable_mosaic.version = 14 : i64} {
  func.func @_sc_kwta_body(%arg0: i32, %arg1: i32, %arg2: memref<128x8192xf32, #tpu.memory_space<hbm>>, %arg3: memref<128x8192xf32, #tpu.memory_space<hbm>>, %arg4: memref<8192xf32, #tpu.memory_space<vmem>>, %arg5: memref<8192xf32, #tpu.memory_space<vmem>>, %arg6: memref<8192xi32, #tpu.memory_space<vmem>>, %arg7: memref<2048xi32, #tpu.memory_space<vmem>>, %arg8: memref<!tpu.dma_semaphore, #tpu.memory_space<semaphore_mem>>, %arg9: memref<!tpu.dma_semaphore, #tpu.memory_space<semaphore_mem>>, %arg10: memref<!tpu.dma_semaphore, #tpu.memory_space<semaphore_mem>>, %arg11: memref<!tpu.dma_semaphore, #tpu.memory_space<semaphore_mem>>) attributes {dimension_semantics = [#tpu.dimension_semantics<core_parallel>, #tpu.dimension_semantics<subcore_parallel>], iteration_bounds = array<i64: 2, 16>, scalar_prefetch = 0 : i64, scratch_operands = 8 : i64, tpu.core_type = #tpu.core_type<sc_vector_subcore>, window_params = [{transform_indices = #map}, {transform_indices = #map}]} {
    %mul3A = arith.constant 2 : i32
    %mul3A_0 = arith.muli %arg1, %mul3A : i32
    %add3A = arith.addi %mul3A_0, %arg0 : i32
    %iota3A = tpu.iota {dimensions = array<i32: 0>} : vector<16xi32>
    %broadcast_in_dim3A = arith.constant 1 : i32
    %broadcast_in_dim3A_1 = vector.broadcast %broadcast_in_dim3A : i32 to vector<16xi32>
    %broadcast_in_dim3A_2 = arith.constant 0 : i32
    %broadcast_in_dim3A_3 = vector.broadcast %broadcast_in_dim3A_2 : i32 to vector<16xi32>
    %broadcast_in_dim3A_4 = arith.constant 410 : i32
    %broadcast_in_dim3A_5 = vector.broadcast %broadcast_in_dim3A_4 : i32 to vector<16xi32>
    %and3A = arith.constant 3 : i32
    %and3A_6 = vector.broadcast %and3A : i32 to vector<16xi32>
    %and3A_7 = arith.andi %iota3A, %and3A_6 : vector<16xi32>
    %mul3A_8 = arith.constant 2048 : i32
    %mul3A_9 = vector.broadcast %mul3A_8 : i32 to vector<16xi32>
    %mul3A_10 = arith.muli %and3A_7, %mul3A_9 : vector<16xi32>
    %parallel_loop3A = arith.constant 0 : i32
    %parallel_loop3A_11 = arith.constant 512 : i32
    %parallel_loop3A_12 = arith.constant 1 : i32
    scf.for %parallel_loop3A_638 = %parallel_loop3A to %parallel_loop3A_11 step %parallel_loop3A_12  : i32 {
      %parallel_loop3A_639 = arith.constant 16 : i32
      %parallel_loop3A_640 = arith.muli %parallel_loop3A_638, %parallel_loop3A_639 : i32
      %parallel_loop3A_641 = arith.index_cast %parallel_loop3A_640 : i32 to index
      %parallel_loop3A_642 = tpu.vector_load %arg6[%parallel_loop3A_641] {strides = array<i32>} : memref<8192xi32, #tpu.memory_space<vmem>>, vector<16xi32>,
      tpu.vector_store %arg6[%parallel_loop3A_641], %broadcast_in_dim3A_3 {strides = array<i32>} : memref<8192xi32, #tpu.memory_space<vmem>>, vector<16xi32>,
    } {sc.loop_unroll_factor = 8 : i64, sc.parallel_access}
    %mul3A_13 = arith.constant 4 : i32
    %mul3A_14 = arith.muli %add3A, %mul3A_13 : i32
    %add3A_15 = arith.constant 0 : i32
    %add3A_16 = arith.addi %mul3A_14, %add3A_15 : i32
    %mul3A_17 = arith.constant 4 : i32
    %mul3A_18 = arith.muli %add3A, %mul3A_17 : i32
    %add3A_19 = arith.constant 1 : i32
    %add3A_20 = arith.addi %mul3A_18, %add3A_19 : i32
    %mul3A_21 = arith.constant 4 : i32
    %mul3A_22 = arith.muli %add3A, %mul3A_21 : i32
    %add3A_23 = arith.constant 2 : i32
    %add3A_24 = arith.addi %mul3A_22, %add3A_23 : i32
    %mul3A_25 = arith.constant 4 : i32
    %mul3A_26 = arith.muli %add3A, %mul3A_25 : i32
    %add3A_27 = arith.constant 3 : i32
    %add3A_28 = arith.addi %mul3A_26, %add3A_27 : i32
    %dma_start3A = arith.constant 0 : i32
    %dma_start3A_29 = tpu.memref_slice %arg2[%add3A_16, %dma_start3A] : memref<128x8192xf32, #tpu.memory_space<hbm>> -> memref<1x8192xf32, #tpu.memory_space<hbm>>
    %dma_start3A_30 = tpu.memref_squeeze %dma_start3A_29 : memref<1x8192xf32, #tpu.memory_space<hbm>> -> memref<8192xf32, #tpu.memory_space<hbm>>
    %dma_start3A_31 = arith.constant 0 : i32
    %dma_start3A_32 = tpu.memref_slice %arg2[%add3A_16, %dma_start3A_31] : memref<128x8192xf32, #tpu.memory_space<hbm>> -> memref<1x8192xf32, #tpu.memory_space<hbm>>
    %dma_start3A_33 = tpu.memref_squeeze %dma_start3A_32 : memref<1x8192xf32, #tpu.memory_space<hbm>> -> memref<8192xf32, #tpu.memory_space<hbm>>
    tpu.enqueue_dma source(%dma_start3A_33 : memref<8192xf32, #tpu.memory_space<hbm>>) target(%arg4 : memref<8192xf32, #tpu.memory_space<vmem>>) target_semaphore(%arg8 : memref<!tpu.dma_semaphore, #tpu.memory_space<semaphore_mem>>)
    %dma_wait3A = arith.constant 0 : i32
    %dma_wait3A_34 = tpu.memref_slice %arg2[%add3A_16, %dma_wait3A] : memref<128x8192xf32, #tpu.memory_space<hbm>> -> memref<1x8192xf32, #tpu.memory_space<hbm>>
    %dma_wait3A_35 = tpu.memref_squeeze %dma_wait3A_34 : memref<1x8192xf32, #tpu.memory_space<hbm>> -> memref<8192xf32, #tpu.memory_space<hbm>>
    %dma_wait3A_36 = arith.constant 0 : i32
    %dma_wait3A_37 = tpu.memref_slice %arg2[%add3A_16, %dma_wait3A_36] : memref<128x8192xf32, #tpu.memory_space<hbm>> -> memref<1x8192xf32, #tpu.memory_space<hbm>>
    %dma_wait3A_38 = tpu.memref_squeeze %dma_wait3A_37 : memref<1x8192xf32, #tpu.memory_space<hbm>> -> memref<8192xf32, #tpu.memory_space<hbm>>
    tpu.wait_dma2 semaphore(%arg8 : memref<!tpu.dma_semaphore, #tpu.memory_space<semaphore_mem>>) src(%dma_wait3A_38 : memref<8192xf32, #tpu.memory_space<hbm>>) dst(%arg4 : memref<8192xf32, #tpu.memory_space<vmem>>)
    %dma_start3A_39 = arith.constant 0 : i32
    %dma_start3A_40 = tpu.memref_slice %arg2[%add3A_20, %dma_start3A_39] : memref<128x8192xf32, #tpu.memory_space<hbm>> -> memref<1x8192xf32, #tpu.memory_space<hbm>>
    %dma_start3A_41 = tpu.memref_squeeze %dma_start3A_40 : memref<1x8192xf32, #tpu.memory_space<hbm>> -> memref<8192xf32, #tpu.memory_space<hbm>>
    %dma_start3A_42 = arith.constant 0 : i32
    %dma_start3A_43 = tpu.memref_slice %arg2[%add3A_20, %dma_start3A_42] : memref<128x8192xf32, #tpu.memory_space<hbm>> -> memref<1x8192xf32, #tpu.memory_space<hbm>>
    %dma_start3A_44 = tpu.memref_squeeze %dma_start3A_43 : memref<1x8192xf32, #tpu.memory_space<hbm>> -> memref<8192xf32, #tpu.memory_space<hbm>>
    tpu.enqueue_dma source(%dma_start3A_44 : memref<8192xf32, #tpu.memory_space<hbm>>) target(%arg5 : memref<8192xf32, #tpu.memory_space<vmem>>) target_semaphore(%arg9 : memref<!tpu.dma_semaphore, #tpu.memory_space<semaphore_mem>>)
    %parallel_loop3A_45 = arith.constant 0 : i32
    %parallel_loop3A_46 = arith.constant 512 : i32
    %parallel_loop3A_47 = arith.constant 1 : i32
    %parallel_loop3A_48 = arith.constant -2147483648 : i32
    scf.for %parallel_loop3A_638 = %parallel_loop3A_45 to %parallel_loop3A_46 step %parallel_loop3A_47  : i32 {
      %parallel_loop3A_639 = arith.constant 16 : i32
      %parallel_loop3A_640 = arith.muli %parallel_loop3A_638, %parallel_loop3A_639 : i32
      %parallel_loop3A_641 = arith.index_cast %parallel_loop3A_640 : i32 to index
      %parallel_loop3A_642 = tpu.vector_load %arg4[%parallel_loop3A_641] {strides = array<i32>} : memref<8192xf32, #tpu.memory_space<vmem>>, vector<16xf32>,
      %parallel_loop3A_643 = vector.bitcast %parallel_loop3A_642 : vector<16xf32> to vector<16xi32>
      %parallel_loop3A_644 = arith.constant 0 : i32
      %parallel_loop3A_645 = vector.broadcast %parallel_loop3A_644 : i32 to vector<16xi32>
      %parallel_loop3A_646 = arith.cmpi slt, %parallel_loop3A_643, %parallel_loop3A_645 : vector<16xi32>
      %parallel_loop3A_647 = arith.constant dense<-1> : vector<16xi32>
      %parallel_loop3A_648 = arith.xori %parallel_loop3A_643, %parallel_loop3A_647 : vector<16xi32>
      %parallel_loop3A_649 = vector.broadcast %parallel_loop3A_48 : i32 to vector<16xi32>
      %parallel_loop3A_650 = arith.xori %parallel_loop3A_648, %parallel_loop3A_649 : vector<16xi32>
      %parallel_loop3A_651 = arith.select %parallel_loop3A_646, %parallel_loop3A_650, %parallel_loop3A_643 : vector<16xi1>, vector<16xi32>
      %parallel_loop3A_652 = arith.constant 21 : i32
      %parallel_loop3A_653 = vector.broadcast %parallel_loop3A_652 : i32 to vector<16xi32>
      %parallel_loop3A_654 = arith.shrsi %parallel_loop3A_651, %parallel_loop3A_653 : vector<16xi32>
      %parallel_loop3A_655 = arith.constant 1024 : i32
      %parallel_loop3A_656 = vector.broadcast %parallel_loop3A_655 : i32 to vector<16xi32>
      %parallel_loop3A_657 = arith.addi %parallel_loop3A_654, %parallel_loop3A_656 : vector<16xi32>
      %parallel_loop3A_658 = arith.addi %parallel_loop3A_657, %mul3A_10 : vector<16xi32>
      tpu.vector_store_idx %arg6[%parallel_loop3A_658], %broadcast_in_dim3A_1 {add = true} : memref<8192xi32, #tpu.memory_space<vmem>>[vector<16xi32>], vector<16xi32>,
    } {sc.loop_unroll_factor = 8 : i64, sc.parallel_access}
    %broadcast_in_dim3A_49 = arith.constant 2147483647 : i32
    %broadcast_in_dim3A_50 = vector.broadcast %broadcast_in_dim3A_49 : i32 to vector<16xi32>
    %parallel_loop3A_51 = arith.constant 0 : i32
    %parallel_loop3A_52 = arith.constant 128 : i32
    %parallel_loop3A_53 = arith.constant 1 : i32
    %parallel_loop3A_54 = arith.constant 2147483647 : i32
    %parallel_loop3A_55 = arith.constant 0 : i32
    %parallel_loop3A_56:4 = scf.for %parallel_loop3A_638 = %parallel_loop3A_51 to %parallel_loop3A_52 step %parallel_loop3A_53 iter_args(%parallel_loop3A_639 = %parallel_loop3A_55, %parallel_loop3A_640 = %broadcast_in_dim3A_3, %parallel_loop3A_641 = %broadcast_in_dim3A_3, %parallel_loop3A_642 = %broadcast_in_dim3A_50) -> (i32, vector<16xi32>, vector<16xi32>, vector<16xi32>)  : i32 {
      %parallel_loop3A_643 = arith.constant 127 : i32
      %parallel_loop3A_644 = arith.subi %parallel_loop3A_643, %parallel_loop3A_638 : i32
      %parallel_loop3A_645 = arith.constant 16 : i32
      %parallel_loop3A_646 = arith.muli %parallel_loop3A_644, %parallel_loop3A_645 : i32
      %parallel_loop3A_647 = arith.index_cast %parallel_loop3A_646 : i32 to index
      %parallel_loop3A_648 = tpu.vector_load %arg6[%parallel_loop3A_647] {strides = array<i32>} : memref<8192xi32, #tpu.memory_space<vmem>>, vector<16xi32>,
      %parallel_loop3A_649 = arith.constant 16 : i32
      %parallel_loop3A_650 = arith.muli %parallel_loop3A_644, %parallel_loop3A_649 : i32
      %parallel_loop3A_651 = arith.constant 2048 : i32
      %parallel_loop3A_652 = arith.addi %parallel_loop3A_651, %parallel_loop3A_650 : i32
      %parallel_loop3A_653 = arith.index_cast %parallel_loop3A_652 : i32 to index
      %parallel_loop3A_654 = tpu.vector_load %arg6[%parallel_loop3A_653] {strides = array<i32>} : memref<8192xi32, #tpu.memory_space<vmem>>, vector<16xi32>,
      %parallel_loop3A_655 = arith.addi %parallel_loop3A_648, %parallel_loop3A_654 : vector<16xi32>
      %parallel_loop3A_656 = arith.constant 16 : i32
      %parallel_loop3A_657 = arith.muli %parallel_loop3A_644, %parallel_loop3A_656 : i32
      %parallel_loop3A_658 = arith.constant 4096 : i32
      %parallel_loop3A_659 = arith.addi %parallel_loop3A_658, %parallel_loop3A_657 : i32
      %parallel_loop3A_660 = arith.index_cast %parallel_loop3A_659 : i32 to index
      %parallel_loop3A_661 = tpu.vector_load %arg6[%parallel_loop3A_660] {strides = array<i32>} : memref<8192xi32, #tpu.memory_space<vmem>>, vector<16xi32>,
      %parallel_loop3A_662 = arith.addi %parallel_loop3A_655, %parallel_loop3A_661 : vector<16xi32>
      %parallel_loop3A_663 = arith.constant 16 : i32
      %parallel_loop3A_664 = arith.muli %parallel_loop3A_644, %parallel_loop3A_663 : i32
      %parallel_loop3A_665 = arith.constant 6144 : i32
      %parallel_loop3A_666 = arith.addi %parallel_loop3A_665, %parallel_loop3A_664 : i32
      %parallel_loop3A_667 = arith.index_cast %parallel_loop3A_666 : i32 to index
      %parallel_loop3A_668 = tpu.vector_load %arg6[%parallel_loop3A_667] {strides = array<i32>} : memref<8192xi32, #tpu.memory_space<vmem>>, vector<16xi32>,
      %parallel_loop3A_669 = arith.addi %parallel_loop3A_662, %parallel_loop3A_668 : vector<16xi32>
      %parallel_loop3A_670 = arith.constant 16 : i32
      %parallel_loop3A_671 = arith.muli %parallel_loop3A_644, %parallel_loop3A_670 : i32
      %parallel_loop3A_672 = arith.index_cast %parallel_loop3A_671 : i32 to index
      %parallel_loop3A_673 = tpu.vector_load %arg6[%parallel_loop3A_672] {strides = array<i32>} : memref<8192xi32, #tpu.memory_space<vmem>>, vector<16xi32>,
      tpu.vector_store %arg6[%parallel_loop3A_672], %broadcast_in_dim3A_3 {strides = array<i32>} : memref<8192xi32, #tpu.memory_space<vmem>>, vector<16xi32>,
      %parallel_loop3A_674 = arith.constant 16 : i32
      %parallel_loop3A_675 = arith.muli %parallel_loop3A_644, %parallel_loop3A_674 : i32
      %parallel_loop3A_676 = arith.constant 2048 : i32
      %parallel_loop3A_677 = arith.addi %parallel_loop3A_676, %parallel_loop3A_675 : i32
      %parallel_loop3A_678 = arith.index_cast %parallel_loop3A_677 : i32 to index
      %parallel_loop3A_679 = tpu.vector_load %arg6[%parallel_loop3A_678] {strides = array<i32>} : memref<8192xi32, #tpu.memory_space<vmem>>, vector<16xi32>,
      tpu.vector_store %arg6[%parallel_loop3A_678], %broadcast_in_dim3A_3 {strides = array<i32>} : memref<8192xi32, #tpu.memory_space<vmem>>, vector<16xi32>,
      %parallel_loop3A_680 = arith.constant 16 : i32
      %parallel_loop3A_681 = arith.muli %parallel_loop3A_644, %parallel_loop3A_680 : i32
      %parallel_loop3A_682 = arith.constant 4096 : i32
      %parallel_loop3A_683 = arith.addi %parallel_loop3A_682, %parallel_loop3A_681 : i32
      %parallel_loop3A_684 = arith.index_cast %parallel_loop3A_683 : i32 to index
      %parallel_loop3A_685 = tpu.vector_load %arg6[%parallel_loop3A_684] {strides = array<i32>} : memref<8192xi32, #tpu.memory_space<vmem>>, vector<16xi32>,
      tpu.vector_store %arg6[%parallel_loop3A_684], %broadcast_in_dim3A_3 {strides = array<i32>} : memref<8192xi32, #tpu.memory_space<vmem>>, vector<16xi32>,
      %parallel_loop3A_686 = arith.constant 16 : i32
      %parallel_loop3A_687 = arith.muli %parallel_loop3A_644, %parallel_loop3A_686 : i32
      %parallel_loop3A_688 = arith.constant 6144 : i32
      %parallel_loop3A_689 = arith.addi %parallel_loop3A_688, %parallel_loop3A_687 : i32
      %parallel_loop3A_690 = arith.index_cast %parallel_loop3A_689 : i32 to index
      %parallel_loop3A_691 = tpu.vector_load %arg6[%parallel_loop3A_690] {strides = array<i32>} : memref<8192xi32, #tpu.memory_space<vmem>>, vector<16xi32>,
      tpu.vector_store %arg6[%parallel_loop3A_690], %broadcast_in_dim3A_3 {strides = array<i32>} : memref<8192xi32, #tpu.memory_space<vmem>>, vector<16xi32>,
      %parallel_loop3A_692 = arith.constant true
      %parallel_loop3A_693 = vector.broadcast %parallel_loop3A_692 : i1 to vector<16xi1>
      %parallel_loop3A_694 = tpu.scan <sum>, %parallel_loop3A_669 masked %parallel_loop3A_693 : vector<16xi32>, vector<16xi1> -> vector<16xi32>
      %parallel_loop3A_695 = arith.constant true
      %parallel_loop3A_696 = vector.broadcast %parallel_loop3A_695 : i1 to vector<16xi1>
      %parallel_loop3A_697 = arith.constant -2147483648 : i32
      %parallel_loop3A_698 = vector.broadcast %parallel_loop3A_697 : i32 to vector<16xi32>
      %parallel_loop3A_699 = arith.xori %parallel_loop3A_694, %parallel_loop3A_698 : vector<16xi32>
      %parallel_loop3A_700 = tpu.scan <max>, %parallel_loop3A_699 masked %parallel_loop3A_696 : vector<16xi32>, vector<16xi1> -> vector<16xi32>
      %parallel_loop3A_701 = arith.xori %parallel_loop3A_700, %parallel_loop3A_698 : vector<16xi32>
      %parallel_loop3A_702 = vector.extract %parallel_loop3A_701[15] : i32 from vector<16xi32>
      %parallel_loop3A_703 = arith.addi %parallel_loop3A_639, %parallel_loop3A_702 : i32
      %parallel_loop3A_704 = vector.broadcast %parallel_loop3A_703 : i32 to vector<16xi32>
      %parallel_loop3A_705 = arith.subi %parallel_loop3A_704, %parallel_loop3A_694 : vector<16xi32>
      %parallel_loop3A_706 = arith.addi %parallel_loop3A_705, %parallel_loop3A_669 : vector<16xi32>
      %parallel_loop3A_707 = arith.cmpi sge, %parallel_loop3A_706, %broadcast_in_dim3A_5 : vector<16xi32>
      %parallel_loop3A_708 = arith.extui %parallel_loop3A_707 : vector<16xi1> to vector<16xi32>
      %parallel_loop3A_709 = arith.addi %parallel_loop3A_640, %parallel_loop3A_708 : vector<16xi32>
      %parallel_loop3A_710 = arith.select %parallel_loop3A_707, %broadcast_in_dim3A_3, %parallel_loop3A_706 : vector<16xi1>, vector<16xi32>
      %parallel_loop3A_711 = arith.maxsi %parallel_loop3A_641, %parallel_loop3A_710 : vector<16xi32>
      %parallel_loop3A_712 = vector.broadcast %parallel_loop3A_54 : i32 to vector<16xi32>
      %parallel_loop3A_713 = arith.select %parallel_loop3A_707, %parallel_loop3A_706, %parallel_loop3A_712 : vector<16xi1>, vector<16xi32>
      %parallel_loop3A_714 = arith.minsi %parallel_loop3A_642, %parallel_loop3A_713 : vector<16xi32>
      %parallel_loop3A_715 = arith.addi %parallel_loop3A_639, %parallel_loop3A_702 : i32
      scf.yield %parallel_loop3A_715, %parallel_loop3A_709, %parallel_loop3A_711, %parallel_loop3A_714 : i32, vector<16xi32>, vector<16xi32>, vector<16xi32>
    } {sc.loop_unroll_factor = 4 : i64, sc.parallel_access}
    %reduce_sum3A = arith.constant true
    %reduce_sum3A_57 = vector.broadcast %reduce_sum3A : i1 to vector<16xi1>
    %reduce_sum3A_58 = tpu.scan <sum>, %parallel_loop3A_56#1 masked %reduce_sum3A_57 : vector<16xi32>, vector<16xi1> -> vector<16xi32>
    %reduce_sum3A_59 = vector.extract %reduce_sum3A_58[15] : i32 from vector<16xi32>
    %sub3A = arith.constant 1 : i32
    %sub3A_60 = arith.subi %reduce_sum3A_59, %sub3A : i32
    %reduce_max3A = arith.constant true
    %reduce_max3A_61 = vector.broadcast %reduce_max3A : i1 to vector<16xi1>
    %reduce_max3A_62 = arith.constant -2147483648 : i32
    %reduce_max3A_63 = vector.broadcast %reduce_max3A_62 : i32 to vector<16xi32>
    %reduce_max3A_64 = arith.xori %parallel_loop3A_56#2, %reduce_max3A_63 : vector<16xi32>
    %reduce_max3A_65 = tpu.scan <max>, %reduce_max3A_64 masked %reduce_max3A_61 : vector<16xi32>, vector<16xi1> -> vector<16xi32>
    %reduce_max3A_66 = arith.xori %reduce_max3A_65, %reduce_max3A_63 : vector<16xi32>
    %reduce_max3A_67 = vector.extract %reduce_max3A_66[15] : i32 from vector<16xi32>
    %reduce_min3A = arith.constant true
    %reduce_min3A_68 = vector.broadcast %reduce_min3A : i1 to vector<16xi1>
    %reduce_min3A_69 = arith.constant -2147483648 : i32
    %reduce_min3A_70 = vector.broadcast %reduce_min3A_69 : i32 to vector<16xi32>
    %reduce_min3A_71 = arith.xori %parallel_loop3A_56#3, %reduce_min3A_70 : vector<16xi32>
    %reduce_min3A_72 = tpu.scan <min>, %reduce_min3A_71 masked %reduce_min3A_68 : vector<16xi32>, vector<16xi1> -> vector<16xi32>
    %reduce_min3A_73 = arith.xori %reduce_min3A_72, %reduce_min3A_70 : vector<16xi32>
    %reduce_min3A_74 = vector.extract %reduce_min3A_73[15] : i32 from vector<16xi32>
    %sub3A_75 = arith.subi %reduce_min3A_74, %reduce_max3A_67 : i32
    %sub3A_76 = arith.constant 410 : i32
    %sub3A_77 = arith.subi %sub3A_76, %reduce_max3A_67 : i32
    %sub3A_78 = arith.constant 1024 : i32
    %sub3A_79 = arith.subi %sub3A_60, %sub3A_78 : i32
    %broadcast_in_dim3A_80 = vector.broadcast %sub3A_79 : i32 to vector<16xi32>
    %broadcast_in_dim3A_81 = arith.constant -2147483648 : i32
    %broadcast_in_dim3A_82 = vector.broadcast %broadcast_in_dim3A_81 : i32 to vector<16xi32>
    %parallel_loop3A_83 = arith.constant 0 : i32
    %parallel_loop3A_84 = arith.constant 512 : i32
    %parallel_loop3A_85 = arith.constant 1 : i32
    %parallel_loop3A_86 = arith.constant -2147483648 : i32
    %parallel_loop3A_87 = arith.constant -2147483648 : i32
    %parallel_loop3A_88:2 = scf.for %parallel_loop3A_638 = %parallel_loop3A_83 to %parallel_loop3A_84 step %parallel_loop3A_85 iter_args(%parallel_loop3A_639 = %broadcast_in_dim3A_3, %parallel_loop3A_640 = %broadcast_in_dim3A_82) -> (vector<16xi32>, vector<16xi32>)  : i32 {
      %parallel_loop3A_641 = arith.constant 16 : i32
      %parallel_loop3A_642 = arith.muli %parallel_loop3A_638, %parallel_loop3A_641 : i32
      %parallel_loop3A_643 = arith.index_cast %parallel_loop3A_642 : i32 to index
      %parallel_loop3A_644 = tpu.vector_load %arg4[%parallel_loop3A_643] {strides = array<i32>} : memref<8192xf32, #tpu.memory_space<vmem>>, vector<16xf32>,
      %parallel_loop3A_645 = vector.bitcast %parallel_loop3A_644 : vector<16xf32> to vector<16xi32>
      %parallel_loop3A_646 = arith.constant 0 : i32
      %parallel_loop3A_647 = vector.broadcast %parallel_loop3A_646 : i32 to vector<16xi32>
      %parallel_loop3A_648 = arith.cmpi slt, %parallel_loop3A_645, %parallel_loop3A_647 : vector<16xi32>
      %parallel_loop3A_649 = arith.constant dense<-1> : vector<16xi32>
      %parallel_loop3A_650 = arith.xori %parallel_loop3A_645, %parallel_loop3A_649 : vector<16xi32>
      %parallel_loop3A_651 = vector.broadcast %parallel_loop3A_86 : i32 to vector<16xi32>
      %parallel_loop3A_652 = arith.xori %parallel_loop3A_650, %parallel_loop3A_651 : vector<16xi32>
      %parallel_loop3A_653 = arith.select %parallel_loop3A_648, %parallel_loop3A_652, %parallel_loop3A_645 : vector<16xi1>, vector<16xi32>
      %parallel_loop3A_654 = arith.constant 21 : i32
      %parallel_loop3A_655 = vector.broadcast %parallel_loop3A_654 : i32 to vector<16xi32>
      %parallel_loop3A_656 = arith.shrsi %parallel_loop3A_653, %parallel_loop3A_655 : vector<16xi32>
      %parallel_loop3A_657 = arith.cmpi eq, %parallel_loop3A_656, %broadcast_in_dim3A_80 : vector<16xi32>
      %parallel_loop3A_658 = arith.cmpi slt, %parallel_loop3A_656, %broadcast_in_dim3A_80 : vector<16xi32>
      %parallel_loop3A_659 = arith.extui %parallel_loop3A_657 : vector<16xi1> to vector<16xi32>
      %parallel_loop3A_660 = arith.constant true
      %parallel_loop3A_661 = vector.broadcast %parallel_loop3A_660 : i1 to vector<16xi1>
      %parallel_loop3A_662 = tpu.scan <sum>, %parallel_loop3A_659 masked %parallel_loop3A_661 : vector<16xi32>, vector<16xi1> -> vector<16xi32>
      %parallel_loop3A_663 = arith.addi %parallel_loop3A_639, %parallel_loop3A_662 : vector<16xi32>
      %parallel_loop3A_664 = arith.subi %parallel_loop3A_663, %broadcast_in_dim3A_1 : vector<16xi32>
      %parallel_loop3A_665 = arith.constant 2047 : i32
      %parallel_loop3A_666 = vector.broadcast %parallel_loop3A_665 : i32 to vector<16xi32>
      %parallel_loop3A_667 = arith.minsi %parallel_loop3A_664, %parallel_loop3A_666 : vector<16xi32>
      tpu.vector_store_idx %arg7[%parallel_loop3A_667], %parallel_loop3A_653 masked %parallel_loop3A_657 : memref<2048xi32, #tpu.memory_space<vmem>>[vector<16xi32>], vector<16xi32>, vector<16xi1>
      %parallel_loop3A_668 = vector.broadcast %parallel_loop3A_87 : i32 to vector<16xi32>
      %parallel_loop3A_669 = arith.select %parallel_loop3A_658, %parallel_loop3A_653, %parallel_loop3A_668 : vector<16xi1>, vector<16xi32>
      %parallel_loop3A_670 = arith.maxsi %parallel_loop3A_640, %parallel_loop3A_669 : vector<16xi32>
      %parallel_loop3A_671 = tpu.all_reduce %parallel_loop3A_657 {dim = 0 : i64, kind = #tpu.reduction_kind<sum>} : vector<16xi1> -> vector<16xi32>
      %parallel_loop3A_672 = arith.addi %parallel_loop3A_639, %parallel_loop3A_671 : vector<16xi32>
      scf.yield %parallel_loop3A_672, %parallel_loop3A_670 : vector<16xi32>, vector<16xi32>
    } {sc.loop_unroll_factor = 8 : i64, sc.parallel_access}
    %reduce_max3A_89 = arith.constant true
    %reduce_max3A_90 = vector.broadcast %reduce_max3A_89 : i1 to vector<16xi1>
    %reduce_max3A_91 = arith.constant -2147483648 : i32
    %reduce_max3A_92 = vector.broadcast %reduce_max3A_91 : i32 to vector<16xi32>
    %reduce_max3A_93 = arith.xori %parallel_loop3A_88#1, %reduce_max3A_92 : vector<16xi32>
    %reduce_max3A_94 = tpu.scan <max>, %reduce_max3A_93 masked %reduce_max3A_90 : vector<16xi32>, vector<16xi1> -> vector<16xi32>
    %reduce_max3A_95 = arith.xori %reduce_max3A_94, %reduce_max3A_92 : vector<16xi32>
    %reduce_max3A_96 = vector.extract %reduce_max3A_95[15] : i32 from vector<16xi32>
    %min3A = arith.constant 2048 : i32
    %min3A_97 = arith.minsi %sub3A_75, %min3A : i32
    %add3A_98 = arith.constant 15 : i32
    %add3A_99 = arith.addi %min3A_97, %add3A_98 : i32
    %jit3A = arith.constant 16 : i32
    %div3A = arith.divsi %add3A_99, %jit3A : i32
    %sign3A = arith.constant 0 : i32
    %sign3A_100 = arith.cmpi sgt, %add3A_99, %sign3A : i32
    %sign3A_101 = arith.extui %sign3A_100 : i1 to i32
    %sign3A_102 = arith.constant 0 : i32
    %sign3A_103 = arith.cmpi slt, %add3A_99, %sign3A_102 : i32
    %sign3A_104 = arith.extui %sign3A_103 : i1 to i32
    %sign3A_105 = arith.subi %sign3A_101, %sign3A_104 : i32
    %sign3A_106 = arith.constant 0 : i32
    %sign3A_107 = arith.cmpi sgt, %jit3A, %sign3A_106 : i32
    %sign3A_108 = arith.extui %sign3A_107 : i1 to i32
    %sign3A_109 = arith.constant 0 : i32
    %sign3A_110 = arith.cmpi slt, %jit3A, %sign3A_109 : i32
    %sign3A_111 = arith.extui %sign3A_110 : i1 to i32
    %sign3A_112 = arith.subi %sign3A_108, %sign3A_111 : i32
    %ne3A = arith.cmpi ne, %sign3A_105, %sign3A_112 : i32
    %rem3A = arith.remsi %add3A_99, %jit3A : i32
    %ne3A_113 = arith.constant 0 : i32
    %ne3A_114 = arith.cmpi ne, %rem3A, %ne3A_113 : i32
    %and3A_115 = arith.andi %ne3A, %ne3A_114 : i1
    %sub3A_116 = arith.constant 1 : i32
    %sub3A_117 = arith.subi %div3A, %sub3A_116 : i32
    %select_n3A = arith.select %and3A_115, %sub3A_117, %div3A : i32
    %broadcast_in_dim3A_118 = vector.broadcast %min3A_97 : i32 to vector<16xi32>
    %shift_left3A = arith.constant 21 : i32
    %shift_left3A_119 = arith.shli %sub3A_79, %shift_left3A : i32
    %le3A = arith.constant 2048 : i32
    %le3A_120 = arith.cmpi sle, %sub3A_75, %le3A : i32
    %convert_element_type3A = arith.extui %le3A_120 : i1 to i32
    %cond3A = arith.constant 16 : i32
    %cond3A_121 = arith.constant -2147483648 : i32
    %cond3A_122 = arith.constant -2147483648 : i32
    %cond3A_123 = arith.constant 0 : i32
    %cond3A_124 = arith.cmpi ne, %convert_element_type3A, %cond3A_123 : i32
    %cond3A_125:3 = scf.if %cond3A_124 -> (i32, i32, i32) {
      %scan3A = arith.constant 0 : i32
      %scan3A_638 = arith.constant 21 : i32
      %scan3A_639 = arith.addi %scan3A, %scan3A_638 : i32
      %scan3A_640 = arith.constant 1 : i32
      %scan3A_641 = scf.for %scan3A_679 = %scan3A to %scan3A_639 step %scan3A_640 iter_args(%scan3A_680 = %shift_left3A_119) -> (i32)  : i32 {
        %sub3A_681 = arith.constant 20 : i32
        %sub3A_682 = arith.subi %sub3A_681, %scan3A_679 : i32
        %shift_left3A_683 = arith.constant 1 : i32
        %shift_left3A_684 = arith.shli %shift_left3A_683, %sub3A_682 : i32
        %or3A = arith.ori %scan3A_680, %shift_left3A_684 : i32
        %broadcast_in_dim3A_685 = vector.broadcast %or3A : i32 to vector<16xi32>
        %while3A_686 = arith.constant 0 : i32
        %while3A_687 = arith.subi %select_n3A, %while3A_686 : i32
        %while3A_688 = arith.addi %while3A_686, %while3A_687 : i32
        %while3A_689 = arith.constant 1 : i32
        %while3A_690 = arith.divsi %while3A_687, %while3A_689 : i32
        %while3A_691 = arith.muli %while3A_690, %while3A_689 : i32
        %while3A_692 = arith.addi %while3A_686, %while3A_691 : i32
        %while3A_693 = arith.constant 1 : i32
        %while3A_694 = scf.for %while3A_703 = %while3A_686 to %while3A_692 step %while3A_693 iter_args(%while3A_704 = %broadcast_in_dim3A_3) -> (vector<16xi32>)  : i32 {
          %mul3A_705 = arith.constant 16 : i32
          %mul3A_706 = arith.muli %while3A_703, %mul3A_705 : i32
          %get3A = arith.index_cast %mul3A_706 : i32 to index
          %get3A_707 = tpu.vector_load %arg7[%get3A] {strides = array<i32>} : memref<2048xi32, #tpu.memory_space<vmem>>, vector<16xi32>,
          %mul3A_708 = arith.muli %while3A_703, %cond3A : i32
          %add3A_709 = vector.broadcast %mul3A_708 : i32 to vector<16xi32>
          %add3A_710 = arith.addi %iota3A, %add3A_709 : vector<16xi32>
          %lt3A_711 = arith.cmpi slt, %add3A_710, %broadcast_in_dim3A_118 : vector<16xi32>
          %ge3A_712 = arith.cmpi sge, %get3A_707, %broadcast_in_dim3A_685 : vector<16xi32>
          %and3A_713 = arith.andi %lt3A_711, %ge3A_712 : vector<16xi1>
          %convert_element_type3A_714 = arith.extui %and3A_713 : vector<16xi1> to vector<16xi32>
          %add3A_715 = arith.addi %while3A_704, %convert_element_type3A_714 : vector<16xi32>
          scf.yield %add3A_715 : vector<16xi32>
        }
        %while3A_695 = arith.constant 1 : i32
        %while3A_696 = scf.for %while3A_703 = %while3A_692 to %while3A_688 step %while3A_695 iter_args(%while3A_704 = %while3A_694) -> (vector<16xi32>)  : i32 {
          %mul3A_705 = arith.constant 16 : i32
          %mul3A_706 = arith.muli %while3A_703, %mul3A_705 : i32
          %get3A = arith.index_cast %mul3A_706 : i32 to index
          %get3A_707 = tpu.vector_load %arg7[%get3A] {strides = array<i32>} : memref<2048xi32, #tpu.memory_space<vmem>>, vector<16xi32>,
          %mul3A_708 = arith.muli %while3A_703, %cond3A : i32
          %add3A_709 = vector.broadcast %mul3A_708 : i32 to vector<16xi32>
          %add3A_710 = arith.addi %iota3A, %add3A_709 : vector<16xi32>
          %lt3A_711 = arith.cmpi slt, %add3A_710, %broadcast_in_dim3A_118 : vector<16xi32>
          %ge3A_712 = arith.cmpi sge, %get3A_707, %broadcast_in_dim3A_685 : vector<16xi32>
          %and3A_713 = arith.andi %lt3A_711, %ge3A_712 : vector<16xi1>
          %convert_element_type3A_714 = arith.extui %and3A_713 : vector<16xi1> to vector<16xi32>
          %add3A_715 = arith.addi %while3A_704, %convert_element_type3A_714 : vector<16xi32>
          scf.yield %add3A_715 : vector<16xi32>
        }
        %reduce_sum3A_697 = arith.constant true
        %reduce_sum3A_698 = vector.broadcast %reduce_sum3A_697 : i1 to vector<16xi1>
        %reduce_sum3A_699 = tpu.scan <sum>, %while3A_696 masked %reduce_sum3A_698 : vector<16xi32>, vector<16xi1> -> vector<16xi32>
        %reduce_sum3A_700 = vector.extract %reduce_sum3A_699[15] : i32 from vector<16xi32>
        %ge3A_701 = arith.cmpi sge, %reduce_sum3A_700, %sub3A_77 : i32
        %select_n3A_702 = arith.select %ge3A_701, %or3A, %scan3A_680 : i32
        scf.yield %select_n3A_702 : i32
      }
      %scan3A_642 = arith.constant 21 : i32
      %broadcast_in_dim3A_643 = vector.broadcast %scan3A_641 : i32 to vector<16xi32>
      %while3A = arith.constant 0 : i32
      %while3A_644 = arith.subi %select_n3A, %while3A : i32
      %while3A_645 = arith.addi %while3A, %while3A_644 : i32
      %while3A_646 = arith.constant 1 : i32
      %while3A_647 = arith.divsi %while3A_644, %while3A_646 : i32
      %while3A_648 = arith.muli %while3A_647, %while3A_646 : i32
      %while3A_649 = arith.addi %while3A, %while3A_648 : i32
      %while3A_650 = arith.constant 1 : i32
      %while3A_651 = scf.for %while3A_679 = %while3A to %while3A_649 step %while3A_650 iter_args(%while3A_680 = %broadcast_in_dim3A_3) -> (vector<16xi32>)  : i32 {
        %mul3A_681 = arith.constant 16 : i32
        %mul3A_682 = arith.muli %while3A_679, %mul3A_681 : i32
        %get3A = arith.index_cast %mul3A_682 : i32 to index
        %get3A_683 = tpu.vector_load %arg7[%get3A] {strides = array<i32>} : memref<2048xi32, #tpu.memory_space<vmem>>, vector<16xi32>,
        %mul3A_684 = arith.muli %while3A_679, %cond3A : i32
        %add3A_685 = vector.broadcast %mul3A_684 : i32 to vector<16xi32>
        %add3A_686 = arith.addi %iota3A, %add3A_685 : vector<16xi32>
        %lt3A_687 = arith.cmpi slt, %add3A_686, %broadcast_in_dim3A_118 : vector<16xi32>
        %ge3A_688 = arith.cmpi sge, %get3A_683, %broadcast_in_dim3A_643 : vector<16xi32>
        %and3A_689 = arith.andi %lt3A_687, %ge3A_688 : vector<16xi1>
        %convert_element_type3A_690 = arith.extui %and3A_689 : vector<16xi1> to vector<16xi32>
        %add3A_691 = arith.addi %while3A_680, %convert_element_type3A_690 : vector<16xi32>
        scf.yield %add3A_691 : vector<16xi32>
      }
      %while3A_652 = arith.constant 1 : i32
      %while3A_653 = scf.for %while3A_679 = %while3A_649 to %while3A_645 step %while3A_652 iter_args(%while3A_680 = %while3A_651) -> (vector<16xi32>)  : i32 {
        %mul3A_681 = arith.constant 16 : i32
        %mul3A_682 = arith.muli %while3A_679, %mul3A_681 : i32
        %get3A = arith.index_cast %mul3A_682 : i32 to index
        %get3A_683 = tpu.vector_load %arg7[%get3A] {strides = array<i32>} : memref<2048xi32, #tpu.memory_space<vmem>>, vector<16xi32>,
        %mul3A_684 = arith.muli %while3A_679, %cond3A : i32
        %add3A_685 = vector.broadcast %mul3A_684 : i32 to vector<16xi32>
        %add3A_686 = arith.addi %iota3A, %add3A_685 : vector<16xi32>
        %lt3A_687 = arith.cmpi slt, %add3A_686, %broadcast_in_dim3A_118 : vector<16xi32>
        %ge3A_688 = arith.cmpi sge, %get3A_683, %broadcast_in_dim3A_643 : vector<16xi32>
        %and3A_689 = arith.andi %lt3A_687, %ge3A_688 : vector<16xi1>
        %convert_element_type3A_690 = arith.extui %and3A_689 : vector<16xi1> to vector<16xi32>
        %add3A_691 = arith.addi %while3A_680, %convert_element_type3A_690 : vector<16xi32>
        scf.yield %add3A_691 : vector<16xi32>
      }
      %reduce_sum3A_654 = arith.constant true
      %reduce_sum3A_655 = vector.broadcast %reduce_sum3A_654 : i1 to vector<16xi1>
      %reduce_sum3A_656 = tpu.scan <sum>, %while3A_653 masked %reduce_sum3A_655 : vector<16xi32>, vector<16xi1> -> vector<16xi32>
      %reduce_sum3A_657 = vector.extract %reduce_sum3A_656[15] : i32 from vector<16xi32>
      %broadcast_in_dim3A_658 = vector.broadcast %scan3A_641 : i32 to vector<16xi32>
      %broadcast_in_dim3A_659 = vector.broadcast %cond3A_121 : i32 to vector<16xi32>
      %while3A_660 = arith.constant 0 : i32
      %while3A_661 = arith.subi %select_n3A, %while3A_660 : i32
      %while3A_662 = arith.addi %while3A_660, %while3A_661 : i32
      %while3A_663 = arith.constant 1 : i32
      %while3A_664 = arith.divsi %while3A_661, %while3A_663 : i32
      %while3A_665 = arith.muli %while3A_664, %while3A_663 : i32
      %while3A_666 = arith.addi %while3A_660, %while3A_665 : i32
      %while3A_667 = arith.constant 1 : i32
      %while3A_668 = scf.for %while3A_679 = %while3A_660 to %while3A_666 step %while3A_667 iter_args(%while3A_680 = %broadcast_in_dim3A_659) -> (vector<16xi32>)  : i32 {
        %mul3A_681 = arith.constant 16 : i32
        %mul3A_682 = arith.muli %while3A_679, %mul3A_681 : i32
        %get3A = arith.index_cast %mul3A_682 : i32 to index
        %get3A_683 = tpu.vector_load %arg7[%get3A] {strides = array<i32>} : memref<2048xi32, #tpu.memory_space<vmem>>, vector<16xi32>,
        %mul3A_684 = arith.muli %while3A_679, %cond3A : i32
        %add3A_685 = vector.broadcast %mul3A_684 : i32 to vector<16xi32>
        %add3A_686 = arith.addi %iota3A, %add3A_685 : vector<16xi32>
        %lt3A_687 = arith.cmpi slt, %add3A_686, %broadcast_in_dim3A_118 : vector<16xi32>
        %lt3A_688 = arith.cmpi slt, %get3A_683, %broadcast_in_dim3A_658 : vector<16xi32>
        %and3A_689 = arith.andi %lt3A_687, %lt3A_688 : vector<16xi1>
        %broadcast_in_dim3A_690 = vector.broadcast %cond3A_121 : i32 to vector<16xi32>
        %select_n3A_691 = arith.select %and3A_689, %get3A_683, %broadcast_in_dim3A_690 : vector<16xi1>, vector<16xi32>
        %max3A_692 = arith.maxsi %while3A_680, %select_n3A_691 : vector<16xi32>
        scf.yield %max3A_692 : vector<16xi32>
      }
      %while3A_669 = arith.constant 1 : i32
      %while3A_670 = scf.for %while3A_679 = %while3A_666 to %while3A_662 step %while3A_669 iter_args(%while3A_680 = %while3A_668) -> (vector<16xi32>)  : i32 {
        %mul3A_681 = arith.constant 16 : i32
        %mul3A_682 = arith.muli %while3A_679, %mul3A_681 : i32
        %get3A = arith.index_cast %mul3A_682 : i32 to index
        %get3A_683 = tpu.vector_load %arg7[%get3A] {strides = array<i32>} : memref<2048xi32, #tpu.memory_space<vmem>>, vector<16xi32>,
        %mul3A_684 = arith.muli %while3A_679, %cond3A : i32
        %add3A_685 = vector.broadcast %mul3A_684 : i32 to vector<16xi32>
        %add3A_686 = arith.addi %iota3A, %add3A_685 : vector<16xi32>
        %lt3A_687 = arith.cmpi slt, %add3A_686, %broadcast_in_dim3A_118 : vector<16xi32>
        %lt3A_688 = arith.cmpi slt, %get3A_683, %broadcast_in_dim3A_658 : vector<16xi32>
        %and3A_689 = arith.andi %lt3A_687, %lt3A_688 : vector<16xi1>
        %broadcast_in_dim3A_690 = vector.broadcast %cond3A_121 : i32 to vector<16xi32>
        %select_n3A_691 = arith.select %and3A_689, %get3A_683, %broadcast_in_dim3A_690 : vector<16xi1>, vector<16xi32>
        %max3A_692 = arith.maxsi %while3A_680, %select_n3A_691 : vector<16xi32>
        scf.yield %max3A_692 : vector<16xi32>
      }
      %reduce_max3A_671 = arith.constant true
      %reduce_max3A_672 = vector.broadcast %reduce_max3A_671 : i1 to vector<16xi1>
      %reduce_max3A_673 = arith.constant -2147483648 : i32
      %reduce_max3A_674 = vector.broadcast %reduce_max3A_673 : i32 to vector<16xi32>
      %reduce_max3A_675 = arith.xori %while3A_670, %reduce_max3A_674 : vector<16xi32>
      %reduce_max3A_676 = tpu.scan <max>, %reduce_max3A_675 masked %reduce_max3A_672 : vector<16xi32>, vector<16xi1> -> vector<16xi32>
      %reduce_max3A_677 = arith.xori %reduce_max3A_676, %reduce_max3A_674 : vector<16xi32>
      %reduce_max3A_678 = vector.extract %reduce_max3A_677[15] : i32 from vector<16xi32>
      scf.yield %scan3A_641, %reduce_sum3A_657, %reduce_max3A_678 : i32, i32, i32
    } else {
      %scan3A = arith.constant 512 : i32
      %scan3A_638 = arith.constant 0 : i32
      %scan3A_639 = arith.constant 21 : i32
      %scan3A_640 = arith.addi %scan3A_638, %scan3A_639 : i32
      %scan3A_641 = arith.constant 1 : i32
      %scan3A_642 = scf.for %scan3A_682 = %scan3A_638 to %scan3A_640 step %scan3A_641 iter_args(%scan3A_683 = %shift_left3A_119) -> (i32)  : i32 {
        %sub3A_684 = arith.constant 20 : i32
        %sub3A_685 = arith.subi %sub3A_684, %scan3A_682 : i32
        %shift_left3A_686 = arith.constant 1 : i32
        %shift_left3A_687 = arith.shli %shift_left3A_686, %sub3A_685 : i32
        %or3A = arith.ori %scan3A_683, %shift_left3A_687 : i32
        %broadcast_in_dim3A_688 = vector.broadcast %or3A : i32 to vector<16xi32>
        %while3A_689 = arith.constant 0 : i32
        %while3A_690 = arith.subi %scan3A, %while3A_689 : i32
        %while3A_691 = arith.addi %while3A_689, %while3A_690 : i32
        %while3A_692 = arith.constant 1 : i32
        %while3A_693 = arith.divsi %while3A_690, %while3A_692 : i32
        %while3A_694 = arith.muli %while3A_693, %while3A_692 : i32
        %while3A_695 = arith.addi %while3A_689, %while3A_694 : i32
        %while3A_696 = arith.constant 1 : i32
        %while3A_697 = scf.for %while3A_706 = %while3A_689 to %while3A_695 step %while3A_696 iter_args(%while3A_707 = %broadcast_in_dim3A_3) -> (vector<16xi32>)  : i32 {
          %mul3A_708 = arith.constant 16 : i32
          %mul3A_709 = arith.muli %while3A_706, %mul3A_708 : i32
          %get3A = arith.index_cast %mul3A_709 : i32 to index
          %get3A_710 = tpu.vector_load %arg4[%get3A] {strides = array<i32>} : memref<8192xf32, #tpu.memory_space<vmem>>, vector<16xf32>,
          %bitcast3A_711 = vector.bitcast %get3A_710 : vector<16xf32> to vector<16xi32>
          %lt3A_712 = arith.constant 0 : i32
          %lt3A_713 = vector.broadcast %lt3A_712 : i32 to vector<16xi32>
          %lt3A_714 = arith.cmpi slt, %bitcast3A_711, %lt3A_713 : vector<16xi32>
          %not3A_715 = arith.constant dense<-1> : vector<16xi32>
          %not3A_716 = arith.xori %bitcast3A_711, %not3A_715 : vector<16xi32>
          %xor3A_717 = vector.broadcast %cond3A_122 : i32 to vector<16xi32>
          %xor3A_718 = arith.xori %not3A_716, %xor3A_717 : vector<16xi32>
          %select_n3A_719 = arith.select %lt3A_714, %xor3A_718, %bitcast3A_711 : vector<16xi1>, vector<16xi32>
          %shift_right_arithmetic3A = arith.constant 21 : i32
          %shift_right_arithmetic3A_720 = vector.broadcast %shift_right_arithmetic3A : i32 to vector<16xi32>
          %shift_right_arithmetic3A_721 = arith.shrsi %select_n3A_719, %shift_right_arithmetic3A_720 : vector<16xi32>
          %eq3A = arith.cmpi eq, %shift_right_arithmetic3A_721, %broadcast_in_dim3A_80 : vector<16xi32>
          %ge3A_722 = arith.cmpi sge, %select_n3A_719, %broadcast_in_dim3A_688 : vector<16xi32>
          %and3A_723 = arith.andi %eq3A, %ge3A_722 : vector<16xi1>
          %convert_element_type3A_724 = arith.extui %and3A_723 : vector<16xi1> to vector<16xi32>
          %add3A_725 = arith.addi %while3A_707, %convert_element_type3A_724 : vector<16xi32>
          scf.yield %add3A_725 : vector<16xi32>
        }
        %while3A_698 = arith.constant 1 : i32
        %while3A_699 = scf.for %while3A_706 = %while3A_695 to %while3A_691 step %while3A_698 iter_args(%while3A_707 = %while3A_697) -> (vector<16xi32>)  : i32 {
          %mul3A_708 = arith.constant 16 : i32
          %mul3A_709 = arith.muli %while3A_706, %mul3A_708 : i32
          %get3A = arith.index_cast %mul3A_709 : i32 to index
          %get3A_710 = tpu.vector_load %arg4[%get3A] {strides = array<i32>} : memref<8192xf32, #tpu.memory_space<vmem>>, vector<16xf32>,
          %bitcast3A_711 = vector.bitcast %get3A_710 : vector<16xf32> to vector<16xi32>
          %lt3A_712 = arith.constant 0 : i32
          %lt3A_713 = vector.broadcast %lt3A_712 : i32 to vector<16xi32>
          %lt3A_714 = arith.cmpi slt, %bitcast3A_711, %lt3A_713 : vector<16xi32>
          %not3A_715 = arith.constant dense<-1> : vector<16xi32>
          %not3A_716 = arith.xori %bitcast3A_711, %not3A_715 : vector<16xi32>
          %xor3A_717 = vector.broadcast %cond3A_122 : i32 to vector<16xi32>
          %xor3A_718 = arith.xori %not3A_716, %xor3A_717 : vector<16xi32>
          %select_n3A_719 = arith.select %lt3A_714, %xor3A_718, %bitcast3A_711 : vector<16xi1>, vector<16xi32>
          %shift_right_arithmetic3A = arith.constant 21 : i32
          %shift_right_arithmetic3A_720 = vector.broadcast %shift_right_arithmetic3A : i32 to vector<16xi32>
          %shift_right_arithmetic3A_721 = arith.shrsi %select_n3A_719, %shift_right_arithmetic3A_720 : vector<16xi32>
          %eq3A = arith.cmpi eq, %shift_right_arithmetic3A_721, %broadcast_in_dim3A_80 : vector<16xi32>
          %ge3A_722 = arith.cmpi sge, %select_n3A_719, %broadcast_in_dim3A_688 : vector<16xi32>
          %and3A_723 = arith.andi %eq3A, %ge3A_722 : vector<16xi1>
          %convert_element_type3A_724 = arith.extui %and3A_723 : vector<16xi1> to vector<16xi32>
          %add3A_725 = arith.addi %while3A_707, %convert_element_type3A_724 : vector<16xi32>
          scf.yield %add3A_725 : vector<16xi32>
        }
        %reduce_sum3A_700 = arith.constant true
        %reduce_sum3A_701 = vector.broadcast %reduce_sum3A_700 : i1 to vector<16xi1>
        %reduce_sum3A_702 = tpu.scan <sum>, %while3A_699 masked %reduce_sum3A_701 : vector<16xi32>, vector<16xi1> -> vector<16xi32>
        %reduce_sum3A_703 = vector.extract %reduce_sum3A_702[15] : i32 from vector<16xi32>
        %ge3A_704 = arith.cmpi sge, %reduce_sum3A_703, %sub3A_77 : i32
        %select_n3A_705 = arith.select %ge3A_704, %or3A, %scan3A_683 : i32
        scf.yield %select_n3A_705 : i32
      }
      %scan3A_643 = arith.constant 21 : i32
      %broadcast_in_dim3A_644 = vector.broadcast %scan3A_642 : i32 to vector<16xi32>
      %while3A = arith.constant 0 : i32
      %while3A_645 = arith.constant 512 : i32
      %while3A_646 = arith.subi %while3A_645, %while3A : i32
      %while3A_647 = arith.addi %while3A, %while3A_646 : i32
      %while3A_648 = arith.constant 1 : i32
      %while3A_649 = arith.divsi %while3A_646, %while3A_648 : i32
      %while3A_650 = arith.muli %while3A_649, %while3A_648 : i32
      %while3A_651 = arith.addi %while3A, %while3A_650 : i32
      %while3A_652 = arith.constant 1 : i32
      %while3A_653 = scf.for %while3A_682 = %while3A to %while3A_651 step %while3A_652 iter_args(%while3A_683 = %broadcast_in_dim3A_3) -> (vector<16xi32>)  : i32 {
        %mul3A_684 = arith.constant 16 : i32
        %mul3A_685 = arith.muli %while3A_682, %mul3A_684 : i32
        %get3A = arith.index_cast %mul3A_685 : i32 to index
        %get3A_686 = tpu.vector_load %arg4[%get3A] {strides = array<i32>} : memref<8192xf32, #tpu.memory_space<vmem>>, vector<16xf32>,
        %bitcast3A_687 = vector.bitcast %get3A_686 : vector<16xf32> to vector<16xi32>
        %lt3A_688 = arith.constant 0 : i32
        %lt3A_689 = vector.broadcast %lt3A_688 : i32 to vector<16xi32>
        %lt3A_690 = arith.cmpi slt, %bitcast3A_687, %lt3A_689 : vector<16xi32>
        %not3A_691 = arith.constant dense<-1> : vector<16xi32>
        %not3A_692 = arith.xori %bitcast3A_687, %not3A_691 : vector<16xi32>
        %xor3A_693 = vector.broadcast %cond3A_122 : i32 to vector<16xi32>
        %xor3A_694 = arith.xori %not3A_692, %xor3A_693 : vector<16xi32>
        %select_n3A_695 = arith.select %lt3A_690, %xor3A_694, %bitcast3A_687 : vector<16xi1>, vector<16xi32>
        %shift_right_arithmetic3A = arith.constant 21 : i32
        %shift_right_arithmetic3A_696 = vector.broadcast %shift_right_arithmetic3A : i32 to vector<16xi32>
        %shift_right_arithmetic3A_697 = arith.shrsi %select_n3A_695, %shift_right_arithmetic3A_696 : vector<16xi32>
        %eq3A = arith.cmpi eq, %shift_right_arithmetic3A_697, %broadcast_in_dim3A_80 : vector<16xi32>
        %ge3A_698 = arith.cmpi sge, %select_n3A_695, %broadcast_in_dim3A_644 : vector<16xi32>
        %and3A_699 = arith.andi %eq3A, %ge3A_698 : vector<16xi1>
        %convert_element_type3A_700 = arith.extui %and3A_699 : vector<16xi1> to vector<16xi32>
        %add3A_701 = arith.addi %while3A_683, %convert_element_type3A_700 : vector<16xi32>
        scf.yield %add3A_701 : vector<16xi32>
      }
      %while3A_654 = arith.constant 1 : i32
      %while3A_655 = scf.for %while3A_682 = %while3A_651 to %while3A_647 step %while3A_654 iter_args(%while3A_683 = %while3A_653) -> (vector<16xi32>)  : i32 {
        %mul3A_684 = arith.constant 16 : i32
        %mul3A_685 = arith.muli %while3A_682, %mul3A_684 : i32
        %get3A = arith.index_cast %mul3A_685 : i32 to index
        %get3A_686 = tpu.vector_load %arg4[%get3A] {strides = array<i32>} : memref<8192xf32, #tpu.memory_space<vmem>>, vector<16xf32>,
        %bitcast3A_687 = vector.bitcast %get3A_686 : vector<16xf32> to vector<16xi32>
        %lt3A_688 = arith.constant 0 : i32
        %lt3A_689 = vector.broadcast %lt3A_688 : i32 to vector<16xi32>
        %lt3A_690 = arith.cmpi slt, %bitcast3A_687, %lt3A_689 : vector<16xi32>
        %not3A_691 = arith.constant dense<-1> : vector<16xi32>
        %not3A_692 = arith.xori %bitcast3A_687, %not3A_691 : vector<16xi32>
        %xor3A_693 = vector.broadcast %cond3A_122 : i32 to vector<16xi32>
        %xor3A_694 = arith.xori %not3A_692, %xor3A_693 : vector<16xi32>
        %select_n3A_695 = arith.select %lt3A_690, %xor3A_694, %bitcast3A_687 : vector<16xi1>, vector<16xi32>
        %shift_right_arithmetic3A = arith.constant 21 : i32
        %shift_right_arithmetic3A_696 = vector.broadcast %shift_right_arithmetic3A : i32 to vector<16xi32>
        %shift_right_arithmetic3A_697 = arith.shrsi %select_n3A_695, %shift_right_arithmetic3A_696 : vector<16xi32>
        %eq3A = arith.cmpi eq, %shift_right_arithmetic3A_697, %broadcast_in_dim3A_80 : vector<16xi32>
        %ge3A_698 = arith.cmpi sge, %select_n3A_695, %broadcast_in_dim3A_644 : vector<16xi32>
        %and3A_699 = arith.andi %eq3A, %ge3A_698 : vector<16xi1>
        %convert_element_type3A_700 = arith.extui %and3A_699 : vector<16xi1> to vector<16xi32>
        %add3A_701 = arith.addi %while3A_683, %convert_element_type3A_700 : vector<16xi32>
        scf.yield %add3A_701 : vector<16xi32>
      }
      %reduce_sum3A_656 = arith.constant true
      %reduce_sum3A_657 = vector.broadcast %reduce_sum3A_656 : i1 to vector<16xi1>
      %reduce_sum3A_658 = tpu.scan <sum>, %while3A_655 masked %reduce_sum3A_657 : vector<16xi32>, vector<16xi1> -> vector<16xi32>
      %reduce_sum3A_659 = vector.extract %reduce_sum3A_658[15] : i32 from vector<16xi32>
      %broadcast_in_dim3A_660 = vector.broadcast %scan3A_642 : i32 to vector<16xi32>
      %broadcast_in_dim3A_661 = vector.broadcast %cond3A_121 : i32 to vector<16xi32>
      %while3A_662 = arith.constant 0 : i32
      %while3A_663 = arith.constant 512 : i32
      %while3A_664 = arith.subi %while3A_663, %while3A_662 : i32
      %while3A_665 = arith.addi %while3A_662, %while3A_664 : i32
      %while3A_666 = arith.constant 1 : i32
      %while3A_667 = arith.divsi %while3A_664, %while3A_666 : i32
      %while3A_668 = arith.muli %while3A_667, %while3A_666 : i32
      %while3A_669 = arith.addi %while3A_662, %while3A_668 : i32
      %while3A_670 = arith.constant 1 : i32
      %while3A_671 = scf.for %while3A_682 = %while3A_662 to %while3A_669 step %while3A_670 iter_args(%while3A_683 = %broadcast_in_dim3A_661) -> (vector<16xi32>)  : i32 {
        %mul3A_684 = arith.constant 16 : i32
        %mul3A_685 = arith.muli %while3A_682, %mul3A_684 : i32
        %get3A = arith.index_cast %mul3A_685 : i32 to index
        %get3A_686 = tpu.vector_load %arg4[%get3A] {strides = array<i32>} : memref<8192xf32, #tpu.memory_space<vmem>>, vector<16xf32>,
        %bitcast3A_687 = vector.bitcast %get3A_686 : vector<16xf32> to vector<16xi32>
        %lt3A_688 = arith.constant 0 : i32
        %lt3A_689 = vector.broadcast %lt3A_688 : i32 to vector<16xi32>
        %lt3A_690 = arith.cmpi slt, %bitcast3A_687, %lt3A_689 : vector<16xi32>
        %not3A_691 = arith.constant dense<-1> : vector<16xi32>
        %not3A_692 = arith.xori %bitcast3A_687, %not3A_691 : vector<16xi32>
        %xor3A_693 = vector.broadcast %cond3A_122 : i32 to vector<16xi32>
        %xor3A_694 = arith.xori %not3A_692, %xor3A_693 : vector<16xi32>
        %select_n3A_695 = arith.select %lt3A_690, %xor3A_694, %bitcast3A_687 : vector<16xi1>, vector<16xi32>
        %shift_right_arithmetic3A = arith.constant 21 : i32
        %shift_right_arithmetic3A_696 = vector.broadcast %shift_right_arithmetic3A : i32 to vector<16xi32>
        %shift_right_arithmetic3A_697 = arith.shrsi %select_n3A_695, %shift_right_arithmetic3A_696 : vector<16xi32>
        %eq3A = arith.cmpi eq, %shift_right_arithmetic3A_697, %broadcast_in_dim3A_80 : vector<16xi32>
        %lt3A_698 = arith.cmpi slt, %select_n3A_695, %broadcast_in_dim3A_660 : vector<16xi32>
        %and3A_699 = arith.andi %eq3A, %lt3A_698 : vector<16xi1>
        %broadcast_in_dim3A_700 = vector.broadcast %cond3A_121 : i32 to vector<16xi32>
        %select_n3A_701 = arith.select %and3A_699, %select_n3A_695, %broadcast_in_dim3A_700 : vector<16xi1>, vector<16xi32>
        %max3A_702 = arith.maxsi %while3A_683, %select_n3A_701 : vector<16xi32>
        scf.yield %max3A_702 : vector<16xi32>
      }
      %while3A_672 = arith.constant 1 : i32
      %while3A_673 = scf.for %while3A_682 = %while3A_669 to %while3A_665 step %while3A_672 iter_args(%while3A_683 = %while3A_671) -> (vector<16xi32>)  : i32 {
        %mul3A_684 = arith.constant 16 : i32
        %mul3A_685 = arith.muli %while3A_682, %mul3A_684 : i32
        %get3A = arith.index_cast %mul3A_685 : i32 to index
        %get3A_686 = tpu.vector_load %arg4[%get3A] {strides = array<i32>} : memref<8192xf32, #tpu.memory_space<vmem>>, vector<16xf32>,
        %bitcast3A_687 = vector.bitcast %get3A_686 : vector<16xf32> to vector<16xi32>
        %lt3A_688 = arith.constant 0 : i32
        %lt3A_689 = vector.broadcast %lt3A_688 : i32 to vector<16xi32>
        %lt3A_690 = arith.cmpi slt, %bitcast3A_687, %lt3A_689 : vector<16xi32>
        %not3A_691 = arith.constant dense<-1> : vector<16xi32>
        %not3A_692 = arith.xori %bitcast3A_687, %not3A_691 : vector<16xi32>
        %xor3A_693 = vector.broadcast %cond3A_122 : i32 to vector<16xi32>
        %xor3A_694 = arith.xori %not3A_692, %xor3A_693 : vector<16xi32>
        %select_n3A_695 = arith.select %lt3A_690, %xor3A_694, %bitcast3A_687 : vector<16xi1>, vector<16xi32>
        %shift_right_arithmetic3A = arith.constant 21 : i32
        %shift_right_arithmetic3A_696 = vector.broadcast %shift_right_arithmetic3A : i32 to vector<16xi32>
        %shift_right_arithmetic3A_697 = arith.shrsi %select_n3A_695, %shift_right_arithmetic3A_696 : vector<16xi32>
        %eq3A = arith.cmpi eq, %shift_right_arithmetic3A_697, %broadcast_in_dim3A_80 : vector<16xi32>
        %lt3A_698 = arith.cmpi slt, %select_n3A_695, %broadcast_in_dim3A_660 : vector<16xi32>
        %and3A_699 = arith.andi %eq3A, %lt3A_698 : vector<16xi1>
        %broadcast_in_dim3A_700 = vector.broadcast %cond3A_121 : i32 to vector<16xi32>
        %select_n3A_701 = arith.select %and3A_699, %select_n3A_695, %broadcast_in_dim3A_700 : vector<16xi1>, vector<16xi32>
        %max3A_702 = arith.maxsi %while3A_683, %select_n3A_701 : vector<16xi32>
        scf.yield %max3A_702 : vector<16xi32>
      }
      %reduce_max3A_674 = arith.constant true
      %reduce_max3A_675 = vector.broadcast %reduce_max3A_674 : i1 to vector<16xi1>
      %reduce_max3A_676 = arith.constant -2147483648 : i32
      %reduce_max3A_677 = vector.broadcast %reduce_max3A_676 : i32 to vector<16xi32>
      %reduce_max3A_678 = arith.xori %while3A_673, %reduce_max3A_677 : vector<16xi32>
      %reduce_max3A_679 = tpu.scan <max>, %reduce_max3A_678 masked %reduce_max3A_675 : vector<16xi32>, vector<16xi1> -> vector<16xi32>
      %reduce_max3A_680 = arith.xori %reduce_max3A_679, %reduce_max3A_677 : vector<16xi32>
      %reduce_max3A_681 = vector.extract %reduce_max3A_680[15] : i32 from vector<16xi32>
      scf.yield %scan3A_642, %reduce_sum3A_659, %reduce_max3A_681 : i32, i32, i32
    }
    %add3A_126 = arith.addi %reduce_max3A_67, %cond3A_125#1 : i32
    %ge3A = arith.constant 411 : i32
    %ge3A_127 = arith.cmpi sge, %add3A_126, %ge3A : i32
    %max3A = arith.maxsi %reduce_max3A_96, %cond3A_125#2 : i32
    %select_n3A_128 = arith.select %ge3A_127, %cond3A_125#0, %max3A : i32
    %broadcast_in_dim3A_129 = vector.broadcast %cond3A_125#0 : i32 to vector<16xi32>
    %lt3A = arith.constant 0 : i32
    %lt3A_130 = vector.broadcast %lt3A : i32 to vector<16xi32>
    %lt3A_131 = arith.cmpi slt, %broadcast_in_dim3A_129, %lt3A_130 : vector<16xi32>
    %xor3A = arith.constant -2147483648 : i32
    %xor3A_132 = vector.broadcast %xor3A : i32 to vector<16xi32>
    %xor3A_133 = arith.xori %broadcast_in_dim3A_129, %xor3A_132 : vector<16xi32>
    %not3A = arith.constant dense<-1> : vector<16xi32>
    %not3A_134 = arith.xori %xor3A_133, %not3A : vector<16xi32>
    %select_n3A_135 = arith.select %lt3A_131, %not3A_134, %broadcast_in_dim3A_129 : vector<16xi1>, vector<16xi32>
    %bitcast3A = vector.bitcast %select_n3A_135 : vector<16xi32> to vector<16xf32>
    %broadcast_in_dim3A_136 = vector.broadcast %select_n3A_128 : i32 to vector<16xi32>
    %lt3A_137 = arith.constant 0 : i32
    %lt3A_138 = vector.broadcast %lt3A_137 : i32 to vector<16xi32>
    %lt3A_139 = arith.cmpi slt, %broadcast_in_dim3A_136, %lt3A_138 : vector<16xi32>
    %xor3A_140 = arith.constant -2147483648 : i32
    %xor3A_141 = vector.broadcast %xor3A_140 : i32 to vector<16xi32>
    %xor3A_142 = arith.xori %broadcast_in_dim3A_136, %xor3A_141 : vector<16xi32>
    %not3A_143 = arith.constant dense<-1> : vector<16xi32>
    %not3A_144 = arith.xori %xor3A_142, %not3A_143 : vector<16xi32>
    %select_n3A_145 = arith.select %lt3A_139, %not3A_144, %broadcast_in_dim3A_136 : vector<16xi1>, vector<16xi32>
    %bitcast3A_146 = vector.bitcast %select_n3A_145 : vector<16xi32> to vector<16xf32>
    %add3A_147 = arith.addf %bitcast3A, %bitcast3A_146 : vector<16xf32>
    %mul3A_148 = arith.constant 5.000000e-01 : f32
    %mul3A_149 = vector.broadcast %mul3A_148 : f32 to vector<16xf32>
    %mul3A_150 = arith.mulf %add3A_147, %mul3A_149 : vector<16xf32>
    %broadcast_in_dim3A_151 = arith.constant 1.000000e+00 : f32
    %broadcast_in_dim3A_152 = vector.broadcast %broadcast_in_dim3A_151 : f32 to vector<16xf32>
    %broadcast_in_dim3A_153 = arith.constant 0.000000e+00 : f32
    %broadcast_in_dim3A_154 = vector.broadcast %broadcast_in_dim3A_153 : f32 to vector<16xf32>
    %parallel_loop3A_155 = arith.constant 0 : i32
    %parallel_loop3A_156 = arith.constant 512 : i32
    %parallel_loop3A_157 = arith.constant 1 : i32
    scf.for %parallel_loop3A_638 = %parallel_loop3A_155 to %parallel_loop3A_156 step %parallel_loop3A_157  : i32 {
      %parallel_loop3A_639 = arith.constant 16 : i32
      %parallel_loop3A_640 = arith.muli %parallel_loop3A_638, %parallel_loop3A_639 : i32
      %parallel_loop3A_641 = arith.index_cast %parallel_loop3A_640 : i32 to index
      %parallel_loop3A_642 = tpu.vector_load %arg4[%parallel_loop3A_641] {strides = array<i32>} : memref<8192xf32, #tpu.memory_space<vmem>>, vector<16xf32>,
      %parallel_loop3A_643 = arith.cmpf ogt, %parallel_loop3A_642, %mul3A_150 : vector<16xf32>
      %parallel_loop3A_644 = arith.select %parallel_loop3A_643, %broadcast_in_dim3A_152, %broadcast_in_dim3A_154 : vector<16xi1>, vector<16xf32>
      %parallel_loop3A_645 = arith.constant 16 : i32
      %parallel_loop3A_646 = arith.muli %parallel_loop3A_638, %parallel_loop3A_645 : i32
      %parallel_loop3A_647 = arith.index_cast %parallel_loop3A_646 : i32 to index
      %parallel_loop3A_648 = tpu.vector_load %arg4[%parallel_loop3A_647] {strides = array<i32>} : memref<8192xf32, #tpu.memory_space<vmem>>, vector<16xf32>,
      tpu.vector_store %arg4[%parallel_loop3A_647], %parallel_loop3A_644 {strides = array<i32>} : memref<8192xf32, #tpu.memory_space<vmem>>, vector<16xf32>,
    } {sc.loop_unroll_factor = 8 : i64, sc.parallel_access}
    %dma_start3A_158 = arith.constant 0 : i32
    %dma_start3A_159 = tpu.memref_slice %arg3[%add3A_16, %dma_start3A_158] : memref<128x8192xf32, #tpu.memory_space<hbm>> -> memref<1x8192xf32, #tpu.memory_space<hbm>>
    %dma_start3A_160 = tpu.memref_squeeze %dma_start3A_159 : memref<1x8192xf32, #tpu.memory_space<hbm>> -> memref<8192xf32, #tpu.memory_space<hbm>>
    %dma_start3A_161 = arith.constant 0 : i32
    %dma_start3A_162 = tpu.memref_slice %arg3[%add3A_16, %dma_start3A_161] : memref<128x8192xf32, #tpu.memory_space<hbm>> -> memref<1x8192xf32, #tpu.memory_space<hbm>>
    %dma_start3A_163 = tpu.memref_squeeze %dma_start3A_162 : memref<1x8192xf32, #tpu.memory_space<hbm>> -> memref<8192xf32, #tpu.memory_space<hbm>>
    tpu.enqueue_dma source(%arg4 : memref<8192xf32, #tpu.memory_space<vmem>>) target(%dma_start3A_163 : memref<8192xf32, #tpu.memory_space<hbm>>) target_semaphore(%arg10 : memref<!tpu.dma_semaphore, #tpu.memory_space<semaphore_mem>>)
    %dma_wait3A_164 = arith.constant 0 : i32
    %dma_wait3A_165 = tpu.memref_slice %arg2[%add3A_20, %dma_wait3A_164] : memref<128x8192xf32, #tpu.memory_space<hbm>> -> memref<1x8192xf32, #tpu.memory_space<hbm>>
    %dma_wait3A_166 = tpu.memref_squeeze %dma_wait3A_165 : memref<1x8192xf32, #tpu.memory_space<hbm>> -> memref<8192xf32, #tpu.memory_space<hbm>>
    %dma_wait3A_167 = arith.constant 0 : i32
    %dma_wait3A_168 = tpu.memref_slice %arg2[%add3A_20, %dma_wait3A_167] : memref<128x8192xf32, #tpu.memory_space<hbm>> -> memref<1x8192xf32, #tpu.memory_space<hbm>>
    %dma_wait3A_169 = tpu.memref_squeeze %dma_wait3A_168 : memref<1x8192xf32, #tpu.memory_space<hbm>> -> memref<8192xf32, #tpu.memory_space<hbm>>
    tpu.wait_dma2 semaphore(%arg9 : memref<!tpu.dma_semaphore, #tpu.memory_space<semaphore_mem>>) src(%dma_wait3A_169 : memref<8192xf32, #tpu.memory_space<hbm>>) dst(%arg5 : memref<8192xf32, #tpu.memory_space<vmem>>)
    %dma_wait3A_170 = arith.constant 0 : i32
    %dma_wait3A_171 = tpu.memref_slice %arg3[%add3A_16, %dma_wait3A_170] : memref<128x8192xf32, #tpu.memory_space<hbm>> -> memref<1x8192xf32, #tpu.memory_space<hbm>>
    %dma_wait3A_172 = tpu.memref_squeeze %dma_wait3A_171 : memref<1x8192xf32, #tpu.memory_space<hbm>> -> memref<8192xf32, #tpu.memory_space<hbm>>
    %dma_wait3A_173 = arith.constant 0 : i32
    %dma_wait3A_174 = tpu.memref_slice %arg3[%add3A_16, %dma_wait3A_173] : memref<128x8192xf32, #tpu.memory_space<hbm>> -> memref<1x8192xf32, #tpu.memory_space<hbm>>
    %dma_wait3A_175 = tpu.memref_squeeze %dma_wait3A_174 : memref<1x8192xf32, #tpu.memory_space<hbm>> -> memref<8192xf32, #tpu.memory_space<hbm>>
    tpu.wait_dma2 semaphore(%arg10 : memref<!tpu.dma_semaphore, #tpu.memory_space<semaphore_mem>>) src(%arg4 : memref<8192xf32, #tpu.memory_space<vmem>>) dst(%dma_wait3A_175 : memref<8192xf32, #tpu.memory_space<hbm>>)
    %dma_start3A_176 = arith.constant 0 : i32
    %dma_start3A_177 = tpu.memref_slice %arg2[%add3A_24, %dma_start3A_176] : memref<128x8192xf32, #tpu.memory_space<hbm>> -> memref<1x8192xf32, #tpu.memory_space<hbm>>
    %dma_start3A_178 = tpu.memref_squeeze %dma_start3A_177 : memref<1x8192xf32, #tpu.memory_space<hbm>> -> memref<8192xf32, #tpu.memory_space<hbm>>
    %dma_start3A_179 = arith.constant 0 : i32
    %dma_start3A_180 = tpu.memref_slice %arg2[%add3A_24, %dma_start3A_179] : memref<128x8192xf32, #tpu.memory_space<hbm>> -> memref<1x8192xf32, #tpu.memory_space<hbm>>
    %dma_start3A_181 = tpu.memref_squeeze %dma_start3A_180 : memref<1x8192xf32, #tpu.memory_space<hbm>> -> memref<8192xf32, #tpu.memory_space<hbm>>
    tpu.enqueue_dma source(%dma_start3A_181 : memref<8192xf32, #tpu.memory_space<hbm>>) target(%arg4 : memref<8192xf32, #tpu.memory_space<vmem>>) target_semaphore(%arg8 : memref<!tpu.dma_semaphore, #tpu.memory_space<semaphore_mem>>)
    %parallel_loop3A_182 = arith.constant 0 : i32
    %parallel_loop3A_183 = arith.constant 512 : i32
    %parallel_loop3A_184 = arith.constant 1 : i32
    %parallel_loop3A_185 = arith.constant -2147483648 : i32
    scf.for %parallel_loop3A_638 = %parallel_loop3A_182 to %parallel_loop3A_183 step %parallel_loop3A_184  : i32 {
      %parallel_loop3A_639 = arith.constant 16 : i32
      %parallel_loop3A_640 = arith.muli %parallel_loop3A_638, %parallel_loop3A_639 : i32
      %parallel_loop3A_641 = arith.index_cast %parallel_loop3A_640 : i32 to index
      %parallel_loop3A_642 = tpu.vector_load %arg5[%parallel_loop3A_641] {strides = array<i32>} : memref<8192xf32, #tpu.memory_space<vmem>>, vector<16xf32>,
      %parallel_loop3A_643 = vector.bitcast %parallel_loop3A_642 : vector<16xf32> to vector<16xi32>
      %parallel_loop3A_644 = arith.constant 0 : i32
      %parallel_loop3A_645 = vector.broadcast %parallel_loop3A_644 : i32 to vector<16xi32>
      %parallel_loop3A_646 = arith.cmpi slt, %parallel_loop3A_643, %parallel_loop3A_645 : vector<16xi32>
      %parallel_loop3A_647 = arith.constant dense<-1> : vector<16xi32>
      %parallel_loop3A_648 = arith.xori %parallel_loop3A_643, %parallel_loop3A_647 : vector<16xi32>
      %parallel_loop3A_649 = vector.broadcast %parallel_loop3A_185 : i32 to vector<16xi32>
      %parallel_loop3A_650 = arith.xori %parallel_loop3A_648, %parallel_loop3A_649 : vector<16xi32>
      %parallel_loop3A_651 = arith.select %parallel_loop3A_646, %parallel_loop3A_650, %parallel_loop3A_643 : vector<16xi1>, vector<16xi32>
      %parallel_loop3A_652 = arith.constant 21 : i32
      %parallel_loop3A_653 = vector.broadcast %parallel_loop3A_652 : i32 to vector<16xi32>
      %parallel_loop3A_654 = arith.shrsi %parallel_loop3A_651, %parallel_loop3A_653 : vector<16xi32>
      %parallel_loop3A_655 = arith.constant 1024 : i32
      %parallel_loop3A_656 = vector.broadcast %parallel_loop3A_655 : i32 to vector<16xi32>
      %parallel_loop3A_657 = arith.addi %parallel_loop3A_654, %parallel_loop3A_656 : vector<16xi32>
      %parallel_loop3A_658 = arith.addi %parallel_loop3A_657, %mul3A_10 : vector<16xi32>
      tpu.vector_store_idx %arg6[%parallel_loop3A_658], %broadcast_in_dim3A_1 {add = true} : memref<8192xi32, #tpu.memory_space<vmem>>[vector<16xi32>], vector<16xi32>,
    } {sc.loop_unroll_factor = 8 : i64, sc.parallel_access}
    %broadcast_in_dim3A_186 = arith.constant 2147483647 : i32
    %broadcast_in_dim3A_187 = vector.broadcast %broadcast_in_dim3A_186 : i32 to vector<16xi32>
    %parallel_loop3A_188 = arith.constant 0 : i32
    %parallel_loop3A_189 = arith.constant 128 : i32
    %parallel_loop3A_190 = arith.constant 1 : i32
    %parallel_loop3A_191 = arith.constant 2147483647 : i32
    %parallel_loop3A_192 = arith.constant 0 : i32
    %parallel_loop3A_193:4 = scf.for %parallel_loop3A_638 = %parallel_loop3A_188 to %parallel_loop3A_189 step %parallel_loop3A_190 iter_args(%parallel_loop3A_639 = %parallel_loop3A_192, %parallel_loop3A_640 = %broadcast_in_dim3A_3, %parallel_loop3A_641 = %broadcast_in_dim3A_3, %parallel_loop3A_642 = %broadcast_in_dim3A_187) -> (i32, vector<16xi32>, vector<16xi32>, vector<16xi32>)  : i32 {
      %parallel_loop3A_643 = arith.constant 127 : i32
      %parallel_loop3A_644 = arith.subi %parallel_loop3A_643, %parallel_loop3A_638 : i32
      %parallel_loop3A_645 = arith.constant 16 : i32
      %parallel_loop3A_646 = arith.muli %parallel_loop3A_644, %parallel_loop3A_645 : i32
      %parallel_loop3A_647 = arith.index_cast %parallel_loop3A_646 : i32 to index
      %parallel_loop3A_648 = tpu.vector_load %arg6[%parallel_loop3A_647] {strides = array<i32>} : memref<8192xi32, #tpu.memory_space<vmem>>, vector<16xi32>,
      %parallel_loop3A_649 = arith.constant 16 : i32
      %parallel_loop3A_650 = arith.muli %parallel_loop3A_644, %parallel_loop3A_649 : i32
      %parallel_loop3A_651 = arith.constant 2048 : i32
      %parallel_loop3A_652 = arith.addi %parallel_loop3A_651, %parallel_loop3A_650 : i32
      %parallel_loop3A_653 = arith.index_cast %parallel_loop3A_652 : i32 to index
      %parallel_loop3A_654 = tpu.vector_load %arg6[%parallel_loop3A_653] {strides = array<i32>} : memref<8192xi32, #tpu.memory_space<vmem>>, vector<16xi32>,
      %parallel_loop3A_655 = arith.addi %parallel_loop3A_648, %parallel_loop3A_654 : vector<16xi32>
      %parallel_loop3A_656 = arith.constant 16 : i32
      %parallel_loop3A_657 = arith.muli %parallel_loop3A_644, %parallel_loop3A_656 : i32
      %parallel_loop3A_658 = arith.constant 4096 : i32
      %parallel_loop3A_659 = arith.addi %parallel_loop3A_658, %parallel_loop3A_657 : i32
      %parallel_loop3A_660 = arith.index_cast %parallel_loop3A_659 : i32 to index
      %parallel_loop3A_661 = tpu.vector_load %arg6[%parallel_loop3A_660] {strides = array<i32>} : memref<8192xi32, #tpu.memory_space<vmem>>, vector<16xi32>,
      %parallel_loop3A_662 = arith.addi %parallel_loop3A_655, %parallel_loop3A_661 : vector<16xi32>
      %parallel_loop3A_663 = arith.constant 16 : i32
      %parallel_loop3A_664 = arith.muli %parallel_loop3A_644, %parallel_loop3A_663 : i32
      %parallel_loop3A_665 = arith.constant 6144 : i32
      %parallel_loop3A_666 = arith.addi %parallel_loop3A_665, %parallel_loop3A_664 : i32
      %parallel_loop3A_667 = arith.index_cast %parallel_loop3A_666 : i32 to index
      %parallel_loop3A_668 = tpu.vector_load %arg6[%parallel_loop3A_667] {strides = array<i32>} : memref<8192xi32, #tpu.memory_space<vmem>>, vector<16xi32>,
      %parallel_loop3A_669 = arith.addi %parallel_loop3A_662, %parallel_loop3A_668 : vector<16xi32>
      %parallel_loop3A_670 = arith.constant 16 : i32
      %parallel_loop3A_671 = arith.muli %parallel_loop3A_644, %parallel_loop3A_670 : i32
      %parallel_loop3A_672 = arith.index_cast %parallel_loop3A_671 : i32 to index
      %parallel_loop3A_673 = tpu.vector_load %arg6[%parallel_loop3A_672] {strides = array<i32>} : memref<8192xi32, #tpu.memory_space<vmem>>, vector<16xi32>,
      tpu.vector_store %arg6[%parallel_loop3A_672], %broadcast_in_dim3A_3 {strides = array<i32>} : memref<8192xi32, #tpu.memory_space<vmem>>, vector<16xi32>,
      %parallel_loop3A_674 = arith.constant 16 : i32
      %parallel_loop3A_675 = arith.muli %parallel_loop3A_644, %parallel_loop3A_674 : i32
      %parallel_loop3A_676 = arith.constant 2048 : i32
      %parallel_loop3A_677 = arith.addi %parallel_loop3A_676, %parallel_loop3A_675 : i32
      %parallel_loop3A_678 = arith.index_cast %parallel_loop3A_677 : i32 to index
      %parallel_loop3A_679 = tpu.vector_load %arg6[%parallel_loop3A_678] {strides = array<i32>} : memref<8192xi32, #tpu.memory_space<vmem>>, vector<16xi32>,
      tpu.vector_store %arg6[%parallel_loop3A_678], %broadcast_in_dim3A_3 {strides = array<i32>} : memref<8192xi32, #tpu.memory_space<vmem>>, vector<16xi32>,
      %parallel_loop3A_680 = arith.constant 16 : i32
      %parallel_loop3A_681 = arith.muli %parallel_loop3A_644, %parallel_loop3A_680 : i32
      %parallel_loop3A_682 = arith.constant 4096 : i32
      %parallel_loop3A_683 = arith.addi %parallel_loop3A_682, %parallel_loop3A_681 : i32
      %parallel_loop3A_684 = arith.index_cast %parallel_loop3A_683 : i32 to index
      %parallel_loop3A_685 = tpu.vector_load %arg6[%parallel_loop3A_684] {strides = array<i32>} : memref<8192xi32, #tpu.memory_space<vmem>>, vector<16xi32>,
      tpu.vector_store %arg6[%parallel_loop3A_684], %broadcast_in_dim3A_3 {strides = array<i32>} : memref<8192xi32, #tpu.memory_space<vmem>>, vector<16xi32>,
      %parallel_loop3A_686 = arith.constant 16 : i32
      %parallel_loop3A_687 = arith.muli %parallel_loop3A_644, %parallel_loop3A_686 : i32
      %parallel_loop3A_688 = arith.constant 6144 : i32
      %parallel_loop3A_689 = arith.addi %parallel_loop3A_688, %parallel_loop3A_687 : i32
      %parallel_loop3A_690 = arith.index_cast %parallel_loop3A_689 : i32 to index
      %parallel_loop3A_691 = tpu.vector_load %arg6[%parallel_loop3A_690] {strides = array<i32>} : memref<8192xi32, #tpu.memory_space<vmem>>, vector<16xi32>,
      tpu.vector_store %arg6[%parallel_loop3A_690], %broadcast_in_dim3A_3 {strides = array<i32>} : memref<8192xi32, #tpu.memory_space<vmem>>, vector<16xi32>,
      %parallel_loop3A_692 = arith.constant true
      %parallel_loop3A_693 = vector.broadcast %parallel_loop3A_692 : i1 to vector<16xi1>
      %parallel_loop3A_694 = tpu.scan <sum>, %parallel_loop3A_669 masked %parallel_loop3A_693 : vector<16xi32>, vector<16xi1> -> vector<16xi32>
      %parallel_loop3A_695 = arith.constant true
      %parallel_loop3A_696 = vector.broadcast %parallel_loop3A_695 : i1 to vector<16xi1>
      %parallel_loop3A_697 = arith.constant -2147483648 : i32
      %parallel_loop3A_698 = vector.broadcast %parallel_loop3A_697 : i32 to vector<16xi32>
      %parallel_loop3A_699 = arith.xori %parallel_loop3A_694, %parallel_loop3A_698 : vector<16xi32>
      %parallel_loop3A_700 = tpu.scan <max>, %parallel_loop3A_699 masked %parallel_loop3A_696 : vector<16xi32>, vector<16xi1> -> vector<16xi32>
      %parallel_loop3A_701 = arith.xori %parallel_loop3A_700, %parallel_loop3A_698 : vector<16xi32>
      %parallel_loop3A_702 = vector.extract %parallel_loop3A_701[15] : i32 from vector<16xi32>
      %parallel_loop3A_703 = arith.addi %parallel_loop3A_639, %parallel_loop3A_702 : i32
      %parallel_loop3A_704 = vector.broadcast %parallel_loop3A_703 : i32 to vector<16xi32>
      %parallel_loop3A_705 = arith.subi %parallel_loop3A_704, %parallel_loop3A_694 : vector<16xi32>
      %parallel_loop3A_706 = arith.addi %parallel_loop3A_705, %parallel_loop3A_669 : vector<16xi32>
      %parallel_loop3A_707 = arith.cmpi sge, %parallel_loop3A_706, %broadcast_in_dim3A_5 : vector<16xi32>
      %parallel_loop3A_708 = arith.extui %parallel_loop3A_707 : vector<16xi1> to vector<16xi32>
      %parallel_loop3A_709 = arith.addi %parallel_loop3A_640, %parallel_loop3A_708 : vector<16xi32>
      %parallel_loop3A_710 = arith.select %parallel_loop3A_707, %broadcast_in_dim3A_3, %parallel_loop3A_706 : vector<16xi1>, vector<16xi32>
      %parallel_loop3A_711 = arith.maxsi %parallel_loop3A_641, %parallel_loop3A_710 : vector<16xi32>
      %parallel_loop3A_712 = vector.broadcast %parallel_loop3A_191 : i32 to vector<16xi32>
      %parallel_loop3A_713 = arith.select %parallel_loop3A_707, %parallel_loop3A_706, %parallel_loop3A_712 : vector<16xi1>, vector<16xi32>
      %parallel_loop3A_714 = arith.minsi %parallel_loop3A_642, %parallel_loop3A_713 : vector<16xi32>
      %parallel_loop3A_715 = arith.addi %parallel_loop3A_639, %parallel_loop3A_702 : i32
      scf.yield %parallel_loop3A_715, %parallel_loop3A_709, %parallel_loop3A_711, %parallel_loop3A_714 : i32, vector<16xi32>, vector<16xi32>, vector<16xi32>
    } {sc.loop_unroll_factor = 4 : i64, sc.parallel_access}
    %reduce_sum3A_194 = arith.constant true
    %reduce_sum3A_195 = vector.broadcast %reduce_sum3A_194 : i1 to vector<16xi1>
    %reduce_sum3A_196 = tpu.scan <sum>, %parallel_loop3A_193#1 masked %reduce_sum3A_195 : vector<16xi32>, vector<16xi1> -> vector<16xi32>
    %reduce_sum3A_197 = vector.extract %reduce_sum3A_196[15] : i32 from vector<16xi32>
    %sub3A_198 = arith.constant 1 : i32
    %sub3A_199 = arith.subi %reduce_sum3A_197, %sub3A_198 : i32
    %reduce_max3A_200 = arith.constant true
    %reduce_max3A_201 = vector.broadcast %reduce_max3A_200 : i1 to vector<16xi1>
    %reduce_max3A_202 = arith.constant -2147483648 : i32
    %reduce_max3A_203 = vector.broadcast %reduce_max3A_202 : i32 to vector<16xi32>
    %reduce_max3A_204 = arith.xori %parallel_loop3A_193#2, %reduce_max3A_203 : vector<16xi32>
    %reduce_max3A_205 = tpu.scan <max>, %reduce_max3A_204 masked %reduce_max3A_201 : vector<16xi32>, vector<16xi1> -> vector<16xi32>
    %reduce_max3A_206 = arith.xori %reduce_max3A_205, %reduce_max3A_203 : vector<16xi32>
    %reduce_max3A_207 = vector.extract %reduce_max3A_206[15] : i32 from vector<16xi32>
    %reduce_min3A_208 = arith.constant true
    %reduce_min3A_209 = vector.broadcast %reduce_min3A_208 : i1 to vector<16xi1>
    %reduce_min3A_210 = arith.constant -2147483648 : i32
    %reduce_min3A_211 = vector.broadcast %reduce_min3A_210 : i32 to vector<16xi32>
    %reduce_min3A_212 = arith.xori %parallel_loop3A_193#3, %reduce_min3A_211 : vector<16xi32>
    %reduce_min3A_213 = tpu.scan <min>, %reduce_min3A_212 masked %reduce_min3A_209 : vector<16xi32>, vector<16xi1> -> vector<16xi32>
    %reduce_min3A_214 = arith.xori %reduce_min3A_213, %reduce_min3A_211 : vector<16xi32>
    %reduce_min3A_215 = vector.extract %reduce_min3A_214[15] : i32 from vector<16xi32>
    %sub3A_216 = arith.subi %reduce_min3A_215, %reduce_max3A_207 : i32
    %sub3A_217 = arith.constant 410 : i32
    %sub3A_218 = arith.subi %sub3A_217, %reduce_max3A_207 : i32
    %sub3A_219 = arith.constant 1024 : i32
    %sub3A_220 = arith.subi %sub3A_199, %sub3A_219 : i32
    %broadcast_in_dim3A_221 = vector.broadcast %sub3A_220 : i32 to vector<16xi32>
    %broadcast_in_dim3A_222 = arith.constant -2147483648 : i32
    %broadcast_in_dim3A_223 = vector.broadcast %broadcast_in_dim3A_222 : i32 to vector<16xi32>
    %parallel_loop3A_224 = arith.constant 0 : i32
    %parallel_loop3A_225 = arith.constant 512 : i32
    %parallel_loop3A_226 = arith.constant 1 : i32
    %parallel_loop3A_227 = arith.constant -2147483648 : i32
    %parallel_loop3A_228 = arith.constant -2147483648 : i32
    %parallel_loop3A_229:2 = scf.for %parallel_loop3A_638 = %parallel_loop3A_224 to %parallel_loop3A_225 step %parallel_loop3A_226 iter_args(%parallel_loop3A_639 = %broadcast_in_dim3A_3, %parallel_loop3A_640 = %broadcast_in_dim3A_223) -> (vector<16xi32>, vector<16xi32>)  : i32 {
      %parallel_loop3A_641 = arith.constant 16 : i32
      %parallel_loop3A_642 = arith.muli %parallel_loop3A_638, %parallel_loop3A_641 : i32
      %parallel_loop3A_643 = arith.index_cast %parallel_loop3A_642 : i32 to index
      %parallel_loop3A_644 = tpu.vector_load %arg5[%parallel_loop3A_643] {strides = array<i32>} : memref<8192xf32, #tpu.memory_space<vmem>>, vector<16xf32>,
      %parallel_loop3A_645 = vector.bitcast %parallel_loop3A_644 : vector<16xf32> to vector<16xi32>
      %parallel_loop3A_646 = arith.constant 0 : i32
      %parallel_loop3A_647 = vector.broadcast %parallel_loop3A_646 : i32 to vector<16xi32>
      %parallel_loop3A_648 = arith.cmpi slt, %parallel_loop3A_645, %parallel_loop3A_647 : vector<16xi32>
      %parallel_loop3A_649 = arith.constant dense<-1> : vector<16xi32>
      %parallel_loop3A_650 = arith.xori %parallel_loop3A_645, %parallel_loop3A_649 : vector<16xi32>
      %parallel_loop3A_651 = vector.broadcast %parallel_loop3A_227 : i32 to vector<16xi32>
      %parallel_loop3A_652 = arith.xori %parallel_loop3A_650, %parallel_loop3A_651 : vector<16xi32>
      %parallel_loop3A_653 = arith.select %parallel_loop3A_648, %parallel_loop3A_652, %parallel_loop3A_645 : vector<16xi1>, vector<16xi32>
      %parallel_loop3A_654 = arith.constant 21 : i32
      %parallel_loop3A_655 = vector.broadcast %parallel_loop3A_654 : i32 to vector<16xi32>
      %parallel_loop3A_656 = arith.shrsi %parallel_loop3A_653, %parallel_loop3A_655 : vector<16xi32>
      %parallel_loop3A_657 = arith.cmpi eq, %parallel_loop3A_656, %broadcast_in_dim3A_221 : vector<16xi32>
      %parallel_loop3A_658 = arith.cmpi slt, %parallel_loop3A_656, %broadcast_in_dim3A_221 : vector<16xi32>
      %parallel_loop3A_659 = arith.extui %parallel_loop3A_657 : vector<16xi1> to vector<16xi32>
      %parallel_loop3A_660 = arith.constant true
      %parallel_loop3A_661 = vector.broadcast %parallel_loop3A_660 : i1 to vector<16xi1>
      %parallel_loop3A_662 = tpu.scan <sum>, %parallel_loop3A_659 masked %parallel_loop3A_661 : vector<16xi32>, vector<16xi1> -> vector<16xi32>
      %parallel_loop3A_663 = arith.addi %parallel_loop3A_639, %parallel_loop3A_662 : vector<16xi32>
      %parallel_loop3A_664 = arith.subi %parallel_loop3A_663, %broadcast_in_dim3A_1 : vector<16xi32>
      %parallel_loop3A_665 = arith.constant 2047 : i32
      %parallel_loop3A_666 = vector.broadcast %parallel_loop3A_665 : i32 to vector<16xi32>
      %parallel_loop3A_667 = arith.minsi %parallel_loop3A_664, %parallel_loop3A_666 : vector<16xi32>
      tpu.vector_store_idx %arg7[%parallel_loop3A_667], %parallel_loop3A_653 masked %parallel_loop3A_657 : memref<2048xi32, #tpu.memory_space<vmem>>[vector<16xi32>], vector<16xi32>, vector<16xi1>
      %parallel_loop3A_668 = vector.broadcast %parallel_loop3A_228 : i32 to vector<16xi32>
      %parallel_loop3A_669 = arith.select %parallel_loop3A_658, %parallel_loop3A_653, %parallel_loop3A_668 : vector<16xi1>, vector<16xi32>
      %parallel_loop3A_670 = arith.maxsi %parallel_loop3A_640, %parallel_loop3A_669 : vector<16xi32>
      %parallel_loop3A_671 = tpu.all_reduce %parallel_loop3A_657 {dim = 0 : i64, kind = #tpu.reduction_kind<sum>} : vector<16xi1> -> vector<16xi32>
      %parallel_loop3A_672 = arith.addi %parallel_loop3A_639, %parallel_loop3A_671 : vector<16xi32>
      scf.yield %parallel_loop3A_672, %parallel_loop3A_670 : vector<16xi32>, vector<16xi32>
    } {sc.loop_unroll_factor = 8 : i64, sc.parallel_access}
    %reduce_max3A_230 = arith.constant true
    %reduce_max3A_231 = vector.broadcast %reduce_max3A_230 : i1 to vector<16xi1>
    %reduce_max3A_232 = arith.constant -2147483648 : i32
    %reduce_max3A_233 = vector.broadcast %reduce_max3A_232 : i32 to vector<16xi32>
    %reduce_max3A_234 = arith.xori %parallel_loop3A_229#1, %reduce_max3A_233 : vector<16xi32>
    %reduce_max3A_235 = tpu.scan <max>, %reduce_max3A_234 masked %reduce_max3A_231 : vector<16xi32>, vector<16xi1> -> vector<16xi32>
    %reduce_max3A_236 = arith.xori %reduce_max3A_235, %reduce_max3A_233 : vector<16xi32>
    %reduce_max3A_237 = vector.extract %reduce_max3A_236[15] : i32 from vector<16xi32>
    %min3A_238 = arith.constant 2048 : i32
    %min3A_239 = arith.minsi %sub3A_216, %min3A_238 : i32
    %add3A_240 = arith.constant 15 : i32
    %add3A_241 = arith.addi %min3A_239, %add3A_240 : i32
    %jit3A_242 = arith.constant 16 : i32
    %div3A_243 = arith.divsi %add3A_241, %jit3A_242 : i32
    %sign3A_244 = arith.constant 0 : i32
    %sign3A_245 = arith.cmpi sgt, %add3A_241, %sign3A_244 : i32
    %sign3A_246 = arith.extui %sign3A_245 : i1 to i32
    %sign3A_247 = arith.constant 0 : i32
    %sign3A_248 = arith.cmpi slt, %add3A_241, %sign3A_247 : i32
    %sign3A_249 = arith.extui %sign3A_248 : i1 to i32
    %sign3A_250 = arith.subi %sign3A_246, %sign3A_249 : i32
    %sign3A_251 = arith.constant 0 : i32
    %sign3A_252 = arith.cmpi sgt, %jit3A_242, %sign3A_251 : i32
    %sign3A_253 = arith.extui %sign3A_252 : i1 to i32
    %sign3A_254 = arith.constant 0 : i32
    %sign3A_255 = arith.cmpi slt, %jit3A_242, %sign3A_254 : i32
    %sign3A_256 = arith.extui %sign3A_255 : i1 to i32
    %sign3A_257 = arith.subi %sign3A_253, %sign3A_256 : i32
    %ne3A_258 = arith.cmpi ne, %sign3A_250, %sign3A_257 : i32
    %rem3A_259 = arith.remsi %add3A_241, %jit3A_242 : i32
    %ne3A_260 = arith.constant 0 : i32
    %ne3A_261 = arith.cmpi ne, %rem3A_259, %ne3A_260 : i32
    %and3A_262 = arith.andi %ne3A_258, %ne3A_261 : i1
    %sub3A_263 = arith.constant 1 : i32
    %sub3A_264 = arith.subi %div3A_243, %sub3A_263 : i32
    %select_n3A_265 = arith.select %and3A_262, %sub3A_264, %div3A_243 : i32
    %broadcast_in_dim3A_266 = vector.broadcast %min3A_239 : i32 to vector<16xi32>
    %shift_left3A_267 = arith.constant 21 : i32
    %shift_left3A_268 = arith.shli %sub3A_220, %shift_left3A_267 : i32
    %le3A_269 = arith.constant 2048 : i32
    %le3A_270 = arith.cmpi sle, %sub3A_216, %le3A_269 : i32
    %convert_element_type3A_271 = arith.extui %le3A_270 : i1 to i32
    %cond3A_272 = arith.constant 16 : i32
    %cond3A_273 = arith.constant -2147483648 : i32
    %cond3A_274 = arith.constant -2147483648 : i32
    %cond3A_275 = arith.constant 0 : i32
    %cond3A_276 = arith.cmpi ne, %convert_element_type3A_271, %cond3A_275 : i32
    %cond3A_277:3 = scf.if %cond3A_276 -> (i32, i32, i32) {
      %scan3A = arith.constant 0 : i32
      %scan3A_638 = arith.constant 21 : i32
      %scan3A_639 = arith.addi %scan3A, %scan3A_638 : i32
      %scan3A_640 = arith.constant 1 : i32
      %scan3A_641 = scf.for %scan3A_679 = %scan3A to %scan3A_639 step %scan3A_640 iter_args(%scan3A_680 = %shift_left3A_268) -> (i32)  : i32 {
        %sub3A_681 = arith.constant 20 : i32
        %sub3A_682 = arith.subi %sub3A_681, %scan3A_679 : i32
        %shift_left3A_683 = arith.constant 1 : i32
        %shift_left3A_684 = arith.shli %shift_left3A_683, %sub3A_682 : i32
        %or3A = arith.ori %scan3A_680, %shift_left3A_684 : i32
        %broadcast_in_dim3A_685 = vector.broadcast %or3A : i32 to vector<16xi32>
        %while3A_686 = arith.constant 0 : i32
        %while3A_687 = arith.subi %select_n3A_265, %while3A_686 : i32
        %while3A_688 = arith.addi %while3A_686, %while3A_687 : i32
        %while3A_689 = arith.constant 1 : i32
        %while3A_690 = arith.divsi %while3A_687, %while3A_689 : i32
        %while3A_691 = arith.muli %while3A_690, %while3A_689 : i32
        %while3A_692 = arith.addi %while3A_686, %while3A_691 : i32
        %while3A_693 = arith.constant 1 : i32
        %while3A_694 = scf.for %while3A_703 = %while3A_686 to %while3A_692 step %while3A_693 iter_args(%while3A_704 = %broadcast_in_dim3A_3) -> (vector<16xi32>)  : i32 {
          %mul3A_705 = arith.constant 16 : i32
          %mul3A_706 = arith.muli %while3A_703, %mul3A_705 : i32
          %get3A = arith.index_cast %mul3A_706 : i32 to index
          %get3A_707 = tpu.vector_load %arg7[%get3A] {strides = array<i32>} : memref<2048xi32, #tpu.memory_space<vmem>>, vector<16xi32>,
          %mul3A_708 = arith.muli %while3A_703, %cond3A_272 : i32
          %add3A_709 = vector.broadcast %mul3A_708 : i32 to vector<16xi32>
          %add3A_710 = arith.addi %iota3A, %add3A_709 : vector<16xi32>
          %lt3A_711 = arith.cmpi slt, %add3A_710, %broadcast_in_dim3A_266 : vector<16xi32>
          %ge3A_712 = arith.cmpi sge, %get3A_707, %broadcast_in_dim3A_685 : vector<16xi32>
          %and3A_713 = arith.andi %lt3A_711, %ge3A_712 : vector<16xi1>
          %convert_element_type3A_714 = arith.extui %and3A_713 : vector<16xi1> to vector<16xi32>
          %add3A_715 = arith.addi %while3A_704, %convert_element_type3A_714 : vector<16xi32>
          scf.yield %add3A_715 : vector<16xi32>
        }
        %while3A_695 = arith.constant 1 : i32
        %while3A_696 = scf.for %while3A_703 = %while3A_692 to %while3A_688 step %while3A_695 iter_args(%while3A_704 = %while3A_694) -> (vector<16xi32>)  : i32 {
          %mul3A_705 = arith.constant 16 : i32
          %mul3A_706 = arith.muli %while3A_703, %mul3A_705 : i32
          %get3A = arith.index_cast %mul3A_706 : i32 to index
          %get3A_707 = tpu.vector_load %arg7[%get3A] {strides = array<i32>} : memref<2048xi32, #tpu.memory_space<vmem>>, vector<16xi32>,
          %mul3A_708 = arith.muli %while3A_703, %cond3A_272 : i32
          %add3A_709 = vector.broadcast %mul3A_708 : i32 to vector<16xi32>
          %add3A_710 = arith.addi %iota3A, %add3A_709 : vector<16xi32>
          %lt3A_711 = arith.cmpi slt, %add3A_710, %broadcast_in_dim3A_266 : vector<16xi32>
          %ge3A_712 = arith.cmpi sge, %get3A_707, %broadcast_in_dim3A_685 : vector<16xi32>
          %and3A_713 = arith.andi %lt3A_711, %ge3A_712 : vector<16xi1>
          %convert_element_type3A_714 = arith.extui %and3A_713 : vector<16xi1> to vector<16xi32>
          %add3A_715 = arith.addi %while3A_704, %convert_element_type3A_714 : vector<16xi32>
          scf.yield %add3A_715 : vector<16xi32>
        }
        %reduce_sum3A_697 = arith.constant true
        %reduce_sum3A_698 = vector.broadcast %reduce_sum3A_697 : i1 to vector<16xi1>
        %reduce_sum3A_699 = tpu.scan <sum>, %while3A_696 masked %reduce_sum3A_698 : vector<16xi32>, vector<16xi1> -> vector<16xi32>
        %reduce_sum3A_700 = vector.extract %reduce_sum3A_699[15] : i32 from vector<16xi32>
        %ge3A_701 = arith.cmpi sge, %reduce_sum3A_700, %sub3A_218 : i32
        %select_n3A_702 = arith.select %ge3A_701, %or3A, %scan3A_680 : i32
        scf.yield %select_n3A_702 : i32
      }
      %scan3A_642 = arith.constant 21 : i32
      %broadcast_in_dim3A_643 = vector.broadcast %scan3A_641 : i32 to vector<16xi32>
      %while3A = arith.constant 0 : i32
      %while3A_644 = arith.subi %select_n3A_265, %while3A : i32
      %while3A_645 = arith.addi %while3A, %while3A_644 : i32
      %while3A_646 = arith.constant 1 : i32
      %while3A_647 = arith.divsi %while3A_644, %while3A_646 : i32
      %while3A_648 = arith.muli %while3A_647, %while3A_646 : i32
      %while3A_649 = arith.addi %while3A, %while3A_648 : i32
      %while3A_650 = arith.constant 1 : i32
      %while3A_651 = scf.for %while3A_679 = %while3A to %while3A_649 step %while3A_650 iter_args(%while3A_680 = %broadcast_in_dim3A_3) -> (vector<16xi32>)  : i32 {
        %mul3A_681 = arith.constant 16 : i32
        %mul3A_682 = arith.muli %while3A_679, %mul3A_681 : i32
        %get3A = arith.index_cast %mul3A_682 : i32 to index
        %get3A_683 = tpu.vector_load %arg7[%get3A] {strides = array<i32>} : memref<2048xi32, #tpu.memory_space<vmem>>, vector<16xi32>,
        %mul3A_684 = arith.muli %while3A_679, %cond3A_272 : i32
        %add3A_685 = vector.broadcast %mul3A_684 : i32 to vector<16xi32>
        %add3A_686 = arith.addi %iota3A, %add3A_685 : vector<16xi32>
        %lt3A_687 = arith.cmpi slt, %add3A_686, %broadcast_in_dim3A_266 : vector<16xi32>
        %ge3A_688 = arith.cmpi sge, %get3A_683, %broadcast_in_dim3A_643 : vector<16xi32>
        %and3A_689 = arith.andi %lt3A_687, %ge3A_688 : vector<16xi1>
        %convert_element_type3A_690 = arith.extui %and3A_689 : vector<16xi1> to vector<16xi32>
        %add3A_691 = arith.addi %while3A_680, %convert_element_type3A_690 : vector<16xi32>
        scf.yield %add3A_691 : vector<16xi32>
      }
      %while3A_652 = arith.constant 1 : i32
      %while3A_653 = scf.for %while3A_679 = %while3A_649 to %while3A_645 step %while3A_652 iter_args(%while3A_680 = %while3A_651) -> (vector<16xi32>)  : i32 {
        %mul3A_681 = arith.constant 16 : i32
        %mul3A_682 = arith.muli %while3A_679, %mul3A_681 : i32
        %get3A = arith.index_cast %mul3A_682 : i32 to index
        %get3A_683 = tpu.vector_load %arg7[%get3A] {strides = array<i32>} : memref<2048xi32, #tpu.memory_space<vmem>>, vector<16xi32>,
        %mul3A_684 = arith.muli %while3A_679, %cond3A_272 : i32
        %add3A_685 = vector.broadcast %mul3A_684 : i32 to vector<16xi32>
        %add3A_686 = arith.addi %iota3A, %add3A_685 : vector<16xi32>
        %lt3A_687 = arith.cmpi slt, %add3A_686, %broadcast_in_dim3A_266 : vector<16xi32>
        %ge3A_688 = arith.cmpi sge, %get3A_683, %broadcast_in_dim3A_643 : vector<16xi32>
        %and3A_689 = arith.andi %lt3A_687, %ge3A_688 : vector<16xi1>
        %convert_element_type3A_690 = arith.extui %and3A_689 : vector<16xi1> to vector<16xi32>
        %add3A_691 = arith.addi %while3A_680, %convert_element_type3A_690 : vector<16xi32>
        scf.yield %add3A_691 : vector<16xi32>
      }
      %reduce_sum3A_654 = arith.constant true
      %reduce_sum3A_655 = vector.broadcast %reduce_sum3A_654 : i1 to vector<16xi1>
      %reduce_sum3A_656 = tpu.scan <sum>, %while3A_653 masked %reduce_sum3A_655 : vector<16xi32>, vector<16xi1> -> vector<16xi32>
      %reduce_sum3A_657 = vector.extract %reduce_sum3A_656[15] : i32 from vector<16xi32>
      %broadcast_in_dim3A_658 = vector.broadcast %scan3A_641 : i32 to vector<16xi32>
      %broadcast_in_dim3A_659 = vector.broadcast %cond3A_273 : i32 to vector<16xi32>
      %while3A_660 = arith.constant 0 : i32
      %while3A_661 = arith.subi %select_n3A_265, %while3A_660 : i32
      %while3A_662 = arith.addi %while3A_660, %while3A_661 : i32
      %while3A_663 = arith.constant 1 : i32
      %while3A_664 = arith.divsi %while3A_661, %while3A_663 : i32
      %while3A_665 = arith.muli %while3A_664, %while3A_663 : i32
      %while3A_666 = arith.addi %while3A_660, %while3A_665 : i32
      %while3A_667 = arith.constant 1 : i32
      %while3A_668 = scf.for %while3A_679 = %while3A_660 to %while3A_666 step %while3A_667 iter_args(%while3A_680 = %broadcast_in_dim3A_659) -> (vector<16xi32>)  : i32 {
        %mul3A_681 = arith.constant 16 : i32
        %mul3A_682 = arith.muli %while3A_679, %mul3A_681 : i32
        %get3A = arith.index_cast %mul3A_682 : i32 to index
        %get3A_683 = tpu.vector_load %arg7[%get3A] {strides = array<i32>} : memref<2048xi32, #tpu.memory_space<vmem>>, vector<16xi32>,
        %mul3A_684 = arith.muli %while3A_679, %cond3A_272 : i32
        %add3A_685 = vector.broadcast %mul3A_684 : i32 to vector<16xi32>
        %add3A_686 = arith.addi %iota3A, %add3A_685 : vector<16xi32>
        %lt3A_687 = arith.cmpi slt, %add3A_686, %broadcast_in_dim3A_266 : vector<16xi32>
        %lt3A_688 = arith.cmpi slt, %get3A_683, %broadcast_in_dim3A_658 : vector<16xi32>
        %and3A_689 = arith.andi %lt3A_687, %lt3A_688 : vector<16xi1>
        %broadcast_in_dim3A_690 = vector.broadcast %cond3A_273 : i32 to vector<16xi32>
        %select_n3A_691 = arith.select %and3A_689, %get3A_683, %broadcast_in_dim3A_690 : vector<16xi1>, vector<16xi32>
        %max3A_692 = arith.maxsi %while3A_680, %select_n3A_691 : vector<16xi32>
        scf.yield %max3A_692 : vector<16xi32>
      }
      %while3A_669 = arith.constant 1 : i32
      %while3A_670 = scf.for %while3A_679 = %while3A_666 to %while3A_662 step %while3A_669 iter_args(%while3A_680 = %while3A_668) -> (vector<16xi32>)  : i32 {
        %mul3A_681 = arith.constant 16 : i32
        %mul3A_682 = arith.muli %while3A_679, %mul3A_681 : i32
        %get3A = arith.index_cast %mul3A_682 : i32 to index
        %get3A_683 = tpu.vector_load %arg7[%get3A] {strides = array<i32>} : memref<2048xi32, #tpu.memory_space<vmem>>, vector<16xi32>,
        %mul3A_684 = arith.muli %while3A_679, %cond3A_272 : i32
        %add3A_685 = vector.broadcast %mul3A_684 : i32 to vector<16xi32>
        %add3A_686 = arith.addi %iota3A, %add3A_685 : vector<16xi32>
        %lt3A_687 = arith.cmpi slt, %add3A_686, %broadcast_in_dim3A_266 : vector<16xi32>
        %lt3A_688 = arith.cmpi slt, %get3A_683, %broadcast_in_dim3A_658 : vector<16xi32>
        %and3A_689 = arith.andi %lt3A_687, %lt3A_688 : vector<16xi1>
        %broadcast_in_dim3A_690 = vector.broadcast %cond3A_273 : i32 to vector<16xi32>
        %select_n3A_691 = arith.select %and3A_689, %get3A_683, %broadcast_in_dim3A_690 : vector<16xi1>, vector<16xi32>
        %max3A_692 = arith.maxsi %while3A_680, %select_n3A_691 : vector<16xi32>
        scf.yield %max3A_692 : vector<16xi32>
      }
      %reduce_max3A_671 = arith.constant true
      %reduce_max3A_672 = vector.broadcast %reduce_max3A_671 : i1 to vector<16xi1>
      %reduce_max3A_673 = arith.constant -2147483648 : i32
      %reduce_max3A_674 = vector.broadcast %reduce_max3A_673 : i32 to vector<16xi32>
      %reduce_max3A_675 = arith.xori %while3A_670, %reduce_max3A_674 : vector<16xi32>
      %reduce_max3A_676 = tpu.scan <max>, %reduce_max3A_675 masked %reduce_max3A_672 : vector<16xi32>, vector<16xi1> -> vector<16xi32>
      %reduce_max3A_677 = arith.xori %reduce_max3A_676, %reduce_max3A_674 : vector<16xi32>
      %reduce_max3A_678 = vector.extract %reduce_max3A_677[15] : i32 from vector<16xi32>
      scf.yield %scan3A_641, %reduce_sum3A_657, %reduce_max3A_678 : i32, i32, i32
    } else {
      %scan3A = arith.constant 512 : i32
      %scan3A_638 = arith.constant 0 : i32
      %scan3A_639 = arith.constant 21 : i32
      %scan3A_640 = arith.addi %scan3A_638, %scan3A_639 : i32
      %scan3A_641 = arith.constant 1 : i32
      %scan3A_642 = scf.for %scan3A_682 = %scan3A_638 to %scan3A_640 step %scan3A_641 iter_args(%scan3A_683 = %shift_left3A_268) -> (i32)  : i32 {
        %sub3A_684 = arith.constant 20 : i32
        %sub3A_685 = arith.subi %sub3A_684, %scan3A_682 : i32
        %shift_left3A_686 = arith.constant 1 : i32
        %shift_left3A_687 = arith.shli %shift_left3A_686, %sub3A_685 : i32
        %or3A = arith.ori %scan3A_683, %shift_left3A_687 : i32
        %broadcast_in_dim3A_688 = vector.broadcast %or3A : i32 to vector<16xi32>
        %while3A_689 = arith.constant 0 : i32
        %while3A_690 = arith.subi %scan3A, %while3A_689 : i32
        %while3A_691 = arith.addi %while3A_689, %while3A_690 : i32
        %while3A_692 = arith.constant 1 : i32
        %while3A_693 = arith.divsi %while3A_690, %while3A_692 : i32
        %while3A_694 = arith.muli %while3A_693, %while3A_692 : i32
        %while3A_695 = arith.addi %while3A_689, %while3A_694 : i32
        %while3A_696 = arith.constant 1 : i32
        %while3A_697 = scf.for %while3A_706 = %while3A_689 to %while3A_695 step %while3A_696 iter_args(%while3A_707 = %broadcast_in_dim3A_3) -> (vector<16xi32>)  : i32 {
          %mul3A_708 = arith.constant 16 : i32
          %mul3A_709 = arith.muli %while3A_706, %mul3A_708 : i32
          %get3A = arith.index_cast %mul3A_709 : i32 to index
          %get3A_710 = tpu.vector_load %arg5[%get3A] {strides = array<i32>} : memref<8192xf32, #tpu.memory_space<vmem>>, vector<16xf32>,
          %bitcast3A_711 = vector.bitcast %get3A_710 : vector<16xf32> to vector<16xi32>
          %lt3A_712 = arith.constant 0 : i32
          %lt3A_713 = vector.broadcast %lt3A_712 : i32 to vector<16xi32>
          %lt3A_714 = arith.cmpi slt, %bitcast3A_711, %lt3A_713 : vector<16xi32>
          %not3A_715 = arith.constant dense<-1> : vector<16xi32>
          %not3A_716 = arith.xori %bitcast3A_711, %not3A_715 : vector<16xi32>
          %xor3A_717 = vector.broadcast %cond3A_274 : i32 to vector<16xi32>
          %xor3A_718 = arith.xori %not3A_716, %xor3A_717 : vector<16xi32>
          %select_n3A_719 = arith.select %lt3A_714, %xor3A_718, %bitcast3A_711 : vector<16xi1>, vector<16xi32>
          %shift_right_arithmetic3A = arith.constant 21 : i32
          %shift_right_arithmetic3A_720 = vector.broadcast %shift_right_arithmetic3A : i32 to vector<16xi32>
          %shift_right_arithmetic3A_721 = arith.shrsi %select_n3A_719, %shift_right_arithmetic3A_720 : vector<16xi32>
          %eq3A = arith.cmpi eq, %shift_right_arithmetic3A_721, %broadcast_in_dim3A_221 : vector<16xi32>
          %ge3A_722 = arith.cmpi sge, %select_n3A_719, %broadcast_in_dim3A_688 : vector<16xi32>
          %and3A_723 = arith.andi %eq3A, %ge3A_722 : vector<16xi1>
          %convert_element_type3A_724 = arith.extui %and3A_723 : vector<16xi1> to vector<16xi32>
          %add3A_725 = arith.addi %while3A_707, %convert_element_type3A_724 : vector<16xi32>
          scf.yield %add3A_725 : vector<16xi32>
        }
        %while3A_698 = arith.constant 1 : i32
        %while3A_699 = scf.for %while3A_706 = %while3A_695 to %while3A_691 step %while3A_698 iter_args(%while3A_707 = %while3A_697) -> (vector<16xi32>)  : i32 {
          %mul3A_708 = arith.constant 16 : i32
          %mul3A_709 = arith.muli %while3A_706, %mul3A_708 : i32
          %get3A = arith.index_cast %mul3A_709 : i32 to index
          %get3A_710 = tpu.vector_load %arg5[%get3A] {strides = array<i32>} : memref<8192xf32, #tpu.memory_space<vmem>>, vector<16xf32>,
          %bitcast3A_711 = vector.bitcast %get3A_710 : vector<16xf32> to vector<16xi32>
          %lt3A_712 = arith.constant 0 : i32
          %lt3A_713 = vector.broadcast %lt3A_712 : i32 to vector<16xi32>
          %lt3A_714 = arith.cmpi slt, %bitcast3A_711, %lt3A_713 : vector<16xi32>
          %not3A_715 = arith.constant dense<-1> : vector<16xi32>
          %not3A_716 = arith.xori %bitcast3A_711, %not3A_715 : vector<16xi32>
          %xor3A_717 = vector.broadcast %cond3A_274 : i32 to vector<16xi32>
          %xor3A_718 = arith.xori %not3A_716, %xor3A_717 : vector<16xi32>
          %select_n3A_719 = arith.select %lt3A_714, %xor3A_718, %bitcast3A_711 : vector<16xi1>, vector<16xi32>
          %shift_right_arithmetic3A = arith.constant 21 : i32
          %shift_right_arithmetic3A_720 = vector.broadcast %shift_right_arithmetic3A : i32 to vector<16xi32>
          %shift_right_arithmetic3A_721 = arith.shrsi %select_n3A_719, %shift_right_arithmetic3A_720 : vector<16xi32>
          %eq3A = arith.cmpi eq, %shift_right_arithmetic3A_721, %broadcast_in_dim3A_221 : vector<16xi32>
          %ge3A_722 = arith.cmpi sge, %select_n3A_719, %broadcast_in_dim3A_688 : vector<16xi32>
          %and3A_723 = arith.andi %eq3A, %ge3A_722 : vector<16xi1>
          %convert_element_type3A_724 = arith.extui %and3A_723 : vector<16xi1> to vector<16xi32>
          %add3A_725 = arith.addi %while3A_707, %convert_element_type3A_724 : vector<16xi32>
          scf.yield %add3A_725 : vector<16xi32>
        }
        %reduce_sum3A_700 = arith.constant true
        %reduce_sum3A_701 = vector.broadcast %reduce_sum3A_700 : i1 to vector<16xi1>
        %reduce_sum3A_702 = tpu.scan <sum>, %while3A_699 masked %reduce_sum3A_701 : vector<16xi32>, vector<16xi1> -> vector<16xi32>
        %reduce_sum3A_703 = vector.extract %reduce_sum3A_702[15] : i32 from vector<16xi32>
        %ge3A_704 = arith.cmpi sge, %reduce_sum3A_703, %sub3A_218 : i32
        %select_n3A_705 = arith.select %ge3A_704, %or3A, %scan3A_683 : i32
        scf.yield %select_n3A_705 : i32
      }
      %scan3A_643 = arith.constant 21 : i32
      %broadcast_in_dim3A_644 = vector.broadcast %scan3A_642 : i32 to vector<16xi32>
      %while3A = arith.constant 0 : i32
      %while3A_645 = arith.constant 512 : i32
      %while3A_646 = arith.subi %while3A_645, %while3A : i32
      %while3A_647 = arith.addi %while3A, %while3A_646 : i32
      %while3A_648 = arith.constant 1 : i32
      %while3A_649 = arith.divsi %while3A_646, %while3A_648 : i32
      %while3A_650 = arith.muli %while3A_649, %while3A_648 : i32
      %while3A_651 = arith.addi %while3A, %while3A_650 : i32
      %while3A_652 = arith.constant 1 : i32
      %while3A_653 = scf.for %while3A_682 = %while3A to %while3A_651 step %while3A_652 iter_args(%while3A_683 = %broadcast_in_dim3A_3) -> (vector<16xi32>)  : i32 {
        %mul3A_684 = arith.constant 16 : i32
        %mul3A_685 = arith.muli %while3A_682, %mul3A_684 : i32
        %get3A = arith.index_cast %mul3A_685 : i32 to index
        %get3A_686 = tpu.vector_load %arg5[%get3A] {strides = array<i32>} : memref<8192xf32, #tpu.memory_space<vmem>>, vector<16xf32>,
        %bitcast3A_687 = vector.bitcast %get3A_686 : vector<16xf32> to vector<16xi32>
        %lt3A_688 = arith.constant 0 : i32
        %lt3A_689 = vector.broadcast %lt3A_688 : i32 to vector<16xi32>
        %lt3A_690 = arith.cmpi slt, %bitcast3A_687, %lt3A_689 : vector<16xi32>
        %not3A_691 = arith.constant dense<-1> : vector<16xi32>
        %not3A_692 = arith.xori %bitcast3A_687, %not3A_691 : vector<16xi32>
        %xor3A_693 = vector.broadcast %cond3A_274 : i32 to vector<16xi32>
        %xor3A_694 = arith.xori %not3A_692, %xor3A_693 : vector<16xi32>
        %select_n3A_695 = arith.select %lt3A_690, %xor3A_694, %bitcast3A_687 : vector<16xi1>, vector<16xi32>
        %shift_right_arithmetic3A = arith.constant 21 : i32
        %shift_right_arithmetic3A_696 = vector.broadcast %shift_right_arithmetic3A : i32 to vector<16xi32>
        %shift_right_arithmetic3A_697 = arith.shrsi %select_n3A_695, %shift_right_arithmetic3A_696 : vector<16xi32>
        %eq3A = arith.cmpi eq, %shift_right_arithmetic3A_697, %broadcast_in_dim3A_221 : vector<16xi32>
        %ge3A_698 = arith.cmpi sge, %select_n3A_695, %broadcast_in_dim3A_644 : vector<16xi32>
        %and3A_699 = arith.andi %eq3A, %ge3A_698 : vector<16xi1>
        %convert_element_type3A_700 = arith.extui %and3A_699 : vector<16xi1> to vector<16xi32>
        %add3A_701 = arith.addi %while3A_683, %convert_element_type3A_700 : vector<16xi32>
        scf.yield %add3A_701 : vector<16xi32>
      }
      %while3A_654 = arith.constant 1 : i32
      %while3A_655 = scf.for %while3A_682 = %while3A_651 to %while3A_647 step %while3A_654 iter_args(%while3A_683 = %while3A_653) -> (vector<16xi32>)  : i32 {
        %mul3A_684 = arith.constant 16 : i32
        %mul3A_685 = arith.muli %while3A_682, %mul3A_684 : i32
        %get3A = arith.index_cast %mul3A_685 : i32 to index
        %get3A_686 = tpu.vector_load %arg5[%get3A] {strides = array<i32>} : memref<8192xf32, #tpu.memory_space<vmem>>, vector<16xf32>,
        %bitcast3A_687 = vector.bitcast %get3A_686 : vector<16xf32> to vector<16xi32>
        %lt3A_688 = arith.constant 0 : i32
        %lt3A_689 = vector.broadcast %lt3A_688 : i32 to vector<16xi32>
        %lt3A_690 = arith.cmpi slt, %bitcast3A_687, %lt3A_689 : vector<16xi32>
        %not3A_691 = arith.constant dense<-1> : vector<16xi32>
        %not3A_692 = arith.xori %bitcast3A_687, %not3A_691 : vector<16xi32>
        %xor3A_693 = vector.broadcast %cond3A_274 : i32 to vector<16xi32>
        %xor3A_694 = arith.xori %not3A_692, %xor3A_693 : vector<16xi32>
        %select_n3A_695 = arith.select %lt3A_690, %xor3A_694, %bitcast3A_687 : vector<16xi1>, vector<16xi32>
        %shift_right_arithmetic3A = arith.constant 21 : i32
        %shift_right_arithmetic3A_696 = vector.broadcast %shift_right_arithmetic3A : i32 to vector<16xi32>
        %shift_right_arithmetic3A_697 = arith.shrsi %select_n3A_695, %shift_right_arithmetic3A_696 : vector<16xi32>
        %eq3A = arith.cmpi eq, %shift_right_arithmetic3A_697, %broadcast_in_dim3A_221 : vector<16xi32>
        %ge3A_698 = arith.cmpi sge, %select_n3A_695, %broadcast_in_dim3A_644 : vector<16xi32>
        %and3A_699 = arith.andi %eq3A, %ge3A_698 : vector<16xi1>
        %convert_element_type3A_700 = arith.extui %and3A_699 : vector<16xi1> to vector<16xi32>
        %add3A_701 = arith.addi %while3A_683, %convert_element_type3A_700 : vector<16xi32>
        scf.yield %add3A_701 : vector<16xi32>
      }
      %reduce_sum3A_656 = arith.constant true
      %reduce_sum3A_657 = vector.broadcast %reduce_sum3A_656 : i1 to vector<16xi1>
      %reduce_sum3A_658 = tpu.scan <sum>, %while3A_655 masked %reduce_sum3A_657 : vector<16xi32>, vector<16xi1> -> vector<16xi32>
      %reduce_sum3A_659 = vector.extract %reduce_sum3A_658[15] : i32 from vector<16xi32>
      %broadcast_in_dim3A_660 = vector.broadcast %scan3A_642 : i32 to vector<16xi32>
      %broadcast_in_dim3A_661 = vector.broadcast %cond3A_273 : i32 to vector<16xi32>
      %while3A_662 = arith.constant 0 : i32
      %while3A_663 = arith.constant 512 : i32
      %while3A_664 = arith.subi %while3A_663, %while3A_662 : i32
      %while3A_665 = arith.addi %while3A_662, %while3A_664 : i32
      %while3A_666 = arith.constant 1 : i32
      %while3A_667 = arith.divsi %while3A_664, %while3A_666 : i32
      %while3A_668 = arith.muli %while3A_667, %while3A_666 : i32
      %while3A_669 = arith.addi %while3A_662, %while3A_668 : i32
      %while3A_670 = arith.constant 1 : i32
      %while3A_671 = scf.for %while3A_682 = %while3A_662 to %while3A_669 step %while3A_670 iter_args(%while3A_683 = %broadcast_in_dim3A_661) -> (vector<16xi32>)  : i32 {
        %mul3A_684 = arith.constant 16 : i32
        %mul3A_685 = arith.muli %while3A_682, %mul3A_684 : i32
        %get3A = arith.index_cast %mul3A_685 : i32 to index
        %get3A_686 = tpu.vector_load %arg5[%get3A] {strides = array<i32>} : memref<8192xf32, #tpu.memory_space<vmem>>, vector<16xf32>,
        %bitcast3A_687 = vector.bitcast %get3A_686 : vector<16xf32> to vector<16xi32>
        %lt3A_688 = arith.constant 0 : i32
        %lt3A_689 = vector.broadcast %lt3A_688 : i32 to vector<16xi32>
        %lt3A_690 = arith.cmpi slt, %bitcast3A_687, %lt3A_689 : vector<16xi32>
        %not3A_691 = arith.constant dense<-1> : vector<16xi32>
        %not3A_692 = arith.xori %bitcast3A_687, %not3A_691 : vector<16xi32>
        %xor3A_693 = vector.broadcast %cond3A_274 : i32 to vector<16xi32>
        %xor3A_694 = arith.xori %not3A_692, %xor3A_693 : vector<16xi32>
        %select_n3A_695 = arith.select %lt3A_690, %xor3A_694, %bitcast3A_687 : vector<16xi1>, vector<16xi32>
        %shift_right_arithmetic3A = arith.constant 21 : i32
        %shift_right_arithmetic3A_696 = vector.broadcast %shift_right_arithmetic3A : i32 to vector<16xi32>
        %shift_right_arithmetic3A_697 = arith.shrsi %select_n3A_695, %shift_right_arithmetic3A_696 : vector<16xi32>
        %eq3A = arith.cmpi eq, %shift_right_arithmetic3A_697, %broadcast_in_dim3A_221 : vector<16xi32>
        %lt3A_698 = arith.cmpi slt, %select_n3A_695, %broadcast_in_dim3A_660 : vector<16xi32>
        %and3A_699 = arith.andi %eq3A, %lt3A_698 : vector<16xi1>
        %broadcast_in_dim3A_700 = vector.broadcast %cond3A_273 : i32 to vector<16xi32>
        %select_n3A_701 = arith.select %and3A_699, %select_n3A_695, %broadcast_in_dim3A_700 : vector<16xi1>, vector<16xi32>
        %max3A_702 = arith.maxsi %while3A_683, %select_n3A_701 : vector<16xi32>
        scf.yield %max3A_702 : vector<16xi32>
      }
      %while3A_672 = arith.constant 1 : i32
      %while3A_673 = scf.for %while3A_682 = %while3A_669 to %while3A_665 step %while3A_672 iter_args(%while3A_683 = %while3A_671) -> (vector<16xi32>)  : i32 {
        %mul3A_684 = arith.constant 16 : i32
        %mul3A_685 = arith.muli %while3A_682, %mul3A_684 : i32
        %get3A = arith.index_cast %mul3A_685 : i32 to index
        %get3A_686 = tpu.vector_load %arg5[%get3A] {strides = array<i32>} : memref<8192xf32, #tpu.memory_space<vmem>>, vector<16xf32>,
        %bitcast3A_687 = vector.bitcast %get3A_686 : vector<16xf32> to vector<16xi32>
        %lt3A_688 = arith.constant 0 : i32
        %lt3A_689 = vector.broadcast %lt3A_688 : i32 to vector<16xi32>
        %lt3A_690 = arith.cmpi slt, %bitcast3A_687, %lt3A_689 : vector<16xi32>
        %not3A_691 = arith.constant dense<-1> : vector<16xi32>
        %not3A_692 = arith.xori %bitcast3A_687, %not3A_691 : vector<16xi32>
        %xor3A_693 = vector.broadcast %cond3A_274 : i32 to vector<16xi32>
        %xor3A_694 = arith.xori %not3A_692, %xor3A_693 : vector<16xi32>
        %select_n3A_695 = arith.select %lt3A_690, %xor3A_694, %bitcast3A_687 : vector<16xi1>, vector<16xi32>
        %shift_right_arithmetic3A = arith.constant 21 : i32
        %shift_right_arithmetic3A_696 = vector.broadcast %shift_right_arithmetic3A : i32 to vector<16xi32>
        %shift_right_arithmetic3A_697 = arith.shrsi %select_n3A_695, %shift_right_arithmetic3A_696 : vector<16xi32>
        %eq3A = arith.cmpi eq, %shift_right_arithmetic3A_697, %broadcast_in_dim3A_221 : vector<16xi32>
        %lt3A_698 = arith.cmpi slt, %select_n3A_695, %broadcast_in_dim3A_660 : vector<16xi32>
        %and3A_699 = arith.andi %eq3A, %lt3A_698 : vector<16xi1>
        %broadcast_in_dim3A_700 = vector.broadcast %cond3A_273 : i32 to vector<16xi32>
        %select_n3A_701 = arith.select %and3A_699, %select_n3A_695, %broadcast_in_dim3A_700 : vector<16xi1>, vector<16xi32>
        %max3A_702 = arith.maxsi %while3A_683, %select_n3A_701 : vector<16xi32>
        scf.yield %max3A_702 : vector<16xi32>
      }
      %reduce_max3A_674 = arith.constant true
      %reduce_max3A_675 = vector.broadcast %reduce_max3A_674 : i1 to vector<16xi1>
      %reduce_max3A_676 = arith.constant -2147483648 : i32
      %reduce_max3A_677 = vector.broadcast %reduce_max3A_676 : i32 to vector<16xi32>
      %reduce_max3A_678 = arith.xori %while3A_673, %reduce_max3A_677 : vector<16xi32>
      %reduce_max3A_679 = tpu.scan <max>, %reduce_max3A_678 masked %reduce_max3A_675 : vector<16xi32>, vector<16xi1> -> vector<16xi32>
      %reduce_max3A_680 = arith.xori %reduce_max3A_679, %reduce_max3A_677 : vector<16xi32>
      %reduce_max3A_681 = vector.extract %reduce_max3A_680[15] : i32 from vector<16xi32>
      scf.yield %scan3A_642, %reduce_sum3A_659, %reduce_max3A_681 : i32, i32, i32
    }
    %add3A_278 = arith.addi %reduce_max3A_207, %cond3A_277#1 : i32
    %ge3A_279 = arith.constant 411 : i32
    %ge3A_280 = arith.cmpi sge, %add3A_278, %ge3A_279 : i32
    %max3A_281 = arith.maxsi %reduce_max3A_237, %cond3A_277#2 : i32
    %select_n3A_282 = arith.select %ge3A_280, %cond3A_277#0, %max3A_281 : i32
    %broadcast_in_dim3A_283 = vector.broadcast %cond3A_277#0 : i32 to vector<16xi32>
    %lt3A_284 = arith.constant 0 : i32
    %lt3A_285 = vector.broadcast %lt3A_284 : i32 to vector<16xi32>
    %lt3A_286 = arith.cmpi slt, %broadcast_in_dim3A_283, %lt3A_285 : vector<16xi32>
    %xor3A_287 = arith.constant -2147483648 : i32
    %xor3A_288 = vector.broadcast %xor3A_287 : i32 to vector<16xi32>
    %xor3A_289 = arith.xori %broadcast_in_dim3A_283, %xor3A_288 : vector<16xi32>
    %not3A_290 = arith.constant dense<-1> : vector<16xi32>
    %not3A_291 = arith.xori %xor3A_289, %not3A_290 : vector<16xi32>
    %select_n3A_292 = arith.select %lt3A_286, %not3A_291, %broadcast_in_dim3A_283 : vector<16xi1>, vector<16xi32>
    %bitcast3A_293 = vector.bitcast %select_n3A_292 : vector<16xi32> to vector<16xf32>
    %broadcast_in_dim3A_294 = vector.broadcast %select_n3A_282 : i32 to vector<16xi32>
    %lt3A_295 = arith.constant 0 : i32
    %lt3A_296 = vector.broadcast %lt3A_295 : i32 to vector<16xi32>
    %lt3A_297 = arith.cmpi slt, %broadcast_in_dim3A_294, %lt3A_296 : vector<16xi32>
    %xor3A_298 = arith.constant -2147483648 : i32
    %xor3A_299 = vector.broadcast %xor3A_298 : i32 to vector<16xi32>
    %xor3A_300 = arith.xori %broadcast_in_dim3A_294, %xor3A_299 : vector<16xi32>
    %not3A_301 = arith.constant dense<-1> : vector<16xi32>
    %not3A_302 = arith.xori %xor3A_300, %not3A_301 : vector<16xi32>
    %select_n3A_303 = arith.select %lt3A_297, %not3A_302, %broadcast_in_dim3A_294 : vector<16xi1>, vector<16xi32>
    %bitcast3A_304 = vector.bitcast %select_n3A_303 : vector<16xi32> to vector<16xf32>
    %add3A_305 = arith.addf %bitcast3A_293, %bitcast3A_304 : vector<16xf32>
    %mul3A_306 = arith.constant 5.000000e-01 : f32
    %mul3A_307 = vector.broadcast %mul3A_306 : f32 to vector<16xf32>
    %mul3A_308 = arith.mulf %add3A_305, %mul3A_307 : vector<16xf32>
    %broadcast_in_dim3A_309 = arith.constant 1.000000e+00 : f32
    %broadcast_in_dim3A_310 = vector.broadcast %broadcast_in_dim3A_309 : f32 to vector<16xf32>
    %broadcast_in_dim3A_311 = arith.constant 0.000000e+00 : f32
    %broadcast_in_dim3A_312 = vector.broadcast %broadcast_in_dim3A_311 : f32 to vector<16xf32>
    %parallel_loop3A_313 = arith.constant 0 : i32
    %parallel_loop3A_314 = arith.constant 512 : i32
    %parallel_loop3A_315 = arith.constant 1 : i32
    scf.for %parallel_loop3A_638 = %parallel_loop3A_313 to %parallel_loop3A_314 step %parallel_loop3A_315  : i32 {
      %parallel_loop3A_639 = arith.constant 16 : i32
      %parallel_loop3A_640 = arith.muli %parallel_loop3A_638, %parallel_loop3A_639 : i32
      %parallel_loop3A_641 = arith.index_cast %parallel_loop3A_640 : i32 to index
      %parallel_loop3A_642 = tpu.vector_load %arg5[%parallel_loop3A_641] {strides = array<i32>} : memref<8192xf32, #tpu.memory_space<vmem>>, vector<16xf32>,
      %parallel_loop3A_643 = arith.cmpf ogt, %parallel_loop3A_642, %mul3A_308 : vector<16xf32>
      %parallel_loop3A_644 = arith.select %parallel_loop3A_643, %broadcast_in_dim3A_310, %broadcast_in_dim3A_312 : vector<16xi1>, vector<16xf32>
      %parallel_loop3A_645 = arith.constant 16 : i32
      %parallel_loop3A_646 = arith.muli %parallel_loop3A_638, %parallel_loop3A_645 : i32
      %parallel_loop3A_647 = arith.index_cast %parallel_loop3A_646 : i32 to index
      %parallel_loop3A_648 = tpu.vector_load %arg5[%parallel_loop3A_647] {strides = array<i32>} : memref<8192xf32, #tpu.memory_space<vmem>>, vector<16xf32>,
      tpu.vector_store %arg5[%parallel_loop3A_647], %parallel_loop3A_644 {strides = array<i32>} : memref<8192xf32, #tpu.memory_space<vmem>>, vector<16xf32>,
    } {sc.loop_unroll_factor = 8 : i64, sc.parallel_access}
    %dma_start3A_316 = arith.constant 0 : i32
    %dma_start3A_317 = tpu.memref_slice %arg3[%add3A_20, %dma_start3A_316] : memref<128x8192xf32, #tpu.memory_space<hbm>> -> memref<1x8192xf32, #tpu.memory_space<hbm>>
    %dma_start3A_318 = tpu.memref_squeeze %dma_start3A_317 : memref<1x8192xf32, #tpu.memory_space<hbm>> -> memref<8192xf32, #tpu.memory_space<hbm>>
    %dma_start3A_319 = arith.constant 0 : i32
    %dma_start3A_320 = tpu.memref_slice %arg3[%add3A_20, %dma_start3A_319] : memref<128x8192xf32, #tpu.memory_space<hbm>> -> memref<1x8192xf32, #tpu.memory_space<hbm>>
    %dma_start3A_321 = tpu.memref_squeeze %dma_start3A_320 : memref<1x8192xf32, #tpu.memory_space<hbm>> -> memref<8192xf32, #tpu.memory_space<hbm>>
    tpu.enqueue_dma source(%arg5 : memref<8192xf32, #tpu.memory_space<vmem>>) target(%dma_start3A_321 : memref<8192xf32, #tpu.memory_space<hbm>>) target_semaphore(%arg11 : memref<!tpu.dma_semaphore, #tpu.memory_space<semaphore_mem>>)
    %dma_wait3A_322 = arith.constant 0 : i32
    %dma_wait3A_323 = tpu.memref_slice %arg2[%add3A_24, %dma_wait3A_322] : memref<128x8192xf32, #tpu.memory_space<hbm>> -> memref<1x8192xf32, #tpu.memory_space<hbm>>
    %dma_wait3A_324 = tpu.memref_squeeze %dma_wait3A_323 : memref<1x8192xf32, #tpu.memory_space<hbm>> -> memref<8192xf32, #tpu.memory_space<hbm>>
    %dma_wait3A_325 = arith.constant 0 : i32
    %dma_wait3A_326 = tpu.memref_slice %arg2[%add3A_24, %dma_wait3A_325] : memref<128x8192xf32, #tpu.memory_space<hbm>> -> memref<1x8192xf32, #tpu.memory_space<hbm>>
    %dma_wait3A_327 = tpu.memref_squeeze %dma_wait3A_326 : memref<1x8192xf32, #tpu.memory_space<hbm>> -> memref<8192xf32, #tpu.memory_space<hbm>>
    tpu.wait_dma2 semaphore(%arg8 : memref<!tpu.dma_semaphore, #tpu.memory_space<semaphore_mem>>) src(%dma_wait3A_327 : memref<8192xf32, #tpu.memory_space<hbm>>) dst(%arg4 : memref<8192xf32, #tpu.memory_space<vmem>>)
    %dma_wait3A_328 = arith.constant 0 : i32
    %dma_wait3A_329 = tpu.memref_slice %arg3[%add3A_20, %dma_wait3A_328] : memref<128x8192xf32, #tpu.memory_space<hbm>> -> memref<1x8192xf32, #tpu.memory_space<hbm>>
    %dma_wait3A_330 = tpu.memref_squeeze %dma_wait3A_329 : memref<1x8192xf32, #tpu.memory_space<hbm>> -> memref<8192xf32, #tpu.memory_space<hbm>>
    %dma_wait3A_331 = arith.constant 0 : i32
    %dma_wait3A_332 = tpu.memref_slice %arg3[%add3A_20, %dma_wait3A_331] : memref<128x8192xf32, #tpu.memory_space<hbm>> -> memref<1x8192xf32, #tpu.memory_space<hbm>>
    %dma_wait3A_333 = tpu.memref_squeeze %dma_wait3A_332 : memref<1x8192xf32, #tpu.memory_space<hbm>> -> memref<8192xf32, #tpu.memory_space<hbm>>
    tpu.wait_dma2 semaphore(%arg11 : memref<!tpu.dma_semaphore, #tpu.memory_space<semaphore_mem>>) src(%arg5 : memref<8192xf32, #tpu.memory_space<vmem>>) dst(%dma_wait3A_333 : memref<8192xf32, #tpu.memory_space<hbm>>)
    %dma_start3A_334 = arith.constant 0 : i32
    %dma_start3A_335 = tpu.memref_slice %arg2[%add3A_28, %dma_start3A_334] : memref<128x8192xf32, #tpu.memory_space<hbm>> -> memref<1x8192xf32, #tpu.memory_space<hbm>>
    %dma_start3A_336 = tpu.memref_squeeze %dma_start3A_335 : memref<1x8192xf32, #tpu.memory_space<hbm>> -> memref<8192xf32, #tpu.memory_space<hbm>>
    %dma_start3A_337 = arith.constant 0 : i32
    %dma_start3A_338 = tpu.memref_slice %arg2[%add3A_28, %dma_start3A_337] : memref<128x8192xf32, #tpu.memory_space<hbm>> -> memref<1x8192xf32, #tpu.memory_space<hbm>>
    %dma_start3A_339 = tpu.memref_squeeze %dma_start3A_338 : memref<1x8192xf32, #tpu.memory_space<hbm>> -> memref<8192xf32, #tpu.memory_space<hbm>>
    tpu.enqueue_dma source(%dma_start3A_339 : memref<8192xf32, #tpu.memory_space<hbm>>) target(%arg5 : memref<8192xf32, #tpu.memory_space<vmem>>) target_semaphore(%arg9 : memref<!tpu.dma_semaphore, #tpu.memory_space<semaphore_mem>>)
    %parallel_loop3A_340 = arith.constant 0 : i32
    %parallel_loop3A_341 = arith.constant 512 : i32
    %parallel_loop3A_342 = arith.constant 1 : i32
    %parallel_loop3A_343 = arith.constant -2147483648 : i32
    scf.for %parallel_loop3A_638 = %parallel_loop3A_340 to %parallel_loop3A_341 step %parallel_loop3A_342  : i32 {
      %parallel_loop3A_639 = arith.constant 16 : i32
      %parallel_loop3A_640 = arith.muli %parallel_loop3A_638, %parallel_loop3A_639 : i32
      %parallel_loop3A_641 = arith.index_cast %parallel_loop3A_640 : i32 to index
      %parallel_loop3A_642 = tpu.vector_load %arg4[%parallel_loop3A_641] {strides = array<i32>} : memref<8192xf32, #tpu.memory_space<vmem>>, vector<16xf32>,
      %parallel_loop3A_643 = vector.bitcast %parallel_loop3A_642 : vector<16xf32> to vector<16xi32>
      %parallel_loop3A_644 = arith.constant 0 : i32
      %parallel_loop3A_645 = vector.broadcast %parallel_loop3A_644 : i32 to vector<16xi32>
      %parallel_loop3A_646 = arith.cmpi slt, %parallel_loop3A_643, %parallel_loop3A_645 : vector<16xi32>
      %parallel_loop3A_647 = arith.constant dense<-1> : vector<16xi32>
      %parallel_loop3A_648 = arith.xori %parallel_loop3A_643, %parallel_loop3A_647 : vector<16xi32>
      %parallel_loop3A_649 = vector.broadcast %parallel_loop3A_343 : i32 to vector<16xi32>
      %parallel_loop3A_650 = arith.xori %parallel_loop3A_648, %parallel_loop3A_649 : vector<16xi32>
      %parallel_loop3A_651 = arith.select %parallel_loop3A_646, %parallel_loop3A_650, %parallel_loop3A_643 : vector<16xi1>, vector<16xi32>
      %parallel_loop3A_652 = arith.constant 21 : i32
      %parallel_loop3A_653 = vector.broadcast %parallel_loop3A_652 : i32 to vector<16xi32>
      %parallel_loop3A_654 = arith.shrsi %parallel_loop3A_651, %parallel_loop3A_653 : vector<16xi32>
      %parallel_loop3A_655 = arith.constant 1024 : i32
      %parallel_loop3A_656 = vector.broadcast %parallel_loop3A_655 : i32 to vector<16xi32>
      %parallel_loop3A_657 = arith.addi %parallel_loop3A_654, %parallel_loop3A_656 : vector<16xi32>
      %parallel_loop3A_658 = arith.addi %parallel_loop3A_657, %mul3A_10 : vector<16xi32>
      tpu.vector_store_idx %arg6[%parallel_loop3A_658], %broadcast_in_dim3A_1 {add = true} : memref<8192xi32, #tpu.memory_space<vmem>>[vector<16xi32>], vector<16xi32>,
    } {sc.loop_unroll_factor = 8 : i64, sc.parallel_access}
    %broadcast_in_dim3A_344 = arith.constant 2147483647 : i32
    %broadcast_in_dim3A_345 = vector.broadcast %broadcast_in_dim3A_344 : i32 to vector<16xi32>
    %parallel_loop3A_346 = arith.constant 0 : i32
    %parallel_loop3A_347 = arith.constant 128 : i32
    %parallel_loop3A_348 = arith.constant 1 : i32
    %parallel_loop3A_349 = arith.constant 2147483647 : i32
    %parallel_loop3A_350 = arith.constant 0 : i32
    %parallel_loop3A_351:4 = scf.for %parallel_loop3A_638 = %parallel_loop3A_346 to %parallel_loop3A_347 step %parallel_loop3A_348 iter_args(%parallel_loop3A_639 = %parallel_loop3A_350, %parallel_loop3A_640 = %broadcast_in_dim3A_3, %parallel_loop3A_641 = %broadcast_in_dim3A_3, %parallel_loop3A_642 = %broadcast_in_dim3A_345) -> (i32, vector<16xi32>, vector<16xi32>, vector<16xi32>)  : i32 {
      %parallel_loop3A_643 = arith.constant 127 : i32
      %parallel_loop3A_644 = arith.subi %parallel_loop3A_643, %parallel_loop3A_638 : i32
      %parallel_loop3A_645 = arith.constant 16 : i32
      %parallel_loop3A_646 = arith.muli %parallel_loop3A_644, %parallel_loop3A_645 : i32
      %parallel_loop3A_647 = arith.index_cast %parallel_loop3A_646 : i32 to index
      %parallel_loop3A_648 = tpu.vector_load %arg6[%parallel_loop3A_647] {strides = array<i32>} : memref<8192xi32, #tpu.memory_space<vmem>>, vector<16xi32>,
      %parallel_loop3A_649 = arith.constant 16 : i32
      %parallel_loop3A_650 = arith.muli %parallel_loop3A_644, %parallel_loop3A_649 : i32
      %parallel_loop3A_651 = arith.constant 2048 : i32
      %parallel_loop3A_652 = arith.addi %parallel_loop3A_651, %parallel_loop3A_650 : i32
      %parallel_loop3A_653 = arith.index_cast %parallel_loop3A_652 : i32 to index
      %parallel_loop3A_654 = tpu.vector_load %arg6[%parallel_loop3A_653] {strides = array<i32>} : memref<8192xi32, #tpu.memory_space<vmem>>, vector<16xi32>,
      %parallel_loop3A_655 = arith.addi %parallel_loop3A_648, %parallel_loop3A_654 : vector<16xi32>
      %parallel_loop3A_656 = arith.constant 16 : i32
      %parallel_loop3A_657 = arith.muli %parallel_loop3A_644, %parallel_loop3A_656 : i32
      %parallel_loop3A_658 = arith.constant 4096 : i32
      %parallel_loop3A_659 = arith.addi %parallel_loop3A_658, %parallel_loop3A_657 : i32
      %parallel_loop3A_660 = arith.index_cast %parallel_loop3A_659 : i32 to index
      %parallel_loop3A_661 = tpu.vector_load %arg6[%parallel_loop3A_660] {strides = array<i32>} : memref<8192xi32, #tpu.memory_space<vmem>>, vector<16xi32>,
      %parallel_loop3A_662 = arith.addi %parallel_loop3A_655, %parallel_loop3A_661 : vector<16xi32>
      %parallel_loop3A_663 = arith.constant 16 : i32
      %parallel_loop3A_664 = arith.muli %parallel_loop3A_644, %parallel_loop3A_663 : i32
      %parallel_loop3A_665 = arith.constant 6144 : i32
      %parallel_loop3A_666 = arith.addi %parallel_loop3A_665, %parallel_loop3A_664 : i32
      %parallel_loop3A_667 = arith.index_cast %parallel_loop3A_666 : i32 to index
      %parallel_loop3A_668 = tpu.vector_load %arg6[%parallel_loop3A_667] {strides = array<i32>} : memref<8192xi32, #tpu.memory_space<vmem>>, vector<16xi32>,
      %parallel_loop3A_669 = arith.addi %parallel_loop3A_662, %parallel_loop3A_668 : vector<16xi32>
      %parallel_loop3A_670 = arith.constant 16 : i32
      %parallel_loop3A_671 = arith.muli %parallel_loop3A_644, %parallel_loop3A_670 : i32
      %parallel_loop3A_672 = arith.index_cast %parallel_loop3A_671 : i32 to index
      %parallel_loop3A_673 = tpu.vector_load %arg6[%parallel_loop3A_672] {strides = array<i32>} : memref<8192xi32, #tpu.memory_space<vmem>>, vector<16xi32>,
      tpu.vector_store %arg6[%parallel_loop3A_672], %broadcast_in_dim3A_3 {strides = array<i32>} : memref<8192xi32, #tpu.memory_space<vmem>>, vector<16xi32>,
      %parallel_loop3A_674 = arith.constant 16 : i32
      %parallel_loop3A_675 = arith.muli %parallel_loop3A_644, %parallel_loop3A_674 : i32
      %parallel_loop3A_676 = arith.constant 2048 : i32
      %parallel_loop3A_677 = arith.addi %parallel_loop3A_676, %parallel_loop3A_675 : i32
      %parallel_loop3A_678 = arith.index_cast %parallel_loop3A_677 : i32 to index
      %parallel_loop3A_679 = tpu.vector_load %arg6[%parallel_loop3A_678] {strides = array<i32>} : memref<8192xi32, #tpu.memory_space<vmem>>, vector<16xi32>,
      tpu.vector_store %arg6[%parallel_loop3A_678], %broadcast_in_dim3A_3 {strides = array<i32>} : memref<8192xi32, #tpu.memory_space<vmem>>, vector<16xi32>,
      %parallel_loop3A_680 = arith.constant 16 : i32
      %parallel_loop3A_681 = arith.muli %parallel_loop3A_644, %parallel_loop3A_680 : i32
      %parallel_loop3A_682 = arith.constant 4096 : i32
      %parallel_loop3A_683 = arith.addi %parallel_loop3A_682, %parallel_loop3A_681 : i32
      %parallel_loop3A_684 = arith.index_cast %parallel_loop3A_683 : i32 to index
      %parallel_loop3A_685 = tpu.vector_load %arg6[%parallel_loop3A_684] {strides = array<i32>} : memref<8192xi32, #tpu.memory_space<vmem>>, vector<16xi32>,
      tpu.vector_store %arg6[%parallel_loop3A_684], %broadcast_in_dim3A_3 {strides = array<i32>} : memref<8192xi32, #tpu.memory_space<vmem>>, vector<16xi32>,
      %parallel_loop3A_686 = arith.constant 16 : i32
      %parallel_loop3A_687 = arith.muli %parallel_loop3A_644, %parallel_loop3A_686 : i32
      %parallel_loop3A_688 = arith.constant 6144 : i32
      %parallel_loop3A_689 = arith.addi %parallel_loop3A_688, %parallel_loop3A_687 : i32
      %parallel_loop3A_690 = arith.index_cast %parallel_loop3A_689 : i32 to index
      %parallel_loop3A_691 = tpu.vector_load %arg6[%parallel_loop3A_690] {strides = array<i32>} : memref<8192xi32, #tpu.memory_space<vmem>>, vector<16xi32>,
      tpu.vector_store %arg6[%parallel_loop3A_690], %broadcast_in_dim3A_3 {strides = array<i32>} : memref<8192xi32, #tpu.memory_space<vmem>>, vector<16xi32>,
      %parallel_loop3A_692 = arith.constant true
      %parallel_loop3A_693 = vector.broadcast %parallel_loop3A_692 : i1 to vector<16xi1>
      %parallel_loop3A_694 = tpu.scan <sum>, %parallel_loop3A_669 masked %parallel_loop3A_693 : vector<16xi32>, vector<16xi1> -> vector<16xi32>
      %parallel_loop3A_695 = arith.constant true
      %parallel_loop3A_696 = vector.broadcast %parallel_loop3A_695 : i1 to vector<16xi1>
      %parallel_loop3A_697 = arith.constant -2147483648 : i32
      %parallel_loop3A_698 = vector.broadcast %parallel_loop3A_697 : i32 to vector<16xi32>
      %parallel_loop3A_699 = arith.xori %parallel_loop3A_694, %parallel_loop3A_698 : vector<16xi32>
      %parallel_loop3A_700 = tpu.scan <max>, %parallel_loop3A_699 masked %parallel_loop3A_696 : vector<16xi32>, vector<16xi1> -> vector<16xi32>
      %parallel_loop3A_701 = arith.xori %parallel_loop3A_700, %parallel_loop3A_698 : vector<16xi32>
      %parallel_loop3A_702 = vector.extract %parallel_loop3A_701[15] : i32 from vector<16xi32>
      %parallel_loop3A_703 = arith.addi %parallel_loop3A_639, %parallel_loop3A_702 : i32
      %parallel_loop3A_704 = vector.broadcast %parallel_loop3A_703 : i32 to vector<16xi32>
      %parallel_loop3A_705 = arith.subi %parallel_loop3A_704, %parallel_loop3A_694 : vector<16xi32>
      %parallel_loop3A_706 = arith.addi %parallel_loop3A_705, %parallel_loop3A_669 : vector<16xi32>
      %parallel_loop3A_707 = arith.cmpi sge, %parallel_loop3A_706, %broadcast_in_dim3A_5 : vector<16xi32>
      %parallel_loop3A_708 = arith.extui %parallel_loop3A_707 : vector<16xi1> to vector<16xi32>
      %parallel_loop3A_709 = arith.addi %parallel_loop3A_640, %parallel_loop3A_708 : vector<16xi32>
      %parallel_loop3A_710 = arith.select %parallel_loop3A_707, %broadcast_in_dim3A_3, %parallel_loop3A_706 : vector<16xi1>, vector<16xi32>
      %parallel_loop3A_711 = arith.maxsi %parallel_loop3A_641, %parallel_loop3A_710 : vector<16xi32>
      %parallel_loop3A_712 = vector.broadcast %parallel_loop3A_349 : i32 to vector<16xi32>
      %parallel_loop3A_713 = arith.select %parallel_loop3A_707, %parallel_loop3A_706, %parallel_loop3A_712 : vector<16xi1>, vector<16xi32>
      %parallel_loop3A_714 = arith.minsi %parallel_loop3A_642, %parallel_loop3A_713 : vector<16xi32>
      %parallel_loop3A_715 = arith.addi %parallel_loop3A_639, %parallel_loop3A_702 : i32
      scf.yield %parallel_loop3A_715, %parallel_loop3A_709, %parallel_loop3A_711, %parallel_loop3A_714 : i32, vector<16xi32>, vector<16xi32>, vector<16xi32>
    } {sc.loop_unroll_factor = 4 : i64, sc.parallel_access}
    %reduce_sum3A_352 = arith.constant true
    %reduce_sum3A_353 = vector.broadcast %reduce_sum3A_352 : i1 to vector<16xi1>
    %reduce_sum3A_354 = tpu.scan <sum>, %parallel_loop3A_351#1 masked %reduce_sum3A_353 : vector<16xi32>, vector<16xi1> -> vector<16xi32>
    %reduce_sum3A_355 = vector.extract %reduce_sum3A_354[15] : i32 from vector<16xi32>
    %sub3A_356 = arith.constant 1 : i32
    %sub3A_357 = arith.subi %reduce_sum3A_355, %sub3A_356 : i32
    %reduce_max3A_358 = arith.constant true
    %reduce_max3A_359 = vector.broadcast %reduce_max3A_358 : i1 to vector<16xi1>
    %reduce_max3A_360 = arith.constant -2147483648 : i32
    %reduce_max3A_361 = vector.broadcast %reduce_max3A_360 : i32 to vector<16xi32>
    %reduce_max3A_362 = arith.xori %parallel_loop3A_351#2, %reduce_max3A_361 : vector<16xi32>
    %reduce_max3A_363 = tpu.scan <max>, %reduce_max3A_362 masked %reduce_max3A_359 : vector<16xi32>, vector<16xi1> -> vector<16xi32>
    %reduce_max3A_364 = arith.xori %reduce_max3A_363, %reduce_max3A_361 : vector<16xi32>
    %reduce_max3A_365 = vector.extract %reduce_max3A_364[15] : i32 from vector<16xi32>
    %reduce_min3A_366 = arith.constant true
    %reduce_min3A_367 = vector.broadcast %reduce_min3A_366 : i1 to vector<16xi1>
    %reduce_min3A_368 = arith.constant -2147483648 : i32
    %reduce_min3A_369 = vector.broadcast %reduce_min3A_368 : i32 to vector<16xi32>
    %reduce_min3A_370 = arith.xori %parallel_loop3A_351#3, %reduce_min3A_369 : vector<16xi32>
    %reduce_min3A_371 = tpu.scan <min>, %reduce_min3A_370 masked %reduce_min3A_367 : vector<16xi32>, vector<16xi1> -> vector<16xi32>
    %reduce_min3A_372 = arith.xori %reduce_min3A_371, %reduce_min3A_369 : vector<16xi32>
    %reduce_min3A_373 = vector.extract %reduce_min3A_372[15] : i32 from vector<16xi32>
    %sub3A_374 = arith.subi %reduce_min3A_373, %reduce_max3A_365 : i32
    %sub3A_375 = arith.constant 410 : i32
    %sub3A_376 = arith.subi %sub3A_375, %reduce_max3A_365 : i32
    %sub3A_377 = arith.constant 1024 : i32
    %sub3A_378 = arith.subi %sub3A_357, %sub3A_377 : i32
    %broadcast_in_dim3A_379 = vector.broadcast %sub3A_378 : i32 to vector<16xi32>
    %broadcast_in_dim3A_380 = arith.constant -2147483648 : i32
    %broadcast_in_dim3A_381 = vector.broadcast %broadcast_in_dim3A_380 : i32 to vector<16xi32>
    %parallel_loop3A_382 = arith.constant 0 : i32
    %parallel_loop3A_383 = arith.constant 512 : i32
    %parallel_loop3A_384 = arith.constant 1 : i32
    %parallel_loop3A_385 = arith.constant -2147483648 : i32
    %parallel_loop3A_386 = arith.constant -2147483648 : i32
    %parallel_loop3A_387:2 = scf.for %parallel_loop3A_638 = %parallel_loop3A_382 to %parallel_loop3A_383 step %parallel_loop3A_384 iter_args(%parallel_loop3A_639 = %broadcast_in_dim3A_3, %parallel_loop3A_640 = %broadcast_in_dim3A_381) -> (vector<16xi32>, vector<16xi32>)  : i32 {
      %parallel_loop3A_641 = arith.constant 16 : i32
      %parallel_loop3A_642 = arith.muli %parallel_loop3A_638, %parallel_loop3A_641 : i32
      %parallel_loop3A_643 = arith.index_cast %parallel_loop3A_642 : i32 to index
      %parallel_loop3A_644 = tpu.vector_load %arg4[%parallel_loop3A_643] {strides = array<i32>} : memref<8192xf32, #tpu.memory_space<vmem>>, vector<16xf32>,
      %parallel_loop3A_645 = vector.bitcast %parallel_loop3A_644 : vector<16xf32> to vector<16xi32>
      %parallel_loop3A_646 = arith.constant 0 : i32
      %parallel_loop3A_647 = vector.broadcast %parallel_loop3A_646 : i32 to vector<16xi32>
      %parallel_loop3A_648 = arith.cmpi slt, %parallel_loop3A_645, %parallel_loop3A_647 : vector<16xi32>
      %parallel_loop3A_649 = arith.constant dense<-1> : vector<16xi32>
      %parallel_loop3A_650 = arith.xori %parallel_loop3A_645, %parallel_loop3A_649 : vector<16xi32>
      %parallel_loop3A_651 = vector.broadcast %parallel_loop3A_385 : i32 to vector<16xi32>
      %parallel_loop3A_652 = arith.xori %parallel_loop3A_650, %parallel_loop3A_651 : vector<16xi32>
      %parallel_loop3A_653 = arith.select %parallel_loop3A_648, %parallel_loop3A_652, %parallel_loop3A_645 : vector<16xi1>, vector<16xi32>
      %parallel_loop3A_654 = arith.constant 21 : i32
      %parallel_loop3A_655 = vector.broadcast %parallel_loop3A_654 : i32 to vector<16xi32>
      %parallel_loop3A_656 = arith.shrsi %parallel_loop3A_653, %parallel_loop3A_655 : vector<16xi32>
      %parallel_loop3A_657 = arith.cmpi eq, %parallel_loop3A_656, %broadcast_in_dim3A_379 : vector<16xi32>
      %parallel_loop3A_658 = arith.cmpi slt, %parallel_loop3A_656, %broadcast_in_dim3A_379 : vector<16xi32>
      %parallel_loop3A_659 = arith.extui %parallel_loop3A_657 : vector<16xi1> to vector<16xi32>
      %parallel_loop3A_660 = arith.constant true
      %parallel_loop3A_661 = vector.broadcast %parallel_loop3A_660 : i1 to vector<16xi1>
      %parallel_loop3A_662 = tpu.scan <sum>, %parallel_loop3A_659 masked %parallel_loop3A_661 : vector<16xi32>, vector<16xi1> -> vector<16xi32>
      %parallel_loop3A_663 = arith.addi %parallel_loop3A_639, %parallel_loop3A_662 : vector<16xi32>
      %parallel_loop3A_664 = arith.subi %parallel_loop3A_663, %broadcast_in_dim3A_1 : vector<16xi32>
      %parallel_loop3A_665 = arith.constant 2047 : i32
      %parallel_loop3A_666 = vector.broadcast %parallel_loop3A_665 : i32 to vector<16xi32>
      %parallel_loop3A_667 = arith.minsi %parallel_loop3A_664, %parallel_loop3A_666 : vector<16xi32>
      tpu.vector_store_idx %arg7[%parallel_loop3A_667], %parallel_loop3A_653 masked %parallel_loop3A_657 : memref<2048xi32, #tpu.memory_space<vmem>>[vector<16xi32>], vector<16xi32>, vector<16xi1>
      %parallel_loop3A_668 = vector.broadcast %parallel_loop3A_386 : i32 to vector<16xi32>
      %parallel_loop3A_669 = arith.select %parallel_loop3A_658, %parallel_loop3A_653, %parallel_loop3A_668 : vector<16xi1>, vector<16xi32>
      %parallel_loop3A_670 = arith.maxsi %parallel_loop3A_640, %parallel_loop3A_669 : vector<16xi32>
      %parallel_loop3A_671 = tpu.all_reduce %parallel_loop3A_657 {dim = 0 : i64, kind = #tpu.reduction_kind<sum>} : vector<16xi1> -> vector<16xi32>
      %parallel_loop3A_672 = arith.addi %parallel_loop3A_639, %parallel_loop3A_671 : vector<16xi32>
      scf.yield %parallel_loop3A_672, %parallel_loop3A_670 : vector<16xi32>, vector<16xi32>
    } {sc.loop_unroll_factor = 8 : i64, sc.parallel_access}
    %reduce_max3A_388 = arith.constant true
    %reduce_max3A_389 = vector.broadcast %reduce_max3A_388 : i1 to vector<16xi1>
    %reduce_max3A_390 = arith.constant -2147483648 : i32
    %reduce_max3A_391 = vector.broadcast %reduce_max3A_390 : i32 to vector<16xi32>
    %reduce_max3A_392 = arith.xori %parallel_loop3A_387#1, %reduce_max3A_391 : vector<16xi32>
    %reduce_max3A_393 = tpu.scan <max>, %reduce_max3A_392 masked %reduce_max3A_389 : vector<16xi32>, vector<16xi1> -> vector<16xi32>
    %reduce_max3A_394 = arith.xori %reduce_max3A_393, %reduce_max3A_391 : vector<16xi32>
    %reduce_max3A_395 = vector.extract %reduce_max3A_394[15] : i32 from vector<16xi32>
    %min3A_396 = arith.constant 2048 : i32
    %min3A_397 = arith.minsi %sub3A_374, %min3A_396 : i32
    %add3A_398 = arith.constant 15 : i32
    %add3A_399 = arith.addi %min3A_397, %add3A_398 : i32
    %jit3A_400 = arith.constant 16 : i32
    %div3A_401 = arith.divsi %add3A_399, %jit3A_400 : i32
    %sign3A_402 = arith.constant 0 : i32
    %sign3A_403 = arith.cmpi sgt, %add3A_399, %sign3A_402 : i32
    %sign3A_404 = arith.extui %sign3A_403 : i1 to i32
    %sign3A_405 = arith.constant 0 : i32
    %sign3A_406 = arith.cmpi slt, %add3A_399, %sign3A_405 : i32
    %sign3A_407 = arith.extui %sign3A_406 : i1 to i32
    %sign3A_408 = arith.subi %sign3A_404, %sign3A_407 : i32
    %sign3A_409 = arith.constant 0 : i32
    %sign3A_410 = arith.cmpi sgt, %jit3A_400, %sign3A_409 : i32
    %sign3A_411 = arith.extui %sign3A_410 : i1 to i32
    %sign3A_412 = arith.constant 0 : i32
    %sign3A_413 = arith.cmpi slt, %jit3A_400, %sign3A_412 : i32
    %sign3A_414 = arith.extui %sign3A_413 : i1 to i32
    %sign3A_415 = arith.subi %sign3A_411, %sign3A_414 : i32
    %ne3A_416 = arith.cmpi ne, %sign3A_408, %sign3A_415 : i32
    %rem3A_417 = arith.remsi %add3A_399, %jit3A_400 : i32
    %ne3A_418 = arith.constant 0 : i32
    %ne3A_419 = arith.cmpi ne, %rem3A_417, %ne3A_418 : i32
    %and3A_420 = arith.andi %ne3A_416, %ne3A_419 : i1
    %sub3A_421 = arith.constant 1 : i32
    %sub3A_422 = arith.subi %div3A_401, %sub3A_421 : i32
    %select_n3A_423 = arith.select %and3A_420, %sub3A_422, %div3A_401 : i32
    %broadcast_in_dim3A_424 = vector.broadcast %min3A_397 : i32 to vector<16xi32>
    %shift_left3A_425 = arith.constant 21 : i32
    %shift_left3A_426 = arith.shli %sub3A_378, %shift_left3A_425 : i32
    %le3A_427 = arith.constant 2048 : i32
    %le3A_428 = arith.cmpi sle, %sub3A_374, %le3A_427 : i32
    %convert_element_type3A_429 = arith.extui %le3A_428 : i1 to i32
    %cond3A_430 = arith.constant 16 : i32
    %cond3A_431 = arith.constant -2147483648 : i32
    %cond3A_432 = arith.constant -2147483648 : i32
    %cond3A_433 = arith.constant 0 : i32
    %cond3A_434 = arith.cmpi ne, %convert_element_type3A_429, %cond3A_433 : i32
    %cond3A_435:3 = scf.if %cond3A_434 -> (i32, i32, i32) {
      %scan3A = arith.constant 0 : i32
      %scan3A_638 = arith.constant 21 : i32
      %scan3A_639 = arith.addi %scan3A, %scan3A_638 : i32
      %scan3A_640 = arith.constant 1 : i32
      %scan3A_641 = scf.for %scan3A_679 = %scan3A to %scan3A_639 step %scan3A_640 iter_args(%scan3A_680 = %shift_left3A_426) -> (i32)  : i32 {
        %sub3A_681 = arith.constant 20 : i32
        %sub3A_682 = arith.subi %sub3A_681, %scan3A_679 : i32
        %shift_left3A_683 = arith.constant 1 : i32
        %shift_left3A_684 = arith.shli %shift_left3A_683, %sub3A_682 : i32
        %or3A = arith.ori %scan3A_680, %shift_left3A_684 : i32
        %broadcast_in_dim3A_685 = vector.broadcast %or3A : i32 to vector<16xi32>
        %while3A_686 = arith.constant 0 : i32
        %while3A_687 = arith.subi %select_n3A_423, %while3A_686 : i32
        %while3A_688 = arith.addi %while3A_686, %while3A_687 : i32
        %while3A_689 = arith.constant 1 : i32
        %while3A_690 = arith.divsi %while3A_687, %while3A_689 : i32
        %while3A_691 = arith.muli %while3A_690, %while3A_689 : i32
        %while3A_692 = arith.addi %while3A_686, %while3A_691 : i32
        %while3A_693 = arith.constant 1 : i32
        %while3A_694 = scf.for %while3A_703 = %while3A_686 to %while3A_692 step %while3A_693 iter_args(%while3A_704 = %broadcast_in_dim3A_3) -> (vector<16xi32>)  : i32 {
          %mul3A_705 = arith.constant 16 : i32
          %mul3A_706 = arith.muli %while3A_703, %mul3A_705 : i32
          %get3A = arith.index_cast %mul3A_706 : i32 to index
          %get3A_707 = tpu.vector_load %arg7[%get3A] {strides = array<i32>} : memref<2048xi32, #tpu.memory_space<vmem>>, vector<16xi32>,
          %mul3A_708 = arith.muli %while3A_703, %cond3A_430 : i32
          %add3A_709 = vector.broadcast %mul3A_708 : i32 to vector<16xi32>
          %add3A_710 = arith.addi %iota3A, %add3A_709 : vector<16xi32>
          %lt3A_711 = arith.cmpi slt, %add3A_710, %broadcast_in_dim3A_424 : vector<16xi32>
          %ge3A_712 = arith.cmpi sge, %get3A_707, %broadcast_in_dim3A_685 : vector<16xi32>
          %and3A_713 = arith.andi %lt3A_711, %ge3A_712 : vector<16xi1>
          %convert_element_type3A_714 = arith.extui %and3A_713 : vector<16xi1> to vector<16xi32>
          %add3A_715 = arith.addi %while3A_704, %convert_element_type3A_714 : vector<16xi32>
          scf.yield %add3A_715 : vector<16xi32>
        }
        %while3A_695 = arith.constant 1 : i32
        %while3A_696 = scf.for %while3A_703 = %while3A_692 to %while3A_688 step %while3A_695 iter_args(%while3A_704 = %while3A_694) -> (vector<16xi32>)  : i32 {
          %mul3A_705 = arith.constant 16 : i32
          %mul3A_706 = arith.muli %while3A_703, %mul3A_705 : i32
          %get3A = arith.index_cast %mul3A_706 : i32 to index
          %get3A_707 = tpu.vector_load %arg7[%get3A] {strides = array<i32>} : memref<2048xi32, #tpu.memory_space<vmem>>, vector<16xi32>,
          %mul3A_708 = arith.muli %while3A_703, %cond3A_430 : i32
          %add3A_709 = vector.broadcast %mul3A_708 : i32 to vector<16xi32>
          %add3A_710 = arith.addi %iota3A, %add3A_709 : vector<16xi32>
          %lt3A_711 = arith.cmpi slt, %add3A_710, %broadcast_in_dim3A_424 : vector<16xi32>
          %ge3A_712 = arith.cmpi sge, %get3A_707, %broadcast_in_dim3A_685 : vector<16xi32>
          %and3A_713 = arith.andi %lt3A_711, %ge3A_712 : vector<16xi1>
          %convert_element_type3A_714 = arith.extui %and3A_713 : vector<16xi1> to vector<16xi32>
          %add3A_715 = arith.addi %while3A_704, %convert_element_type3A_714 : vector<16xi32>
          scf.yield %add3A_715 : vector<16xi32>
        }
        %reduce_sum3A_697 = arith.constant true
        %reduce_sum3A_698 = vector.broadcast %reduce_sum3A_697 : i1 to vector<16xi1>
        %reduce_sum3A_699 = tpu.scan <sum>, %while3A_696 masked %reduce_sum3A_698 : vector<16xi32>, vector<16xi1> -> vector<16xi32>
        %reduce_sum3A_700 = vector.extract %reduce_sum3A_699[15] : i32 from vector<16xi32>
        %ge3A_701 = arith.cmpi sge, %reduce_sum3A_700, %sub3A_376 : i32
        %select_n3A_702 = arith.select %ge3A_701, %or3A, %scan3A_680 : i32
        scf.yield %select_n3A_702 : i32
      }
      %scan3A_642 = arith.constant 21 : i32
      %broadcast_in_dim3A_643 = vector.broadcast %scan3A_641 : i32 to vector<16xi32>
      %while3A = arith.constant 0 : i32
      %while3A_644 = arith.subi %select_n3A_423, %while3A : i32
      %while3A_645 = arith.addi %while3A, %while3A_644 : i32
      %while3A_646 = arith.constant 1 : i32
      %while3A_647 = arith.divsi %while3A_644, %while3A_646 : i32
      %while3A_648 = arith.muli %while3A_647, %while3A_646 : i32
      %while3A_649 = arith.addi %while3A, %while3A_648 : i32
      %while3A_650 = arith.constant 1 : i32
      %while3A_651 = scf.for %while3A_679 = %while3A to %while3A_649 step %while3A_650 iter_args(%while3A_680 = %broadcast_in_dim3A_3) -> (vector<16xi32>)  : i32 {
        %mul3A_681 = arith.constant 16 : i32
        %mul3A_682 = arith.muli %while3A_679, %mul3A_681 : i32
        %get3A = arith.index_cast %mul3A_682 : i32 to index
        %get3A_683 = tpu.vector_load %arg7[%get3A] {strides = array<i32>} : memref<2048xi32, #tpu.memory_space<vmem>>, vector<16xi32>,
        %mul3A_684 = arith.muli %while3A_679, %cond3A_430 : i32
        %add3A_685 = vector.broadcast %mul3A_684 : i32 to vector<16xi32>
        %add3A_686 = arith.addi %iota3A, %add3A_685 : vector<16xi32>
        %lt3A_687 = arith.cmpi slt, %add3A_686, %broadcast_in_dim3A_424 : vector<16xi32>
        %ge3A_688 = arith.cmpi sge, %get3A_683, %broadcast_in_dim3A_643 : vector<16xi32>
        %and3A_689 = arith.andi %lt3A_687, %ge3A_688 : vector<16xi1>
        %convert_element_type3A_690 = arith.extui %and3A_689 : vector<16xi1> to vector<16xi32>
        %add3A_691 = arith.addi %while3A_680, %convert_element_type3A_690 : vector<16xi32>
        scf.yield %add3A_691 : vector<16xi32>
      }
      %while3A_652 = arith.constant 1 : i32
      %while3A_653 = scf.for %while3A_679 = %while3A_649 to %while3A_645 step %while3A_652 iter_args(%while3A_680 = %while3A_651) -> (vector<16xi32>)  : i32 {
        %mul3A_681 = arith.constant 16 : i32
        %mul3A_682 = arith.muli %while3A_679, %mul3A_681 : i32
        %get3A = arith.index_cast %mul3A_682 : i32 to index
        %get3A_683 = tpu.vector_load %arg7[%get3A] {strides = array<i32>} : memref<2048xi32, #tpu.memory_space<vmem>>, vector<16xi32>,
        %mul3A_684 = arith.muli %while3A_679, %cond3A_430 : i32
        %add3A_685 = vector.broadcast %mul3A_684 : i32 to vector<16xi32>
        %add3A_686 = arith.addi %iota3A, %add3A_685 : vector<16xi32>
        %lt3A_687 = arith.cmpi slt, %add3A_686, %broadcast_in_dim3A_424 : vector<16xi32>
        %ge3A_688 = arith.cmpi sge, %get3A_683, %broadcast_in_dim3A_643 : vector<16xi32>
        %and3A_689 = arith.andi %lt3A_687, %ge3A_688 : vector<16xi1>
        %convert_element_type3A_690 = arith.extui %and3A_689 : vector<16xi1> to vector<16xi32>
        %add3A_691 = arith.addi %while3A_680, %convert_element_type3A_690 : vector<16xi32>
        scf.yield %add3A_691 : vector<16xi32>
      }
      %reduce_sum3A_654 = arith.constant true
      %reduce_sum3A_655 = vector.broadcast %reduce_sum3A_654 : i1 to vector<16xi1>
      %reduce_sum3A_656 = tpu.scan <sum>, %while3A_653 masked %reduce_sum3A_655 : vector<16xi32>, vector<16xi1> -> vector<16xi32>
      %reduce_sum3A_657 = vector.extract %reduce_sum3A_656[15] : i32 from vector<16xi32>
      %broadcast_in_dim3A_658 = vector.broadcast %scan3A_641 : i32 to vector<16xi32>
      %broadcast_in_dim3A_659 = vector.broadcast %cond3A_431 : i32 to vector<16xi32>
      %while3A_660 = arith.constant 0 : i32
      %while3A_661 = arith.subi %select_n3A_423, %while3A_660 : i32
      %while3A_662 = arith.addi %while3A_660, %while3A_661 : i32
      %while3A_663 = arith.constant 1 : i32
      %while3A_664 = arith.divsi %while3A_661, %while3A_663 : i32
      %while3A_665 = arith.muli %while3A_664, %while3A_663 : i32
      %while3A_666 = arith.addi %while3A_660, %while3A_665 : i32
      %while3A_667 = arith.constant 1 : i32
      %while3A_668 = scf.for %while3A_679 = %while3A_660 to %while3A_666 step %while3A_667 iter_args(%while3A_680 = %broadcast_in_dim3A_659) -> (vector<16xi32>)  : i32 {
        %mul3A_681 = arith.constant 16 : i32
        %mul3A_682 = arith.muli %while3A_679, %mul3A_681 : i32
        %get3A = arith.index_cast %mul3A_682 : i32 to index
        %get3A_683 = tpu.vector_load %arg7[%get3A] {strides = array<i32>} : memref<2048xi32, #tpu.memory_space<vmem>>, vector<16xi32>,
        %mul3A_684 = arith.muli %while3A_679, %cond3A_430 : i32
        %add3A_685 = vector.broadcast %mul3A_684 : i32 to vector<16xi32>
        %add3A_686 = arith.addi %iota3A, %add3A_685 : vector<16xi32>
        %lt3A_687 = arith.cmpi slt, %add3A_686, %broadcast_in_dim3A_424 : vector<16xi32>
        %lt3A_688 = arith.cmpi slt, %get3A_683, %broadcast_in_dim3A_658 : vector<16xi32>
        %and3A_689 = arith.andi %lt3A_687, %lt3A_688 : vector<16xi1>
        %broadcast_in_dim3A_690 = vector.broadcast %cond3A_431 : i32 to vector<16xi32>
        %select_n3A_691 = arith.select %and3A_689, %get3A_683, %broadcast_in_dim3A_690 : vector<16xi1>, vector<16xi32>
        %max3A_692 = arith.maxsi %while3A_680, %select_n3A_691 : vector<16xi32>
        scf.yield %max3A_692 : vector<16xi32>
      }
      %while3A_669 = arith.constant 1 : i32
      %while3A_670 = scf.for %while3A_679 = %while3A_666 to %while3A_662 step %while3A_669 iter_args(%while3A_680 = %while3A_668) -> (vector<16xi32>)  : i32 {
        %mul3A_681 = arith.constant 16 : i32
        %mul3A_682 = arith.muli %while3A_679, %mul3A_681 : i32
        %get3A = arith.index_cast %mul3A_682 : i32 to index
        %get3A_683 = tpu.vector_load %arg7[%get3A] {strides = array<i32>} : memref<2048xi32, #tpu.memory_space<vmem>>, vector<16xi32>,
        %mul3A_684 = arith.muli %while3A_679, %cond3A_430 : i32
        %add3A_685 = vector.broadcast %mul3A_684 : i32 to vector<16xi32>
        %add3A_686 = arith.addi %iota3A, %add3A_685 : vector<16xi32>
        %lt3A_687 = arith.cmpi slt, %add3A_686, %broadcast_in_dim3A_424 : vector<16xi32>
        %lt3A_688 = arith.cmpi slt, %get3A_683, %broadcast_in_dim3A_658 : vector<16xi32>
        %and3A_689 = arith.andi %lt3A_687, %lt3A_688 : vector<16xi1>
        %broadcast_in_dim3A_690 = vector.broadcast %cond3A_431 : i32 to vector<16xi32>
        %select_n3A_691 = arith.select %and3A_689, %get3A_683, %broadcast_in_dim3A_690 : vector<16xi1>, vector<16xi32>
        %max3A_692 = arith.maxsi %while3A_680, %select_n3A_691 : vector<16xi32>
        scf.yield %max3A_692 : vector<16xi32>
      }
      %reduce_max3A_671 = arith.constant true
      %reduce_max3A_672 = vector.broadcast %reduce_max3A_671 : i1 to vector<16xi1>
      %reduce_max3A_673 = arith.constant -2147483648 : i32
      %reduce_max3A_674 = vector.broadcast %reduce_max3A_673 : i32 to vector<16xi32>
      %reduce_max3A_675 = arith.xori %while3A_670, %reduce_max3A_674 : vector<16xi32>
      %reduce_max3A_676 = tpu.scan <max>, %reduce_max3A_675 masked %reduce_max3A_672 : vector<16xi32>, vector<16xi1> -> vector<16xi32>
      %reduce_max3A_677 = arith.xori %reduce_max3A_676, %reduce_max3A_674 : vector<16xi32>
      %reduce_max3A_678 = vector.extract %reduce_max3A_677[15] : i32 from vector<16xi32>
      scf.yield %scan3A_641, %reduce_sum3A_657, %reduce_max3A_678 : i32, i32, i32
    } else {
      %scan3A = arith.constant 512 : i32
      %scan3A_638 = arith.constant 0 : i32
      %scan3A_639 = arith.constant 21 : i32
      %scan3A_640 = arith.addi %scan3A_638, %scan3A_639 : i32
      %scan3A_641 = arith.constant 1 : i32
      %scan3A_642 = scf.for %scan3A_682 = %scan3A_638 to %scan3A_640 step %scan3A_641 iter_args(%scan3A_683 = %shift_left3A_426) -> (i32)  : i32 {
        %sub3A_684 = arith.constant 20 : i32
        %sub3A_685 = arith.subi %sub3A_684, %scan3A_682 : i32
        %shift_left3A_686 = arith.constant 1 : i32
        %shift_left3A_687 = arith.shli %shift_left3A_686, %sub3A_685 : i32
        %or3A = arith.ori %scan3A_683, %shift_left3A_687 : i32
        %broadcast_in_dim3A_688 = vector.broadcast %or3A : i32 to vector<16xi32>
        %while3A_689 = arith.constant 0 : i32
        %while3A_690 = arith.subi %scan3A, %while3A_689 : i32
        %while3A_691 = arith.addi %while3A_689, %while3A_690 : i32
        %while3A_692 = arith.constant 1 : i32
        %while3A_693 = arith.divsi %while3A_690, %while3A_692 : i32
        %while3A_694 = arith.muli %while3A_693, %while3A_692 : i32
        %while3A_695 = arith.addi %while3A_689, %while3A_694 : i32
        %while3A_696 = arith.constant 1 : i32
        %while3A_697 = scf.for %while3A_706 = %while3A_689 to %while3A_695 step %while3A_696 iter_args(%while3A_707 = %broadcast_in_dim3A_3) -> (vector<16xi32>)  : i32 {
          %mul3A_708 = arith.constant 16 : i32
          %mul3A_709 = arith.muli %while3A_706, %mul3A_708 : i32
          %get3A = arith.index_cast %mul3A_709 : i32 to index
          %get3A_710 = tpu.vector_load %arg4[%get3A] {strides = array<i32>} : memref<8192xf32, #tpu.memory_space<vmem>>, vector<16xf32>,
          %bitcast3A_711 = vector.bitcast %get3A_710 : vector<16xf32> to vector<16xi32>
          %lt3A_712 = arith.constant 0 : i32
          %lt3A_713 = vector.broadcast %lt3A_712 : i32 to vector<16xi32>
          %lt3A_714 = arith.cmpi slt, %bitcast3A_711, %lt3A_713 : vector<16xi32>
          %not3A_715 = arith.constant dense<-1> : vector<16xi32>
          %not3A_716 = arith.xori %bitcast3A_711, %not3A_715 : vector<16xi32>
          %xor3A_717 = vector.broadcast %cond3A_432 : i32 to vector<16xi32>
          %xor3A_718 = arith.xori %not3A_716, %xor3A_717 : vector<16xi32>
          %select_n3A_719 = arith.select %lt3A_714, %xor3A_718, %bitcast3A_711 : vector<16xi1>, vector<16xi32>
          %shift_right_arithmetic3A = arith.constant 21 : i32
          %shift_right_arithmetic3A_720 = vector.broadcast %shift_right_arithmetic3A : i32 to vector<16xi32>
          %shift_right_arithmetic3A_721 = arith.shrsi %select_n3A_719, %shift_right_arithmetic3A_720 : vector<16xi32>
          %eq3A = arith.cmpi eq, %shift_right_arithmetic3A_721, %broadcast_in_dim3A_379 : vector<16xi32>
          %ge3A_722 = arith.cmpi sge, %select_n3A_719, %broadcast_in_dim3A_688 : vector<16xi32>
          %and3A_723 = arith.andi %eq3A, %ge3A_722 : vector<16xi1>
          %convert_element_type3A_724 = arith.extui %and3A_723 : vector<16xi1> to vector<16xi32>
          %add3A_725 = arith.addi %while3A_707, %convert_element_type3A_724 : vector<16xi32>
          scf.yield %add3A_725 : vector<16xi32>
        }
        %while3A_698 = arith.constant 1 : i32
        %while3A_699 = scf.for %while3A_706 = %while3A_695 to %while3A_691 step %while3A_698 iter_args(%while3A_707 = %while3A_697) -> (vector<16xi32>)  : i32 {
          %mul3A_708 = arith.constant 16 : i32
          %mul3A_709 = arith.muli %while3A_706, %mul3A_708 : i32
          %get3A = arith.index_cast %mul3A_709 : i32 to index
          %get3A_710 = tpu.vector_load %arg4[%get3A] {strides = array<i32>} : memref<8192xf32, #tpu.memory_space<vmem>>, vector<16xf32>,
          %bitcast3A_711 = vector.bitcast %get3A_710 : vector<16xf32> to vector<16xi32>
          %lt3A_712 = arith.constant 0 : i32
          %lt3A_713 = vector.broadcast %lt3A_712 : i32 to vector<16xi32>
          %lt3A_714 = arith.cmpi slt, %bitcast3A_711, %lt3A_713 : vector<16xi32>
          %not3A_715 = arith.constant dense<-1> : vector<16xi32>
          %not3A_716 = arith.xori %bitcast3A_711, %not3A_715 : vector<16xi32>
          %xor3A_717 = vector.broadcast %cond3A_432 : i32 to vector<16xi32>
          %xor3A_718 = arith.xori %not3A_716, %xor3A_717 : vector<16xi32>
          %select_n3A_719 = arith.select %lt3A_714, %xor3A_718, %bitcast3A_711 : vector<16xi1>, vector<16xi32>
          %shift_right_arithmetic3A = arith.constant 21 : i32
          %shift_right_arithmetic3A_720 = vector.broadcast %shift_right_arithmetic3A : i32 to vector<16xi32>
          %shift_right_arithmetic3A_721 = arith.shrsi %select_n3A_719, %shift_right_arithmetic3A_720 : vector<16xi32>
          %eq3A = arith.cmpi eq, %shift_right_arithmetic3A_721, %broadcast_in_dim3A_379 : vector<16xi32>
          %ge3A_722 = arith.cmpi sge, %select_n3A_719, %broadcast_in_dim3A_688 : vector<16xi32>
          %and3A_723 = arith.andi %eq3A, %ge3A_722 : vector<16xi1>
          %convert_element_type3A_724 = arith.extui %and3A_723 : vector<16xi1> to vector<16xi32>
          %add3A_725 = arith.addi %while3A_707, %convert_element_type3A_724 : vector<16xi32>
          scf.yield %add3A_725 : vector<16xi32>
        }
        %reduce_sum3A_700 = arith.constant true
        %reduce_sum3A_701 = vector.broadcast %reduce_sum3A_700 : i1 to vector<16xi1>
        %reduce_sum3A_702 = tpu.scan <sum>, %while3A_699 masked %reduce_sum3A_701 : vector<16xi32>, vector<16xi1> -> vector<16xi32>
        %reduce_sum3A_703 = vector.extract %reduce_sum3A_702[15] : i32 from vector<16xi32>
        %ge3A_704 = arith.cmpi sge, %reduce_sum3A_703, %sub3A_376 : i32
        %select_n3A_705 = arith.select %ge3A_704, %or3A, %scan3A_683 : i32
        scf.yield %select_n3A_705 : i32
      }
      %scan3A_643 = arith.constant 21 : i32
      %broadcast_in_dim3A_644 = vector.broadcast %scan3A_642 : i32 to vector<16xi32>
      %while3A = arith.constant 0 : i32
      %while3A_645 = arith.constant 512 : i32
      %while3A_646 = arith.subi %while3A_645, %while3A : i32
      %while3A_647 = arith.addi %while3A, %while3A_646 : i32
      %while3A_648 = arith.constant 1 : i32
      %while3A_649 = arith.divsi %while3A_646, %while3A_648 : i32
      %while3A_650 = arith.muli %while3A_649, %while3A_648 : i32
      %while3A_651 = arith.addi %while3A, %while3A_650 : i32
      %while3A_652 = arith.constant 1 : i32
      %while3A_653 = scf.for %while3A_682 = %while3A to %while3A_651 step %while3A_652 iter_args(%while3A_683 = %broadcast_in_dim3A_3) -> (vector<16xi32>)  : i32 {
        %mul3A_684 = arith.constant 16 : i32
        %mul3A_685 = arith.muli %while3A_682, %mul3A_684 : i32
        %get3A = arith.index_cast %mul3A_685 : i32 to index
        %get3A_686 = tpu.vector_load %arg4[%get3A] {strides = array<i32>} : memref<8192xf32, #tpu.memory_space<vmem>>, vector<16xf32>,
        %bitcast3A_687 = vector.bitcast %get3A_686 : vector<16xf32> to vector<16xi32>
        %lt3A_688 = arith.constant 0 : i32
        %lt3A_689 = vector.broadcast %lt3A_688 : i32 to vector<16xi32>
        %lt3A_690 = arith.cmpi slt, %bitcast3A_687, %lt3A_689 : vector<16xi32>
        %not3A_691 = arith.constant dense<-1> : vector<16xi32>
        %not3A_692 = arith.xori %bitcast3A_687, %not3A_691 : vector<16xi32>
        %xor3A_693 = vector.broadcast %cond3A_432 : i32 to vector<16xi32>
        %xor3A_694 = arith.xori %not3A_692, %xor3A_693 : vector<16xi32>
        %select_n3A_695 = arith.select %lt3A_690, %xor3A_694, %bitcast3A_687 : vector<16xi1>, vector<16xi32>
        %shift_right_arithmetic3A = arith.constant 21 : i32
        %shift_right_arithmetic3A_696 = vector.broadcast %shift_right_arithmetic3A : i32 to vector<16xi32>
        %shift_right_arithmetic3A_697 = arith.shrsi %select_n3A_695, %shift_right_arithmetic3A_696 : vector<16xi32>
        %eq3A = arith.cmpi eq, %shift_right_arithmetic3A_697, %broadcast_in_dim3A_379 : vector<16xi32>
        %ge3A_698 = arith.cmpi sge, %select_n3A_695, %broadcast_in_dim3A_644 : vector<16xi32>
        %and3A_699 = arith.andi %eq3A, %ge3A_698 : vector<16xi1>
        %convert_element_type3A_700 = arith.extui %and3A_699 : vector<16xi1> to vector<16xi32>
        %add3A_701 = arith.addi %while3A_683, %convert_element_type3A_700 : vector<16xi32>
        scf.yield %add3A_701 : vector<16xi32>
      }
      %while3A_654 = arith.constant 1 : i32
      %while3A_655 = scf.for %while3A_682 = %while3A_651 to %while3A_647 step %while3A_654 iter_args(%while3A_683 = %while3A_653) -> (vector<16xi32>)  : i32 {
        %mul3A_684 = arith.constant 16 : i32
        %mul3A_685 = arith.muli %while3A_682, %mul3A_684 : i32
        %get3A = arith.index_cast %mul3A_685 : i32 to index
        %get3A_686 = tpu.vector_load %arg4[%get3A] {strides = array<i32>} : memref<8192xf32, #tpu.memory_space<vmem>>, vector<16xf32>,
        %bitcast3A_687 = vector.bitcast %get3A_686 : vector<16xf32> to vector<16xi32>
        %lt3A_688 = arith.constant 0 : i32
        %lt3A_689 = vector.broadcast %lt3A_688 : i32 to vector<16xi32>
        %lt3A_690 = arith.cmpi slt, %bitcast3A_687, %lt3A_689 : vector<16xi32>
        %not3A_691 = arith.constant dense<-1> : vector<16xi32>
        %not3A_692 = arith.xori %bitcast3A_687, %not3A_691 : vector<16xi32>
        %xor3A_693 = vector.broadcast %cond3A_432 : i32 to vector<16xi32>
        %xor3A_694 = arith.xori %not3A_692, %xor3A_693 : vector<16xi32>
        %select_n3A_695 = arith.select %lt3A_690, %xor3A_694, %bitcast3A_687 : vector<16xi1>, vector<16xi32>
        %shift_right_arithmetic3A = arith.constant 21 : i32
        %shift_right_arithmetic3A_696 = vector.broadcast %shift_right_arithmetic3A : i32 to vector<16xi32>
        %shift_right_arithmetic3A_697 = arith.shrsi %select_n3A_695, %shift_right_arithmetic3A_696 : vector<16xi32>
        %eq3A = arith.cmpi eq, %shift_right_arithmetic3A_697, %broadcast_in_dim3A_379 : vector<16xi32>
        %ge3A_698 = arith.cmpi sge, %select_n3A_695, %broadcast_in_dim3A_644 : vector<16xi32>
        %and3A_699 = arith.andi %eq3A, %ge3A_698 : vector<16xi1>
        %convert_element_type3A_700 = arith.extui %and3A_699 : vector<16xi1> to vector<16xi32>
        %add3A_701 = arith.addi %while3A_683, %convert_element_type3A_700 : vector<16xi32>
        scf.yield %add3A_701 : vector<16xi32>
      }
      %reduce_sum3A_656 = arith.constant true
      %reduce_sum3A_657 = vector.broadcast %reduce_sum3A_656 : i1 to vector<16xi1>
      %reduce_sum3A_658 = tpu.scan <sum>, %while3A_655 masked %reduce_sum3A_657 : vector<16xi32>, vector<16xi1> -> vector<16xi32>
      %reduce_sum3A_659 = vector.extract %reduce_sum3A_658[15] : i32 from vector<16xi32>
      %broadcast_in_dim3A_660 = vector.broadcast %scan3A_642 : i32 to vector<16xi32>
      %broadcast_in_dim3A_661 = vector.broadcast %cond3A_431 : i32 to vector<16xi32>
      %while3A_662 = arith.constant 0 : i32
      %while3A_663 = arith.constant 512 : i32
      %while3A_664 = arith.subi %while3A_663, %while3A_662 : i32
      %while3A_665 = arith.addi %while3A_662, %while3A_664 : i32
      %while3A_666 = arith.constant 1 : i32
      %while3A_667 = arith.divsi %while3A_664, %while3A_666 : i32
      %while3A_668 = arith.muli %while3A_667, %while3A_666 : i32
      %while3A_669 = arith.addi %while3A_662, %while3A_668 : i32
      %while3A_670 = arith.constant 1 : i32
      %while3A_671 = scf.for %while3A_682 = %while3A_662 to %while3A_669 step %while3A_670 iter_args(%while3A_683 = %broadcast_in_dim3A_661) -> (vector<16xi32>)  : i32 {
        %mul3A_684 = arith.constant 16 : i32
        %mul3A_685 = arith.muli %while3A_682, %mul3A_684 : i32
        %get3A = arith.index_cast %mul3A_685 : i32 to index
        %get3A_686 = tpu.vector_load %arg4[%get3A] {strides = array<i32>} : memref<8192xf32, #tpu.memory_space<vmem>>, vector<16xf32>,
        %bitcast3A_687 = vector.bitcast %get3A_686 : vector<16xf32> to vector<16xi32>
        %lt3A_688 = arith.constant 0 : i32
        %lt3A_689 = vector.broadcast %lt3A_688 : i32 to vector<16xi32>
        %lt3A_690 = arith.cmpi slt, %bitcast3A_687, %lt3A_689 : vector<16xi32>
        %not3A_691 = arith.constant dense<-1> : vector<16xi32>
        %not3A_692 = arith.xori %bitcast3A_687, %not3A_691 : vector<16xi32>
        %xor3A_693 = vector.broadcast %cond3A_432 : i32 to vector<16xi32>
        %xor3A_694 = arith.xori %not3A_692, %xor3A_693 : vector<16xi32>
        %select_n3A_695 = arith.select %lt3A_690, %xor3A_694, %bitcast3A_687 : vector<16xi1>, vector<16xi32>
        %shift_right_arithmetic3A = arith.constant 21 : i32
        %shift_right_arithmetic3A_696 = vector.broadcast %shift_right_arithmetic3A : i32 to vector<16xi32>
        %shift_right_arithmetic3A_697 = arith.shrsi %select_n3A_695, %shift_right_arithmetic3A_696 : vector<16xi32>
        %eq3A = arith.cmpi eq, %shift_right_arithmetic3A_697, %broadcast_in_dim3A_379 : vector<16xi32>
        %lt3A_698 = arith.cmpi slt, %select_n3A_695, %broadcast_in_dim3A_660 : vector<16xi32>
        %and3A_699 = arith.andi %eq3A, %lt3A_698 : vector<16xi1>
        %broadcast_in_dim3A_700 = vector.broadcast %cond3A_431 : i32 to vector<16xi32>
        %select_n3A_701 = arith.select %and3A_699, %select_n3A_695, %broadcast_in_dim3A_700 : vector<16xi1>, vector<16xi32>
        %max3A_702 = arith.maxsi %while3A_683, %select_n3A_701 : vector<16xi32>
        scf.yield %max3A_702 : vector<16xi32>
      }
      %while3A_672 = arith.constant 1 : i32
      %while3A_673 = scf.for %while3A_682 = %while3A_669 to %while3A_665 step %while3A_672 iter_args(%while3A_683 = %while3A_671) -> (vector<16xi32>)  : i32 {
        %mul3A_684 = arith.constant 16 : i32
        %mul3A_685 = arith.muli %while3A_682, %mul3A_684 : i32
        %get3A = arith.index_cast %mul3A_685 : i32 to index
        %get3A_686 = tpu.vector_load %arg4[%get3A] {strides = array<i32>} : memref<8192xf32, #tpu.memory_space<vmem>>, vector<16xf32>,
        %bitcast3A_687 = vector.bitcast %get3A_686 : vector<16xf32> to vector<16xi32>
        %lt3A_688 = arith.constant 0 : i32
        %lt3A_689 = vector.broadcast %lt3A_688 : i32 to vector<16xi32>
        %lt3A_690 = arith.cmpi slt, %bitcast3A_687, %lt3A_689 : vector<16xi32>
        %not3A_691 = arith.constant dense<-1> : vector<16xi32>
        %not3A_692 = arith.xori %bitcast3A_687, %not3A_691 : vector<16xi32>
        %xor3A_693 = vector.broadcast %cond3A_432 : i32 to vector<16xi32>
        %xor3A_694 = arith.xori %not3A_692, %xor3A_693 : vector<16xi32>
        %select_n3A_695 = arith.select %lt3A_690, %xor3A_694, %bitcast3A_687 : vector<16xi1>, vector<16xi32>
        %shift_right_arithmetic3A = arith.constant 21 : i32
        %shift_right_arithmetic3A_696 = vector.broadcast %shift_right_arithmetic3A : i32 to vector<16xi32>
        %shift_right_arithmetic3A_697 = arith.shrsi %select_n3A_695, %shift_right_arithmetic3A_696 : vector<16xi32>
        %eq3A = arith.cmpi eq, %shift_right_arithmetic3A_697, %broadcast_in_dim3A_379 : vector<16xi32>
        %lt3A_698 = arith.cmpi slt, %select_n3A_695, %broadcast_in_dim3A_660 : vector<16xi32>
        %and3A_699 = arith.andi %eq3A, %lt3A_698 : vector<16xi1>
        %broadcast_in_dim3A_700 = vector.broadcast %cond3A_431 : i32 to vector<16xi32>
        %select_n3A_701 = arith.select %and3A_699, %select_n3A_695, %broadcast_in_dim3A_700 : vector<16xi1>, vector<16xi32>
        %max3A_702 = arith.maxsi %while3A_683, %select_n3A_701 : vector<16xi32>
        scf.yield %max3A_702 : vector<16xi32>
      }
      %reduce_max3A_674 = arith.constant true
      %reduce_max3A_675 = vector.broadcast %reduce_max3A_674 : i1 to vector<16xi1>
      %reduce_max3A_676 = arith.constant -2147483648 : i32
      %reduce_max3A_677 = vector.broadcast %reduce_max3A_676 : i32 to vector<16xi32>
      %reduce_max3A_678 = arith.xori %while3A_673, %reduce_max3A_677 : vector<16xi32>
      %reduce_max3A_679 = tpu.scan <max>, %reduce_max3A_678 masked %reduce_max3A_675 : vector<16xi32>, vector<16xi1> -> vector<16xi32>
      %reduce_max3A_680 = arith.xori %reduce_max3A_679, %reduce_max3A_677 : vector<16xi32>
      %reduce_max3A_681 = vector.extract %reduce_max3A_680[15] : i32 from vector<16xi32>
      scf.yield %scan3A_642, %reduce_sum3A_659, %reduce_max3A_681 : i32, i32, i32
    }
    %add3A_436 = arith.addi %reduce_max3A_365, %cond3A_435#1 : i32
    %ge3A_437 = arith.constant 411 : i32
    %ge3A_438 = arith.cmpi sge, %add3A_436, %ge3A_437 : i32
    %max3A_439 = arith.maxsi %reduce_max3A_395, %cond3A_435#2 : i32
    %select_n3A_440 = arith.select %ge3A_438, %cond3A_435#0, %max3A_439 : i32
    %broadcast_in_dim3A_441 = vector.broadcast %cond3A_435#0 : i32 to vector<16xi32>
    %lt3A_442 = arith.constant 0 : i32
    %lt3A_443 = vector.broadcast %lt3A_442 : i32 to vector<16xi32>
    %lt3A_444 = arith.cmpi slt, %broadcast_in_dim3A_441, %lt3A_443 : vector<16xi32>
    %xor3A_445 = arith.constant -2147483648 : i32
    %xor3A_446 = vector.broadcast %xor3A_445 : i32 to vector<16xi32>
    %xor3A_447 = arith.xori %broadcast_in_dim3A_441, %xor3A_446 : vector<16xi32>
    %not3A_448 = arith.constant dense<-1> : vector<16xi32>
    %not3A_449 = arith.xori %xor3A_447, %not3A_448 : vector<16xi32>
    %select_n3A_450 = arith.select %lt3A_444, %not3A_449, %broadcast_in_dim3A_441 : vector<16xi1>, vector<16xi32>
    %bitcast3A_451 = vector.bitcast %select_n3A_450 : vector<16xi32> to vector<16xf32>
    %broadcast_in_dim3A_452 = vector.broadcast %select_n3A_440 : i32 to vector<16xi32>
    %lt3A_453 = arith.constant 0 : i32
    %lt3A_454 = vector.broadcast %lt3A_453 : i32 to vector<16xi32>
    %lt3A_455 = arith.cmpi slt, %broadcast_in_dim3A_452, %lt3A_454 : vector<16xi32>
    %xor3A_456 = arith.constant -2147483648 : i32
    %xor3A_457 = vector.broadcast %xor3A_456 : i32 to vector<16xi32>
    %xor3A_458 = arith.xori %broadcast_in_dim3A_452, %xor3A_457 : vector<16xi32>
    %not3A_459 = arith.constant dense<-1> : vector<16xi32>
    %not3A_460 = arith.xori %xor3A_458, %not3A_459 : vector<16xi32>
    %select_n3A_461 = arith.select %lt3A_455, %not3A_460, %broadcast_in_dim3A_452 : vector<16xi1>, vector<16xi32>
    %bitcast3A_462 = vector.bitcast %select_n3A_461 : vector<16xi32> to vector<16xf32>
    %add3A_463 = arith.addf %bitcast3A_451, %bitcast3A_462 : vector<16xf32>
    %mul3A_464 = arith.constant 5.000000e-01 : f32
    %mul3A_465 = vector.broadcast %mul3A_464 : f32 to vector<16xf32>
    %mul3A_466 = arith.mulf %add3A_463, %mul3A_465 : vector<16xf32>
    %broadcast_in_dim3A_467 = arith.constant 1.000000e+00 : f32
    %broadcast_in_dim3A_468 = vector.broadcast %broadcast_in_dim3A_467 : f32 to vector<16xf32>
    %broadcast_in_dim3A_469 = arith.constant 0.000000e+00 : f32
    %broadcast_in_dim3A_470 = vector.broadcast %broadcast_in_dim3A_469 : f32 to vector<16xf32>
    %parallel_loop3A_471 = arith.constant 0 : i32
    %parallel_loop3A_472 = arith.constant 512 : i32
    %parallel_loop3A_473 = arith.constant 1 : i32
    scf.for %parallel_loop3A_638 = %parallel_loop3A_471 to %parallel_loop3A_472 step %parallel_loop3A_473  : i32 {
      %parallel_loop3A_639 = arith.constant 16 : i32
      %parallel_loop3A_640 = arith.muli %parallel_loop3A_638, %parallel_loop3A_639 : i32
      %parallel_loop3A_641 = arith.index_cast %parallel_loop3A_640 : i32 to index
      %parallel_loop3A_642 = tpu.vector_load %arg4[%parallel_loop3A_641] {strides = array<i32>} : memref<8192xf32, #tpu.memory_space<vmem>>, vector<16xf32>,
      %parallel_loop3A_643 = arith.cmpf ogt, %parallel_loop3A_642, %mul3A_466 : vector<16xf32>
      %parallel_loop3A_644 = arith.select %parallel_loop3A_643, %broadcast_in_dim3A_468, %broadcast_in_dim3A_470 : vector<16xi1>, vector<16xf32>
      %parallel_loop3A_645 = arith.constant 16 : i32
      %parallel_loop3A_646 = arith.muli %parallel_loop3A_638, %parallel_loop3A_645 : i32
      %parallel_loop3A_647 = arith.index_cast %parallel_loop3A_646 : i32 to index
      %parallel_loop3A_648 = tpu.vector_load %arg4[%parallel_loop3A_647] {strides = array<i32>} : memref<8192xf32, #tpu.memory_space<vmem>>, vector<16xf32>,
      tpu.vector_store %arg4[%parallel_loop3A_647], %parallel_loop3A_644 {strides = array<i32>} : memref<8192xf32, #tpu.memory_space<vmem>>, vector<16xf32>,
    } {sc.loop_unroll_factor = 8 : i64, sc.parallel_access}
    %dma_start3A_474 = arith.constant 0 : i32
    %dma_start3A_475 = tpu.memref_slice %arg3[%add3A_24, %dma_start3A_474] : memref<128x8192xf32, #tpu.memory_space<hbm>> -> memref<1x8192xf32, #tpu.memory_space<hbm>>
    %dma_start3A_476 = tpu.memref_squeeze %dma_start3A_475 : memref<1x8192xf32, #tpu.memory_space<hbm>> -> memref<8192xf32, #tpu.memory_space<hbm>>
    %dma_start3A_477 = arith.constant 0 : i32
    %dma_start3A_478 = tpu.memref_slice %arg3[%add3A_24, %dma_start3A_477] : memref<128x8192xf32, #tpu.memory_space<hbm>> -> memref<1x8192xf32, #tpu.memory_space<hbm>>
    %dma_start3A_479 = tpu.memref_squeeze %dma_start3A_478 : memref<1x8192xf32, #tpu.memory_space<hbm>> -> memref<8192xf32, #tpu.memory_space<hbm>>
    tpu.enqueue_dma source(%arg4 : memref<8192xf32, #tpu.memory_space<vmem>>) target(%dma_start3A_479 : memref<8192xf32, #tpu.memory_space<hbm>>) target_semaphore(%arg10 : memref<!tpu.dma_semaphore, #tpu.memory_space<semaphore_mem>>)
    %dma_wait3A_480 = arith.constant 0 : i32
    %dma_wait3A_481 = tpu.memref_slice %arg2[%add3A_28, %dma_wait3A_480] : memref<128x8192xf32, #tpu.memory_space<hbm>> -> memref<1x8192xf32, #tpu.memory_space<hbm>>
    %dma_wait3A_482 = tpu.memref_squeeze %dma_wait3A_481 : memref<1x8192xf32, #tpu.memory_space<hbm>> -> memref<8192xf32, #tpu.memory_space<hbm>>
    %dma_wait3A_483 = arith.constant 0 : i32
    %dma_wait3A_484 = tpu.memref_slice %arg2[%add3A_28, %dma_wait3A_483] : memref<128x8192xf32, #tpu.memory_space<hbm>> -> memref<1x8192xf32, #tpu.memory_space<hbm>>
    %dma_wait3A_485 = tpu.memref_squeeze %dma_wait3A_484 : memref<1x8192xf32, #tpu.memory_space<hbm>> -> memref<8192xf32, #tpu.memory_space<hbm>>
    tpu.wait_dma2 semaphore(%arg9 : memref<!tpu.dma_semaphore, #tpu.memory_space<semaphore_mem>>) src(%dma_wait3A_485 : memref<8192xf32, #tpu.memory_space<hbm>>) dst(%arg5 : memref<8192xf32, #tpu.memory_space<vmem>>)
    %parallel_loop3A_486 = arith.constant 0 : i32
    %parallel_loop3A_487 = arith.constant 512 : i32
    %parallel_loop3A_488 = arith.constant 1 : i32
    %parallel_loop3A_489 = arith.constant -2147483648 : i32
    scf.for %parallel_loop3A_638 = %parallel_loop3A_486 to %parallel_loop3A_487 step %parallel_loop3A_488  : i32 {
      %parallel_loop3A_639 = arith.constant 16 : i32
      %parallel_loop3A_640 = arith.muli %parallel_loop3A_638, %parallel_loop3A_639 : i32
      %parallel_loop3A_641 = arith.index_cast %parallel_loop3A_640 : i32 to index
      %parallel_loop3A_642 = tpu.vector_load %arg5[%parallel_loop3A_641] {strides = array<i32>} : memref<8192xf32, #tpu.memory_space<vmem>>, vector<16xf32>,
      %parallel_loop3A_643 = vector.bitcast %parallel_loop3A_642 : vector<16xf32> to vector<16xi32>
      %parallel_loop3A_644 = arith.constant 0 : i32
      %parallel_loop3A_645 = vector.broadcast %parallel_loop3A_644 : i32 to vector<16xi32>
      %parallel_loop3A_646 = arith.cmpi slt, %parallel_loop3A_643, %parallel_loop3A_645 : vector<16xi32>
      %parallel_loop3A_647 = arith.constant dense<-1> : vector<16xi32>
      %parallel_loop3A_648 = arith.xori %parallel_loop3A_643, %parallel_loop3A_647 : vector<16xi32>
      %parallel_loop3A_649 = vector.broadcast %parallel_loop3A_489 : i32 to vector<16xi32>
      %parallel_loop3A_650 = arith.xori %parallel_loop3A_648, %parallel_loop3A_649 : vector<16xi32>
      %parallel_loop3A_651 = arith.select %parallel_loop3A_646, %parallel_loop3A_650, %parallel_loop3A_643 : vector<16xi1>, vector<16xi32>
      %parallel_loop3A_652 = arith.constant 21 : i32
      %parallel_loop3A_653 = vector.broadcast %parallel_loop3A_652 : i32 to vector<16xi32>
      %parallel_loop3A_654 = arith.shrsi %parallel_loop3A_651, %parallel_loop3A_653 : vector<16xi32>
      %parallel_loop3A_655 = arith.constant 1024 : i32
      %parallel_loop3A_656 = vector.broadcast %parallel_loop3A_655 : i32 to vector<16xi32>
      %parallel_loop3A_657 = arith.addi %parallel_loop3A_654, %parallel_loop3A_656 : vector<16xi32>
      %parallel_loop3A_658 = arith.addi %parallel_loop3A_657, %mul3A_10 : vector<16xi32>
      tpu.vector_store_idx %arg6[%parallel_loop3A_658], %broadcast_in_dim3A_1 {add = true} : memref<8192xi32, #tpu.memory_space<vmem>>[vector<16xi32>], vector<16xi32>,
    } {sc.loop_unroll_factor = 8 : i64, sc.parallel_access}
    %broadcast_in_dim3A_490 = arith.constant 2147483647 : i32
    %broadcast_in_dim3A_491 = vector.broadcast %broadcast_in_dim3A_490 : i32 to vector<16xi32>
    %parallel_loop3A_492 = arith.constant 0 : i32
    %parallel_loop3A_493 = arith.constant 128 : i32
    %parallel_loop3A_494 = arith.constant 1 : i32
    %parallel_loop3A_495 = arith.constant 2147483647 : i32
    %parallel_loop3A_496 = arith.constant 0 : i32
    %parallel_loop3A_497:4 = scf.for %parallel_loop3A_638 = %parallel_loop3A_492 to %parallel_loop3A_493 step %parallel_loop3A_494 iter_args(%parallel_loop3A_639 = %parallel_loop3A_496, %parallel_loop3A_640 = %broadcast_in_dim3A_3, %parallel_loop3A_641 = %broadcast_in_dim3A_3, %parallel_loop3A_642 = %broadcast_in_dim3A_491) -> (i32, vector<16xi32>, vector<16xi32>, vector<16xi32>)  : i32 {
      %parallel_loop3A_643 = arith.constant 127 : i32
      %parallel_loop3A_644 = arith.subi %parallel_loop3A_643, %parallel_loop3A_638 : i32
      %parallel_loop3A_645 = arith.constant 16 : i32
      %parallel_loop3A_646 = arith.muli %parallel_loop3A_644, %parallel_loop3A_645 : i32
      %parallel_loop3A_647 = arith.index_cast %parallel_loop3A_646 : i32 to index
      %parallel_loop3A_648 = tpu.vector_load %arg6[%parallel_loop3A_647] {strides = array<i32>} : memref<8192xi32, #tpu.memory_space<vmem>>, vector<16xi32>,
      %parallel_loop3A_649 = arith.constant 16 : i32
      %parallel_loop3A_650 = arith.muli %parallel_loop3A_644, %parallel_loop3A_649 : i32
      %parallel_loop3A_651 = arith.constant 2048 : i32
      %parallel_loop3A_652 = arith.addi %parallel_loop3A_651, %parallel_loop3A_650 : i32
      %parallel_loop3A_653 = arith.index_cast %parallel_loop3A_652 : i32 to index
      %parallel_loop3A_654 = tpu.vector_load %arg6[%parallel_loop3A_653] {strides = array<i32>} : memref<8192xi32, #tpu.memory_space<vmem>>, vector<16xi32>,
      %parallel_loop3A_655 = arith.addi %parallel_loop3A_648, %parallel_loop3A_654 : vector<16xi32>
      %parallel_loop3A_656 = arith.constant 16 : i32
      %parallel_loop3A_657 = arith.muli %parallel_loop3A_644, %parallel_loop3A_656 : i32
      %parallel_loop3A_658 = arith.constant 4096 : i32
      %parallel_loop3A_659 = arith.addi %parallel_loop3A_658, %parallel_loop3A_657 : i32
      %parallel_loop3A_660 = arith.index_cast %parallel_loop3A_659 : i32 to index
      %parallel_loop3A_661 = tpu.vector_load %arg6[%parallel_loop3A_660] {strides = array<i32>} : memref<8192xi32, #tpu.memory_space<vmem>>, vector<16xi32>,
      %parallel_loop3A_662 = arith.addi %parallel_loop3A_655, %parallel_loop3A_661 : vector<16xi32>
      %parallel_loop3A_663 = arith.constant 16 : i32
      %parallel_loop3A_664 = arith.muli %parallel_loop3A_644, %parallel_loop3A_663 : i32
      %parallel_loop3A_665 = arith.constant 6144 : i32
      %parallel_loop3A_666 = arith.addi %parallel_loop3A_665, %parallel_loop3A_664 : i32
      %parallel_loop3A_667 = arith.index_cast %parallel_loop3A_666 : i32 to index
      %parallel_loop3A_668 = tpu.vector_load %arg6[%parallel_loop3A_667] {strides = array<i32>} : memref<8192xi32, #tpu.memory_space<vmem>>, vector<16xi32>,
      %parallel_loop3A_669 = arith.addi %parallel_loop3A_662, %parallel_loop3A_668 : vector<16xi32>
      %parallel_loop3A_670 = arith.constant 16 : i32
      %parallel_loop3A_671 = arith.muli %parallel_loop3A_644, %parallel_loop3A_670 : i32
      %parallel_loop3A_672 = arith.index_cast %parallel_loop3A_671 : i32 to index
      %parallel_loop3A_673 = tpu.vector_load %arg6[%parallel_loop3A_672] {strides = array<i32>} : memref<8192xi32, #tpu.memory_space<vmem>>, vector<16xi32>,
      tpu.vector_store %arg6[%parallel_loop3A_672], %broadcast_in_dim3A_3 {strides = array<i32>} : memref<8192xi32, #tpu.memory_space<vmem>>, vector<16xi32>,
      %parallel_loop3A_674 = arith.constant 16 : i32
      %parallel_loop3A_675 = arith.muli %parallel_loop3A_644, %parallel_loop3A_674 : i32
      %parallel_loop3A_676 = arith.constant 2048 : i32
      %parallel_loop3A_677 = arith.addi %parallel_loop3A_676, %parallel_loop3A_675 : i32
      %parallel_loop3A_678 = arith.index_cast %parallel_loop3A_677 : i32 to index
      %parallel_loop3A_679 = tpu.vector_load %arg6[%parallel_loop3A_678] {strides = array<i32>} : memref<8192xi32, #tpu.memory_space<vmem>>, vector<16xi32>,
      tpu.vector_store %arg6[%parallel_loop3A_678], %broadcast_in_dim3A_3 {strides = array<i32>} : memref<8192xi32, #tpu.memory_space<vmem>>, vector<16xi32>,
      %parallel_loop3A_680 = arith.constant 16 : i32
      %parallel_loop3A_681 = arith.muli %parallel_loop3A_644, %parallel_loop3A_680 : i32
      %parallel_loop3A_682 = arith.constant 4096 : i32
      %parallel_loop3A_683 = arith.addi %parallel_loop3A_682, %parallel_loop3A_681 : i32
      %parallel_loop3A_684 = arith.index_cast %parallel_loop3A_683 : i32 to index
      %parallel_loop3A_685 = tpu.vector_load %arg6[%parallel_loop3A_684] {strides = array<i32>} : memref<8192xi32, #tpu.memory_space<vmem>>, vector<16xi32>,
      tpu.vector_store %arg6[%parallel_loop3A_684], %broadcast_in_dim3A_3 {strides = array<i32>} : memref<8192xi32, #tpu.memory_space<vmem>>, vector<16xi32>,
      %parallel_loop3A_686 = arith.constant 16 : i32
      %parallel_loop3A_687 = arith.muli %parallel_loop3A_644, %parallel_loop3A_686 : i32
      %parallel_loop3A_688 = arith.constant 6144 : i32
      %parallel_loop3A_689 = arith.addi %parallel_loop3A_688, %parallel_loop3A_687 : i32
      %parallel_loop3A_690 = arith.index_cast %parallel_loop3A_689 : i32 to index
      %parallel_loop3A_691 = tpu.vector_load %arg6[%parallel_loop3A_690] {strides = array<i32>} : memref<8192xi32, #tpu.memory_space<vmem>>, vector<16xi32>,
      tpu.vector_store %arg6[%parallel_loop3A_690], %broadcast_in_dim3A_3 {strides = array<i32>} : memref<8192xi32, #tpu.memory_space<vmem>>, vector<16xi32>,
      %parallel_loop3A_692 = arith.constant true
      %parallel_loop3A_693 = vector.broadcast %parallel_loop3A_692 : i1 to vector<16xi1>
      %parallel_loop3A_694 = tpu.scan <sum>, %parallel_loop3A_669 masked %parallel_loop3A_693 : vector<16xi32>, vector<16xi1> -> vector<16xi32>
      %parallel_loop3A_695 = arith.constant true
      %parallel_loop3A_696 = vector.broadcast %parallel_loop3A_695 : i1 to vector<16xi1>
      %parallel_loop3A_697 = arith.constant -2147483648 : i32
      %parallel_loop3A_698 = vector.broadcast %parallel_loop3A_697 : i32 to vector<16xi32>
      %parallel_loop3A_699 = arith.xori %parallel_loop3A_694, %parallel_loop3A_698 : vector<16xi32>
      %parallel_loop3A_700 = tpu.scan <max>, %parallel_loop3A_699 masked %parallel_loop3A_696 : vector<16xi32>, vector<16xi1> -> vector<16xi32>
      %parallel_loop3A_701 = arith.xori %parallel_loop3A_700, %parallel_loop3A_698 : vector<16xi32>
      %parallel_loop3A_702 = vector.extract %parallel_loop3A_701[15] : i32 from vector<16xi32>
      %parallel_loop3A_703 = arith.addi %parallel_loop3A_639, %parallel_loop3A_702 : i32
      %parallel_loop3A_704 = vector.broadcast %parallel_loop3A_703 : i32 to vector<16xi32>
      %parallel_loop3A_705 = arith.subi %parallel_loop3A_704, %parallel_loop3A_694 : vector<16xi32>
      %parallel_loop3A_706 = arith.addi %parallel_loop3A_705, %parallel_loop3A_669 : vector<16xi32>
      %parallel_loop3A_707 = arith.cmpi sge, %parallel_loop3A_706, %broadcast_in_dim3A_5 : vector<16xi32>
      %parallel_loop3A_708 = arith.extui %parallel_loop3A_707 : vector<16xi1> to vector<16xi32>
      %parallel_loop3A_709 = arith.addi %parallel_loop3A_640, %parallel_loop3A_708 : vector<16xi32>
      %parallel_loop3A_710 = arith.select %parallel_loop3A_707, %broadcast_in_dim3A_3, %parallel_loop3A_706 : vector<16xi1>, vector<16xi32>
      %parallel_loop3A_711 = arith.maxsi %parallel_loop3A_641, %parallel_loop3A_710 : vector<16xi32>
      %parallel_loop3A_712 = vector.broadcast %parallel_loop3A_495 : i32 to vector<16xi32>
      %parallel_loop3A_713 = arith.select %parallel_loop3A_707, %parallel_loop3A_706, %parallel_loop3A_712 : vector<16xi1>, vector<16xi32>
      %parallel_loop3A_714 = arith.minsi %parallel_loop3A_642, %parallel_loop3A_713 : vector<16xi32>
      %parallel_loop3A_715 = arith.addi %parallel_loop3A_639, %parallel_loop3A_702 : i32
      scf.yield %parallel_loop3A_715, %parallel_loop3A_709, %parallel_loop3A_711, %parallel_loop3A_714 : i32, vector<16xi32>, vector<16xi32>, vector<16xi32>
    } {sc.loop_unroll_factor = 4 : i64, sc.parallel_access}
    %reduce_sum3A_498 = arith.constant true
    %reduce_sum3A_499 = vector.broadcast %reduce_sum3A_498 : i1 to vector<16xi1>
    %reduce_sum3A_500 = tpu.scan <sum>, %parallel_loop3A_497#1 masked %reduce_sum3A_499 : vector<16xi32>, vector<16xi1> -> vector<16xi32>
    %reduce_sum3A_501 = vector.extract %reduce_sum3A_500[15] : i32 from vector<16xi32>
    %sub3A_502 = arith.constant 1 : i32
    %sub3A_503 = arith.subi %reduce_sum3A_501, %sub3A_502 : i32
    %reduce_max3A_504 = arith.constant true
    %reduce_max3A_505 = vector.broadcast %reduce_max3A_504 : i1 to vector<16xi1>
    %reduce_max3A_506 = arith.constant -2147483648 : i32
    %reduce_max3A_507 = vector.broadcast %reduce_max3A_506 : i32 to vector<16xi32>
    %reduce_max3A_508 = arith.xori %parallel_loop3A_497#2, %reduce_max3A_507 : vector<16xi32>
    %reduce_max3A_509 = tpu.scan <max>, %reduce_max3A_508 masked %reduce_max3A_505 : vector<16xi32>, vector<16xi1> -> vector<16xi32>
    %reduce_max3A_510 = arith.xori %reduce_max3A_509, %reduce_max3A_507 : vector<16xi32>
    %reduce_max3A_511 = vector.extract %reduce_max3A_510[15] : i32 from vector<16xi32>
    %reduce_min3A_512 = arith.constant true
    %reduce_min3A_513 = vector.broadcast %reduce_min3A_512 : i1 to vector<16xi1>
    %reduce_min3A_514 = arith.constant -2147483648 : i32
    %reduce_min3A_515 = vector.broadcast %reduce_min3A_514 : i32 to vector<16xi32>
    %reduce_min3A_516 = arith.xori %parallel_loop3A_497#3, %reduce_min3A_515 : vector<16xi32>
    %reduce_min3A_517 = tpu.scan <min>, %reduce_min3A_516 masked %reduce_min3A_513 : vector<16xi32>, vector<16xi1> -> vector<16xi32>
    %reduce_min3A_518 = arith.xori %reduce_min3A_517, %reduce_min3A_515 : vector<16xi32>
    %reduce_min3A_519 = vector.extract %reduce_min3A_518[15] : i32 from vector<16xi32>
    %sub3A_520 = arith.subi %reduce_min3A_519, %reduce_max3A_511 : i32
    %sub3A_521 = arith.constant 410 : i32
    %sub3A_522 = arith.subi %sub3A_521, %reduce_max3A_511 : i32
    %sub3A_523 = arith.constant 1024 : i32
    %sub3A_524 = arith.subi %sub3A_503, %sub3A_523 : i32
    %broadcast_in_dim3A_525 = vector.broadcast %sub3A_524 : i32 to vector<16xi32>
    %broadcast_in_dim3A_526 = arith.constant -2147483648 : i32
    %broadcast_in_dim3A_527 = vector.broadcast %broadcast_in_dim3A_526 : i32 to vector<16xi32>
    %parallel_loop3A_528 = arith.constant 0 : i32
    %parallel_loop3A_529 = arith.constant 512 : i32
    %parallel_loop3A_530 = arith.constant 1 : i32
    %parallel_loop3A_531 = arith.constant -2147483648 : i32
    %parallel_loop3A_532 = arith.constant -2147483648 : i32
    %parallel_loop3A_533:2 = scf.for %parallel_loop3A_638 = %parallel_loop3A_528 to %parallel_loop3A_529 step %parallel_loop3A_530 iter_args(%parallel_loop3A_639 = %broadcast_in_dim3A_3, %parallel_loop3A_640 = %broadcast_in_dim3A_527) -> (vector<16xi32>, vector<16xi32>)  : i32 {
      %parallel_loop3A_641 = arith.constant 16 : i32
      %parallel_loop3A_642 = arith.muli %parallel_loop3A_638, %parallel_loop3A_641 : i32
      %parallel_loop3A_643 = arith.index_cast %parallel_loop3A_642 : i32 to index
      %parallel_loop3A_644 = tpu.vector_load %arg5[%parallel_loop3A_643] {strides = array<i32>} : memref<8192xf32, #tpu.memory_space<vmem>>, vector<16xf32>,
      %parallel_loop3A_645 = vector.bitcast %parallel_loop3A_644 : vector<16xf32> to vector<16xi32>
      %parallel_loop3A_646 = arith.constant 0 : i32
      %parallel_loop3A_647 = vector.broadcast %parallel_loop3A_646 : i32 to vector<16xi32>
      %parallel_loop3A_648 = arith.cmpi slt, %parallel_loop3A_645, %parallel_loop3A_647 : vector<16xi32>
      %parallel_loop3A_649 = arith.constant dense<-1> : vector<16xi32>
      %parallel_loop3A_650 = arith.xori %parallel_loop3A_645, %parallel_loop3A_649 : vector<16xi32>
      %parallel_loop3A_651 = vector.broadcast %parallel_loop3A_531 : i32 to vector<16xi32>
      %parallel_loop3A_652 = arith.xori %parallel_loop3A_650, %parallel_loop3A_651 : vector<16xi32>
      %parallel_loop3A_653 = arith.select %parallel_loop3A_648, %parallel_loop3A_652, %parallel_loop3A_645 : vector<16xi1>, vector<16xi32>
      %parallel_loop3A_654 = arith.constant 21 : i32
      %parallel_loop3A_655 = vector.broadcast %parallel_loop3A_654 : i32 to vector<16xi32>
      %parallel_loop3A_656 = arith.shrsi %parallel_loop3A_653, %parallel_loop3A_655 : vector<16xi32>
      %parallel_loop3A_657 = arith.cmpi eq, %parallel_loop3A_656, %broadcast_in_dim3A_525 : vector<16xi32>
      %parallel_loop3A_658 = arith.cmpi slt, %parallel_loop3A_656, %broadcast_in_dim3A_525 : vector<16xi32>
      %parallel_loop3A_659 = arith.extui %parallel_loop3A_657 : vector<16xi1> to vector<16xi32>
      %parallel_loop3A_660 = arith.constant true
      %parallel_loop3A_661 = vector.broadcast %parallel_loop3A_660 : i1 to vector<16xi1>
      %parallel_loop3A_662 = tpu.scan <sum>, %parallel_loop3A_659 masked %parallel_loop3A_661 : vector<16xi32>, vector<16xi1> -> vector<16xi32>
      %parallel_loop3A_663 = arith.addi %parallel_loop3A_639, %parallel_loop3A_662 : vector<16xi32>
      %parallel_loop3A_664 = arith.subi %parallel_loop3A_663, %broadcast_in_dim3A_1 : vector<16xi32>
      %parallel_loop3A_665 = arith.constant 2047 : i32
      %parallel_loop3A_666 = vector.broadcast %parallel_loop3A_665 : i32 to vector<16xi32>
      %parallel_loop3A_667 = arith.minsi %parallel_loop3A_664, %parallel_loop3A_666 : vector<16xi32>
      tpu.vector_store_idx %arg7[%parallel_loop3A_667], %parallel_loop3A_653 masked %parallel_loop3A_657 : memref<2048xi32, #tpu.memory_space<vmem>>[vector<16xi32>], vector<16xi32>, vector<16xi1>
      %parallel_loop3A_668 = vector.broadcast %parallel_loop3A_532 : i32 to vector<16xi32>
      %parallel_loop3A_669 = arith.select %parallel_loop3A_658, %parallel_loop3A_653, %parallel_loop3A_668 : vector<16xi1>, vector<16xi32>
      %parallel_loop3A_670 = arith.maxsi %parallel_loop3A_640, %parallel_loop3A_669 : vector<16xi32>
      %parallel_loop3A_671 = tpu.all_reduce %parallel_loop3A_657 {dim = 0 : i64, kind = #tpu.reduction_kind<sum>} : vector<16xi1> -> vector<16xi32>
      %parallel_loop3A_672 = arith.addi %parallel_loop3A_639, %parallel_loop3A_671 : vector<16xi32>
      scf.yield %parallel_loop3A_672, %parallel_loop3A_670 : vector<16xi32>, vector<16xi32>
    } {sc.loop_unroll_factor = 8 : i64, sc.parallel_access}
    %reduce_max3A_534 = arith.constant true
    %reduce_max3A_535 = vector.broadcast %reduce_max3A_534 : i1 to vector<16xi1>
    %reduce_max3A_536 = arith.constant -2147483648 : i32
    %reduce_max3A_537 = vector.broadcast %reduce_max3A_536 : i32 to vector<16xi32>
    %reduce_max3A_538 = arith.xori %parallel_loop3A_533#1, %reduce_max3A_537 : vector<16xi32>
    %reduce_max3A_539 = tpu.scan <max>, %reduce_max3A_538 masked %reduce_max3A_535 : vector<16xi32>, vector<16xi1> -> vector<16xi32>
    %reduce_max3A_540 = arith.xori %reduce_max3A_539, %reduce_max3A_537 : vector<16xi32>
    %reduce_max3A_541 = vector.extract %reduce_max3A_540[15] : i32 from vector<16xi32>
    %min3A_542 = arith.constant 2048 : i32
    %min3A_543 = arith.minsi %sub3A_520, %min3A_542 : i32
    %add3A_544 = arith.constant 15 : i32
    %add3A_545 = arith.addi %min3A_543, %add3A_544 : i32
    %jit3A_546 = arith.constant 16 : i32
    %div3A_547 = arith.divsi %add3A_545, %jit3A_546 : i32
    %sign3A_548 = arith.constant 0 : i32
    %sign3A_549 = arith.cmpi sgt, %add3A_545, %sign3A_548 : i32
    %sign3A_550 = arith.extui %sign3A_549 : i1 to i32
    %sign3A_551 = arith.constant 0 : i32
    %sign3A_552 = arith.cmpi slt, %add3A_545, %sign3A_551 : i32
    %sign3A_553 = arith.extui %sign3A_552 : i1 to i32
    %sign3A_554 = arith.subi %sign3A_550, %sign3A_553 : i32
    %sign3A_555 = arith.constant 0 : i32
    %sign3A_556 = arith.cmpi sgt, %jit3A_546, %sign3A_555 : i32
    %sign3A_557 = arith.extui %sign3A_556 : i1 to i32
    %sign3A_558 = arith.constant 0 : i32
    %sign3A_559 = arith.cmpi slt, %jit3A_546, %sign3A_558 : i32
    %sign3A_560 = arith.extui %sign3A_559 : i1 to i32
    %sign3A_561 = arith.subi %sign3A_557, %sign3A_560 : i32
    %ne3A_562 = arith.cmpi ne, %sign3A_554, %sign3A_561 : i32
    %rem3A_563 = arith.remsi %add3A_545, %jit3A_546 : i32
    %ne3A_564 = arith.constant 0 : i32
    %ne3A_565 = arith.cmpi ne, %rem3A_563, %ne3A_564 : i32
    %and3A_566 = arith.andi %ne3A_562, %ne3A_565 : i1
    %sub3A_567 = arith.constant 1 : i32
    %sub3A_568 = arith.subi %div3A_547, %sub3A_567 : i32
    %select_n3A_569 = arith.select %and3A_566, %sub3A_568, %div3A_547 : i32
    %broadcast_in_dim3A_570 = vector.broadcast %min3A_543 : i32 to vector<16xi32>
    %shift_left3A_571 = arith.constant 21 : i32
    %shift_left3A_572 = arith.shli %sub3A_524, %shift_left3A_571 : i32
    %le3A_573 = arith.constant 2048 : i32
    %le3A_574 = arith.cmpi sle, %sub3A_520, %le3A_573 : i32
    %convert_element_type3A_575 = arith.extui %le3A_574 : i1 to i32
    %cond3A_576 = arith.constant 16 : i32
    %cond3A_577 = arith.constant -2147483648 : i32
    %cond3A_578 = arith.constant -2147483648 : i32
    %cond3A_579 = arith.constant 0 : i32
    %cond3A_580 = arith.cmpi ne, %convert_element_type3A_575, %cond3A_579 : i32
    %cond3A_581:3 = scf.if %cond3A_580 -> (i32, i32, i32) {
      %scan3A = arith.constant 0 : i32
      %scan3A_638 = arith.constant 21 : i32
      %scan3A_639 = arith.addi %scan3A, %scan3A_638 : i32
      %scan3A_640 = arith.constant 1 : i32
      %scan3A_641 = scf.for %scan3A_679 = %scan3A to %scan3A_639 step %scan3A_640 iter_args(%scan3A_680 = %shift_left3A_572) -> (i32)  : i32 {
        %sub3A_681 = arith.constant 20 : i32
        %sub3A_682 = arith.subi %sub3A_681, %scan3A_679 : i32
        %shift_left3A_683 = arith.constant 1 : i32
        %shift_left3A_684 = arith.shli %shift_left3A_683, %sub3A_682 : i32
        %or3A = arith.ori %scan3A_680, %shift_left3A_684 : i32
        %broadcast_in_dim3A_685 = vector.broadcast %or3A : i32 to vector<16xi32>
        %while3A_686 = arith.constant 0 : i32
        %while3A_687 = arith.subi %select_n3A_569, %while3A_686 : i32
        %while3A_688 = arith.addi %while3A_686, %while3A_687 : i32
        %while3A_689 = arith.constant 1 : i32
        %while3A_690 = arith.divsi %while3A_687, %while3A_689 : i32
        %while3A_691 = arith.muli %while3A_690, %while3A_689 : i32
        %while3A_692 = arith.addi %while3A_686, %while3A_691 : i32
        %while3A_693 = arith.constant 1 : i32
        %while3A_694 = scf.for %while3A_703 = %while3A_686 to %while3A_692 step %while3A_693 iter_args(%while3A_704 = %broadcast_in_dim3A_3) -> (vector<16xi32>)  : i32 {
          %mul3A_705 = arith.constant 16 : i32
          %mul3A_706 = arith.muli %while3A_703, %mul3A_705 : i32
          %get3A = arith.index_cast %mul3A_706 : i32 to index
          %get3A_707 = tpu.vector_load %arg7[%get3A] {strides = array<i32>} : memref<2048xi32, #tpu.memory_space<vmem>>, vector<16xi32>,
          %mul3A_708 = arith.muli %while3A_703, %cond3A_576 : i32
          %add3A_709 = vector.broadcast %mul3A_708 : i32 to vector<16xi32>
          %add3A_710 = arith.addi %iota3A, %add3A_709 : vector<16xi32>
          %lt3A_711 = arith.cmpi slt, %add3A_710, %broadcast_in_dim3A_570 : vector<16xi32>
          %ge3A_712 = arith.cmpi sge, %get3A_707, %broadcast_in_dim3A_685 : vector<16xi32>
          %and3A_713 = arith.andi %lt3A_711, %ge3A_712 : vector<16xi1>
          %convert_element_type3A_714 = arith.extui %and3A_713 : vector<16xi1> to vector<16xi32>
          %add3A_715 = arith.addi %while3A_704, %convert_element_type3A_714 : vector<16xi32>
          scf.yield %add3A_715 : vector<16xi32>
        }
        %while3A_695 = arith.constant 1 : i32
        %while3A_696 = scf.for %while3A_703 = %while3A_692 to %while3A_688 step %while3A_695 iter_args(%while3A_704 = %while3A_694) -> (vector<16xi32>)  : i32 {
          %mul3A_705 = arith.constant 16 : i32
          %mul3A_706 = arith.muli %while3A_703, %mul3A_705 : i32
          %get3A = arith.index_cast %mul3A_706 : i32 to index
          %get3A_707 = tpu.vector_load %arg7[%get3A] {strides = array<i32>} : memref<2048xi32, #tpu.memory_space<vmem>>, vector<16xi32>,
          %mul3A_708 = arith.muli %while3A_703, %cond3A_576 : i32
          %add3A_709 = vector.broadcast %mul3A_708 : i32 to vector<16xi32>
          %add3A_710 = arith.addi %iota3A, %add3A_709 : vector<16xi32>
          %lt3A_711 = arith.cmpi slt, %add3A_710, %broadcast_in_dim3A_570 : vector<16xi32>
          %ge3A_712 = arith.cmpi sge, %get3A_707, %broadcast_in_dim3A_685 : vector<16xi32>
          %and3A_713 = arith.andi %lt3A_711, %ge3A_712 : vector<16xi1>
          %convert_element_type3A_714 = arith.extui %and3A_713 : vector<16xi1> to vector<16xi32>
          %add3A_715 = arith.addi %while3A_704, %convert_element_type3A_714 : vector<16xi32>
          scf.yield %add3A_715 : vector<16xi32>
        }
        %reduce_sum3A_697 = arith.constant true
        %reduce_sum3A_698 = vector.broadcast %reduce_sum3A_697 : i1 to vector<16xi1>
        %reduce_sum3A_699 = tpu.scan <sum>, %while3A_696 masked %reduce_sum3A_698 : vector<16xi32>, vector<16xi1> -> vector<16xi32>
        %reduce_sum3A_700 = vector.extract %reduce_sum3A_699[15] : i32 from vector<16xi32>
        %ge3A_701 = arith.cmpi sge, %reduce_sum3A_700, %sub3A_522 : i32
        %select_n3A_702 = arith.select %ge3A_701, %or3A, %scan3A_680 : i32
        scf.yield %select_n3A_702 : i32
      }
      %scan3A_642 = arith.constant 21 : i32
      %broadcast_in_dim3A_643 = vector.broadcast %scan3A_641 : i32 to vector<16xi32>
      %while3A = arith.constant 0 : i32
      %while3A_644 = arith.subi %select_n3A_569, %while3A : i32
      %while3A_645 = arith.addi %while3A, %while3A_644 : i32
      %while3A_646 = arith.constant 1 : i32
      %while3A_647 = arith.divsi %while3A_644, %while3A_646 : i32
      %while3A_648 = arith.muli %while3A_647, %while3A_646 : i32
      %while3A_649 = arith.addi %while3A, %while3A_648 : i32
      %while3A_650 = arith.constant 1 : i32
      %while3A_651 = scf.for %while3A_679 = %while3A to %while3A_649 step %while3A_650 iter_args(%while3A_680 = %broadcast_in_dim3A_3) -> (vector<16xi32>)  : i32 {
        %mul3A_681 = arith.constant 16 : i32
        %mul3A_682 = arith.muli %while3A_679, %mul3A_681 : i32
        %get3A = arith.index_cast %mul3A_682 : i32 to index
        %get3A_683 = tpu.vector_load %arg7[%get3A] {strides = array<i32>} : memref<2048xi32, #tpu.memory_space<vmem>>, vector<16xi32>,
        %mul3A_684 = arith.muli %while3A_679, %cond3A_576 : i32
        %add3A_685 = vector.broadcast %mul3A_684 : i32 to vector<16xi32>
        %add3A_686 = arith.addi %iota3A, %add3A_685 : vector<16xi32>
        %lt3A_687 = arith.cmpi slt, %add3A_686, %broadcast_in_dim3A_570 : vector<16xi32>
        %ge3A_688 = arith.cmpi sge, %get3A_683, %broadcast_in_dim3A_643 : vector<16xi32>
        %and3A_689 = arith.andi %lt3A_687, %ge3A_688 : vector<16xi1>
        %convert_element_type3A_690 = arith.extui %and3A_689 : vector<16xi1> to vector<16xi32>
        %add3A_691 = arith.addi %while3A_680, %convert_element_type3A_690 : vector<16xi32>
        scf.yield %add3A_691 : vector<16xi32>
      }
      %while3A_652 = arith.constant 1 : i32
      %while3A_653 = scf.for %while3A_679 = %while3A_649 to %while3A_645 step %while3A_652 iter_args(%while3A_680 = %while3A_651) -> (vector<16xi32>)  : i32 {
        %mul3A_681 = arith.constant 16 : i32
        %mul3A_682 = arith.muli %while3A_679, %mul3A_681 : i32
        %get3A = arith.index_cast %mul3A_682 : i32 to index
        %get3A_683 = tpu.vector_load %arg7[%get3A] {strides = array<i32>} : memref<2048xi32, #tpu.memory_space<vmem>>, vector<16xi32>,
        %mul3A_684 = arith.muli %while3A_679, %cond3A_576 : i32
        %add3A_685 = vector.broadcast %mul3A_684 : i32 to vector<16xi32>
        %add3A_686 = arith.addi %iota3A, %add3A_685 : vector<16xi32>
        %lt3A_687 = arith.cmpi slt, %add3A_686, %broadcast_in_dim3A_570 : vector<16xi32>
        %ge3A_688 = arith.cmpi sge, %get3A_683, %broadcast_in_dim3A_643 : vector<16xi32>
        %and3A_689 = arith.andi %lt3A_687, %ge3A_688 : vector<16xi1>
        %convert_element_type3A_690 = arith.extui %and3A_689 : vector<16xi1> to vector<16xi32>
        %add3A_691 = arith.addi %while3A_680, %convert_element_type3A_690 : vector<16xi32>
        scf.yield %add3A_691 : vector<16xi32>
      }
      %reduce_sum3A_654 = arith.constant true
      %reduce_sum3A_655 = vector.broadcast %reduce_sum3A_654 : i1 to vector<16xi1>
      %reduce_sum3A_656 = tpu.scan <sum>, %while3A_653 masked %reduce_sum3A_655 : vector<16xi32>, vector<16xi1> -> vector<16xi32>
      %reduce_sum3A_657 = vector.extract %reduce_sum3A_656[15] : i32 from vector<16xi32>
      %broadcast_in_dim3A_658 = vector.broadcast %scan3A_641 : i32 to vector<16xi32>
      %broadcast_in_dim3A_659 = vector.broadcast %cond3A_577 : i32 to vector<16xi32>
      %while3A_660 = arith.constant 0 : i32
      %while3A_661 = arith.subi %select_n3A_569, %while3A_660 : i32
      %while3A_662 = arith.addi %while3A_660, %while3A_661 : i32
      %while3A_663 = arith.constant 1 : i32
      %while3A_664 = arith.divsi %while3A_661, %while3A_663 : i32
      %while3A_665 = arith.muli %while3A_664, %while3A_663 : i32
      %while3A_666 = arith.addi %while3A_660, %while3A_665 : i32
      %while3A_667 = arith.constant 1 : i32
      %while3A_668 = scf.for %while3A_679 = %while3A_660 to %while3A_666 step %while3A_667 iter_args(%while3A_680 = %broadcast_in_dim3A_659) -> (vector<16xi32>)  : i32 {
        %mul3A_681 = arith.constant 16 : i32
        %mul3A_682 = arith.muli %while3A_679, %mul3A_681 : i32
        %get3A = arith.index_cast %mul3A_682 : i32 to index
        %get3A_683 = tpu.vector_load %arg7[%get3A] {strides = array<i32>} : memref<2048xi32, #tpu.memory_space<vmem>>, vector<16xi32>,
        %mul3A_684 = arith.muli %while3A_679, %cond3A_576 : i32
        %add3A_685 = vector.broadcast %mul3A_684 : i32 to vector<16xi32>
        %add3A_686 = arith.addi %iota3A, %add3A_685 : vector<16xi32>
        %lt3A_687 = arith.cmpi slt, %add3A_686, %broadcast_in_dim3A_570 : vector<16xi32>
        %lt3A_688 = arith.cmpi slt, %get3A_683, %broadcast_in_dim3A_658 : vector<16xi32>
        %and3A_689 = arith.andi %lt3A_687, %lt3A_688 : vector<16xi1>
        %broadcast_in_dim3A_690 = vector.broadcast %cond3A_577 : i32 to vector<16xi32>
        %select_n3A_691 = arith.select %and3A_689, %get3A_683, %broadcast_in_dim3A_690 : vector<16xi1>, vector<16xi32>
        %max3A_692 = arith.maxsi %while3A_680, %select_n3A_691 : vector<16xi32>
        scf.yield %max3A_692 : vector<16xi32>
      }
      %while3A_669 = arith.constant 1 : i32
      %while3A_670 = scf.for %while3A_679 = %while3A_666 to %while3A_662 step %while3A_669 iter_args(%while3A_680 = %while3A_668) -> (vector<16xi32>)  : i32 {
        %mul3A_681 = arith.constant 16 : i32
        %mul3A_682 = arith.muli %while3A_679, %mul3A_681 : i32
        %get3A = arith.index_cast %mul3A_682 : i32 to index
        %get3A_683 = tpu.vector_load %arg7[%get3A] {strides = array<i32>} : memref<2048xi32, #tpu.memory_space<vmem>>, vector<16xi32>,
        %mul3A_684 = arith.muli %while3A_679, %cond3A_576 : i32
        %add3A_685 = vector.broadcast %mul3A_684 : i32 to vector<16xi32>
        %add3A_686 = arith.addi %iota3A, %add3A_685 : vector<16xi32>
        %lt3A_687 = arith.cmpi slt, %add3A_686, %broadcast_in_dim3A_570 : vector<16xi32>
        %lt3A_688 = arith.cmpi slt, %get3A_683, %broadcast_in_dim3A_658 : vector<16xi32>
        %and3A_689 = arith.andi %lt3A_687, %lt3A_688 : vector<16xi1>
        %broadcast_in_dim3A_690 = vector.broadcast %cond3A_577 : i32 to vector<16xi32>
        %select_n3A_691 = arith.select %and3A_689, %get3A_683, %broadcast_in_dim3A_690 : vector<16xi1>, vector<16xi32>
        %max3A_692 = arith.maxsi %while3A_680, %select_n3A_691 : vector<16xi32>
        scf.yield %max3A_692 : vector<16xi32>
      }
      %reduce_max3A_671 = arith.constant true
      %reduce_max3A_672 = vector.broadcast %reduce_max3A_671 : i1 to vector<16xi1>
      %reduce_max3A_673 = arith.constant -2147483648 : i32
      %reduce_max3A_674 = vector.broadcast %reduce_max3A_673 : i32 to vector<16xi32>
      %reduce_max3A_675 = arith.xori %while3A_670, %reduce_max3A_674 : vector<16xi32>
      %reduce_max3A_676 = tpu.scan <max>, %reduce_max3A_675 masked %reduce_max3A_672 : vector<16xi32>, vector<16xi1> -> vector<16xi32>
      %reduce_max3A_677 = arith.xori %reduce_max3A_676, %reduce_max3A_674 : vector<16xi32>
      %reduce_max3A_678 = vector.extract %reduce_max3A_677[15] : i32 from vector<16xi32>
      scf.yield %scan3A_641, %reduce_sum3A_657, %reduce_max3A_678 : i32, i32, i32
    } else {
      %scan3A = arith.constant 512 : i32
      %scan3A_638 = arith.constant 0 : i32
      %scan3A_639 = arith.constant 21 : i32
      %scan3A_640 = arith.addi %scan3A_638, %scan3A_639 : i32
      %scan3A_641 = arith.constant 1 : i32
      %scan3A_642 = scf.for %scan3A_682 = %scan3A_638 to %scan3A_640 step %scan3A_641 iter_args(%scan3A_683 = %shift_left3A_572) -> (i32)  : i32 {
        %sub3A_684 = arith.constant 20 : i32
        %sub3A_685 = arith.subi %sub3A_684, %scan3A_682 : i32
        %shift_left3A_686 = arith.constant 1 : i32
        %shift_left3A_687 = arith.shli %shift_left3A_686, %sub3A_685 : i32
        %or3A = arith.ori %scan3A_683, %shift_left3A_687 : i32
        %broadcast_in_dim3A_688 = vector.broadcast %or3A : i32 to vector<16xi32>
        %while3A_689 = arith.constant 0 : i32
        %while3A_690 = arith.subi %scan3A, %while3A_689 : i32
        %while3A_691 = arith.addi %while3A_689, %while3A_690 : i32
        %while3A_692 = arith.constant 1 : i32
        %while3A_693 = arith.divsi %while3A_690, %while3A_692 : i32
        %while3A_694 = arith.muli %while3A_693, %while3A_692 : i32
        %while3A_695 = arith.addi %while3A_689, %while3A_694 : i32
        %while3A_696 = arith.constant 1 : i32
        %while3A_697 = scf.for %while3A_706 = %while3A_689 to %while3A_695 step %while3A_696 iter_args(%while3A_707 = %broadcast_in_dim3A_3) -> (vector<16xi32>)  : i32 {
          %mul3A_708 = arith.constant 16 : i32
          %mul3A_709 = arith.muli %while3A_706, %mul3A_708 : i32
          %get3A = arith.index_cast %mul3A_709 : i32 to index
          %get3A_710 = tpu.vector_load %arg5[%get3A] {strides = array<i32>} : memref<8192xf32, #tpu.memory_space<vmem>>, vector<16xf32>,
          %bitcast3A_711 = vector.bitcast %get3A_710 : vector<16xf32> to vector<16xi32>
          %lt3A_712 = arith.constant 0 : i32
          %lt3A_713 = vector.broadcast %lt3A_712 : i32 to vector<16xi32>
          %lt3A_714 = arith.cmpi slt, %bitcast3A_711, %lt3A_713 : vector<16xi32>
          %not3A_715 = arith.constant dense<-1> : vector<16xi32>
          %not3A_716 = arith.xori %bitcast3A_711, %not3A_715 : vector<16xi32>
          %xor3A_717 = vector.broadcast %cond3A_578 : i32 to vector<16xi32>
          %xor3A_718 = arith.xori %not3A_716, %xor3A_717 : vector<16xi32>
          %select_n3A_719 = arith.select %lt3A_714, %xor3A_718, %bitcast3A_711 : vector<16xi1>, vector<16xi32>
          %shift_right_arithmetic3A = arith.constant 21 : i32
          %shift_right_arithmetic3A_720 = vector.broadcast %shift_right_arithmetic3A : i32 to vector<16xi32>
          %shift_right_arithmetic3A_721 = arith.shrsi %select_n3A_719, %shift_right_arithmetic3A_720 : vector<16xi32>
          %eq3A = arith.cmpi eq, %shift_right_arithmetic3A_721, %broadcast_in_dim3A_525 : vector<16xi32>
          %ge3A_722 = arith.cmpi sge, %select_n3A_719, %broadcast_in_dim3A_688 : vector<16xi32>
          %and3A_723 = arith.andi %eq3A, %ge3A_722 : vector<16xi1>
          %convert_element_type3A_724 = arith.extui %and3A_723 : vector<16xi1> to vector<16xi32>
          %add3A_725 = arith.addi %while3A_707, %convert_element_type3A_724 : vector<16xi32>
          scf.yield %add3A_725 : vector<16xi32>
        }
        %while3A_698 = arith.constant 1 : i32
        %while3A_699 = scf.for %while3A_706 = %while3A_695 to %while3A_691 step %while3A_698 iter_args(%while3A_707 = %while3A_697) -> (vector<16xi32>)  : i32 {
          %mul3A_708 = arith.constant 16 : i32
          %mul3A_709 = arith.muli %while3A_706, %mul3A_708 : i32
          %get3A = arith.index_cast %mul3A_709 : i32 to index
          %get3A_710 = tpu.vector_load %arg5[%get3A] {strides = array<i32>} : memref<8192xf32, #tpu.memory_space<vmem>>, vector<16xf32>,
          %bitcast3A_711 = vector.bitcast %get3A_710 : vector<16xf32> to vector<16xi32>
          %lt3A_712 = arith.constant 0 : i32
          %lt3A_713 = vector.broadcast %lt3A_712 : i32 to vector<16xi32>
          %lt3A_714 = arith.cmpi slt, %bitcast3A_711, %lt3A_713 : vector<16xi32>
          %not3A_715 = arith.constant dense<-1> : vector<16xi32>
          %not3A_716 = arith.xori %bitcast3A_711, %not3A_715 : vector<16xi32>
          %xor3A_717 = vector.broadcast %cond3A_578 : i32 to vector<16xi32>
          %xor3A_718 = arith.xori %not3A_716, %xor3A_717 : vector<16xi32>
          %select_n3A_719 = arith.select %lt3A_714, %xor3A_718, %bitcast3A_711 : vector<16xi1>, vector<16xi32>
          %shift_right_arithmetic3A = arith.constant 21 : i32
          %shift_right_arithmetic3A_720 = vector.broadcast %shift_right_arithmetic3A : i32 to vector<16xi32>
          %shift_right_arithmetic3A_721 = arith.shrsi %select_n3A_719, %shift_right_arithmetic3A_720 : vector<16xi32>
          %eq3A = arith.cmpi eq, %shift_right_arithmetic3A_721, %broadcast_in_dim3A_525 : vector<16xi32>
          %ge3A_722 = arith.cmpi sge, %select_n3A_719, %broadcast_in_dim3A_688 : vector<16xi32>
          %and3A_723 = arith.andi %eq3A, %ge3A_722 : vector<16xi1>
          %convert_element_type3A_724 = arith.extui %and3A_723 : vector<16xi1> to vector<16xi32>
          %add3A_725 = arith.addi %while3A_707, %convert_element_type3A_724 : vector<16xi32>
          scf.yield %add3A_725 : vector<16xi32>
        }
        %reduce_sum3A_700 = arith.constant true
        %reduce_sum3A_701 = vector.broadcast %reduce_sum3A_700 : i1 to vector<16xi1>
        %reduce_sum3A_702 = tpu.scan <sum>, %while3A_699 masked %reduce_sum3A_701 : vector<16xi32>, vector<16xi1> -> vector<16xi32>
        %reduce_sum3A_703 = vector.extract %reduce_sum3A_702[15] : i32 from vector<16xi32>
        %ge3A_704 = arith.cmpi sge, %reduce_sum3A_703, %sub3A_522 : i32
        %select_n3A_705 = arith.select %ge3A_704, %or3A, %scan3A_683 : i32
        scf.yield %select_n3A_705 : i32
      }
      %scan3A_643 = arith.constant 21 : i32
      %broadcast_in_dim3A_644 = vector.broadcast %scan3A_642 : i32 to vector<16xi32>
      %while3A = arith.constant 0 : i32
      %while3A_645 = arith.constant 512 : i32
      %while3A_646 = arith.subi %while3A_645, %while3A : i32
      %while3A_647 = arith.addi %while3A, %while3A_646 : i32
      %while3A_648 = arith.constant 1 : i32
      %while3A_649 = arith.divsi %while3A_646, %while3A_648 : i32
      %while3A_650 = arith.muli %while3A_649, %while3A_648 : i32
      %while3A_651 = arith.addi %while3A, %while3A_650 : i32
      %while3A_652 = arith.constant 1 : i32
      %while3A_653 = scf.for %while3A_682 = %while3A to %while3A_651 step %while3A_652 iter_args(%while3A_683 = %broadcast_in_dim3A_3) -> (vector<16xi32>)  : i32 {
        %mul3A_684 = arith.constant 16 : i32
        %mul3A_685 = arith.muli %while3A_682, %mul3A_684 : i32
        %get3A = arith.index_cast %mul3A_685 : i32 to index
        %get3A_686 = tpu.vector_load %arg5[%get3A] {strides = array<i32>} : memref<8192xf32, #tpu.memory_space<vmem>>, vector<16xf32>,
        %bitcast3A_687 = vector.bitcast %get3A_686 : vector<16xf32> to vector<16xi32>
        %lt3A_688 = arith.constant 0 : i32
        %lt3A_689 = vector.broadcast %lt3A_688 : i32 to vector<16xi32>
        %lt3A_690 = arith.cmpi slt, %bitcast3A_687, %lt3A_689 : vector<16xi32>
        %not3A_691 = arith.constant dense<-1> : vector<16xi32>
        %not3A_692 = arith.xori %bitcast3A_687, %not3A_691 : vector<16xi32>
        %xor3A_693 = vector.broadcast %cond3A_578 : i32 to vector<16xi32>
        %xor3A_694 = arith.xori %not3A_692, %xor3A_693 : vector<16xi32>
        %select_n3A_695 = arith.select %lt3A_690, %xor3A_694, %bitcast3A_687 : vector<16xi1>, vector<16xi32>
        %shift_right_arithmetic3A = arith.constant 21 : i32
        %shift_right_arithmetic3A_696 = vector.broadcast %shift_right_arithmetic3A : i32 to vector<16xi32>
        %shift_right_arithmetic3A_697 = arith.shrsi %select_n3A_695, %shift_right_arithmetic3A_696 : vector<16xi32>
        %eq3A = arith.cmpi eq, %shift_right_arithmetic3A_697, %broadcast_in_dim3A_525 : vector<16xi32>
        %ge3A_698 = arith.cmpi sge, %select_n3A_695, %broadcast_in_dim3A_644 : vector<16xi32>
        %and3A_699 = arith.andi %eq3A, %ge3A_698 : vector<16xi1>
        %convert_element_type3A_700 = arith.extui %and3A_699 : vector<16xi1> to vector<16xi32>
        %add3A_701 = arith.addi %while3A_683, %convert_element_type3A_700 : vector<16xi32>
        scf.yield %add3A_701 : vector<16xi32>
      }
      %while3A_654 = arith.constant 1 : i32
      %while3A_655 = scf.for %while3A_682 = %while3A_651 to %while3A_647 step %while3A_654 iter_args(%while3A_683 = %while3A_653) -> (vector<16xi32>)  : i32 {
        %mul3A_684 = arith.constant 16 : i32
        %mul3A_685 = arith.muli %while3A_682, %mul3A_684 : i32
        %get3A = arith.index_cast %mul3A_685 : i32 to index
        %get3A_686 = tpu.vector_load %arg5[%get3A] {strides = array<i32>} : memref<8192xf32, #tpu.memory_space<vmem>>, vector<16xf32>,
        %bitcast3A_687 = vector.bitcast %get3A_686 : vector<16xf32> to vector<16xi32>
        %lt3A_688 = arith.constant 0 : i32
        %lt3A_689 = vector.broadcast %lt3A_688 : i32 to vector<16xi32>
        %lt3A_690 = arith.cmpi slt, %bitcast3A_687, %lt3A_689 : vector<16xi32>
        %not3A_691 = arith.constant dense<-1> : vector<16xi32>
        %not3A_692 = arith.xori %bitcast3A_687, %not3A_691 : vector<16xi32>
        %xor3A_693 = vector.broadcast %cond3A_578 : i32 to vector<16xi32>
        %xor3A_694 = arith.xori %not3A_692, %xor3A_693 : vector<16xi32>
        %select_n3A_695 = arith.select %lt3A_690, %xor3A_694, %bitcast3A_687 : vector<16xi1>, vector<16xi32>
        %shift_right_arithmetic3A = arith.constant 21 : i32
        %shift_right_arithmetic3A_696 = vector.broadcast %shift_right_arithmetic3A : i32 to vector<16xi32>
        %shift_right_arithmetic3A_697 = arith.shrsi %select_n3A_695, %shift_right_arithmetic3A_696 : vector<16xi32>
        %eq3A = arith.cmpi eq, %shift_right_arithmetic3A_697, %broadcast_in_dim3A_525 : vector<16xi32>
        %ge3A_698 = arith.cmpi sge, %select_n3A_695, %broadcast_in_dim3A_644 : vector<16xi32>
        %and3A_699 = arith.andi %eq3A, %ge3A_698 : vector<16xi1>
        %convert_element_type3A_700 = arith.extui %and3A_699 : vector<16xi1> to vector<16xi32>
        %add3A_701 = arith.addi %while3A_683, %convert_element_type3A_700 : vector<16xi32>
        scf.yield %add3A_701 : vector<16xi32>
      }
      %reduce_sum3A_656 = arith.constant true
      %reduce_sum3A_657 = vector.broadcast %reduce_sum3A_656 : i1 to vector<16xi1>
      %reduce_sum3A_658 = tpu.scan <sum>, %while3A_655 masked %reduce_sum3A_657 : vector<16xi32>, vector<16xi1> -> vector<16xi32>
      %reduce_sum3A_659 = vector.extract %reduce_sum3A_658[15] : i32 from vector<16xi32>
      %broadcast_in_dim3A_660 = vector.broadcast %scan3A_642 : i32 to vector<16xi32>
      %broadcast_in_dim3A_661 = vector.broadcast %cond3A_577 : i32 to vector<16xi32>
      %while3A_662 = arith.constant 0 : i32
      %while3A_663 = arith.constant 512 : i32
      %while3A_664 = arith.subi %while3A_663, %while3A_662 : i32
      %while3A_665 = arith.addi %while3A_662, %while3A_664 : i32
      %while3A_666 = arith.constant 1 : i32
      %while3A_667 = arith.divsi %while3A_664, %while3A_666 : i32
      %while3A_668 = arith.muli %while3A_667, %while3A_666 : i32
      %while3A_669 = arith.addi %while3A_662, %while3A_668 : i32
      %while3A_670 = arith.constant 1 : i32
      %while3A_671 = scf.for %while3A_682 = %while3A_662 to %while3A_669 step %while3A_670 iter_args(%while3A_683 = %broadcast_in_dim3A_661) -> (vector<16xi32>)  : i32 {
        %mul3A_684 = arith.constant 16 : i32
        %mul3A_685 = arith.muli %while3A_682, %mul3A_684 : i32
        %get3A = arith.index_cast %mul3A_685 : i32 to index
        %get3A_686 = tpu.vector_load %arg5[%get3A] {strides = array<i32>} : memref<8192xf32, #tpu.memory_space<vmem>>, vector<16xf32>,
        %bitcast3A_687 = vector.bitcast %get3A_686 : vector<16xf32> to vector<16xi32>
        %lt3A_688 = arith.constant 0 : i32
        %lt3A_689 = vector.broadcast %lt3A_688 : i32 to vector<16xi32>
        %lt3A_690 = arith.cmpi slt, %bitcast3A_687, %lt3A_689 : vector<16xi32>
        %not3A_691 = arith.constant dense<-1> : vector<16xi32>
        %not3A_692 = arith.xori %bitcast3A_687, %not3A_691 : vector<16xi32>
        %xor3A_693 = vector.broadcast %cond3A_578 : i32 to vector<16xi32>
        %xor3A_694 = arith.xori %not3A_692, %xor3A_693 : vector<16xi32>
        %select_n3A_695 = arith.select %lt3A_690, %xor3A_694, %bitcast3A_687 : vector<16xi1>, vector<16xi32>
        %shift_right_arithmetic3A = arith.constant 21 : i32
        %shift_right_arithmetic3A_696 = vector.broadcast %shift_right_arithmetic3A : i32 to vector<16xi32>
        %shift_right_arithmetic3A_697 = arith.shrsi %select_n3A_695, %shift_right_arithmetic3A_696 : vector<16xi32>
        %eq3A = arith.cmpi eq, %shift_right_arithmetic3A_697, %broadcast_in_dim3A_525 : vector<16xi32>
        %lt3A_698 = arith.cmpi slt, %select_n3A_695, %broadcast_in_dim3A_660 : vector<16xi32>
        %and3A_699 = arith.andi %eq3A, %lt3A_698 : vector<16xi1>
        %broadcast_in_dim3A_700 = vector.broadcast %cond3A_577 : i32 to vector<16xi32>
        %select_n3A_701 = arith.select %and3A_699, %select_n3A_695, %broadcast_in_dim3A_700 : vector<16xi1>, vector<16xi32>
        %max3A_702 = arith.maxsi %while3A_683, %select_n3A_701 : vector<16xi32>
        scf.yield %max3A_702 : vector<16xi32>
      }
      %while3A_672 = arith.constant 1 : i32
      %while3A_673 = scf.for %while3A_682 = %while3A_669 to %while3A_665 step %while3A_672 iter_args(%while3A_683 = %while3A_671) -> (vector<16xi32>)  : i32 {
        %mul3A_684 = arith.constant 16 : i32
        %mul3A_685 = arith.muli %while3A_682, %mul3A_684 : i32
        %get3A = arith.index_cast %mul3A_685 : i32 to index
        %get3A_686 = tpu.vector_load %arg5[%get3A] {strides = array<i32>} : memref<8192xf32, #tpu.memory_space<vmem>>, vector<16xf32>,
        %bitcast3A_687 = vector.bitcast %get3A_686 : vector<16xf32> to vector<16xi32>
        %lt3A_688 = arith.constant 0 : i32
        %lt3A_689 = vector.broadcast %lt3A_688 : i32 to vector<16xi32>
        %lt3A_690 = arith.cmpi slt, %bitcast3A_687, %lt3A_689 : vector<16xi32>
        %not3A_691 = arith.constant dense<-1> : vector<16xi32>
        %not3A_692 = arith.xori %bitcast3A_687, %not3A_691 : vector<16xi32>
        %xor3A_693 = vector.broadcast %cond3A_578 : i32 to vector<16xi32>
        %xor3A_694 = arith.xori %not3A_692, %xor3A_693 : vector<16xi32>
        %select_n3A_695 = arith.select %lt3A_690, %xor3A_694, %bitcast3A_687 : vector<16xi1>, vector<16xi32>
        %shift_right_arithmetic3A = arith.constant 21 : i32
        %shift_right_arithmetic3A_696 = vector.broadcast %shift_right_arithmetic3A : i32 to vector<16xi32>
        %shift_right_arithmetic3A_697 = arith.shrsi %select_n3A_695, %shift_right_arithmetic3A_696 : vector<16xi32>
        %eq3A = arith.cmpi eq, %shift_right_arithmetic3A_697, %broadcast_in_dim3A_525 : vector<16xi32>
        %lt3A_698 = arith.cmpi slt, %select_n3A_695, %broadcast_in_dim3A_660 : vector<16xi32>
        %and3A_699 = arith.andi %eq3A, %lt3A_698 : vector<16xi1>
        %broadcast_in_dim3A_700 = vector.broadcast %cond3A_577 : i32 to vector<16xi32>
        %select_n3A_701 = arith.select %and3A_699, %select_n3A_695, %broadcast_in_dim3A_700 : vector<16xi1>, vector<16xi32>
        %max3A_702 = arith.maxsi %while3A_683, %select_n3A_701 : vector<16xi32>
        scf.yield %max3A_702 : vector<16xi32>
      }
      %reduce_max3A_674 = arith.constant true
      %reduce_max3A_675 = vector.broadcast %reduce_max3A_674 : i1 to vector<16xi1>
      %reduce_max3A_676 = arith.constant -2147483648 : i32
      %reduce_max3A_677 = vector.broadcast %reduce_max3A_676 : i32 to vector<16xi32>
      %reduce_max3A_678 = arith.xori %while3A_673, %reduce_max3A_677 : vector<16xi32>
      %reduce_max3A_679 = tpu.scan <max>, %reduce_max3A_678 masked %reduce_max3A_675 : vector<16xi32>, vector<16xi1> -> vector<16xi32>
      %reduce_max3A_680 = arith.xori %reduce_max3A_679, %reduce_max3A_677 : vector<16xi32>
      %reduce_max3A_681 = vector.extract %reduce_max3A_680[15] : i32 from vector<16xi32>
      scf.yield %scan3A_642, %reduce_sum3A_659, %reduce_max3A_681 : i32, i32, i32
    }
    %add3A_582 = arith.addi %reduce_max3A_511, %cond3A_581#1 : i32
    %ge3A_583 = arith.constant 411 : i32
    %ge3A_584 = arith.cmpi sge, %add3A_582, %ge3A_583 : i32
    %max3A_585 = arith.maxsi %reduce_max3A_541, %cond3A_581#2 : i32
    %select_n3A_586 = arith.select %ge3A_584, %cond3A_581#0, %max3A_585 : i32
    %broadcast_in_dim3A_587 = vector.broadcast %cond3A_581#0 : i32 to vector<16xi32>
    %lt3A_588 = arith.constant 0 : i32
    %lt3A_589 = vector.broadcast %lt3A_588 : i32 to vector<16xi32>
    %lt3A_590 = arith.cmpi slt, %broadcast_in_dim3A_587, %lt3A_589 : vector<16xi32>
    %xor3A_591 = arith.constant -2147483648 : i32
    %xor3A_592 = vector.broadcast %xor3A_591 : i32 to vector<16xi32>
    %xor3A_593 = arith.xori %broadcast_in_dim3A_587, %xor3A_592 : vector<16xi32>
    %not3A_594 = arith.constant dense<-1> : vector<16xi32>
    %not3A_595 = arith.xori %xor3A_593, %not3A_594 : vector<16xi32>
    %select_n3A_596 = arith.select %lt3A_590, %not3A_595, %broadcast_in_dim3A_587 : vector<16xi1>, vector<16xi32>
    %bitcast3A_597 = vector.bitcast %select_n3A_596 : vector<16xi32> to vector<16xf32>
    %broadcast_in_dim3A_598 = vector.broadcast %select_n3A_586 : i32 to vector<16xi32>
    %lt3A_599 = arith.constant 0 : i32
    %lt3A_600 = vector.broadcast %lt3A_599 : i32 to vector<16xi32>
    %lt3A_601 = arith.cmpi slt, %broadcast_in_dim3A_598, %lt3A_600 : vector<16xi32>
    %xor3A_602 = arith.constant -2147483648 : i32
    %xor3A_603 = vector.broadcast %xor3A_602 : i32 to vector<16xi32>
    %xor3A_604 = arith.xori %broadcast_in_dim3A_598, %xor3A_603 : vector<16xi32>
    %not3A_605 = arith.constant dense<-1> : vector<16xi32>
    %not3A_606 = arith.xori %xor3A_604, %not3A_605 : vector<16xi32>
    %select_n3A_607 = arith.select %lt3A_601, %not3A_606, %broadcast_in_dim3A_598 : vector<16xi1>, vector<16xi32>
    %bitcast3A_608 = vector.bitcast %select_n3A_607 : vector<16xi32> to vector<16xf32>
    %add3A_609 = arith.addf %bitcast3A_597, %bitcast3A_608 : vector<16xf32>
    %mul3A_610 = arith.constant 5.000000e-01 : f32
    %mul3A_611 = vector.broadcast %mul3A_610 : f32 to vector<16xf32>
    %mul3A_612 = arith.mulf %add3A_609, %mul3A_611 : vector<16xf32>
    %broadcast_in_dim3A_613 = arith.constant 1.000000e+00 : f32
    %broadcast_in_dim3A_614 = vector.broadcast %broadcast_in_dim3A_613 : f32 to vector<16xf32>
    %broadcast_in_dim3A_615 = arith.constant 0.000000e+00 : f32
    %broadcast_in_dim3A_616 = vector.broadcast %broadcast_in_dim3A_615 : f32 to vector<16xf32>
    %parallel_loop3A_617 = arith.constant 0 : i32
    %parallel_loop3A_618 = arith.constant 512 : i32
    %parallel_loop3A_619 = arith.constant 1 : i32
    scf.for %parallel_loop3A_638 = %parallel_loop3A_617 to %parallel_loop3A_618 step %parallel_loop3A_619  : i32 {
      %parallel_loop3A_639 = arith.constant 16 : i32
      %parallel_loop3A_640 = arith.muli %parallel_loop3A_638, %parallel_loop3A_639 : i32
      %parallel_loop3A_641 = arith.index_cast %parallel_loop3A_640 : i32 to index
      %parallel_loop3A_642 = tpu.vector_load %arg5[%parallel_loop3A_641] {strides = array<i32>} : memref<8192xf32, #tpu.memory_space<vmem>>, vector<16xf32>,
      %parallel_loop3A_643 = arith.cmpf ogt, %parallel_loop3A_642, %mul3A_612 : vector<16xf32>
      %parallel_loop3A_644 = arith.select %parallel_loop3A_643, %broadcast_in_dim3A_614, %broadcast_in_dim3A_616 : vector<16xi1>, vector<16xf32>
      %parallel_loop3A_645 = arith.constant 16 : i32
      %parallel_loop3A_646 = arith.muli %parallel_loop3A_638, %parallel_loop3A_645 : i32
      %parallel_loop3A_647 = arith.index_cast %parallel_loop3A_646 : i32 to index
      %parallel_loop3A_648 = tpu.vector_load %arg5[%parallel_loop3A_647] {strides = array<i32>} : memref<8192xf32, #tpu.memory_space<vmem>>, vector<16xf32>,
      tpu.vector_store %arg5[%parallel_loop3A_647], %parallel_loop3A_644 {strides = array<i32>} : memref<8192xf32, #tpu.memory_space<vmem>>, vector<16xf32>,
    } {sc.loop_unroll_factor = 8 : i64, sc.parallel_access}
    %dma_start3A_620 = arith.constant 0 : i32
    %dma_start3A_621 = tpu.memref_slice %arg3[%add3A_28, %dma_start3A_620] : memref<128x8192xf32, #tpu.memory_space<hbm>> -> memref<1x8192xf32, #tpu.memory_space<hbm>>
    %dma_start3A_622 = tpu.memref_squeeze %dma_start3A_621 : memref<1x8192xf32, #tpu.memory_space<hbm>> -> memref<8192xf32, #tpu.memory_space<hbm>>
    %dma_start3A_623 = arith.constant 0 : i32
    %dma_start3A_624 = tpu.memref_slice %arg3[%add3A_28, %dma_start3A_623] : memref<128x8192xf32, #tpu.memory_space<hbm>> -> memref<1x8192xf32, #tpu.memory_space<hbm>>
    %dma_start3A_625 = tpu.memref_squeeze %dma_start3A_624 : memref<1x8192xf32, #tpu.memory_space<hbm>> -> memref<8192xf32, #tpu.memory_space<hbm>>
    tpu.enqueue_dma source(%arg5 : memref<8192xf32, #tpu.memory_space<vmem>>) target(%dma_start3A_625 : memref<8192xf32, #tpu.memory_space<hbm>>) target_semaphore(%arg11 : memref<!tpu.dma_semaphore, #tpu.memory_space<semaphore_mem>>)
    %dma_wait3A_626 = arith.constant 0 : i32
    %dma_wait3A_627 = tpu.memref_slice %arg3[%add3A_24, %dma_wait3A_626] : memref<128x8192xf32, #tpu.memory_space<hbm>> -> memref<1x8192xf32, #tpu.memory_space<hbm>>
    %dma_wait3A_628 = tpu.memref_squeeze %dma_wait3A_627 : memref<1x8192xf32, #tpu.memory_space<hbm>> -> memref<8192xf32, #tpu.memory_space<hbm>>
    %dma_wait3A_629 = arith.constant 0 : i32
    %dma_wait3A_630 = tpu.memref_slice %arg3[%add3A_24, %dma_wait3A_629] : memref<128x8192xf32, #tpu.memory_space<hbm>> -> memref<1x8192xf32, #tpu.memory_space<hbm>>
    %dma_wait3A_631 = tpu.memref_squeeze %dma_wait3A_630 : memref<1x8192xf32, #tpu.memory_space<hbm>> -> memref<8192xf32, #tpu.memory_space<hbm>>
    tpu.wait_dma2 semaphore(%arg10 : memref<!tpu.dma_semaphore, #tpu.memory_space<semaphore_mem>>) src(%arg4 : memref<8192xf32, #tpu.memory_space<vmem>>) dst(%dma_wait3A_631 : memref<8192xf32, #tpu.memory_space<hbm>>)
    %dma_wait3A_632 = arith.constant 0 : i32
    %dma_wait3A_633 = tpu.memref_slice %arg3[%add3A_28, %dma_wait3A_632] : memref<128x8192xf32, #tpu.memory_space<hbm>> -> memref<1x8192xf32, #tpu.memory_space<hbm>>
    %dma_wait3A_634 = tpu.memref_squeeze %dma_wait3A_633 : memref<1x8192xf32, #tpu.memory_space<hbm>> -> memref<8192xf32, #tpu.memory_space<hbm>>
    %dma_wait3A_635 = arith.constant 0 : i32
    %dma_wait3A_636 = tpu.memref_slice %arg3[%add3A_28, %dma_wait3A_635] : memref<128x8192xf32, #tpu.memory_space<hbm>> -> memref<1x8192xf32, #tpu.memory_space<hbm>>
    %dma_wait3A_637 = tpu.memref_squeeze %dma_wait3A_636 : memref<1x8192xf32, #tpu.memory_space<hbm>> -> memref<8192xf32, #tpu.memory_space<hbm>>
    tpu.wait_dma2 semaphore(%arg11 : memref<!tpu.dma_semaphore, #tpu.memory_space<semaphore_mem>>) src(%arg5 : memref<8192xf32, #tpu.memory_space<vmem>>) dst(%dma_wait3A_637 : memref<8192xf32, #tpu.memory_space<hbm>>)
    return
  }
}

</mosaic_0001>

<sc_bundles>
// kernel: kernel.3.cloned.1.call-start
scs
__scs_entry_jumppad:
0x0: {  	(pc) =	sbr.rel $0x88, $3  }
0x1: {  	(tag) =	ssettag $0x0;
	lr =	simm.s32 $0x1  }
0x2: {  	[smem:$0x3FA0] =	sst lr;
	_ =	strace $0xD0000000  }
0x3: {  	_ = 	snop  }
0x4: {  	_ = 	snop  }
0x5: {  	_ = 	snop  }
0x6: {  	_ = 	snop  }
0x7: {  	_ = 	snop  }
__scs_overlays_trampoline_lowered:
0x8: {  	[smem:$0x3FAF] =	sst s0  }
0x9: {  	[smem:$0x3FB0] =	sst s1  }
0xa: {  	[smem:$0x3FB1] =	sst s2  }
0xb: {  	[smem:$0x3FB2] =	sst s3  }
0xc: {  	[smem:$0x3FB3] =	sst s4  }
0xd: {  	[smem:$0x3FB4] =	sst s5  }
0xe: {  	[smem:$0x3FB5] =	sst s6  }
0xf: {  	[smem:$0x3FB6] =	sst s7  }
0x10: {  	[smem:$0x3FB7] =	sst s8  }
0x11: {  	[smem:$0x3FB8] =	sst s9;
	s0 =	simm.s32 @!p0 $0x0  }
0x12: {  	s1 =	sld [smem:$0x3F9E];
	s0 =	simm.s32 @p0 $0x1  }
0x13: {  	[smem:$0x3FB9] =	sst s0;
	s0 =	simm.s32 @!p1 $0x0  }
0x14: {  	s2 =	sld [smem:$0x3F9D];
	s0 =	simm.s32 @p1 $0x1  }
0x15: {  	[smem:$0x3FBA] =	sst s0;
	s0 =	simm.s32 @!p2 $0x0  }
0x16: {  	s3 =	sld [smem:$0x3FDB];
	s0 =	simm.s32 @p2 $0x1  }
0x17: {  	s4 =	simm.s32 $0x1BF5;
	[smem:$0x3FBC] =	sst s0  }
0x18: {  	s0 =	sld [smem:$0x3F9F];
	_ =	swait.ge [sflag:s4], $0x0  }
0x19: {  	s7 =	sld [smem:$0x3FA0]  }
0x1a: {  	s8 =	sadd.s32 $0xFFFFE003, lr  }
0x1b: {  	s9 =	sadd.s32 $0xFFFFFEF7, lr;
	s5 =	simm.s32 $0xFFFFFFFF;
	p2 =	slt.u32 s8, $0xFFFFF086  }
0x1c: {  	p1 =	slt.u32 s9, $0xF7A;
	s5 =	simm.s32 @!p2 $0x0  }
0x1d: {  	s5 =	simm.s32 @p1 $0x1;
	p0 =	seq.s32 s7, s2  }
0x1e: {  	s7 =	smul.u32 @!p0 $0xF7A, s2;
	p2 =	seq.s32 @!p0 s5, $0x0  }
0x1f: {  	s9 =	smul.u32 $0xF7A, s1;
	s8 =	simm.s32 @!p0 $0x1BF5;
	p2 =	por !p2, p0  }
0x20: {  	[sflag:s8] =	ssyncset.s32 @!p0 $0xFFFFF086;
	s6 =	sadd.s32 @!p0 s3, s7;
	s7 =	simm.s32 @!p0 $0x108  }
0x21: {  	s3 =	sadd.s32 s3, s9;
	s6 =	sadd.s32 @!p0 $0x88, s6;
	s7 =	simm.s32 @p2 $0x1082  }
0x22: {  	[simem:s7], [sflag:s8] =	dma.local @!p0 [hbm:s6], $0xF7A  }
0x23: {  	s9 =	sor.u32 $0xD0000000, s2;
	s6 =	simm.s32 $0x108;
	_ =	swait.ge @!p0 [sflag:s8], $0x0  }
0x24: {  	s3 =	sadd.s32 $0x88, s3;
	s6 =	simm.s32 @!p1 $0x1082;
	[sflag:s4] =	ssyncset.s32 $0xFFFFF086  }
0x25: {  	[simem:s6], [sflag:s4] =	dma.local [hbm:s3], $0xF7A  }
0x26: {  	[smem:$0x3FA0] =	sst s1;
	(tag) =	ssettag s2;
	_ =	strace s9  }
0x27: {  	s1 =	sld [smem:$0x3FB0]  }
0x28: {  	s2 =	sld [smem:$0x3FB1]  }
0x29: {  	s4 =	sld [smem:$0x3FB3]  }
0x2a: {  	p0 =	seq.s32 s5, $0x0;
	s5 =	sld [smem:$0x3FB4]  }
0x2b: {  	s6 =	sld [smem:$0x3FB5]  }
0x2c: {  	s7 =	sld [smem:$0x3FB6]  }
0x2d: {  	s3 =	simm.s32 $0x108;
	s8 =	sld [smem:$0x3FB7]  }
0x2e: {  	s3 =	simm.s32 @!p0 $0x1082;
	s9 =	sld [smem:$0x3FB8]  }
0x2f: {  	lr =	sadd.s32 s0, s3;
	s0 =	sld [smem:$0x3FAF]  }
0x30: {  	s3 =	sld [smem:$0x3FB2]  }
0x31: {  	[smem:$0x3FBB] =	sst s10  }
0x32: {  	s10 =	sld [smem:$0x3FB9];
	_ =	sdelay $0x3  }
0x33: {  	p0 =	seq.s32 s10, $0x1;
	s10 =	sld [smem:$0x3FBB];
	_ =	sdelay $0x3  }
0x34: {  	[smem:$0x3FBB] =	sst s10  }
0x35: {  	s10 =	sld [smem:$0x3FBA];
	_ =	sdelay $0x3  }
0x36: {  	p1 =	seq.s32 s10, $0x1;
	s10 =	sld [smem:$0x3FBB];
	_ =	sdelay $0x3  }
0x37: {  	[smem:$0x3FBB] =	sst s10  }
0x38: {  	s10 =	sld [smem:$0x3FBC]  }
0x39: {  	_ = 	snop;
	(pc) =	sbr.ind lr, $3  }
0x3a: {  	_ = 	snop  }
0x3b: {  	_ = 	snop  }
0x3c: {  	p2 =	seq.s32 s10, $0x1;
	s10 =	sld [smem:$0x3FBB]  }
0x3d: {  	_ =	shalt  }
0x3e: {  	_ =	shalt  }
0x3f: {  	_ =	shalt  }
0x40: {  	_ =	shalt  }
0x41: {  	_ =	shalt  }
0x42: {  	_ =	shalt  }
0x43: {  	_ =	shalt  }
0x44: {  	_ =	shalt  }
0x45: {  	_ =	shalt  }
0x46: {  	_ =	shalt  }
0x47: {  	_ =	shalt  }
0x48: {  	_ =	shalt  }
0x49: {  	_ =	shalt  }
0x4a: {  	_ =	shalt  }
0x4b: {  	_ =	shalt  }
0x4c: {  	_ =	shalt  }
0x4d: {  	_ =	shalt  }
0x4e: {  	_ =	shalt  }
0x4f: {  	_ =	shalt  }
0x50: {  	_ =	shalt  }
0x51: {  	_ =	shalt  }
0x52: {  	_ =	shalt  }
0x53: {  	_ =	shalt  }
0x54: {  	_ =	shalt  }
0x55: {  	_ =	shalt  }
0x56: {  	_ =	shalt  }
0x57: {  	_ =	shalt  }
0x58: {  	_ =	shalt  }
0x59: {  	_ =	shalt  }
0x5a: {  	_ =	shalt  }
0x5b: {  	_ =	shalt  }
0x5c: {  	_ =	shalt  }
0x5d: {  	_ =	shalt  }
0x5e: {  	_ =	shalt  }
0x5f: {  	_ =	shalt  }
0x60: {  	_ =	shalt  }
0x61: {  	_ =	shalt  }
0x62: {  	_ =	shalt  }
0x63: {  	_ =	shalt  }
0x64: {  	_ =	shalt  }
0x65: {  	_ =	shalt  }
0x66: {  	_ =	shalt  }
0x67: {  	_ =	shalt  }
0x68: {  	_ =	shalt  }
0x69: {  	_ =	shalt  }
0x6a: {  	_ =	shalt  }
0x6b: {  	_ =	shalt  }
0x6c: {  	_ =	shalt  }
0x6d: {  	_ =	shalt  }
0x6e: {  	_ =	shalt  }
0x6f: {  	_ =	shalt  }
0x70: {  	_ =	shalt  }
0x71: {  	_ =	shalt  }
0x72: {  	_ =	shalt  }
0x73: {  	_ =	shalt  }
0x74: {  	_ =	shalt  }
0x75: {  	_ =	shalt  }
0x76: {  	_ =	shalt  }
0x77: {  	_ =	shalt  }
0x78: {  	_ =	shalt  }
0x79: {  	_ =	shalt  }
0x7a: {  	_ =	shalt  }
0x7b: {  	_ =	shalt  }
0x7c: {  	_ =	shalt  }
0x7d: {  	_ =	shalt  }
0x7e: {  	_ =	shalt  }
0x7f: {  	_ =	shalt  }
0x80: {  	_ =	shalt  }
0x81: {  	_ =	shalt  }
0x82: {  	_ =	shalt  }
0x83: {  	_ =	shalt  }
0x84: {  	_ =	shalt  }
0x85: {  	_ =	shalt  }
0x86: {  	_ =	shalt  }
0x87: {  	_ =	shalt  }
.Lfunc_end0:
.L_simem_size_0:
called_computation_lowered:
.L_overlay_start_0:
0x88: {  	s2 =	sld [smem:$0x3FD9]  }
0x89: {  	s3 =	sld [smem:$0x3FFE];
	_ =	sdelay $0x1  }
0x8a: {  	s1 =	srdreg.scid  }
0x8b: {  	s0 =	sand.u32 $0x1, s1  }
0x8c: {  	s18 =	sshll.u32 s0, $0xA;
	s2 =	sadd.s32 s3, s2  }
0x8d: {  	s2 =	sadd.s32 s2, s18  }
0x8e: {  	[smem:$0x3FC7] =	sst s2  }
0x8f: {  	_ = 	snop  }
0x90: {  	s2 =	sld [smem:$0x3FC9]  }
0x91: {  	s19 =	sld [smem:$0x3FD0];
	(tm) =	ssettm $0x1  }
0x92: {  	s4 =	sld [smem:$0x3FFB];
	_ =	sdelay $0x3  }
0x93: {  	_ =	strace s4  }
0x94: {  	s4 =	sld [smem:$0x3FFC];
	_ =	sdelay $0x3  }
0x95: {  	_ =	strace s4  }
0x96: {  	s4 =	sld [smem:$0x3FFD];
	_ =	sdelay $0x3  }
0x97: {  	_ =	strace s4  }
0x98: {  	_ =	strace $0x8FFFFFFF  }
0x99: {  	s20 =	sld [smem:$0x3FDB];
	_ =	sdelay $0x1  }
0x9a: {  	s5 =	simm.s32 $_scs_section_size  }
0x9b: {  	s6 =	simm.s32 $_size__tile_overlayer_lowered;
	s7 =	simm.s32 $_tile_overlayer_lowered  }
0x9c: {  	s23 =	simm.s32 $0x1BFF;
	s22 =	sshll.u32 s7, $0x1;
	s4 =	sadd.s32 s5, s20  }
0x9d: {  	s8 =	simm.s32 $0x0;
	s21 =	sshll.u32 s6, $0x1;
	s6 =	sadd.s32 s22, s4  }
0x9e: {  	[timem:s8], [sflag:s23] =	dma.local [hbm:s6], s21  }
0x9f: {  	_ =	swait.ge [sflag:s23], s21  }
0xa0: {  	s5 =	ssub.s32 $0x0, s21;
	[sflag:s23] =	ssyncset.done $0x0  }
0xa1: {  	[sflag:s23] =	ssyncadd.s32 s5;
	_ =	sdelay $0x1  }
0xa2: {  	s24 =	simm.s32 $0x1B8B  }
0xa3: {  	_ =	swait.ge [sflag:s24], $0x1  }
0xa4: {  	[sflag:s24] =	ssyncset.done $0x0  }
0xa5: {  	s25 =	simm.s32 $0x1B8E;
	[sflag:s24] =	ssyncadd.s32 $0xFFFFFFFF  }
0xa6: {  	s26 =	simm.s32 $execute0_lowered;
	[smem:$0x3FD2] =	sst s25  }
0xa7: {  	s5 =	sshll.u32 s26, $0x1;
	_ =	strace $0x80000046;
	[dreg:$0x1] =	wrdreg $0xFFFFFFFF  }
0xa8: {  	s28 =	simm.s32 $_size_execute0_lowered;
	s4 =	sadd.s32 s4, s5;
	[dreg:$0x0] =	wrdreg $0x0  }
0xa9: {  	s5 =	sshll.u32 s28, $0x1;
	[dreg:$0x2] =	wrdreg s4  }
0xaa: {  	[dreg:$0x3] =	wrdreg s5  }
0xab: {  	[dreg:$0x4] =	wrdreg $0xC0  }
0xac: {  	_ =	task [dreg:s8], $0x5FFFF  }
0xad: {  	[dreg:$0x1] =	wrdreg $0xFFFFFFFF  }
0xae: {  	[dreg:$0x0] =	wrdreg $0x60  }
0xaf: {  	[dreg:$0x2] =	wrdreg s2  }
0xb0: {  	[dreg:$0x3] =	wrdreg s19  }
0xb1: {  	[dreg:$0x4] =	wrdreg $0x9  }
0xb2: {  	_ =	task.clear_ibuf [dreg:s8], $0x5FFFF;
	_ =	strace $0x90000046  }
0xb3: {  	s29 =	simm.s32 $0x9;
	_ =	strace $0x80000048  }
0xb4: {  	_ =	swait.ge [sflag:s29], $0x1  }
0xb5: {  	[sflag:s29] =	ssyncadd.s32 $0xFFFFFFFF  }
0xb6: {  	_ =	strace $0x90000048  }
0xb7: {  	_ =	sfence  }
0xb8: {  	s30 =	sld [smem:$0x0];
	_ =	sdelay $0x2  }
0xb9: {  	s31 =	sshll.u32 s1, $0xD;
	s1 =	sshrl.u32 s1, $0x2  }
0xba: {  	s3 =	sand.u32 $0x4000, s31;
	s1 =	sadd.s32 s1, s30  }
0xbb: {  	s0 =	sor.u32 s3, s0;
	s1 =	sshll.u32 s1, $0x11  }
0xbc: {  	s0 =	sor.u32 s1, s0  }
0xbd: {  	s0 =	sadd.s32 $0x8F2B, s0  }
0xbe: {  	[sflag:s0] =	ssyncadd.remote.s32 $0x1  }
0xbf: {  	_ =	sfence.sel $0xFFFF  }
0xc0: {  	[dreg:$0x0] =	wrdreg $0xFFFFFFFF;
	(pc) =	sbr.abs _section_cstart, $3  }
0xc1: {  	[dreg:$0x1] =	wrdreg $0xFFFFFFFF  }
0xc2: {  	_ =	task.clear_ibuf [dreg:s8], $0x2FFFF;
	_ =	strace $0x9FFFFFFF  }
0xc3: {  	(tm) =	ssettm $0x7FFFFFFF  }
tec
execute0_lowered:
.L_overlay_start_1:
0x0: {  	(tag) =	ssettag $0x1  }
0x1: {  	s0 =	rddreg [dreg:$0x0];
	s1 =	simm.s32 $0x0  }
0x2: {  	[smem:$0x7FF] =	sst s1  }
0x3: {  	s2 =	rddreg [dreg:$0x1];
	v0 =	vimm.s32 $0x0;
	_ =	strace $0x80000047  }
0x4: {  	(xrf0) =	vadd.scan.msk.s32 $0xffff, v0;
	_ =	sdelay $0x5  }
0x5: {  	v1, _, _ =	vpop (xrf0)  }
0x6: {  	(v2sf) =	vpush v1, $0xF;
	_ =	sdelay $0x4  }
0x7: {  	s3 =	srdreg.scid;
	s4 =	stileid.u32  }
0x8: {  	s13 =	simm.s32 $0x80;
	s14 =	simm.s32 $0x400;
	s15 =	simm.s32 $0x1  }
0x9: {  	s16 =	simm.s32 $0x2000;
	s17 =	simm.s32 $0x4000;
	s18 =	simm.s32 $0x6000  }
0xa: {  	s19 =	simm.s32 $0x100000;
	s20 =	simm.s32 $0x2;
	s3 =	sand.u32 $0x1, s3  }
0xb: {  	s21 =	simm.s32 $0x3;
	s4 =	sshll.u32 s4, $0xD;
	s5 =	sshll.u32 s3, $0x6  }
0xc: {  	s22 =	simm.s32 $0x4;
	s3 =	ssub.s32 $0x2, s3;
	s6 =	sor.u32 s5, s4  }
0xd: {  	s23 =	simm.s32 $0x0;
	s29 =	sshrl.u32 s3, $0x1;
	s7 =	sor.u32 $0x10, s6  }
0xe: {  	s3 =	ssub.s32 s3, s29;
	s30 =	sadd.s32 s0, s6;
	s5 =	sadd.s32 s2, s6;
	v1 =	vlaneseq.u32  }
0xf: {  	s9 =	sor.u32 $0x20, s6;
	s10 =	sor.u32 $0x30, s6;
	[dreg:$0x3] =	wrdreg s30;
	v2 =	vand.u32 $0x3, v1  }
0x10: {  	s4 =	sadd.s32 s0, s7;
	s6 =	sadd.s32 s0, s9;
	s7 =	sadd.s32 s2, s7;
	v2 =	vmul.u32 $0x800, v2  }
0x11: {  	s8 =	sadd.s32 s0, s10;
	s9 =	sadd.s32 s2, s9;
	s31 =	spop (v2sf)  }
0x12: {  	v3 =	vimm.s32 $0x1;
	v4 =	vimm.f32 $0.0e+00;
	s10 =	sadd.s32 s2, s10;
	s11 =	smax.u32 s3, $0x1;
	v2 =	vor.u32 $0x400, v2;
	[dreg:$0x4] =	wrdreg s31  }
.LBB2_1:
0x13: {  	s0 =	simm.s32 $0x4040  }
0x14: {  	[tilespmem:s0+$0xFFFFFFC0] =	vst v0  }
0x15: {  	[tilespmem:s0+$0x30] =	vst v0  }
0x16: {  	[tilespmem:s0+$0x20] =	vst v0  }
0x17: {  	[tilespmem:s0+$0x10] =	vst v0  }
0x18: {  	[tilespmem:s0+$0x0] =	vst v0  }
0x19: {  	[tilespmem:s0+$0xFFFFFFF0] =	vst v0  }
0x1a: {  	s2 =	simm.s32 $0x0;
	[tilespmem:s0+$0xFFFFFFE0] =	vst v0  }
.LBB2_2:
0x1b: {  	s2 =	sadd.s32 $0x8, s2;
	[tilespmem:s0+$0xFFFFFFD0] =	vst v0;
	s0 =	sadd.s32 $0x80, s0  }
0x1c: {  	[tilespmem:s0+$0xFFFFFFC0] =	vst v0;
	p0 =	slt.u32 s2, $0x1F8  }
0x1d: {  	[tilespmem:s0+$0x30] =	vst v0  }
.Ltmp0:
0x1e: {  	[tilespmem:s0+$0x20] =	vst v0;
	(pc) =	sbr.rel @p0 .LBB2_2-.Ltmp0, $4  }
0x1f: {  	[tilespmem:s0+$0x10] =	vst v0  }
0x20: {  	[tilespmem:s0+$0x0] =	vst v0  }
0x21: {  	[tilespmem:s0+$0xFFFFFFF0] =	vst v0  }
0x22: {  	[tilespmem:s0+$0xFFFFFFE0] =	vst v0  }
0x23: {  	[tilespmem:s0+$0xFFFFFFD0] =	vst v0  }
0x24: {  	s0 =	rddreg [dreg:$0x3]  }
0x25: {  	[tilespmem:s1], [sflag:$0x1] =	stream.strided.gather [hbm4b:s0+s13], $0x2000, s14, s13, $0x38;
	[tilespmem:$0x6800] =	vst v63  }
0x26: {  	_ =	swait.ge [sflag:s15], $0x2000  }
0x27: {  	[sflag:s15] =	ssyncset.done $0x0  }
0x28: {  	s31 =	simm.s32 $0x40;
	[sflag:s15] =	ssyncadd.s32 $0xFFFFE000  }
0x29: {  	[tilespmem:s16], [sflag:$0x2] =	stream.strided.gather [hbm4b:s4+s13], $0x2000, s14, s13, $0x38;
	[tilespmem:$0x6800] =	vst v63  }
0x2a: {  	v6 =	vld [tilespmem:s31+$0xFFFFFFC0]  }
0x2b: {  	v8 =	vld [tilespmem:s31+$0x20]  }
0x2c: {  	v11 =	vld [tilespmem:s31+$0xFFFFFFF0];
	_ =	sdelay $0x1  }
0x2d: {  	v9 =	vld [tilespmem:s31+$0xFFFFFFE0]  }
0x2e: {  	v13 =	vld [tilespmem:s31+$0xFFFFFFD0];
	v7 =	vshra.s32 v6, $0x15  }
0x2f: {  	v5 =	vld [tilespmem:s31+$0x0];
	vm0 =	vlt.s32 v6, $0x0;
	v6 =	vxor.u32 $0x3FF, v7  }
0x30: {  	v10 =	vld [tilespmem:s31+$0x30];
	v14 =	vshra.s32 v8, $0x15;
	vm3 =	vlt.s32 v11, $0x0;
	v6 =	vsel vm0, v6, v7  }
0x31: {  	vm0 =	vlt.s32 v8, $0x0;
	v8 =	vxor.u32 $0x3FF, v14;
	v12 =	vadd.s32 v2, v6  }
0x32: {  	v16 =	vshra.s32 v11, $0x15;
	vm1 =	vlt.s32 v9, $0x0;
	v8 =	vsel vm0, v8, v14  }
0x33: {  	vm2 =	vlt.s32 v13, $0x0;
	v17 =	vxor.u32 $0x3FF, v16;
	v11 =	vadd.s32 v2, v8;
	v8 =	vld [tilespmem:s31+$0x10]  }
0x34: {  	v7 =	vimm.s32 $0x7FFFFFFF;
	v6 =	vshra.s32 v5, $0x15;
	v14 =	vshra.s32 v13, $0x15  }
0x35: {  	s25 =	simm.s32 $0x0;
	s26 =	simm.s32 $0xC0;
	s24 =	simm.s32 $0x57C0;
	vm0 =	vlt.s32 v10, $0x0;
	v13 =	vsel vm3, v17, v16;
	v15 =	vxor.u32 $0x3FF, v14  }
.LBB2_4:
0x36: {  	s25 =	sadd.s32 $0x8, s25;
	[tilespmem:v12+s17+$0x0] =	vst.idx.add.s32.msk $0xffff, v3;
	v12 =	vsel vm2, v15, v14;
	v9 =	vshra.s32 v9, $0x15;
	v10 =	vshra.s32 v10, $0x15  }
0x37: {  	v14 =	vld [tilespmem:s26+$0x20];
	p0 =	slt.u32 s25, $0x1F8;
	v15 =	vadd.s32 v2, v12;
	v12 =	vxor.u32 $0x3FF, v9;
	v16 =	vxor.u32 $0x3FF, v10  }
0x38: {  	v13 =	vadd.s32 v2, v13;
	v17 =	vld [tilespmem:s26+$0xFFFFFFC0];
	v9 =	vsel vm1, v12, v9;
	vm1 =	vlt.s32 v8, $0x0  }
0x39: {  	vm2 =	vlt.s32 v5, $0x0;
	v5 =	vshra.s32 v8, $0x15;
	v18 =	vadd.s32 v2, v9;
	[tilespmem:v11+s17+$0x0] =	vst.idx.add.s32.msk $0xffff, v3  }
0x3a: {  	v8 =	vxor.u32 $0x3FF, v6;
	v10 =	vsel vm0, v16, v10;
	v9 =	vxor.u32 $0x3FF, v5;
	v11 =	vld [tilespmem:s26+$0xFFFFFFF0]  }
0x3b: {  	v6 =	vsel vm2, v8, v6;
	v12 =	vadd.s32 v2, v10;
	v8 =	vsel vm1, v9, v5;
	v19 =	vld [tilespmem:s26+$0xFFFFFFD0]  }
0x3c: {  	v20 =	vadd.s32 v2, v8;
	v5 =	vld [tilespmem:s26+$0x0]  }
0x3d: {  	v9 =	vld [tilespmem:s26+$0xFFFFFFE0]  }
0x3e: {  	v22 =	vadd.s32 v2, v6;
	v21 =	vshra.s32 v17, $0x15;
	v10 =	vld [tilespmem:s26+$0x30]  }
0x3f: {  	vm0 =	vlt.s32 v17, $0x0;
	v17 =	vshra.s32 v14, $0x15;
	v6 =	vxor.u32 $0x3FF, v21;
	v8 =	vld [tilespmem:s26+$0x10]  }
0x40: {  	v16 =	vimm.s32 $0x0;
	v6 =	vsel vm0, v6, v21;
	[tilespmem:v12+s17+$0x0] =	vst.idx.add.s32.msk $0xffff, v3  }
.Ltmp1:
0x41: {  	vm0 =	vlt.s32 v14, $0x0;
	v14 =	vxor.u32 $0x3FF, v17;
	v12 =	vadd.s32 v2, v6;
	[tilespmem:v18+s17+$0x0] =	vst.idx.add.s32.msk $0xffff, v3;
	(pc) =	sbr.rel @p0 .LBB2_4-.Ltmp1, $4  }
0x42: {  	vm3 =	vlt.s32 v11, $0x0;
	v14 =	vsel vm0, v14, v17;
	v6 =	vshra.s32 v5, $0x15;
	[tilespmem:v15+s17+$0x0] =	vst.idx.add.s32.msk $0xffff, v3  }
0x43: {  	v17 =	vshra.s32 v11, $0x15;
	v11 =	vadd.s32 v2, v14;
	vm0 =	vlt.s32 v10, $0x0;
	[tilespmem:v22+s17+$0x0] =	vst.idx.add.s32.msk $0xffff, v3  }
0x44: {  	v14 =	vshra.s32 v19, $0x15;
	v18 =	vxor.u32 $0x3FF, v17;
	vm1 =	vlt.s32 v9, $0x0;
	[tilespmem:v13+s17+$0x0] =	vst.idx.add.s32.msk $0xffff, v3  }
0x45: {  	s26 =	sadd.s32 $0x80, s26;
	vm2 =	vlt.s32 v19, $0x0;
	v15 =	vxor.u32 $0x3FF, v14;
	v13 =	vsel vm3, v18, v17;
	[tilespmem:v20+s17+$0x0] =	vst.idx.add.s32.msk $0xffff, v3  }
0x46: {  	v10 =	vshra.s32 v10, $0x15;
	v9 =	vshra.s32 v9, $0x15  }
0x47: {  	v14 =	vsel vm2, v15, v14;
	v17 =	vxor.u32 $0x3FF, v10;
	v18 =	vxor.u32 $0x3FF, v9  }
0x48: {  	v14 =	vadd.s32 v2, v14;
	v10 =	vsel vm0, v17, v10;
	v9 =	vsel vm1, v18, v9  }
0x49: {  	vm0 =	vlt.s32 v5, $0x0;
	v5 =	vxor.u32 $0x3FF, v6;
	v10 =	vadd.s32 v2, v10  }
0x4a: {  	v15 =	vshra.s32 v8, $0x15;
	v9 =	vadd.s32 v2, v9;
	v5 =	vsel vm0, v5, v6  }
0x4b: {  	[tilespmem:v12+s17+$0x0] =	vst.idx.add.s32.msk $0xffff, v3;
	vm0 =	vlt.s32 v8, $0x0;
	v6 =	vxor.u32 $0x3FF, v15;
	v8 =	vadd.s32 v2, v13  }
0x4c: {  	[tilespmem:v11+s17+$0x0] =	vst.idx.add.s32.msk $0xffff, v3;
	v5 =	vadd.s32 v2, v5;
	v6 =	vsel vm0, v6, v15  }
0x4d: {  	v6 =	vadd.s32 v2, v6;
	[tilespmem:v14+s17+$0x0] =	vst.idx.add.s32.msk $0xffff, v3  }
0x4e: {  	[tilespmem:v10+s17+$0x0] =	vst.idx.add.s32.msk $0xffff, v3  }
0x4f: {  	[tilespmem:v9+s17+$0x0] =	vst.idx.add.s32.msk $0xffff, v3  }
0x50: {  	[tilespmem:v8+s17+$0x0] =	vst.idx.add.s32.msk $0xffff, v3  }
0x51: {  	[tilespmem:v5+s17+$0x0] =	vst.idx.add.s32.msk $0xffff, v3  }
0x52: {  	[tilespmem:v6+s17+$0x0] =	vst.idx.add.s32.msk $0xffff, v3  }
0x53: {  	v5 =	vld [tilespmem:s24+$0xFFFFF830]  }
0x54: {  	v6 =	vld [tilespmem:s24+$0xFFFFF800]  }
0x55: {  	v8 =	vld [tilespmem:s24+$0xFFFFF000]  }
0x56: {  	v9 =	vld [tilespmem:s24+$0x10]  }
0x57: {  	v10 =	vld [tilespmem:s24+$0xFFFFF030]  }
0x58: {  	v11 =	vld [tilespmem:s24+$0x30]  }
0x59: {  	v12 =	vld [tilespmem:s24+$0x830]  }
0x5a: {  	v13 =	vld [tilespmem:s24+$0xFFFFF810]  }
0x5b: {  	v14 =	vld [tilespmem:s24+$0xFFFFF020];
	[tilespmem:s24+$0xFFFFF830] =	vst v0  }
0x5c: {  	v15 =	vld [tilespmem:s24+$0xFFFFF010];
	[tilespmem:s24+$0xFFFFF800] =	vst v0;
	v5 =	vadd.s32 v10, v5  }
0x5d: {  	[tilespmem:s24+$0x10] =	vst v0;
	v17 =	vld [tilespmem:s24+$0xFFFFF820];
	v5 =	vadd.s32 v11, v5  }
0x5e: {  	[tilespmem:s24+$0x30] =	vst v0;
	v10 =	vld [tilespmem:s24+$0x810];
	v18 =	vadd.s32 v12, v5  }
0x5f: {  	[tilespmem:s24+$0xFFFFF020] =	vst v0;
	v11 =	vld [tilespmem:s24+$0x0];
	(xrf0) =	vadd.scan.msk.s32 $0xffff, v18  }
0x60: {  	[tilespmem:s24+$0xFFFFF030] =	vst v0;
	v12 =	vld [tilespmem:s24+$0x800]  }
0x61: {  	v19 =	vld [tilespmem:s24+$0x20];
	[tilespmem:s24+$0xFFFFF010] =	vst v0  }
0x62: {  	[tilespmem:s24+$0xFFFFF820] =	vst v0;
	v5 =	vadd.s32 v15, v13;
	v13 =	vld [tilespmem:s24+$0x820]  }
0x63: {  	s25 =	simm.s32 $0x5780;
	[tilespmem:s24+$0x830] =	vst v0;
	v6 =	vadd.s32 v8, v6;
	v5 =	vadd.s32 v9, v5  }
0x64: {  	[tilespmem:s24+$0x20] =	vst v0;
	v22 =	vld [tilespmem:s25+$0x830];
	v5 =	vadd.s32 v10, v5;
	v6 =	vadd.s32 v11, v6  }
0x65: {  	[tilespmem:s24+$0xFFFFF810] =	vst v0;
	v26 =	vld [tilespmem:s25+$0xFFFFF010];
	v8 =	vadd.s32 v14, v17;
	(xrf0) =	vadd.scan.msk.s32 $0xffff, v5;
	v6 =	vadd.s32 v12, v6;
	v20, _, _ =	vpop (xrf0)  }
0x66: {  	[tilespmem:s24+$0xFFFFF000] =	vst v0;
	v27 =	vld [tilespmem:s25+$0x0];
	v8 =	vadd.s32 v19, v8;
	(xrf0) =	vadd.scan.msk.s32 $0xffff, v6;
	v9 =	vxor.u32 $0x80000000, v20  }
0x67: {  	v28 =	vld [tilespmem:s25+$0x820];
	[tilespmem:s24+$0x810] =	vst v0;
	v17 =	vadd.s32 v13, v8;
	(xrf0) =	vmax.scan.msk.u32 $0xffff, v9  }
0x68: {  	[tilespmem:s24+$0x0] =	vst v0;
	v15 =	vld [tilespmem:s25+$0x30];
	(xrf0) =	vadd.scan.msk.s32 $0xffff, v17  }
0x69: {  	[tilespmem:s24+$0x800] =	vst v0;
	v10 =	vld [tilespmem:s25+$0xFFFFF030]  }
0x6a: {  	[tilespmem:s24+$0x820] =	vst v0;
	s24 =	simm.s32 $0x5740;
	v8 =	vld [tilespmem:s25+$0xFFFFF830]  }
0x6b: {  	v29 =	vld [tilespmem:s24+$0xFFFFF020];
	v23, _, _ =	vpop (xrf0)  }
0x6c: {  	v30 =	vld [tilespmem:s24+$0xFFFFF030];
	v14 =	vxor.u32 $0x80000000, v23;
	v24, _, _ =	vpop (xrf0)  }
0x6d: {  	v31 =	vld [tilespmem:s24+$0xFFFFF010];
	(xrf0) =	vmax.scan.msk.u32 $0xffff, v14;
	v19, _, _ =	vpop (xrf0)  }
0x6e: {  	v13 =	vld [tilespmem:s25+$0xFFFFF810];
	v14 =	vxor.u32 $0x80000000, v24;
	v21, _, _ =	vpop (xrf0)  }
0x6f: {  	[tilespmem:s25+$0xFFFFF010] =	vst v0;
	v9 =	vld [tilespmem:s25+$0x10];
	v8 =	vadd.s32 v10, v8;
	(xrf0) =	vmax.scan.msk.u32 $0xffff, v14;
	v25 =	vxor.u32 $0x80000000, v21  }
0x70: {  	[tilespmem:s25+$0x0] =	vst v0;
	v8 =	vadd.s32 v15, v8;
	(xrf0) =	vmax.scan.msk.u32 $0xffff, v25;
	v25 =	vld [tilespmem:s25+$0x810]  }
0x71: {  	[tilespmem:s25+$0x830] =	vst v0;
	v11 =	vld [tilespmem:s25+$0xFFFFF800];
	(v2sf) =	vpush v19, $0xF  }
0x72: {  	[tilespmem:s25+$0x820] =	vst v0;
	v12 =	vld [tilespmem:s25+$0xFFFFF000]  }
0x73: {  	[tilespmem:s25+$0x30] =	vst v0;
	v13 =	vadd.s32 v26, v13;
	v15 =	vld [tilespmem:s25+$0x800];
	v10 =	vadd.s32 v22, v8;
	v8, _, _ =	vpop (xrf0)  }
0x74: {  	[tilespmem:s24+$0xFFFFF030] =	vst v0;
	v14 =	vld [tilespmem:s25+$0xFFFFF020];
	(xrf0) =	vadd.scan.msk.s32 $0xffff, v10;
	(v2sf) =	vpush v8, $0xF;
	v8 =	vadd.s32 v9, v13  }
0x75: {  	[tilespmem:s24+$0xFFFFF010] =	vst v0;
	v19 =	vld [tilespmem:s25+$0xFFFFF820];
	v9 =	vadd.s32 v25, v8  }
0x76: {  	[tilespmem:s24+$0xFFFFF020] =	vst v0;
	v26 =	vld [tilespmem:s25+$0x20];
	v22, _, _ =	vpop (xrf0);
	(xrf0) =	vadd.scan.msk.s32 $0xffff, v9  }
0x77: {  	v35 =	vld [tilespmem:s24+$0x810];
	[tilespmem:s24+$0x810] =	vst v0  }
0x78: {  	v36 =	vld [tilespmem:s24+$0x0];
	[tilespmem:s24+$0x0] =	vst v0;
	v8 =	vadd.s32 v12, v11  }
0x79: {  	v60 =	vld [tilespmem:s24+$0x800];
	[tilespmem:s24+$0x800] =	vst v0;
	v13, _, _ =	vpop (xrf0);
	v8 =	vadd.s32 v27, v8  }
0x7a: {  	v61 =	vld [tilespmem:s24+$0xFFFFF820];
	[tilespmem:s24+$0xFFFFF820] =	vst v0;
	v11 =	vadd.s32 v14, v19;
	(v2sf) =	vpush v13, $0xF;
	v8 =	vadd.s32 v15, v8;
	v14, _, _ =	vpop (xrf0)  }
0x7b: {  	v33 =	vld [tilespmem:s24+$0x830];
	[tilespmem:s24+$0x830] =	vst v0;
	v11 =	vadd.s32 v26, v11;
	(xrf0) =	vadd.scan.msk.s32 $0xffff, v8;
	v12 =	vxor.u32 $0x80000000, v14  }
0x7c: {  	[tilespmem:s25+$0xFFFFF030] =	vst v0;
	v11 =	vadd.s32 v28, v11;
	(xrf0) =	vmax.scan.msk.u32 $0xffff, v12;
	v13, _, _ =	vpop (xrf0)  }
0x7d: {  	[tilespmem:s25+$0xFFFFF800] =	vst v0;
	(xrf0) =	vadd.scan.msk.s32 $0xffff, v11;
	v12 =	vxor.u32 $0x80000000, v13  }
0x7e: {  	[tilespmem:s25+$0xFFFFF830] =	vst v0;
	(v2sf) =	vpush v22, $0xF;
	(xrf0) =	vmax.scan.msk.u32 $0xffff, v12  }
0x7f: {  	[tilespmem:s25+$0xFFFFF810] =	vst v0  }
0x80: {  	[tilespmem:s25+$0xFFFFF000] =	vst v0;
	v19 =	vld [tilespmem:s24+$0xFFFFF830];
	s0 =	spop (v2sf)  }
0x81: {  	[tilespmem:s25+$0x10] =	vst v0;
	v25 =	vld [tilespmem:s24+$0xFFFFF800];
	s0 =	sadd.s32 $0x0, s0;
	v12, _, _ =	vpop (xrf0)  }
0x82: {  	[tilespmem:s25+$0x20] =	vst v0;
	v27 =	vld [tilespmem:s24+$0xFFFFF810];
	s0 =	sadd.s32 $0x80000000, s0;
	v32, _, _ =	vpop (xrf0)  }
0x83: {  	[tilespmem:s25+$0x800] =	vst v0;
	v28 =	vld [tilespmem:s24+$0x30];
	v20 =	vsub.s32 s0, v20;
	v15, _, _ =	vpop (xrf0);
	(v2sf) =	vpush v32, $0xF  }
0x84: {  	[tilespmem:s25+$0xFFFFF020] =	vst v0;
	v22 =	vld [tilespmem:s24+$0xFFFFF000];
	v34 =	vxor.u32 $0x80000000, v12;
	v37 =	vadd.s32 v18, v20;
	v18, _, _ =	vpop (xrf0)  }
0x85: {  	[tilespmem:s25+$0xFFFFF820] =	vst v0;
	v26 =	vld [tilespmem:s24+$0x10];
	s2 =	spop (v2sf);
	(xrf0) =	vmax.scan.msk.u32 $0xffff, v34;
	v59 =	vxor.u32 $0x80000000, v15;
	(v2sf) =	vpush v18, $0xF  }
0x86: {  	[tilespmem:s25+$0x810] =	vst v0;
	(xrf0) =	vmax.scan.msk.u32 $0xffff, v59  }
0x87: {  	[tilespmem:s24+$0xFFFFF830] =	vst v0;
	v19 =	vadd.s32 v30, v19  }
0x88: {  	v29 =	vadd.s32 v29, v61;
	[tilespmem:s24+$0xFFFFF800] =	vst v0;
	v18 =	vadd.s32 v28, v19  }
0x89: {  	[tilespmem:s24+$0x10] =	vst v0;
	v20 =	vadd.s32 v22, v25;
	v19 =	vadd.s32 v31, v27;
	v27 =	vld [tilespmem:s24+$0x20];
	s3 =	spop (v2sf);
	v18 =	vadd.s32 v33, v18  }
0x8a: {  	vm1 =	vgt.s32 v37, $0x199;
	v20 =	vadd.s32 v36, v20;
	v28 =	vld [tilespmem:s24+$0x820];
	v19 =	vadd.s32 v26, v19;
	s0 =	sadd.s32 s3, s0;
	(xrf0) =	vadd.scan.msk.s32 $0xffff, v18  }
0x8b: {  	[tilespmem:s24+$0xFFFFF810] =	vst v0;
	vm0 =	vlt.s32 v7, v37;
	v22 =	vsel vm1, $0x1, v0;
	v19 =	vadd.s32 v35, v19;
	s0 =	sadd.s32 $0x80000000, s0;
	v25, _, _ =	vpop (xrf0)  }
0x8c: {  	v20 =	vadd.s32 v60, v20;
	v62 =	vsel vm1, $0x0, v37;
	v63 =	vsel vm0, v7, v37;
	(xrf0) =	vadd.scan.msk.s32 $0xffff, v19;
	s2 =	sadd.s32 s2, s0;
	v26, _, _ =	vpop (xrf0)  }
0x8d: {  	[tilespmem:s24+$0x30] =	vst v0;
	v22 =	vadd.s32 v22, v16;
	s31 =	spop (v2sf);
	v21 =	vsub.s32 s0, v21;
	s2 =	sadd.s32 $0x80000000, s2;
	(v2sf) =	vpush v26, $0xF  }
0x8e: {  	vm2 =	vgt.s32 v16, v62;
	(xrf0) =	vadd.scan.msk.s32 $0xffff, v20;
	v27 =	vadd.s32 v27, v29;
	v21 =	vadd.s32 v17, v21;
	s3 =	sadd.s32 s31, s2  }
0x8f: {  	[tilespmem:s24+$0x20] =	vst v0;
	v16 =	vsel vm2, v16, v62;
	v17 =	vadd.s32 v28, v27;
	vm0 =	vgt.s32 v21, $0x199;
	s28 =	sadd.s32 $0x80000000, s3  }
0x90: {  	s26 =	simm.s32 $0x5700;
	s25 =	simm.s32 $0x8;
	[tilespmem:s24+$0x820] =	vst v0;
	v27 =	vsel vm1, v63, v7;
	v23 =	vsub.s32 s2, v23;
	v26 =	vsub.s32 s28, v24;
	v24, _, _ =	vpop (xrf0)  }
.LBB2_6:
0x91: {  	v28 =	vld [tilespmem:s26+$0xFFFFF830];
	s25 =	sadd.s32 $0x4, s25;
	v29 =	vxor.u32 $0x80000000, v24;
	[tilespmem:s24+$0xFFFFF000] =	vst v0;
	(v2sf) =	vpush v25, $0xF;
	vm1 =	vlt.s32 v27, v21;
	v7 =	vmovc v13;
	s24 =	smov.u32 s26  }
0x92: {  	v23 =	vadd.s32 v5, v23;
	v25 =	vadd.s32 v6, v26;
	[tilespmem:s26+$0xFFFFF830] =	vst v0;
	v30 =	vld [tilespmem:s26+$0xFFFFF800];
	p0 =	slt.u32 s25, $0x7C;
	(xrf0) =	vmax.scan.msk.u32 $0xffff, v29;
	v13, _, _ =	vpop (xrf0);
	s0 =	spop (v2sf)  }
0x93: {  	v5 =	vmovc v9;
	v29 =	vsel vm1, v27, v21;
	v26 =	vld [tilespmem:s26+$0xFFFFF000];
	[tilespmem:s26+$0xFFFFF800] =	vst v0;
	v35 =	vxor.u32 $0x80000000, v13;
	(xrf0) =	vadd.scan.msk.s32 $0xffff, v17;
	s0 =	sadd.s32 s0, s28  }
0x94: {  	vm2 =	vgt.s32 v23, $0x199;
	vm1 =	vgt.s32 v25, $0x199;
	v27 =	vsel vm0, v29, v27;
	v31 =	vld [tilespmem:s26+$0x10];
	(xrf0) =	vmax.scan.msk.u32 $0xffff, v35;
	v32, _, _ =	vpop (xrf0);
	s29 =	sadd.s32 $0x80000000, s0;
	s28 =	spop (v2sf)  }
0x95: {  	v9 =	vmovc v19;
	v6 =	vmovc v8;
	vm3 =	vlt.s32 v27, v23;
	v29 =	vld [tilespmem:s26+$0xFFFFF810];
	[tilespmem:s26+$0x10] =	vst v0;
	v33 =	vxor.u32 $0x80000000, v32;
	v34 =	vsub.s32 s29, v14  }
0x96: {  	v8 =	vmovc v20;
	v35 =	vsel vm1, $0x0, v25;
	v37 =	vsel vm3, v27, v23;
	v19 =	vld [tilespmem:s26+$0x30];
	(xrf0) =	vmax.scan.msk.u32 $0xffff, v33;
	v33 =	vsel vm0, $0x1, v0  }
0x97: {  	v20 =	vsel vm0, $0x0, v21;
	v21 =	vsel vm2, $0x0, v23;
	v14 =	vmovc v24;
	v23 =	vsel vm2, v37, v27;
	[tilespmem:s26+$0x30] =	vst v0;
	v36 =	vld [tilespmem:s26+$0xFFFFF020]  }
0x98: {  	v34 =	vadd.s32 v10, v34;
	vm0 =	vgt.s32 v16, v20;
	vm3 =	vlt.s32 v23, v25;
	v24 =	vld [tilespmem:s26+$0xFFFFF030];
	[tilespmem:s26+$0xFFFFF020] =	vst v0;
	v27, _, _ =	vpop (xrf0)  }
0x99: {  	v16 =	vsel vm0, v16, v20;
	v20 =	vsel vm3, v23, v25;
	[tilespmem:s26+$0xFFFFF030] =	vst v0;
	v37 =	vld [tilespmem:s26+$0xFFFFF010];
	(v2sf) =	vpush v27, $0xF;
	v27, _, _ =	vpop (xrf0)  }
0x9a: {  	v22 =	vadd.s32 v33, v22;
	v33 =	vsel vm2, $0x1, v0;
	v38 =	vld [tilespmem:s26+$0x830];
	[tilespmem:s26+$0xFFFFF010] =	vst v0;
	v41 =	vxor.u32 $0x80000000, v27;
	v25, _, _ =	vpop (xrf0)  }
0x9b: {  	v40 =	vsel vm1, $0x1, v0;
	v10 =	vmovc v18;
	vm0 =	vgt.s32 v16, v21;
	v39 =	vld [tilespmem:s26+$0x810];
	(xrf0) =	vmax.scan.msk.u32 $0xffff, v41;
	(v2sf) =	vpush v25, $0xF  }
0x9c: {  	v22 =	vadd.s32 v33, v22;
	v16 =	vsel vm0, v16, v21;
	v23 =	vsel vm1, v20, v23;
	[tilespmem:s26+$0x810] =	vst v0;
	v41 =	vld [tilespmem:s26+$0x0];
	v25, _, _ =	vpop (xrf0);
	s0 =	spop (v2sf)  }
0x9d: {  	vm1 =	vgt.s32 v34, $0x199;
	vm0 =	vgt.s32 v16, v35;
	v18 =	vadd.s32 v24, v28;
	v20 =	vld [tilespmem:s26+$0x800];
	[tilespmem:s26+$0x0] =	vst v0;
	s0 =	sadd.s32 s0, s29  }
0x9e: {  	v16 =	vsel vm0, v16, v35;
	v18 =	vadd.s32 v19, v18;
	v21 =	vld [tilespmem:s26+$0xFFFFF820];
	v19 =	vadd.s32 v37, v29;
	[tilespmem:s26+$0x800] =	vst v0;
	s0 =	sadd.s32 $0x80000000, s0  }
0x9f: {  	v22 =	vadd.s32 v40, v22;
	v18 =	vadd.s32 v38, v18;
	v24 =	vld [tilespmem:s26+$0x20];
	[tilespmem:s26+$0xFFFFF820] =	vst v0;
	v19 =	vadd.s32 v31, v19;
	s2 =	sadd.s32 s28, s0  }
0xa0: {  	v26 =	vadd.s32 v26, v30;
	v29 =	vsel vm1, $0x1, v0;
	v28 =	vld [tilespmem:s26+$0x820];
	v19 =	vadd.s32 v39, v19;
	(xrf0) =	vadd.scan.msk.s32 $0xffff, v18;
	s3 =	spop (v2sf)  }
0xa1: {  	vm0 =	vlt.s32 v23, v34;
	v22 =	vadd.s32 v29, v22;
	s2 =	sadd.s32 $0x80000000, s2;
	[tilespmem:s26+$0x830] =	vst v0;
	v26 =	vadd.s32 v41, v26;
	v30, _, _ =	vpop (xrf0)  }
.Ltmp2:
0xa2: {  	v29 =	vsel vm1, $0x0, v34;
	v31 =	vsel vm0, v23, v34;
	s3 =	sadd.s32 s3, s2;
	v20 =	vadd.s32 v20, v26;
	(xrf0) =	vadd.scan.msk.s32 $0xffff, v19;
	(pc) =	sbr.rel @p0 .LBB2_6-.Ltmp2, $4  }
0xa3: {  	v26 =	vsub.s32 s0, v15;
	s28 =	sadd.s32 $0x80000000, s3;
	v15 =	vmovc v27;
	v21 =	vadd.s32 v36, v21;
	[tilespmem:s26+$0x20] =	vst v0;
	(v2sf) =	vpush v30, $0xF  }
0xa4: {  	v27 =	vadd.s32 v24, v21;
	(xrf0) =	vadd.scan.msk.s32 $0xffff, v20;
	v21 =	vadd.s32 v11, v26;
	v26 =	vsub.s32 s28, v12;
	v12 =	vmovc v32  }
0xa5: {  	vm2 =	vgt.s32 v16, v29;
	v11 =	vmovc v17;
	[tilespmem:s26+$0x820] =	vst v0;
	vm0 =	vgt.s32 v21, $0x199;
	v17 =	vadd.s32 v28, v27  }
0xa6: {  	v16 =	vsel vm2, v16, v29;
	s26 =	sadd.s32 $0xFFFFFFC0, s26;
	v27 =	vsel vm1, v31, v23;
	v23 =	vsub.s32 s2, v7;
	[tilespmem:s24+$0xFFFFF810] =	vst v0;
	v24, _, _ =	vpop (xrf0)  }
0xa7: {  	v7 =	vxor.u32 $0x80000000, v24  }
0xa8: {  	(xrf0) =	vmax.scan.msk.u32 $0xffff, v7  }
0xa9: {  	(xrf0) =	vadd.scan.msk.s32 $0xffff, v17;
	_ =	sdelay $0x2  }
0xaa: {  	v7, _, _ =	vpop (xrf0)  }
0xab: {  	v28, _, _ =	vpop (xrf0)  }
0xac: {  	v29 =	vxor.u32 $0x80000000, v7;
	v30, _, _ =	vpop (xrf0)  }
0xad: {  	(xrf0) =	vmax.scan.msk.u32 $0xffff, v29;
	v50 =	vxor.u32 $0x80000000, v28;
	v31, _, _ =	vpop (xrf0)  }
0xae: {  	(xrf0) =	vmax.scan.msk.u32 $0xffff, v50;
	v51 =	vxor.u32 $0x80000000, v31  }
0xaf: {  	(v2sf) =	vpush v25, $0xF;
	(xrf0) =	vmax.scan.msk.u32 $0xffff, v51;
	_ =	sdelay $0x3  }
0xb0: {  	v25, _, _ =	vpop (xrf0)  }
0xb1: {  	(v2sf) =	vpush v30, $0xF;
	v52, _, _ =	vpop (xrf0)  }
0xb2: {  	(v2sf) =	vpush v25, $0xF;
	v25, _, _ =	vpop (xrf0)  }
0xb3: {  	(v2sf) =	vpush v25, $0xF;
	_ =	sdelay $0x1  }
0xb4: {  	s0 =	spop (v2sf)  }
0xb5: {  	s0 =	sadd.s32 s0, s28;
	s2 =	spop (v2sf)  }
0xb6: {  	s0 =	sadd.s32 $0x80000000, s0;
	s3 =	spop (v2sf);
	(v2sf) =	vpush v52, $0xF  }
0xb7: {  	s3 =	sadd.s32 s3, s0  }
0xb8: {  	vm1 =	vlt.s32 v27, v21;
	v5 =	vadd.s32 v5, v23;
	s3 =	sadd.s32 $0x80000000, s3  }
0xb9: {  	v6 =	vadd.s32 v6, v26;
	v14 =	vsub.s32 s0, v14;
	s29 =	sadd.s32 s2, s3;
	v15 =	vsub.s32 s3, v15  }
0xba: {  	vm2 =	vgt.s32 v5, $0x199;
	v10 =	vadd.s32 v10, v14;
	s30 =	spop (v2sf);
	s0 =	sadd.s32 $0x80000000, s29;
	v11 =	vadd.s32 v11, v15  }
0xbb: {  	vm3 =	vgt.s32 v10, $0x199;
	s2 =	sadd.s32 s30, s0;
	v13 =	vsub.s32 s0, v13;
	vm9 =	vgt.s32 v11, $0x199  }
0xbc: {  	v25 =	vsel vm1, v27, v21;
	vm1 =	vgt.s32 v6, $0x199;
	s2 =	sadd.s32 $0x80000000, s2;
	v9 =	vadd.s32 v9, v13  }
0xbd: {  	v23 =	vsel vm0, v25, v27;
	v25 =	vsel vm0, $0x1, v0;
	v12 =	vsub.s32 s2, v12  }
0xbe: {  	vm8 =	vgt.s32 v9, $0x199;
	v14 =	vadd.s32 v25, v22;
	v22 =	vsel vm2, $0x1, v0  }
0xbf: {  	vm4 =	vlt.s32 v23, v5;
	v25 =	vsel vm1, $0x1, v0;
	v14 =	vadd.s32 v22, v14;
	s31 =	spop (v2sf)  }
0xc0: {  	v8 =	vadd.s32 v8, v12;
	v14 =	vadd.s32 v25, v14;
	v25 =	vsel vm3, $0x1, v0;
	s3 =	sadd.s32 s31, s2;
	s25 =	spop (v2sf)  }
0xc1: {  	v12 =	vsel vm9, $0x1, v0;
	v22 =	vsel vm4, v23, v5;
	v14 =	vadd.s32 v25, v14;
	s12 =	sadd.s32 $0x80000000, s3;
	s26 =	spop (v2sf)  }
0xc2: {  	vm5 =	vgt.s32 v8, $0x199;
	v12 =	vadd.s32 v12, v14;
	v14 =	vsel vm8, $0x1, v0;
	s0 =	sadd.s32 s26, s12  }
0xc3: {  	v15 =	vsel vm5, $0x1, v0;
	v12 =	vadd.s32 v14, v12;
	v13 =	vsub.s32 s12, v24;
	s0 =	sadd.s32 $0x80000000, s0  }
0xc4: {  	v12 =	vadd.s32 v15, v12;
	v13 =	vadd.s32 v18, v13;
	v18 =	vsel vm2, v22, v23;
	s28 =	sadd.s32 s25, s0  }
0xc5: {  	vm6 =	vgt.s32 v13, $0x199;
	vm11 =	vlt.s32 v18, v6;
	s29 =	spop (v2sf);
	v14 =	vsub.s32 s0, v31;
	s2 =	sadd.s32 $0x80000000, s28  }
0xc6: {  	v15 =	vsel vm6, $0x1, v0;
	v14 =	vadd.s32 v17, v14;
	s0 =	sadd.s32 s29, s2;
	v7 =	vsub.s32 s2, v7  }
0xc7: {  	v12 =	vadd.s32 v15, v12;
	vm10 =	vgt.s32 v14, $0x199;
	s0 =	sadd.s32 $0x80000000, s0;
	v7 =	vadd.s32 v19, v7  }
0xc8: {  	v17 =	vsel vm10, $0x1, v0;
	v15 =	vsub.s32 s0, v28;
	vm7 =	vgt.s32 v7, $0x199  }
0xc9: {  	v12 =	vadd.s32 v17, v12;
	v15 =	vadd.s32 v20, v15;
	v17 =	vsel vm7, $0x1, v0  }
0xca: {  	vm4 =	vgt.s32 v15, $0x199;
	v12 =	vadd.s32 v17, v12;
	v17 =	vsel vm11, v18, v6  }
0xcb: {  	v19 =	vsel vm4, $0x1, v0;
	v17 =	vsel vm1, v17, v18  }
0xcc: {  	v12 =	vadd.s32 v19, v12;
	vm14 =	vlt.s32 v17, v10  }
0xcd: {  	(xrf0) =	vadd.scan.msk.s32 $0xffff, v12;
	v12 =	vsel vm0, $0x0, v21;
	v18 =	vsel vm14, v17, v10  }
0xce: {  	vm0 =	vgt.s32 v16, v12;
	v17 =	vsel vm3, v18, v17  }
0xcf: {  	v5 =	vsel vm2, $0x0, v5;
	v12 =	vsel vm0, v16, v12;
	vm0 =	vlt.s32 v17, v11  }
0xd0: {  	vm2 =	vgt.s32 v12, v5;
	v16 =	vsel vm0, v17, v11  }
0xd1: {  	v6 =	vsel vm1, $0x0, v6;
	v5 =	vsel vm2, v12, v5;
	v12 =	vsel vm9, v16, v17  }
0xd2: {  	vm0 =	vgt.s32 v5, v6;
	vm1 =	vlt.s32 v12, v9  }
0xd3: {  	v16, _, _ =	vpop (xrf0);
	v5 =	vsel vm0, v5, v6;
	v6 =	vsel vm3, $0x0, v10;
	v10 =	vsel vm1, v12, v9  }
0xd4: {  	(v2sf) =	vpush v16, $0xF;
	vm0 =	vgt.s32 v5, v6;
	v10 =	vsel vm8, v10, v12  }
0xd5: {  	[tilespmem:s24+$0xFFFFF000] =	vst v0;
	s30 =	simm.s32 $0x40;
	v5 =	vsel vm0, v5, v6;
	v6 =	vsel vm9, $0x0, v11;
	vm0 =	vlt.s32 v10, v8  }
0xd6: {  	v19 =	vld [tilespmem:s30+$0xFFFFFFE0];
	vm1 =	vgt.s32 v5, v6;
	v11 =	vsel vm0, v10, v8  }
0xd7: {  	v21 =	vld [tilespmem:s30+$0x0];
	v9 =	vsel vm8, $0x0, v9;
	v5 =	vsel vm1, v5, v6;
	v6 =	vsel vm5, v11, v10  }
0xd8: {  	v18 =	vld [tilespmem:s30+$0xFFFFFFC0];
	vm0 =	vgt.s32 v5, v9;
	vm1 =	vlt.s32 v6, v13  }
0xd9: {  	v8 =	vsel vm5, $0x0, v8;
	v5 =	vsel vm0, v5, v9;
	v9 =	vsel vm1, v6, v13  }
0xda: {  	vm0 =	vgt.s32 v5, v8;
	v6 =	vsel vm6, v9, v6  }
0xdb: {  	v24 =	vxor.u32 $0x7FFFFFFF, v19;
	v5 =	vsel vm0, v5, v8;
	vm0 =	vlt.s32 v6, v14  }
0xdc: {  	v25 =	vxor.u32 $0x7FFFFFFF, v21;
	v8 =	vsel vm6, $0x0, v13;
	v9 =	vsel vm0, v6, v14  }
0xdd: {  	v22 =	vxor.u32 $0x7FFFFFFF, v18;
	vm1 =	vgt.s32 v5, v8;
	v6 =	vsel vm10, v9, v6  }
0xde: {  	v5 =	vsel vm1, v5, v8;
	v8 =	vsel vm10, $0x0, v14;
	vm0 =	vlt.s32 v6, v7  }
0xdf: {  	vm3 =	vlt.s32 v19, $0x0;
	v10 =	vld [tilespmem:s30+$0xFFFFFFD0];
	vm1 =	vgt.s32 v5, v8;
	v9 =	vsel vm0, v6, v7  }
0xe0: {  	v11 =	vld [tilespmem:s30+$0x20];
	v7 =	vsel vm7, $0x0, v7;
	v5 =	vsel vm1, v5, v8;
	v6 =	vsel vm7, v9, v6  }
0xe1: {  	v16 =	vimm.s32 $0x0;
	vm0 =	vgt.s32 v5, v7;
	vm1 =	vlt.s32 v6, v15  }
0xe2: {  	v12 =	vld [tilespmem:s30+$0x10];
	v9 =	vsel vm4, $0x0, v15;
	v5 =	vsel vm0, v5, v7;
	v8 =	vsel vm1, v6, v15  }
0xe3: {  	v7 =	vld [tilespmem:s30+$0xFFFFFFF0];
	vm0 =	vgt.s32 v5, v9;
	v15 =	vimm.s32 $0x80000000;
	v8 =	vsel vm4, v8, v6  }
0xe4: {  	s31 =	spop (v2sf);
	v9 =	vsel vm0, v5, v9;
	vm0 =	vlt.s32 v10, $0x0;
	v6 =	vxor.u32 $0x7FFFFFFF, v10  }
0xe5: {  	v13 =	vld [tilespmem:s30+$0x30];
	s24 =	sadd.s32 $0xFFFFFBFF, s31;
	v17 =	vsel vm0, v6, v10;
	vm0 =	vlt.s32 v11, $0x0;
	v6 =	vxor.u32 $0x7FFFFFFF, v11  }
0xe6: {  	vm4 =	vlt.s32 v21, $0x0;
	v5 =	vmov s24;
	v6 =	vsel vm0, v6, v11  }
0xe7: {  	vm0 =	vlt.s32 v12, $0x0;
	v11 =	vxor.u32 $0x7FFFFFFF, v12;
	v14 =	vshra.s32 v17, $0x15  }
0xe8: {  	vm1 =	vlt.s32 v7, $0x0;
	v10 =	vxor.u32 $0x7FFFFFFF, v7;
	vm6 =	veq.s32 v14, v5  }
0xe9: {  	vm15 =	vlt.s32 v14, v5;
	v14 =	vshra.s32 v6, $0x15;
	v12 =	vsel vm0, v11, v12  }
0xea: {  	v7 =	vsel vm1, v10, v7;
	vm1 =	vlt.s32 v13, $0x0;
	v10 =	vxor.u32 $0x7FFFFFFF, v13  }
0xeb: {  	v23 =	vmpcnt.ones.xlane vm6;
	v20 =	vshra.s32 v7, $0x15;
	v10 =	vsel vm1, v10, v13  }
0xec: {  	vm1 =	vlt.s32 v18, $0x0;
	vm5 =	vlt.s32 v20, v5;
	v13 =	vshra.s32 v10, $0x15  }
0xed: {  	v11 =	vsel vm1, v22, v18;
	vm0 =	veq.s32 v20, v5;
	vm2 =	veq.s32 v13, v5  }
0xee: {  	v18 =	vshra.s32 v11, $0x15;
	vm1 =	vgt.s32 v15, v11;
	v20 =	vsel vm0, $0x1, v0  }
0xef: {  	v22 =	vsel vm1, v15, v11;
	vm7 =	vlt.s32 v18, v5;
	vm1 =	veq.s32 v18, v5  }
0xf0: {  	v54 =	vsel vm2, $0x1, v0;
	v18 =	vsel vm7, v22, v15;
	v22 =	vsel vm4, v25, v21  }
0xf1: {  	v21 =	vmpcnt.ones.xlane vm1;
	v15 =	vsel vm3, v24, v19;
	v25 =	vshra.s32 v22, $0x15  }
0xf2: {  	v57 =	vsel vm1, $0x1, v0;
	vm4 =	vgt.s32 v18, v17;
	vm7 =	veq.s32 v25, v5  }
0xf3: {  	v24 =	vshra.s32 v15, $0x15;
	v19 =	vsel vm4, v18, v17;
	v26 =	vsel vm7, $0x1, v0  }
0xf4: {  	v21 =	vadd.s32 v16, v21;
	vm4 =	veq.s32 v24, v5;
	vm12 =	vlt.s32 v24, v5;
	(xrf0) =	vadd.scan.msk.s32 $0xffff, v26  }
0xf5: {  	vm8 =	vlt.s32 v25, v5;
	v27 =	vmpcnt.ones.xlane vm7;
	v18 =	vsel vm15, v19, v18;
	(xrf0) =	vadd.scan.msk.s32 $0xffff, v20  }
0xf6: {  	v53 =	vmpcnt.ones.xlane vm4;
	v55 =	vsel vm4, $0x1, v0;
	vm13 =	vgt.s32 v18, v15;
	(xrf0) =	vadd.scan.msk.s32 $0xffff, v54  }
0xf7: {  	v26 =	vshra.s32 v12, $0x15;
	v20 =	vsel vm6, $0x1, v0;
	v25 =	vsel vm13, v18, v15;
	(xrf0) =	vadd.scan.msk.s32 $0xffff, v55  }
0xf8: {  	v23 =	vadd.s32 v21, v23;
	v19 =	vmpcnt.ones.xlane vm0;
	vm3 =	veq.s32 v26, v5;
	(xrf0) =	vadd.scan.msk.s32 $0xffff, v20  }
0xf9: {  	v56 =	vsel vm3, $0x1, v0;
	v18 =	vsel vm12, v25, v18;
	v20 =	vadd.s32 v23, v53  }
0xfa: {  	vm9 =	vlt.s32 v26, v5;
	vm14 =	vgt.s32 v18, v7;
	v19 =	vadd.s32 v20, v19;
	v25, _, _ =	vpop (xrf0);
	(xrf0) =	vadd.scan.msk.s32 $0xffff, v56  }
0xfb: {  	v24 =	vmpcnt.ones.xlane vm3;
	v58 =	vsel vm14, v18, v7;
	v25 =	vadd.s32 v25, v19;
	v26, _, _ =	vpop (xrf0)  }
0xfc: {  	v28 =	vsel vm5, v58, v18;
	vm5 =	veq.s32 v14, v5;
	(xrf0) =	vadd.scan.msk.s32 $0xffff, v57;
	v25 =	vadd.s32 $0xFFFFFFFF, v25;
	v59, _, _ =	vpop (xrf0)  }
0xfd: {  	v27 =	vadd.s32 v19, v27;
	vm12 =	vgt.s32 v28, v22;
	vm15 =	vlt.s32 v25, $0x7FF;
	v18, _, _ =	vpop (xrf0)  }
0xfe: {  	v60 =	vmpcnt.ones.xlane vm5;
	v61 =	vsel vm12, v28, v22;
	v25 =	vnsel vm15, $0x7FF, v25;
	v19, _, _ =	vpop (xrf0)  }
0xff: {  	v18 =	vadd.s32 v18, v23;
	v23 =	vsel vm5, $0x1, v0;
	v19 =	vadd.s32 v19, v21  }
0x100: {  	v18 =	vadd.s32 $0xFFFFFFFF, v18;
	v21, _, _ =	vpop (xrf0);
	(xrf0) =	vadd.scan.msk.s32 $0xffff, v23;
	v23 =	vadd.s32 $0xFFFFFFFF, v19;
	v19 =	vadd.s32 v26, v20  }
0x101: {  	vm14 =	vlt.s32 v18, $0x7FF;
	v26 =	vadd.s32 v27, v24;
	v20 =	vadd.s32 v21, v27  }
0x102: {  	vm13 =	vlt.s32 v23, $0x7FF;
	v24, _, _ =	vpop (xrf0);
	v27 =	vsel vm8, v61, v28;
	v21 =	vadd.s32 $0xFFFFFFFF, v20  }
0x103: {  	v23 =	vnsel vm13, $0x7FF, v23;
	v20 =	vnsel vm14, $0x7FF, v18;
	v24 =	vadd.s32 v24, v16  }
0x104: {  	v16 =	vadd.s32 v26, v60;
	vm8 =	vgt.s32 v27, v12;
	vm15 =	vlt.s32 v21, $0x7FF  }
0x105: {  	v18 =	vnsel vm15, $0x7FF, v21;
	v21 =	vadd.s32 $0xFFFFFFFF, v24;
	v24 =	vadd.s32 v59, v16  }
0x106: {  	[tilespmem:v25+s18+$0x0] =	vst.idx.msk vm7, v22;
	v22 =	vsel vm8, v27, v12;
	v62 =	vadd.s32 $0xFFFFFFFF, v24;
	v63, _, _ =	vpop (xrf0)  }
0x107: {  	v24 =	vmpcnt.ones.xlane vm2;
	vm7 =	vlt.s32 v62, $0x7FF;
	v25 =	vadd.s32 v63, v26  }
0x108: {  	s26 =	simm.s32 $0xC0;
	s25 =	simm.s32 $0x0;
	[tilespmem:v23+s18+$0x0] =	vst.idx.msk vm6, v17;
	v23 =	vsel vm9, v22, v27;
	v17 =	vnsel vm7, $0x7FF, v62;
	v22 =	vadd.s32 $0xFFFFFFFF, v25  }
.LBB2_8:
0x109: {  	v25 =	vld [tilespmem:s26+$0xFFFFFFD0];
	s25 =	sadd.s32 $0x8, s25;
	v19 =	vadd.s32 $0xFFFFFFFF, v19;
	vm6 =	vgt.s32 v23, v6;
	v16 =	vadd.s32 v16, v24  }
0x10a: {  	vm7 =	vlt.s32 v21, $0x7FF;
	vm8 =	vlt.s32 v14, v5;
	v24 =	vld [tilespmem:s26+$0x20];
	p0 =	slt.u32 s25, $0x1F8;
	v14 =	vsel vm6, v23, v6  }
0x10b: {  	v21 =	vnsel vm7, $0x7FF, v21;
	vm6 =	vlt.s32 v19, $0x7FF;
	v26 =	vld [tilespmem:s26+$0xFFFFFFF0];
	v14 =	vsel vm8, v14, v23  }
0x10c: {  	v23 =	vld [tilespmem:s26+$0x10];
	[tilespmem:v20+s18+$0x0] =	vst.idx.msk vm4, v15;
	v15 =	vnsel vm6, $0x7FF, v19;
	vm4 =	vlt.s32 v22, $0x7FF;
	vm6 =	vgt.s32 v14, v10  }
0x10d: {  	v19 =	vld [tilespmem:s26+$0x30];
	v20 =	vnsel vm4, $0x7FF, v22;
	vm4 =	vlt.s32 v13, v5;
	[tilespmem:v17+s18+$0x0] =	vst.idx.msk vm2, v10;
	v10 =	vsel vm6, v14, v10  }
0x10e: {  	vm2 =	vlt.s32 v25, $0x0;
	v13 =	vxor.u32 $0x7FFFFFFF, v25;
	v22 =	vld [tilespmem:s26+$0xFFFFFFE0];
	[tilespmem:v18+s18+$0x0] =	vst.idx.msk vm3, v12;
	v18 =	vsel vm4, v10, v14  }
0x10f: {  	v27 =	vld [tilespmem:s26+$0xFFFFFFC0];
	v17 =	vsel vm2, v13, v25;
	vm2 =	vlt.s32 v24, $0x0;
	v10 =	vxor.u32 $0x7FFFFFFF, v24  }
0x110: {  	vm3 =	vlt.s32 v26, $0x0;
	v12 =	vxor.u32 $0x7FFFFFFF, v26;
	v10 =	vsel vm2, v10, v24;
	[tilespmem:v21+s18+$0x0] =	vst.idx.msk vm1, v11  }
0x111: {  	vm1 =	vlt.s32 v23, $0x0;
	v11 =	vxor.u32 $0x7FFFFFFF, v23;
	[tilespmem:v15+s18+$0x0] =	vst.idx.msk vm0, v7;
	v7 =	vsel vm3, v12, v26  }
0x112: {  	v15 =	vshra.s32 v7, $0x15;
	vm0 =	vlt.s32 v19, $0x0;
	v12 =	vxor.u32 $0x7FFFFFFF, v19;
	[tilespmem:v20+s18+$0x0] =	vst.idx.msk vm5, v6;
	v6 =	vmovc v10  }
0x113: {  	v13 =	vshra.s32 v17, $0x15;
	vm5 =	vlt.s32 v15, v5;
	v10 =	vsel vm0, v12, v19  }
0x114: {  	vm6 =	veq.s32 v13, v5;
	vm8 =	vlt.s32 v13, v5;
	v14 =	vshra.s32 v6, $0x15;
	v19 =	vld [tilespmem:s26+$0x0]  }
0x115: {  	v21 =	vmpcnt.ones.xlane vm6;
	v24 =	vxor.u32 $0x7FFFFFFF, v22;
	v20 =	vxor.u32 $0x7FFFFFFF, v27  }
0x116: {  	v12 =	vsel vm1, v11, v23;
	vm0 =	vlt.s32 v27, $0x0;
	v13 =	vshra.s32 v10, $0x15  }
0x117: {  	v11 =	vsel vm0, v20, v27;
	vm0 =	veq.s32 v15, v5;
	vm2 =	veq.s32 v13, v5  }
0x118: {  	v15 =	vshra.s32 v11, $0x15;
	vm1 =	vgt.s32 v18, v11;
	v20 =	vsel vm0, $0x1, v0  }
0x119: {  	vm3 =	vlt.s32 v22, $0x0;
	v23 =	vsel vm1, v18, v11;
	vm4 =	vlt.s32 v19, $0x0  }
0x11a: {  	vm1 =	veq.s32 v15, v5;
	vm7 =	vlt.s32 v15, v5;
	v15 =	vxor.u32 $0x7FFFFFFF, v19  }
0x11b: {  	v18 =	vsel vm7, v23, v18;
	v23 =	vmpcnt.ones.xlane vm1;
	v25 =	vsel vm4, v15, v19  }
0x11c: {  	vm4 =	vgt.s32 v18, v17;
	v15 =	vsel vm3, v24, v22;
	v19 =	vshra.s32 v25, $0x15  }
0x11d: {  	v22 =	vsel vm4, v18, v17;
	v24 =	vshra.s32 v15, $0x15;
	vm7 =	veq.s32 v19, v5  }
0x11e: {  	v23 =	vadd.s32 v16, v23;
	v26 =	vsel vm7, $0x1, v0;
	v27 =	vmpcnt.ones.xlane vm7  }
0x11f: {  	v28 =	vshra.s32 v12, $0x15;
	v21 =	vadd.s32 v23, v21;
	vm4 =	veq.s32 v24, v5;
	(xrf0) =	vadd.scan.msk.s32 $0xffff, v26  }
0x120: {  	v29 =	vsel vm2, $0x1, v0;
	vm3 =	veq.s32 v28, v5;
	v26 =	vmpcnt.ones.xlane vm4  }
0x121: {  	v30 =	vsel vm6, $0x1, v0;
	vm9 =	vlt.s32 v24, v5;
	v24 =	vmpcnt.ones.xlane vm3;
	(xrf0) =	vadd.scan.msk.s32 $0xffff, v20  }
0x122: {  	v18 =	vsel vm8, v22, v18;
	vm8 =	vlt.s32 v19, v5;
	v20 =	vsel vm4, $0x1, v0;
	(xrf0) =	vadd.scan.msk.s32 $0xffff, v29  }
0x123: {  	v22 =	vmpcnt.ones.xlane vm0;
	vm10 =	vgt.s32 v18, v15;
	v19 =	vadd.s32 v21, v26;
	(xrf0) =	vadd.scan.msk.s32 $0xffff, v20  }
0x124: {  	v31 =	vsel vm10, v18, v15;
	v29 =	vsel vm3, $0x1, v0;
	v20 =	vsel vm1, $0x1, v0;
	(xrf0) =	vadd.scan.msk.s32 $0xffff, v30  }
0x125: {  	v18 =	vsel vm9, v31, v18;
	vm9 =	vlt.s32 v28, v5;
	v22 =	vadd.s32 v19, v22;
	v26, _, _ =	vpop (xrf0);
	(xrf0) =	vadd.scan.msk.s32 $0xffff, v29  }
0x126: {  	vm10 =	vgt.s32 v18, v7;
	v26 =	vadd.s32 v26, v22;
	(xrf0) =	vadd.scan.msk.s32 $0xffff, v20  }
0x127: {  	v30 =	vsel vm10, v18, v7;
	v22 =	vadd.s32 v22, v27;
	v26 =	vadd.s32 $0xFFFFFFFF, v26;
	v27, _, _ =	vpop (xrf0)  }
0x128: {  	v28 =	vsel vm5, v30, v18;
	vm5 =	veq.s32 v14, v5;
	vm10 =	vlt.s32 v26, $0x7FF;
	v29, _, _ =	vpop (xrf0)  }
0x129: {  	v18 =	vnsel vm10, $0x7FF, v26;
	vm10 =	vgt.s32 v28, v25;
	v26 =	vmpcnt.ones.xlane vm5;
	v20, _, _ =	vpop (xrf0)  }
0x12a: {  	v20 =	vadd.s32 v20, v21;
	v30 =	vsel vm10, v28, v25;
	v21 =	vsel vm5, $0x1, v0;
	v31, _, _ =	vpop (xrf0)  }
0x12b: {  	v19 =	vadd.s32 v27, v19;
	v23 =	vadd.s32 v31, v23;
	v20 =	vadd.s32 $0xFFFFFFFF, v20;
	v27, _, _ =	vpop (xrf0);
	(xrf0) =	vadd.scan.msk.s32 $0xffff, v21  }
0x12c: {  	v21 =	vadd.s32 $0xFFFFFFFF, v23;
	v23 =	vadd.s32 v27, v22;
	v22 =	vadd.s32 v22, v24;
	v24, _, _ =	vpop (xrf0)  }
0x12d: {  	v24 =	vadd.s32 v24, v16;
	vm10 =	vlt.s32 v21, $0x7FF;
	v16 =	vadd.s32 $0xFFFFFFFF, v23  }
0x12e: {  	v23 =	vnsel vm10, $0x7FF, v21;
	vm10 =	vlt.s32 v20, $0x7FF;
	[tilespmem:v18+s18+$0x0] =	vst.idx.msk vm7, v25;
	vm7 =	vlt.s32 v16, $0x7FF  }
.Ltmp3:
0x12f: {  	v20 =	vnsel vm10, $0x7FF, v20;
	v18 =	vnsel vm7, $0x7FF, v16;
	v16 =	vadd.s32 v22, v26;
	(pc) =	sbr.rel @p0 .LBB2_8-.Ltmp3, $4  }
0x130: {  	v21 =	vadd.s32 $0xFFFFFFFF, v24;
	v25 =	vsel vm8, v30, v28;
	v24 =	vadd.s32 v29, v16  }
0x131: {  	vm7 =	vgt.s32 v25, v12;
	v26 =	vadd.s32 $0xFFFFFFFF, v24;
	v24 =	vmpcnt.ones.xlane vm2;
	v27, _, _ =	vpop (xrf0)  }
0x132: {  	v28 =	vsel vm7, v25, v12;
	v22 =	vadd.s32 v27, v22;
	vm7 =	vlt.s32 v26, $0x7FF  }
0x133: {  	s26 =	sadd.s32 $0x80, s26;
	[tilespmem:v23+s18+$0x0] =	vst.idx.msk vm6, v17;
	v23 =	vsel vm9, v28, v25;
	v22 =	vadd.s32 $0xFFFFFFFF, v22;
	v17 =	vnsel vm7, $0x7FF, v26  }
0x134: {  	v9 =	vxor.u32 $0x80000000, v9  }
0x135: {  	v8 =	vxor.u32 $0x80000000, v8;
	(xrf0) =	vmax.scan.msk.u32 $0xffff, v9  }
0x136: {  	(xrf0) =	vmin.scan.msk.u32 $0xffff, v8  }
0x137: {  	vm6 =	vgt.s32 v23, v6  }
0x138: {  	vm7 =	vlt.s32 v14, v5;
	v56 =	vsel vm6, v23, v6  }
0x139: {  	v14 =	vsel vm7, v56, v23  }
0x13a: {  	vm11 =	vgt.s32 v14, v10  }
0x13b: {  	vm12 =	vlt.s32 v13, v5;
	v57 =	vsel vm11, v14, v10;
	v58, _, _ =	vpop (xrf0)  }
0x13c: {  	v8 =	vsel vm12, v57, v14;
	v59, _, _ =	vpop (xrf0);
	(v2sf) =	vpush v58, $0xF  }
0x13d: {  	v8 =	vxor.u32 $0x80000000, v8;
	(v2sf) =	vpush v59, $0xF  }
0x13e: {  	(xrf0) =	vmax.scan.msk.u32 $0xffff, v8;
	_ =	sdelay $0x5  }
0x13f: {  	v60, _, _ =	vpop (xrf0)  }
0x140: {  	(v2sf) =	vpush v60, $0xF;
	_ =	sdelay $0x5  }
0x141: {  	s0 =	spop (v2sf)  }
0x142: {  	vm13 =	vlt.s32 v21, $0x7FF;
	s2 =	spop (v2sf)  }
0x143: {  	v61 =	vadd.s32 $0xFFFFFFFF, v19;
	vm15 =	vlt.s32 v22, $0x7FF;
	v62 =	vnsel vm13, $0x7FF, v21;
	s25 =	sxor.u32 $0x80000000, s0;
	s31 =	sxor.u32 $0x80000000, s2  }
0x144: {  	vm14 =	vlt.s32 v61, $0x7FF;
	v63 =	vnsel vm15, $0x7FF, v22;
	s0 =	ssub.s32 s31, s25  }
0x145: {  	[tilespmem:v20+s18+$0x0] =	vst.idx.msk vm4, v15;
	v8 =	vnsel vm14, $0x7FF, v61;
	p0 =	sgt.s32 s0, $0x800  }
.Ltmp4:
0x146: {  	[tilespmem:v17+s18+$0x0] =	vst.idx.msk vm2, v10;
	(pc) =	sbr.rel @p0 .LBB2_23-.Ltmp4, $4  }
0x147: {  	[tilespmem:v18+s18+$0x0] =	vst.idx.msk vm3, v12  }
0x148: {  	[tilespmem:v62+s18+$0x0] =	vst.idx.msk vm1, v11  }
0x149: {  	s30 =	sshll.u32 s24, $0x15;
	[tilespmem:v63+s18+$0x0] =	vst.idx.msk vm5, v6  }
0x14a: {  	s29 =	simm.s32 $0x0;
	[tilespmem:v8+s18+$0x0] =	vst.idx.msk vm0, v7;
	s28 =	ssub.s32 $0x19A, s25;
	s26 =	spop (v2sf)  }
0x14b: {  	p0 =	slt.s32 s0, $0x800  }
0x14c: {  	p1 =	slt.s32 s0, $0xFFFFFFF2;
	s0 =	simm.s32 @!p0 $0x800  }
0x14d: {  	s2 =	sadd.s32 $0xF, s0  }
0x14e: {  	s3 =	sand.u32 $0xF, s2  }
.Ltmp5:
0x14f: {  	s24 =	sshra.s32 s2, $0x1F;
	p6 =	sne.s32 s3, $0x0;
	(pc) =	sbr.rel .LBB2_11-.Ltmp5, $4  }
0x150: {  	s3 =	sshrl.u32 s24, $0x1C;
	p0 =	por !p1, !p6  }
0x151: {  	s2 =	sadd.s32 s3, s2;
	s3 =	simm.s32 $0x1;
	p0 =	por !p0, !p0  }
0x152: {  	s2 =	sshra.s32 s2, $0x4;
	s3 =	simm.s32 @!p0 $0x0  }
0x153: {  	v5 =	vmov s0;
	s0 =	simm.s32 $0x0;
	s31 =	ssub.s32 s2, s3  }
.LBB2_23:
0x154: {  	s0 =	simm.s32 $0x0  }
0x155: {  	v6 =	vld [tilespmem:s0+$0x0];
	_ =	sdelay $0x4  }
0x156: {  	vm0 =	vlt.s32 v6, $0x0;
	v7 =	vxor.u32 $0x7FFFFFFF, v6  }
0x157: {  	v7 =	vsel vm0, v7, v6  }
0x158: {  	s31 =	sshrl.u32 s19, s29;
	s2 =	simm.s32 $0x10;
	v8 =	vshra.s32 v7, $0x15  }
0x159: {  	s24 =	sor.u32 s31, s30;
	vm15 =	veq.s32 v8, v5;
	v8 =	vld [tilespmem:s2+$0x0]  }
0x15a: {  	v6 =	vmov s24  }
0x15b: {  	vm1 =	vge.s32 v7, v6  }
0x15c: {  	vm0 =	vmand vm1, vm15  }
0x15d: {  	s0 =	simm.s32 $0x80;
	v7 =	vimm.s32 $0x0;
	v9 =	vsel vm0, $0x1, v0  }
.LBB2_24:
0x15e: {  	s2 =	sshra.s32 s0, $0x2;
	p0 =	sne.s32 s0, $0x7FC0;
	s0 =	sadd.s32 $0x40, s0;
	vm0 =	vlt.s32 v8, $0x0;
	v10 =	vxor.u32 $0x7FFFFFFF, v8;
	v7 =	vadd.s32 v9, v7  }
.Ltmp6:
0x15f: {  	v9 =	vsel vm0, v10, v8;
	v8 =	vld [tilespmem:s2+$0x0];
	(pc) =	sbr.rel @p0 .LBB2_24-.Ltmp6, $4  }
0x160: {  	v10 =	vshra.s32 v9, $0x15  }
0x161: {  	vm1 =	vge.s32 v9, v6;
	vm0 =	veq.s32 v10, v5  }
0x162: {  	vm0 =	vmand vm1, vm0  }
0x163: {  	v9 =	vsel vm0, $0x1, v0  }
0x164: {  	vm0 =	vlt.s32 v8, $0x0;
	v10 =	vxor.u32 $0x7FFFFFFF, v8  }
0x165: {  	v8 =	vsel vm0, v10, v8  }
0x166: {  	v10 =	vshra.s32 v8, $0x15  }
0x167: {  	vm1 =	vge.s32 v8, v6;
	vm15 =	veq.s32 v10, v5  }
0x168: {  	vm0 =	vmand vm1, vm15  }
0x169: {  	v6 =	vadd.s32 v9, v7;
	v7 =	vsel vm0, $0x1, v0  }
0x16a: {  	v6 =	vadd.s32 v7, v6  }
0x16b: {  	(xrf0) =	vadd.scan.msk.s32 $0xffff, v6;
	_ =	sdelay $0x5  }
0x16c: {  	v6, _, _ =	vpop (xrf0)  }
0x16d: {  	(v2sf) =	vpush v6, $0xF;
	_ =	sdelay $0xe  }
0x16e: {  	s0 =	spop (v2sf)  }
0x16f: {  	s29 =	sadd.s32 $0x1, s29;
	p0 =	slt.s32 s0, s28  }
0x170: {  	s24 =	smov.u32 @p0 s30;
	p0 =	sne.s32 s29, $0x15  }
.Ltmp7:
0x171: {  	_ = 	snop;
	(pc) =	sbr.rel @p0 .LBB2_23-.Ltmp7, $2  }
0x172: {  	_ =	sdelay $0x2  }
0x173: {  	s30 =	smov.u32 s24  }
0x174: {  	s28 =	simm.s32 $0x0  }
0x175: {  	v6 =	vld [tilespmem:s28+$0x0];
	_ =	sdelay $0x4  }
0x176: {  	vm0 =	vlt.s32 v6, $0x0;
	v7 =	vxor.u32 $0x7FFFFFFF, v6  }
0x177: {  	v7 =	vsel vm0, v7, v6  }
0x178: {  	s0 =	simm.s32 $0x10;
	v8 =	vshra.s32 v7, $0x15  }
0x179: {  	vm15 =	veq.s32 v8, v5;
	v8 =	vld [tilespmem:s0+$0x0]  }
0x17a: {  	v6 =	vmov s24  }
0x17b: {  	vm1 =	vge.s32 v7, v6  }
0x17c: {  	vm0 =	vmand vm1, vm15  }
0x17d: {  	s2 =	simm.s32 $0x80;
	v7 =	vimm.s32 $0x0;
	v9 =	vsel vm0, $0x1, v0  }
.LBB2_27:
0x17e: {  	s3 =	sshra.s32 s2, $0x2;
	p0 =	sne.s32 s2, $0x7FC0;
	s2 =	sadd.s32 $0x40, s2;
	vm0 =	vlt.s32 v8, $0x0;
	v10 =	vxor.u32 $0x7FFFFFFF, v8;
	v7 =	vadd.s32 v9, v7  }
.Ltmp8:
0x17f: {  	v9 =	vsel vm0, v10, v8;
	v8 =	vld [tilespmem:s3+$0x0];
	(pc) =	sbr.rel @p0 .LBB2_27-.Ltmp8, $4  }
0x180: {  	v10 =	vshra.s32 v9, $0x15  }
0x181: {  	vm1 =	vge.s32 v9, v6;
	vm0 =	veq.s32 v10, v5  }
0x182: {  	vm0 =	vmand vm1, vm0  }
0x183: {  	v9 =	vsel vm0, $0x1, v0  }
0x184: {  	v10 =	vld [tilespmem:s28+$0x0];
	_ =	sdelay $0x3  }
0x185: {  	vm0 =	vlt.s32 v8, $0x0;
	v11 =	vxor.u32 $0x7FFFFFFF, v8  }
0x186: {  	v8 =	vsel vm0, v11, v8;
	vm12 =	vlt.s32 v10, $0x0;
	v11 =	vxor.u32 $0x7FFFFFFF, v10  }
0x187: {  	v10 =	vsel vm12, v11, v10;
	v11 =	vshra.s32 v8, $0x15  }
0x188: {  	vm1 =	vge.s32 v8, v6;
	vm13 =	veq.s32 v11, v5  }
0x189: {  	v8 =	vshra.s32 v10, $0x15;
	vm0 =	vmand vm1, vm13  }
0x18a: {  	v7 =	vadd.s32 v9, v7;
	vm14 =	veq.s32 v8, v5;
	v8 =	vsel vm0, $0x1, v0  }
0x18b: {  	v9 =	vadd.s32 v8, v7;
	v8 =	vld [tilespmem:s0+$0x0];
	_ =	sdelay $0x1  }
0x18c: {  	vm2 =	vlt.s32 v10, v6  }
0x18d: {  	vm15 =	vmand vm2, vm14  }
0x18e: {  	s2 =	simm.s32 $0x80;
	v7 =	vimm.s32 $0x80000000;
	v10 =	vnsel vm15, $0x80000000, v10  }
.LBB2_29:
0x18f: {  	s0 =	sshra.s32 s2, $0x2;
	p0 =	sne.s32 s2, $0x7FC0;
	s2 =	sadd.s32 $0x40, s2;
	vm0 =	vlt.s32 v8, $0x0;
	v11 =	vxor.u32 $0x7FFFFFFF, v8;
	vm1 =	vgt.s32 v7, v10  }
.Ltmp9:
0x190: {  	v11 =	vsel vm0, v11, v8;
	v8 =	vld [tilespmem:s0+$0x0];
	v7 =	vsel vm1, v7, v10;
	(pc) =	sbr.rel @p0 .LBB2_29-.Ltmp9, $4  }
0x191: {  	v10 =	vshra.s32 v11, $0x15  }
0x192: {  	vm1 =	vlt.s32 v11, v6;
	vm0 =	veq.s32 v10, v5  }
0x193: {  	vm0 =	vmand vm1, vm0  }
0x194: {  	v10 =	vnsel vm0, $0x80000000, v11  }
0x195: {  	(xrf0) =	vadd.scan.msk.s32 $0xffff, v9;
	_ =	sdelay $0x5  }
0x196: {  	v9, _, _ =	vpop (xrf0)  }
0x197: {  	(v2sf) =	vpush v9, $0xF;
	_ =	sdelay $0x6  }
0x198: {  	vm0 =	vlt.s32 v8, $0x0;
	v63 =	vxor.u32 $0x7FFFFFFF, v8  }
0x199: {  	v8 =	vsel vm0, v63, v8  }
0x19a: {  	v9 =	vshra.s32 v8, $0x15  }
0x19b: {  	vm1 =	vlt.s32 v8, v6;
	vm14 =	veq.s32 v9, v5  }
.Ltmp10:
0x19c: {  	vm15 =	vgt.s32 v7, v10;
	vm0 =	vmand vm1, vm14;
	(pc) =	sbr.rel .LBB2_31-.Ltmp10, $4  }
0x19d: {  	v5 =	vsel vm15, v7, v10;
	v7 =	vnsel vm0, $0x80000000, v8  }
0x19e: {  	vm0 =	vgt.s32 v5, v7  }
0x19f: {  	v5 =	vsel vm0, v5, v7  }
0x1a0: {  	v7 =	vxor.u32 $0x80000000, v5;
	s0 =	spop (v2sf)  }
.LBB2_14:
0x1a1: {  	vm0 =	vmand vm0, vm1  }
0x1a2: {  	v7 =	vsel vm0, $0x1, v0  }
0x1a3: {  	v6 =	vadd.s32 v7, v6  }
.LBB2_15:
0x1a4: {  	(xrf0) =	vadd.scan.msk.s32 $0xffff, v6;
	_ =	sdelay $0x5  }
0x1a5: {  	v6, _, _ =	vpop (xrf0)  }
0x1a6: {  	(v2sf) =	vpush v6, $0xF;
	_ =	sdelay $0xe  }
0x1a7: {  	s2 =	spop (v2sf)  }
0x1a8: {  	s0 =	sadd.s32 $0x1, s0;
	p1 =	slt.s32 s2, s28  }
0x1a9: {  	s24 =	smov.u32 @p1 s30;
	p1 =	sne.s32 s0, $0x15  }
.Ltmp11:
0x1aa: {  	_ = 	snop;
	(pc) =	sbr.rel @!p1 .LBB2_16-.Ltmp11, $2  }
0x1ab: {  	_ =	sdelay $0x2  }
0x1ac: {  	s30 =	smov.u32 s24  }
.LBB2_11:
0x1ad: {  	p0 =	slt.s32 s31, $0x1  }
.Ltmp12:
0x1ae: {  	_ = 	snop;
	(pc) =	sbr.rel @p0 .LBB2_15-.Ltmp12, $3  }
0x1af: {  	_ =	sdelay $0x1  }
0x1b0: {  	s2 =	sshrl.u32 s19, s0  }
0x1b1: {  	v6 =	vimm.s32 $0x0;
	s24 =	sor.u32 s2, s30  }
0x1b2: {  	s2 =	simm.s32 $0x6000  }
0x1b3: {  	p1 =	sne.s32 s31, $0x1;
	v8 =	vld [tilespmem:s2+$0x0]  }
.Ltmp13:
0x1b4: {  	_ = 	snop;
	(pc) =	sbr.rel @!p1 .LBB2_14-.Ltmp13, $3  }
0x1b5: {  	_ =	sdelay $0x1  }
0x1b6: {  	v7 =	vmov s24;
	v9 =	vor.u32 s29, v1  }
0x1b7: {  	s12 =	simm.s32 $0x6010;
	s3 =	simm.s32 $0x0;
	s2 =	sadd.s32 $0xFFFFFFFF, s31;
	vm0 =	vlt.s32 v9, v5;
	vm1 =	vge.s32 v8, v7  }
.LBB2_13:
0x1b8: {  	v8 =	vld [tilespmem:s12+$0x0];
	p1 =	sne.s32 s2, $0x1;
	s2 =	sadd.s32 $0xFFFFFFFF, s2;
	vm0 =	vmand vm0, vm1  }
.Ltmp14:
0x1b9: {  	v9 =	vsel vm0, $0x1, v0;
	(pc) =	sbr.rel @p1 .LBB2_13-.Ltmp14, $4  }
0x1ba: {  	v6 =	vadd.s32 v9, v6  }
0x1bb: {  	s3 =	sadd.s32 $0x10, s3  }
0x1bc: {  	v9 =	vor.u32 s3, v1  }
0x1bd: {  	s12 =	sadd.s32 $0x10, s12;
	vm0 =	vlt.s32 v9, v5;
	vm1 =	vge.s32 v8, v7  }
.Ltmp15:
0x1be: {  	_ = 	snop;
	(pc) =	sbr.rel .LBB2_14-.Ltmp15, $1  }
0x1bf: {  	_ =	sdelay $0x3  }
.LBB2_16:
.Ltmp16:
0x1c0: {  	(pc) =	sbr.rel @p0 .LBB2_17-.Ltmp16, $2  }
0x1c1: {  	_ =	sdelay $0x2  }
0x1c2: {  	v6 =	vmov s24;
	v7 =	vimm.s32 $0x0  }
0x1c3: {  	s0 =	simm.s32 $0x6000  }
0x1c4: {  	p0 =	sne.s32 s31, $0x1;
	v8 =	vld [tilespmem:s0+$0x0]  }
.Ltmp17:
0x1c5: {  	_ = 	snop;
	(pc) =	sbr.rel @!p0 .LBB2_20-.Ltmp17, $4  }
0x1c6: {  	s28 =	simm.s32 $0x0  }
0x1c7: {  	v9 =	vor.u32 s28, v1  }
0x1c8: {  	vm0 =	vlt.s32 v9, v5  }
0x1c9: {  	s2 =	sadd.s32 $0xFFFFFFFF, s31;
	s29 =	simm.s32 $0x6010;
	s3 =	simm.s32 $0x0;
	vm2 =	vmmov vm0;
	vm1 =	vge.s32 v8, v6  }
.LBB2_19:
0x1ca: {  	v8 =	vld [tilespmem:s29+$0x0];
	p1 =	sne.s32 s2, $0x1;
	s2 =	sadd.s32 $0xFFFFFFFF, s2;
	vm1 =	vmand vm2, vm1  }
.Ltmp18:
0x1cb: {  	v9 =	vsel vm1, $0x1, v0;
	(pc) =	sbr.rel @p1 .LBB2_19-.Ltmp18, $4  }
0x1cc: {  	v7 =	vadd.s32 v9, v7  }
0x1cd: {  	s3 =	sadd.s32 $0x10, s3  }
0x1ce: {  	v9 =	vor.u32 s3, v1  }
0x1cf: {  	s29 =	sadd.s32 $0x10, s29;
	vm2 =	vlt.s32 v9, v5;
	vm1 =	vge.s32 v8, v6  }
.LBB2_20:
0x1d0: {  	vm1 =	vmand vm2, vm1  }
0x1d1: {  	v8 =	vsel vm1, $0x1, v0  }
0x1d2: {  	v7 =	vadd.s32 v8, v7  }
0x1d3: {  	(xrf0) =	vadd.scan.msk.s32 $0xffff, v7;
	_ =	sdelay $0x5  }
0x1d4: {  	v7, _, _ =	vpop (xrf0)  }
0x1d5: {  	(v2sf) =	vpush v7, $0xF;
	_ =	sdelay $0x9  }
0x1d6: {  	v8 =	vld [tilespmem:s0+$0x0]  }
.Ltmp19:
0x1d7: {  	_ = 	snop;
	(pc) =	sbr.rel @!p0 .LBB2_22-.Ltmp19, $2  }
0x1d8: {  	_ =	sdelay $0x2  }
0x1d9: {  	s2 =	sadd.s32 $0xFFFFFFFF, s31;
	s29 =	simm.s32 $0x6010;
	vm1 =	vlt.s32 v8, v6;
	v7 =	vimm.s32 $0x80000000;
	s0 =	spop (v2sf)  }
.LBB2_21:
0x1da: {  	v9 =	vld [tilespmem:s29+$0x0];
	p0 =	sne.s32 s2, $0x1;
	s2 =	sadd.s32 $0xFFFFFFFF, s2;
	vm0 =	vmand vm0, vm1  }
.Ltmp20:
0x1db: {  	v8 =	vnsel vm0, $0x80000000, v8;
	(pc) =	sbr.rel @p0 .LBB2_21-.Ltmp20, $4  }
0x1dc: {  	vm0 =	vgt.s32 v7, v8  }
0x1dd: {  	s28 =	sadd.s32 $0x10, s28;
	v7 =	vsel vm0, v7, v8  }
0x1de: {  	v10 =	vor.u32 s28, v1  }
0x1df: {  	s29 =	sadd.s32 $0x10, s29;
	vm0 =	vlt.s32 v10, v5;
	vm1 =	vlt.s32 v9, v6;
	v8 =	vmov v9  }
.LBB2_22:
.Ltmp21:
0x1e0: {  	vm0 =	vmand vm0, vm1;
	(pc) =	sbr.rel .LBB2_31-.Ltmp21, $4  }
0x1e1: {  	v5 =	vnsel vm0, $0x80000000, v8  }
0x1e2: {  	vm0 =	vgt.s32 v7, v5  }
0x1e3: {  	v5 =	vsel vm0, v7, v5  }
0x1e4: {  	v7 =	vxor.u32 $0x80000000, v5  }
.LBB2_17:
0x1e5: {  	s0 =	rddreg [dreg:$0x4]  }
.LBB2_31:
0x1e6: {  	(xrf0) =	vmax.scan.msk.u32 $0xffff, v7;
	_ =	sdelay $0x5  }
0x1e7: {  	v5, _, _ =	vpop (xrf0)  }
0x1e8: {  	(v2sf) =	vpush v5, $0xF;
	_ =	sdelay $0xe  }
0x1e9: {  	s2 =	spop (v2sf)  }
0x1ea: {  	s3 =	sxor.u32 $0x80000000, s26;
	s2 =	sxor.u32 $0x80000000, s2  }
0x1eb: {  	s0 =	sadd.s32 s25, s0;
	p0 =	sgt.s32 s3, s2  }
0x1ec: {  	p1 =	sgt.s32 s0, $0x19A;
	s2 =	smov.u32 @p0 s3  }
0x1ed: {  	s2 =	smov.u32 @p1 s24  }
0x1ee: {  	vm0 =	vlt.s32 v6, $0x0;
	v5 =	vmov s2  }
0x1ef: {  	v7 =	vxor.u32 $0x7FFFFFFF, v6;
	s24 =	simm.s32 $0x40;
	vm1 =	vlt.s32 v5, $0x0;
	v5 =	vxor.u32 $0x7FFFFFFF, v5  }
0x1f0: {  	v6 =	vsel vm0, v7, v6;
	v7 =	vld [tilespmem:s24+$0x30];
	v5 =	vnsel vm1, s2, v5  }
0x1f1: {  	v10 =	vld [tilespmem:s24+$0xFFFFFFD0];
	v5 =	vadd.f32 v5, v6  }
0x1f2: {  	v12 =	vld [tilespmem:s24+$0xFFFFFFE0]  }
0x1f3: {  	v9 =	vld [tilespmem:s24+$0xFFFFFFF0];
	v5 =	vmul.f32 $5.000000000e-01, v5  }
0x1f4: {  	v8 =	vld [tilespmem:s24+$0x0]  }
0x1f5: {  	v6 =	vld [tilespmem:s24+$0x10];
	vm0 =	vgt.f32 v7, v5  }
0x1f6: {  	vm1 =	vgt.f32 v10, v5;
	v7 =	vld [tilespmem:s24+$0x20];
	v13 =	vsel vm0, $0x3F800000, v4  }
0x1f7: {  	s25 =	simm.s32 $0xC0;
	s0 =	simm.s32 $0x0;
	v10 =	vld [tilespmem:s24+$0xFFFFFFC0];
	v11 =	vsel vm1, $0x3F800000, v4;
	vm0 =	vgt.f32 v12, v5;
	[tilespmem:s24+$0x30] =	vst v13  }
.LBB2_32:
0x1f8: {  	v12 =	vld [tilespmem:s25+$0x30];
	s0 =	sadd.s32 $0x8, s0;
	[tilespmem:s24+$0xFFFFFFD0] =	vst v11;
	v11 =	vsel vm0, $0x3F800000, v4;
	vm0 =	vgt.f32 v9, v5  }
0x1f9: {  	v13 =	vld [tilespmem:s25+$0xFFFFFFD0];
	p0 =	slt.u32 s0, $0x1F8;
	[tilespmem:s24+$0xFFFFFFE0] =	vst v11;
	v9 =	vsel vm0, $0x3F800000, v4;
	vm0 =	vgt.f32 v8, v5  }
0x1fa: {  	v14 =	vld [tilespmem:s25+$0xFFFFFFE0];
	[tilespmem:s24+$0xFFFFFFF0] =	vst v9;
	v8 =	vsel vm0, $0x3F800000, v4;
	vm0 =	vgt.f32 v6, v5  }
.Ltmp22:
0x1fb: {  	v9 =	vld [tilespmem:s25+$0xFFFFFFF0];
	[tilespmem:s24+$0x0] =	vst v8;
	v6 =	vsel vm0, $0x3F800000, v4;
	vm0 =	vgt.f32 v7, v5;
	(pc) =	sbr.rel @p0 .LBB2_32-.Ltmp22, $4  }
0x1fc: {  	v8 =	vld [tilespmem:s25+$0x0];
	vm1 =	vgt.f32 v10, v5;
	[tilespmem:s24+$0x10] =	vst v6;
	v7 =	vsel vm0, $0x3F800000, v4  }
0x1fd: {  	v6 =	vld [tilespmem:s25+$0x10];
	vm0 =	vgt.f32 v12, v5;
	v10 =	vsel vm1, $0x3F800000, v4;
	[tilespmem:s24+$0x20] =	vst v7  }
0x1fe: {  	vm1 =	vgt.f32 v13, v5;
	v7 =	vld [tilespmem:s25+$0x20];
	v12 =	vsel vm0, $0x3F800000, v4;
	[tilespmem:s24+$0xFFFFFFC0] =	vst v10;
	s24 =	smov.u32 s25  }
0x1ff: {  	s25 =	sadd.s32 $0x80, s25;
	v10 =	vld [tilespmem:s24+$0xFFFFFFC0];
	v11 =	vsel vm1, $0x3F800000, v4;
	vm0 =	vgt.f32 v14, v5;
	[tilespmem:s24+$0x30] =	vst v12  }
0x200: {  	[tilespmem:s24+$0xFFFFFFD0] =	vst v11;
	v11 =	vsel vm0, $0x3F800000, v4;
	vm0 =	vgt.f32 v9, v5  }
0x201: {  	[tilespmem:s24+$0xFFFFFFE0] =	vst v11;
	v9 =	vsel vm0, $0x3F800000, v4;
	vm0 =	vgt.f32 v8, v5  }
0x202: {  	[tilespmem:s24+$0xFFFFFFF0] =	vst v9;
	v8 =	vsel vm0, $0x3F800000, v4;
	vm0 =	vgt.f32 v6, v5  }
0x203: {  	[tilespmem:s24+$0x0] =	vst v8;
	v6 =	vsel vm0, $0x3F800000, v4;
	vm0 =	vgt.f32 v7, v5  }
0x204: {  	vm1 =	vgt.f32 v10, v5;
	[tilespmem:s24+$0x10] =	vst v6;
	v5 =	vsel vm0, $0x3F800000, v4  }
0x205: {  	v6 =	vsel vm1, $0x3F800000, v4;
	[tilespmem:s24+$0x20] =	vst v5  }
0x206: {  	[tilespmem:s24+$0xFFFFFFC0] =	vst v6  }
0x207: {  	[hbm4b:s5+s13] =	stream.strided.scatter [tilespmem:s1], [sflag:$0x3], $0x2000, s14, s13, $0x38;
	[tilespmem:$0x6800] =	vst v63  }
0x208: {  	_ =	swait.ge [sflag:s20], $0x2000  }
0x209: {  	[sflag:s20] =	ssyncset.done $0x0  }
0x20a: {  	[sflag:s20] =	ssyncadd.s32 $0xFFFFE000  }
0x20b: {  	_ =	swait.ge [sflag:s21], $0x2000  }
0x20c: {  	[sflag:s21] =	ssyncset.done $0x0  }
0x20d: {  	s0 =	simm.s32 $0x2040;
	[sflag:s21] =	ssyncadd.s32 $0xFFFFE000  }
0x20e: {  	[tilespmem:s1], [sflag:$0x1] =	stream.strided.gather [hbm4b:s6+s13], $0x2000, s14, s13, $0x38;
	[tilespmem:$0x6800] =	vst v63  }
0x20f: {  	v6 =	vld [tilespmem:s0+$0xFFFFFFC0];
	_ =	sdelay $0x1  }
0x210: {  	v7 =	vld [tilespmem:s0+$0x20]  }
0x211: {  	v10 =	vld [tilespmem:s0+$0xFFFFFFF0]  }
0x212: {  	v12 =	vld [tilespmem:s0+$0xFFFFFFD0]  }
0x213: {  	v8 =	vld [tilespmem:s0+$0xFFFFFFE0];
	v11 =	vshra.s32 v6, $0x15  }
0x214: {  	v5 =	vld [tilespmem:s0+$0x0];
	vm0 =	vlt.s32 v6, $0x0;
	v6 =	vxor.u32 $0x3FF, v11  }
0x215: {  	v9 =	vld [tilespmem:s0+$0x30];
	v13 =	vshra.s32 v7, $0x15;
	v6 =	vsel vm0, v6, v11  }
0x216: {  	vm0 =	vlt.s32 v7, $0x0;
	v7 =	vxor.u32 $0x3FF, v13;
	v11 =	vadd.s32 v2, v6  }
0x217: {  	vm3 =	vlt.s32 v10, $0x0;
	v15 =	vshra.s32 v10, $0x15;
	v7 =	vsel vm0, v7, v13  }
0x218: {  	vm1 =	vlt.s32 v8, $0x0;
	vm2 =	vlt.s32 v12, $0x0;
	v10 =	vadd.s32 v2, v7;
	v7 =	vld [tilespmem:s0+$0x10]  }
0x219: {  	v16 =	vxor.u32 $0x3FF, v15;
	v6 =	vshra.s32 v5, $0x15;
	v13 =	vshra.s32 v12, $0x15  }
0x21a: {  	s25 =	simm.s32 $0x0;
	s26 =	simm.s32 $0x20C0;
	vm0 =	vlt.s32 v9, $0x0;
	v12 =	vsel vm3, v16, v15;
	v14 =	vxor.u32 $0x3FF, v13  }
.LBB2_34:
0x21b: {  	s25 =	sadd.s32 $0x8, s25;
	[tilespmem:v11+s17+$0x0] =	vst.idx.add.s32.msk $0xffff, v3;
	v11 =	vsel vm2, v14, v13;
	v8 =	vshra.s32 v8, $0x15;
	v9 =	vshra.s32 v9, $0x15  }
0x21c: {  	v13 =	vld [tilespmem:s26+$0x20];
	p0 =	slt.u32 s25, $0x1F8;
	v14 =	vadd.s32 v2, v11;
	v11 =	vxor.u32 $0x3FF, v8;
	v15 =	vxor.u32 $0x3FF, v9  }
0x21d: {  	v12 =	vadd.s32 v2, v12;
	v16 =	vld [tilespmem:s26+$0xFFFFFFC0];
	v8 =	vsel vm1, v11, v8;
	vm1 =	vlt.s32 v7, $0x0  }
0x21e: {  	vm2 =	vlt.s32 v5, $0x0;
	v5 =	vshra.s32 v7, $0x15;
	v17 =	vadd.s32 v2, v8;
	[tilespmem:v10+s17+$0x0] =	vst.idx.add.s32.msk $0xffff, v3  }
0x21f: {  	v7 =	vxor.u32 $0x3FF, v6;
	v9 =	vsel vm0, v15, v9;
	v8 =	vxor.u32 $0x3FF, v5;
	v10 =	vld [tilespmem:s26+$0xFFFFFFF0]  }
0x220: {  	v6 =	vsel vm2, v7, v6;
	v11 =	vadd.s32 v2, v9;
	v7 =	vsel vm1, v8, v5;
	v18 =	vld [tilespmem:s26+$0xFFFFFFD0]  }
0x221: {  	v19 =	vadd.s32 v2, v7;
	v5 =	vld [tilespmem:s26+$0x0]  }
0x222: {  	v8 =	vld [tilespmem:s26+$0xFFFFFFE0]  }
0x223: {  	v21 =	vadd.s32 v2, v6;
	v20 =	vshra.s32 v16, $0x15;
	v9 =	vld [tilespmem:s26+$0x30]  }
0x224: {  	v22 =	vshra.s32 v13, $0x15;
	vm0 =	vlt.s32 v16, $0x0;
	v6 =	vxor.u32 $0x3FF, v20;
	v7 =	vld [tilespmem:s26+$0x10]  }
0x225: {  	v15 =	vimm.s32 $0x0;
	v16 =	vimm.s32 $0x7FFFFFFF;
	v6 =	vsel vm0, v6, v20;
	[tilespmem:v11+s17+$0x0] =	vst.idx.add.s32.msk $0xffff, v3  }
.Ltmp23:
0x226: {  	vm0 =	vlt.s32 v13, $0x0;
	v13 =	vxor.u32 $0x3FF, v22;
	v11 =	vadd.s32 v2, v6;
	[tilespmem:v17+s17+$0x0] =	vst.idx.add.s32.msk $0xffff, v3;
	(pc) =	sbr.rel @p0 .LBB2_34-.Ltmp23, $4  }
0x227: {  	vm3 =	vlt.s32 v10, $0x0;
	v13 =	vsel vm0, v13, v22;
	v6 =	vshra.s32 v5, $0x15;
	[tilespmem:v14+s17+$0x0] =	vst.idx.add.s32.msk $0xffff, v3  }
0x228: {  	v17 =	vshra.s32 v10, $0x15;
	v10 =	vadd.s32 v2, v13;
	vm0 =	vlt.s32 v9, $0x0;
	[tilespmem:v21+s17+$0x0] =	vst.idx.add.s32.msk $0xffff, v3  }
0x229: {  	v13 =	vshra.s32 v18, $0x15;
	vm1 =	vlt.s32 v8, $0x0;
	v20 =	vxor.u32 $0x3FF, v17;
	[tilespmem:v12+s17+$0x0] =	vst.idx.add.s32.msk $0xffff, v3  }
0x22a: {  	s24 =	simm.s32 $0x57C0;
	s26 =	sadd.s32 $0x80, s26;
	vm2 =	vlt.s32 v18, $0x0;
	v14 =	vxor.u32 $0x3FF, v13;
	v12 =	vsel vm3, v20, v17;
	[tilespmem:v19+s17+$0x0] =	vst.idx.add.s32.msk $0xffff, v3  }
0x22b: {  	v9 =	vshra.s32 v9, $0x15;
	v8 =	vshra.s32 v8, $0x15  }
0x22c: {  	v13 =	vsel vm2, v14, v13;
	v17 =	vxor.u32 $0x3FF, v9;
	v18 =	vxor.u32 $0x3FF, v8  }
0x22d: {  	v13 =	vadd.s32 v2, v13;
	v9 =	vsel vm0, v17, v9;
	v8 =	vsel vm1, v18, v8  }
0x22e: {  	vm0 =	vlt.s32 v5, $0x0;
	v5 =	vxor.u32 $0x3FF, v6;
	v9 =	vadd.s32 v2, v9  }
0x22f: {  	v14 =	vshra.s32 v7, $0x15;
	v8 =	vadd.s32 v2, v8;
	v5 =	vsel vm0, v5, v6  }
0x230: {  	[tilespmem:v11+s17+$0x0] =	vst.idx.add.s32.msk $0xffff, v3;
	vm0 =	vlt.s32 v7, $0x0;
	v6 =	vxor.u32 $0x3FF, v14;
	v7 =	vadd.s32 v2, v12  }
0x231: {  	[tilespmem:v10+s17+$0x0] =	vst.idx.add.s32.msk $0xffff, v3;
	v5 =	vadd.s32 v2, v5;
	v6 =	vsel vm0, v6, v14  }
0x232: {  	v6 =	vadd.s32 v2, v6;
	[tilespmem:v13+s17+$0x0] =	vst.idx.add.s32.msk $0xffff, v3  }
0x233: {  	[tilespmem:v9+s17+$0x0] =	vst.idx.add.s32.msk $0xffff, v3  }
0x234: {  	[tilespmem:v8+s17+$0x0] =	vst.idx.add.s32.msk $0xffff, v3  }
0x235: {  	[tilespmem:v7+s17+$0x0] =	vst.idx.add.s32.msk $0xffff, v3  }
0x236: {  	[tilespmem:v5+s17+$0x0] =	vst.idx.add.s32.msk $0xffff, v3  }
0x237: {  	[tilespmem:v6+s17+$0x0] =	vst.idx.add.s32.msk $0xffff, v3  }
0x238: {  	v5 =	vld [tilespmem:s24+$0xFFFFF830]  }
0x239: {  	v6 =	vld [tilespmem:s24+$0xFFFFF800]  }
0x23a: {  	v7 =	vld [tilespmem:s24+$0xFFFFF000]  }
0x23b: {  	v8 =	vld [tilespmem:s24+$0x10]  }
0x23c: {  	v9 =	vld [tilespmem:s24+$0xFFFFF030]  }
0x23d: {  	v10 =	vld [tilespmem:s24+$0x30]  }
0x23e: {  	v11 =	vld [tilespmem:s24+$0x830]  }
0x23f: {  	v12 =	vld [tilespmem:s24+$0xFFFFF810]  }
0x240: {  	v13 =	vld [tilespmem:s24+$0xFFFFF020];
	[tilespmem:s24+$0xFFFFF830] =	vst v0  }
0x241: {  	v14 =	vld [tilespmem:s24+$0xFFFFF010];
	[tilespmem:s24+$0xFFFFF800] =	vst v0;
	v5 =	vadd.s32 v9, v5  }
0x242: {  	[tilespmem:s24+$0x10] =	vst v0;
	v17 =	vld [tilespmem:s24+$0xFFFFF820];
	v5 =	vadd.s32 v10, v5  }
0x243: {  	[tilespmem:s24+$0x30] =	vst v0;
	v9 =	vld [tilespmem:s24+$0x810];
	v18 =	vadd.s32 v11, v5  }
0x244: {  	[tilespmem:s24+$0xFFFFF020] =	vst v0;
	v10 =	vld [tilespmem:s24+$0x0];
	(xrf0) =	vadd.scan.msk.s32 $0xffff, v18  }
0x245: {  	[tilespmem:s24+$0xFFFFF030] =	vst v0;
	v11 =	vld [tilespmem:s24+$0x800]  }
0x246: {  	v19 =	vld [tilespmem:s24+$0x20];
	[tilespmem:s24+$0xFFFFF010] =	vst v0  }
0x247: {  	[tilespmem:s24+$0xFFFFF820] =	vst v0;
	v5 =	vadd.s32 v14, v12;
	v12 =	vld [tilespmem:s24+$0x820]  }
0x248: {  	s25 =	simm.s32 $0x5780;
	[tilespmem:s24+$0x830] =	vst v0;
	v6 =	vadd.s32 v7, v6;
	v5 =	vadd.s32 v8, v5  }
0x249: {  	[tilespmem:s24+$0x20] =	vst v0;
	v22 =	vld [tilespmem:s25+$0x830];
	v5 =	vadd.s32 v9, v5;
	v6 =	vadd.s32 v10, v6  }
0x24a: {  	[tilespmem:s24+$0xFFFFF810] =	vst v0;
	v26 =	vld [tilespmem:s25+$0xFFFFF010];
	v7 =	vadd.s32 v13, v17;
	(xrf0) =	vadd.scan.msk.s32 $0xffff, v5;
	v6 =	vadd.s32 v11, v6;
	v20, _, _ =	vpop (xrf0)  }
0x24b: {  	[tilespmem:s24+$0xFFFFF000] =	vst v0;
	v27 =	vld [tilespmem:s25+$0x0];
	v7 =	vadd.s32 v19, v7;
	(xrf0) =	vadd.scan.msk.s32 $0xffff, v6;
	v8 =	vxor.u32 $0x80000000, v20  }
0x24c: {  	v28 =	vld [tilespmem:s25+$0x820];
	[tilespmem:s24+$0x810] =	vst v0;
	v17 =	vadd.s32 v12, v7;
	(xrf0) =	vmax.scan.msk.u32 $0xffff, v8  }
0x24d: {  	[tilespmem:s24+$0x0] =	vst v0;
	v14 =	vld [tilespmem:s25+$0x30];
	(xrf0) =	vadd.scan.msk.s32 $0xffff, v17  }
0x24e: {  	[tilespmem:s24+$0x800] =	vst v0;
	v9 =	vld [tilespmem:s25+$0xFFFFF030]  }
0x24f: {  	[tilespmem:s24+$0x820] =	vst v0;
	s24 =	simm.s32 $0x5740;
	v7 =	vld [tilespmem:s25+$0xFFFFF830]  }
0x250: {  	v29 =	vld [tilespmem:s24+$0xFFFFF020];
	v23, _, _ =	vpop (xrf0)  }
0x251: {  	v30 =	vld [tilespmem:s24+$0xFFFFF030];
	v13 =	vxor.u32 $0x80000000, v23;
	v24, _, _ =	vpop (xrf0)  }
0x252: {  	v31 =	vld [tilespmem:s24+$0xFFFFF010];
	(xrf0) =	vmax.scan.msk.u32 $0xffff, v13;
	v19, _, _ =	vpop (xrf0)  }
0x253: {  	v12 =	vld [tilespmem:s25+$0xFFFFF810];
	v13 =	vxor.u32 $0x80000000, v24;
	v21, _, _ =	vpop (xrf0)  }
0x254: {  	[tilespmem:s25+$0xFFFFF010] =	vst v0;
	v8 =	vld [tilespmem:s25+$0x10];
	v7 =	vadd.s32 v9, v7;
	(xrf0) =	vmax.scan.msk.u32 $0xffff, v13;
	v25 =	vxor.u32 $0x80000000, v21  }
0x255: {  	[tilespmem:s25+$0x0] =	vst v0;
	v7 =	vadd.s32 v14, v7;
	(xrf0) =	vmax.scan.msk.u32 $0xffff, v25;
	v25 =	vld [tilespmem:s25+$0x810]  }
0x256: {  	[tilespmem:s25+$0x830] =	vst v0;
	v10 =	vld [tilespmem:s25+$0xFFFFF800];
	(v2sf) =	vpush v19, $0xF  }
0x257: {  	[tilespmem:s25+$0x820] =	vst v0;
	v11 =	vld [tilespmem:s25+$0xFFFFF000]  }
0x258: {  	[tilespmem:s25+$0x30] =	vst v0;
	v12 =	vadd.s32 v26, v12;
	v14 =	vld [tilespmem:s25+$0x800];
	v9 =	vadd.s32 v22, v7;
	v7, _, _ =	vpop (xrf0)  }
0x259: {  	[tilespmem:s24+$0xFFFFF030] =	vst v0;
	v13 =	vld [tilespmem:s25+$0xFFFFF020];
	(xrf0) =	vadd.scan.msk.s32 $0xffff, v9;
	(v2sf) =	vpush v7, $0xF;
	v7 =	vadd.s32 v8, v12  }
0x25a: {  	[tilespmem:s24+$0xFFFFF010] =	vst v0;
	v19 =	vld [tilespmem:s25+$0xFFFFF820];
	v8 =	vadd.s32 v25, v7  }
0x25b: {  	[tilespmem:s24+$0xFFFFF020] =	vst v0;
	v26 =	vld [tilespmem:s25+$0x20];
	v22, _, _ =	vpop (xrf0);
	(xrf0) =	vadd.scan.msk.s32 $0xffff, v8  }
0x25c: {  	v35 =	vld [tilespmem:s24+$0x810];
	[tilespmem:s24+$0x810] =	vst v0  }
0x25d: {  	v36 =	vld [tilespmem:s24+$0x0];
	[tilespmem:s24+$0x0] =	vst v0;
	v7 =	vadd.s32 v11, v10  }
0x25e: {  	v60 =	vld [tilespmem:s24+$0x800];
	[tilespmem:s24+$0x800] =	vst v0;
	v12, _, _ =	vpop (xrf0);
	v7 =	vadd.s32 v27, v7  }
0x25f: {  	v61 =	vld [tilespmem:s24+$0xFFFFF820];
	[tilespmem:s24+$0xFFFFF820] =	vst v0;
	v10 =	vadd.s32 v13, v19;
	(v2sf) =	vpush v12, $0xF;
	v7 =	vadd.s32 v14, v7;
	v13, _, _ =	vpop (xrf0)  }
0x260: {  	v33 =	vld [tilespmem:s24+$0x830];
	[tilespmem:s24+$0x830] =	vst v0;
	v10 =	vadd.s32 v26, v10;
	(xrf0) =	vadd.scan.msk.s32 $0xffff, v7;
	v11 =	vxor.u32 $0x80000000, v13  }
0x261: {  	[tilespmem:s25+$0xFFFFF030] =	vst v0;
	v10 =	vadd.s32 v28, v10;
	(xrf0) =	vmax.scan.msk.u32 $0xffff, v11;
	v12, _, _ =	vpop (xrf0)  }
0x262: {  	[tilespmem:s25+$0xFFFFF800] =	vst v0;
	(xrf0) =	vadd.scan.msk.s32 $0xffff, v10;
	v11 =	vxor.u32 $0x80000000, v12  }
0x263: {  	[tilespmem:s25+$0xFFFFF830] =	vst v0;
	(v2sf) =	vpush v22, $0xF;
	(xrf0) =	vmax.scan.msk.u32 $0xffff, v11  }
0x264: {  	[tilespmem:s25+$0xFFFFF810] =	vst v0  }
0x265: {  	[tilespmem:s25+$0xFFFFF000] =	vst v0;
	v19 =	vld [tilespmem:s24+$0xFFFFF830];
	s0 =	spop (v2sf)  }
0x266: {  	[tilespmem:s25+$0x10] =	vst v0;
	v25 =	vld [tilespmem:s24+$0xFFFFF800];
	s0 =	sadd.s32 $0x0, s0;
	v11, _, _ =	vpop (xrf0)  }
0x267: {  	[tilespmem:s25+$0x20] =	vst v0;
	v27 =	vld [tilespmem:s24+$0xFFFFF810];
	s0 =	sadd.s32 $0x80000000, s0;
	v32, _, _ =	vpop (xrf0)  }
0x268: {  	[tilespmem:s25+$0x800] =	vst v0;
	v28 =	vld [tilespmem:s24+$0x30];
	v20 =	vsub.s32 s0, v20;
	v14, _, _ =	vpop (xrf0);
	(v2sf) =	vpush v32, $0xF  }
0x269: {  	[tilespmem:s25+$0xFFFFF020] =	vst v0;
	v22 =	vld [tilespmem:s24+$0xFFFFF000];
	v34 =	vxor.u32 $0x80000000, v11;
	v37 =	vadd.s32 v18, v20;
	v18, _, _ =	vpop (xrf0)  }
0x26a: {  	[tilespmem:s25+$0xFFFFF820] =	vst v0;
	v26 =	vld [tilespmem:s24+$0x10];
	s2 =	spop (v2sf);
	(xrf0) =	vmax.scan.msk.u32 $0xffff, v34;
	v59 =	vxor.u32 $0x80000000, v14;
	(v2sf) =	vpush v18, $0xF  }
0x26b: {  	[tilespmem:s25+$0x810] =	vst v0;
	(xrf0) =	vmax.scan.msk.u32 $0xffff, v59  }
0x26c: {  	[tilespmem:s24+$0xFFFFF830] =	vst v0;
	v19 =	vadd.s32 v30, v19  }
0x26d: {  	v29 =	vadd.s32 v29, v61;
	[tilespmem:s24+$0xFFFFF800] =	vst v0;
	v18 =	vadd.s32 v28, v19  }
0x26e: {  	[tilespmem:s24+$0x10] =	vst v0;
	v20 =	vadd.s32 v22, v25;
	v19 =	vadd.s32 v31, v27;
	v27 =	vld [tilespmem:s24+$0x20];
	s3 =	spop (v2sf);
	v18 =	vadd.s32 v33, v18  }
0x26f: {  	vm1 =	vgt.s32 v37, $0x199;
	v20 =	vadd.s32 v36, v20;
	v28 =	vld [tilespmem:s24+$0x820];
	v19 =	vadd.s32 v26, v19;
	s0 =	sadd.s32 s3, s0;
	(xrf0) =	vadd.scan.msk.s32 $0xffff, v18  }
0x270: {  	[tilespmem:s24+$0xFFFFF810] =	vst v0;
	vm0 =	vlt.s32 v16, v37;
	v22 =	vsel vm1, $0x1, v0;
	v19 =	vadd.s32 v35, v19;
	s0 =	sadd.s32 $0x80000000, s0;
	v25, _, _ =	vpop (xrf0)  }
0x271: {  	v20 =	vadd.s32 v60, v20;
	v62 =	vsel vm1, $0x0, v37;
	v63 =	vsel vm0, v16, v37;
	(xrf0) =	vadd.scan.msk.s32 $0xffff, v19;
	s2 =	sadd.s32 s2, s0;
	v26, _, _ =	vpop (xrf0)  }
0x272: {  	[tilespmem:s24+$0x30] =	vst v0;
	v22 =	vadd.s32 v22, v15;
	s31 =	spop (v2sf);
	v21 =	vsub.s32 s0, v21;
	s2 =	sadd.s32 $0x80000000, s2;
	(v2sf) =	vpush v26, $0xF  }
0x273: {  	vm2 =	vgt.s32 v15, v62;
	(xrf0) =	vadd.scan.msk.s32 $0xffff, v20;
	v27 =	vadd.s32 v27, v29;
	v21 =	vadd.s32 v17, v21;
	s3 =	sadd.s32 s31, s2  }
0x274: {  	[tilespmem:s24+$0x20] =	vst v0;
	v15 =	vsel vm2, v15, v62;
	v17 =	vadd.s32 v28, v27;
	vm0 =	vgt.s32 v21, $0x199;
	s28 =	sadd.s32 $0x80000000, s3  }
0x275: {  	s26 =	simm.s32 $0x5700;
	s25 =	simm.s32 $0x8;
	[tilespmem:s24+$0x820] =	vst v0;
	v27 =	vsel vm1, v63, v16;
	v23 =	vsub.s32 s2, v23;
	v26 =	vsub.s32 s28, v24;
	v24, _, _ =	vpop (xrf0)  }
.LBB2_36:
0x276: {  	v28 =	vld [tilespmem:s26+$0xFFFFF830];
	s25 =	sadd.s32 $0x4, s25;
	v29 =	vxor.u32 $0x80000000, v24;
	[tilespmem:s24+$0xFFFFF000] =	vst v0;
	(v2sf) =	vpush v25, $0xF;
	vm1 =	vlt.s32 v27, v21;
	v16 =	vmovc v12;
	s24 =	smov.u32 s26  }
0x277: {  	v23 =	vadd.s32 v5, v23;
	v25 =	vadd.s32 v6, v26;
	[tilespmem:s26+$0xFFFFF830] =	vst v0;
	v30 =	vld [tilespmem:s26+$0xFFFFF800];
	p0 =	slt.u32 s25, $0x7C;
	(xrf0) =	vmax.scan.msk.u32 $0xffff, v29;
	v12, _, _ =	vpop (xrf0);
	s0 =	spop (v2sf)  }
0x278: {  	v5 =	vmovc v8;
	v29 =	vsel vm1, v27, v21;
	v26 =	vld [tilespmem:s26+$0xFFFFF000];
	[tilespmem:s26+$0xFFFFF800] =	vst v0;
	v35 =	vxor.u32 $0x80000000, v12;
	(xrf0) =	vadd.scan.msk.s32 $0xffff, v17;
	s0 =	sadd.s32 s0, s28  }
0x279: {  	vm2 =	vgt.s32 v23, $0x199;
	vm1 =	vgt.s32 v25, $0x199;
	v27 =	vsel vm0, v29, v27;
	v31 =	vld [tilespmem:s26+$0x10];
	(xrf0) =	vmax.scan.msk.u32 $0xffff, v35;
	v32, _, _ =	vpop (xrf0);
	s29 =	sadd.s32 $0x80000000, s0;
	s28 =	spop (v2sf)  }
0x27a: {  	v8 =	vmovc v19;
	v6 =	vmovc v7;
	vm3 =	vlt.s32 v27, v23;
	v29 =	vld [tilespmem:s26+$0xFFFFF810];
	[tilespmem:s26+$0x10] =	vst v0;
	v33 =	vxor.u32 $0x80000000, v32;
	v34 =	vsub.s32 s29, v13  }
0x27b: {  	v7 =	vmovc v20;
	v35 =	vsel vm1, $0x0, v25;
	v37 =	vsel vm3, v27, v23;
	v19 =	vld [tilespmem:s26+$0x30];
	(xrf0) =	vmax.scan.msk.u32 $0xffff, v33;
	v33 =	vsel vm0, $0x1, v0  }
0x27c: {  	v20 =	vsel vm0, $0x0, v21;
	v21 =	vsel vm2, $0x0, v23;
	v13 =	vmovc v24;
	v23 =	vsel vm2, v37, v27;
	[tilespmem:s26+$0x30] =	vst v0;
	v36 =	vld [tilespmem:s26+$0xFFFFF020]  }
0x27d: {  	v34 =	vadd.s32 v9, v34;
	vm0 =	vgt.s32 v15, v20;
	vm3 =	vlt.s32 v23, v25;
	v24 =	vld [tilespmem:s26+$0xFFFFF030];
	[tilespmem:s26+$0xFFFFF020] =	vst v0;
	v27, _, _ =	vpop (xrf0)  }
0x27e: {  	v15 =	vsel vm0, v15, v20;
	v20 =	vsel vm3, v23, v25;
	[tilespmem:s26+$0xFFFFF030] =	vst v0;
	v37 =	vld [tilespmem:s26+$0xFFFFF010];
	(v2sf) =	vpush v27, $0xF;
	v27, _, _ =	vpop (xrf0)  }
0x27f: {  	v22 =	vadd.s32 v33, v22;
	v33 =	vsel vm2, $0x1, v0;
	v38 =	vld [tilespmem:s26+$0x830];
	[tilespmem:s26+$0xFFFFF010] =	vst v0;
	v41 =	vxor.u32 $0x80000000, v27;
	v25, _, _ =	vpop (xrf0)  }
0x280: {  	v40 =	vsel vm1, $0x1, v0;
	v9 =	vmovc v18;
	vm0 =	vgt.s32 v15, v21;
	v39 =	vld [tilespmem:s26+$0x810];
	(xrf0) =	vmax.scan.msk.u32 $0xffff, v41;
	(v2sf) =	vpush v25, $0xF  }
0x281: {  	v22 =	vadd.s32 v33, v22;
	v15 =	vsel vm0, v15, v21;
	v23 =	vsel vm1, v20, v23;
	[tilespmem:s26+$0x810] =	vst v0;
	v41 =	vld [tilespmem:s26+$0x0];
	v25, _, _ =	vpop (xrf0);
	s0 =	spop (v2sf)  }
0x282: {  	vm1 =	vgt.s32 v34, $0x199;
	vm0 =	vgt.s32 v15, v35;
	v18 =	vadd.s32 v24, v28;
	v20 =	vld [tilespmem:s26+$0x800];
	[tilespmem:s26+$0x0] =	vst v0;
	s0 =	sadd.s32 s0, s29  }
0x283: {  	v15 =	vsel vm0, v15, v35;
	v18 =	vadd.s32 v19, v18;
	v21 =	vld [tilespmem:s26+$0xFFFFF820];
	v19 =	vadd.s32 v37, v29;
	[tilespmem:s26+$0x800] =	vst v0;
	s0 =	sadd.s32 $0x80000000, s0  }
0x284: {  	v22 =	vadd.s32 v40, v22;
	v18 =	vadd.s32 v38, v18;
	v24 =	vld [tilespmem:s26+$0x20];
	[tilespmem:s26+$0xFFFFF820] =	vst v0;
	v19 =	vadd.s32 v31, v19;
	s2 =	sadd.s32 s28, s0  }
0x285: {  	v26 =	vadd.s32 v26, v30;
	v29 =	vsel vm1, $0x1, v0;
	v28 =	vld [tilespmem:s26+$0x820];
	v19 =	vadd.s32 v39, v19;
	(xrf0) =	vadd.scan.msk.s32 $0xffff, v18;
	s3 =	spop (v2sf)  }
0x286: {  	vm0 =	vlt.s32 v23, v34;
	v22 =	vadd.s32 v29, v22;
	s2 =	sadd.s32 $0x80000000, s2;
	[tilespmem:s26+$0x830] =	vst v0;
	v26 =	vadd.s32 v41, v26;
	v30, _, _ =	vpop (xrf0)  }
.Ltmp24:
0x287: {  	v29 =	vsel vm1, $0x0, v34;
	v31 =	vsel vm0, v23, v34;
	s3 =	sadd.s32 s3, s2;
	v20 =	vadd.s32 v20, v26;
	(xrf0) =	vadd.scan.msk.s32 $0xffff, v19;
	(pc) =	sbr.rel @p0 .LBB2_36-.Ltmp24, $4  }
0x288: {  	v26 =	vsub.s32 s0, v14;
	s28 =	sadd.s32 $0x80000000, s3;
	v14 =	vmovc v27;
	v21 =	vadd.s32 v36, v21;
	[tilespmem:s26+$0x20] =	vst v0;
	(v2sf) =	vpush v30, $0xF  }
0x289: {  	v27 =	vadd.s32 v24, v21;
	(xrf0) =	vadd.scan.msk.s32 $0xffff, v20;
	v21 =	vadd.s32 v10, v26;
	v26 =	vsub.s32 s28, v11;
	v11 =	vmovc v32  }
0x28a: {  	vm2 =	vgt.s32 v15, v29;
	v10 =	vmovc v17;
	[tilespmem:s26+$0x820] =	vst v0;
	vm0 =	vgt.s32 v21, $0x199;
	v17 =	vadd.s32 v28, v27  }
0x28b: {  	v15 =	vsel vm2, v15, v29;
	s26 =	sadd.s32 $0xFFFFFFC0, s26;
	v27 =	vsel vm1, v31, v23;
	v23 =	vsub.s32 s2, v16;
	[tilespmem:s24+$0xFFFFF810] =	vst v0;
	v24, _, _ =	vpop (xrf0)  }
0x28c: {  	v16 =	vxor.u32 $0x80000000, v24  }
0x28d: {  	(xrf0) =	vmax.scan.msk.u32 $0xffff, v16  }
0x28e: {  	(xrf0) =	vadd.scan.msk.s32 $0xffff, v17;
	_ =	sdelay $0x2  }
0x28f: {  	v16, _, _ =	vpop (xrf0)  }
0x290: {  	v28, _, _ =	vpop (xrf0)  }
0x291: {  	v29 =	vxor.u32 $0x80000000, v16;
	v30, _, _ =	vpop (xrf0)  }
0x292: {  	(xrf0) =	vmax.scan.msk.u32 $0xffff, v29;
	v51 =	vxor.u32 $0x80000000, v28;
	v31, _, _ =	vpop (xrf0)  }
0x293: {  	(xrf0) =	vmax.scan.msk.u32 $0xffff, v51;
	v52 =	vxor.u32 $0x80000000, v31  }
0x294: {  	(v2sf) =	vpush v25, $0xF;
	(xrf0) =	vmax.scan.msk.u32 $0xffff, v52;
	_ =	sdelay $0x3  }
0x295: {  	v25, _, _ =	vpop (xrf0)  }
0x296: {  	(v2sf) =	vpush v30, $0xF;
	v53, _, _ =	vpop (xrf0)  }
0x297: {  	(v2sf) =	vpush v25, $0xF;
	v25, _, _ =	vpop (xrf0)  }
0x298: {  	(v2sf) =	vpush v25, $0xF;
	_ =	sdelay $0x1  }
0x299: {  	s0 =	spop (v2sf)  }
0x29a: {  	s0 =	sadd.s32 s0, s28;
	s2 =	spop (v2sf)  }
0x29b: {  	s0 =	sadd.s32 $0x80000000, s0;
	s3 =	spop (v2sf);
	(v2sf) =	vpush v53, $0xF  }
0x29c: {  	s3 =	sadd.s32 s3, s0  }
0x29d: {  	vm1 =	vlt.s32 v27, v21;
	v5 =	vadd.s32 v5, v23;
	s3 =	sadd.s32 $0x80000000, s3  }
0x29e: {  	v6 =	vadd.s32 v6, v26;
	v13 =	vsub.s32 s0, v13;
	s29 =	sadd.s32 s2, s3;
	v14 =	vsub.s32 s3, v14  }
0x29f: {  	vm2 =	vgt.s32 v5, $0x199;
	v9 =	vadd.s32 v9, v13;
	s30 =	spop (v2sf);
	s0 =	sadd.s32 $0x80000000, s29;
	v10 =	vadd.s32 v10, v14  }
0x2a0: {  	vm3 =	vgt.s32 v9, $0x199;
	s2 =	sadd.s32 s30, s0;
	v12 =	vsub.s32 s0, v12;
	vm9 =	vgt.s32 v10, $0x199  }
0x2a1: {  	v25 =	vsel vm1, v27, v21;
	vm1 =	vgt.s32 v6, $0x199;
	s2 =	sadd.s32 $0x80000000, s2;
	v8 =	vadd.s32 v8, v12  }
0x2a2: {  	v23 =	vsel vm0, v25, v27;
	v25 =	vsel vm0, $0x1, v0;
	v11 =	vsub.s32 s2, v11  }
0x2a3: {  	vm8 =	vgt.s32 v8, $0x199;
	v13 =	vadd.s32 v25, v22;
	v22 =	vsel vm2, $0x1, v0  }
0x2a4: {  	vm4 =	vlt.s32 v23, v5;
	v25 =	vsel vm1, $0x1, v0;
	v13 =	vadd.s32 v22, v13;
	s31 =	spop (v2sf)  }
0x2a5: {  	v7 =	vadd.s32 v7, v11;
	v13 =	vadd.s32 v25, v13;
	v25 =	vsel vm3, $0x1, v0;
	s3 =	sadd.s32 s31, s2;
	s25 =	spop (v2sf)  }
0x2a6: {  	v11 =	vsel vm9, $0x1, v0;
	vm5 =	vgt.s32 v7, $0x199;
	v13 =	vadd.s32 v25, v13;
	s12 =	sadd.s32 $0x80000000, s3;
	s26 =	spop (v2sf)  }
0x2a7: {  	v11 =	vadd.s32 v11, v13;
	v13 =	vsel vm8, $0x1, v0;
	v12 =	vsub.s32 s12, v24;
	s0 =	sadd.s32 s26, s12  }
0x2a8: {  	v14 =	vsel vm5, $0x1, v0;
	v11 =	vadd.s32 v13, v11;
	v12 =	vadd.s32 v18, v12;
	s0 =	sadd.s32 $0x80000000, s0  }
0x2a9: {  	v22 =	vsel vm4, v23, v5;
	v11 =	vadd.s32 v14, v11;
	vm6 =	vgt.s32 v12, $0x199;
	s28 =	sadd.s32 s25, s0  }
0x2aa: {  	v18 =	vsel vm2, v22, v23;
	v14 =	vsel vm6, $0x1, v0;
	s29 =	spop (v2sf);
	v13 =	vsub.s32 s0, v31;
	s2 =	sadd.s32 $0x80000000, s28  }
0x2ab: {  	v11 =	vadd.s32 v14, v11;
	v13 =	vadd.s32 v17, v13;
	s0 =	sadd.s32 s29, s2;
	v14 =	vsub.s32 s2, v16  }
0x2ac: {  	vm11 =	vlt.s32 v18, v6;
	vm10 =	vgt.s32 v13, $0x199;
	s0 =	sadd.s32 $0x80000000, s0;
	v14 =	vadd.s32 v19, v14  }
0x2ad: {  	v17 =	vsel vm10, $0x1, v0;
	v16 =	vsub.s32 s0, v28;
	vm7 =	vgt.s32 v14, $0x199  }
0x2ae: {  	v11 =	vadd.s32 v17, v11;
	v16 =	vadd.s32 v20, v16;
	v17 =	vsel vm7, $0x1, v0  }
0x2af: {  	vm4 =	vgt.s32 v16, $0x199;
	v11 =	vadd.s32 v17, v11;
	v17 =	vsel vm11, v18, v6  }
0x2b0: {  	v19 =	vsel vm4, $0x1, v0;
	v17 =	vsel vm1, v17, v18  }
0x2b1: {  	v11 =	vadd.s32 v19, v11;
	vm14 =	vlt.s32 v17, v9  }
0x2b2: {  	(xrf0) =	vadd.scan.msk.s32 $0xffff, v11;
	v11 =	vsel vm0, $0x0, v21;
	v18 =	vsel vm14, v17, v9  }
0x2b3: {  	vm0 =	vgt.s32 v15, v11;
	v17 =	vsel vm3, v18, v17  }
0x2b4: {  	v5 =	vsel vm2, $0x0, v5;
	v11 =	vsel vm0, v15, v11;
	vm0 =	vlt.s32 v17, v10  }
0x2b5: {  	vm2 =	vgt.s32 v11, v5;
	v15 =	vsel vm0, v17, v10  }
0x2b6: {  	v6 =	vsel vm1, $0x0, v6;
	v5 =	vsel vm2, v11, v5;
	v11 =	vsel vm9, v15, v17  }
0x2b7: {  	vm0 =	vgt.s32 v5, v6;
	vm1 =	vlt.s32 v11, v8  }
0x2b8: {  	v5 =	vsel vm0, v5, v6;
	v6 =	vsel vm3, $0x0, v9;
	v9 =	vsel vm1, v11, v8  }
0x2b9: {  	vm0 =	vgt.s32 v5, v6;
	v9 =	vsel vm8, v9, v11  }
0x2ba: {  	v15, _, _ =	vpop (xrf0);
	v5 =	vsel vm0, v5, v6;
	v6 =	vsel vm9, $0x0, v10;
	vm0 =	vlt.s32 v9, v7  }
0x2bb: {  	[tilespmem:s24+$0xFFFFF000] =	vst v0;
	s30 =	simm.s32 $0x2040;
	(v2sf) =	vpush v15, $0xF;
	vm1 =	vgt.s32 v5, v6;
	v10 =	vsel vm0, v9, v7  }
0x2bc: {  	v19 =	vld [tilespmem:s30+$0xFFFFFFE0];
	v8 =	vsel vm8, $0x0, v8;
	v5 =	vsel vm1, v5, v6;
	v6 =	vsel vm5, v10, v9  }
0x2bd: {  	v21 =	vld [tilespmem:s30+$0x0];
	vm0 =	vgt.s32 v5, v8;
	vm1 =	vlt.s32 v6, v12  }
0x2be: {  	v7 =	vsel vm5, $0x0, v7;
	v5 =	vsel vm0, v5, v8;
	v8 =	vsel vm1, v6, v12  }
0x2bf: {  	vm0 =	vgt.s32 v5, v7;
	v6 =	vsel vm6, v8, v6  }
0x2c0: {  	v5 =	vsel vm0, v5, v7;
	vm0 =	vlt.s32 v6, v13  }
0x2c1: {  	v23 =	vxor.u32 $0x7FFFFFFF, v19;
	v7 =	vsel vm6, $0x0, v12;
	v8 =	vsel vm0, v6, v13  }
0x2c2: {  	v25 =	vxor.u32 $0x7FFFFFFF, v21;
	vm1 =	vgt.s32 v5, v7;
	v6 =	vsel vm10, v8, v6  }
0x2c3: {  	v12 =	vld [tilespmem:s30+$0xFFFFFFF0];
	v5 =	vsel vm1, v5, v7;
	v7 =	vsel vm10, $0x0, v13;
	vm0 =	vlt.s32 v6, v14  }
0x2c4: {  	vm3 =	vlt.s32 v19, $0x0;
	vm1 =	vgt.s32 v5, v7;
	v8 =	vsel vm0, v6, v14  }
0x2c5: {  	v9 =	vsel vm7, $0x0, v14;
	v5 =	vsel vm1, v5, v7;
	v7 =	vld [tilespmem:s30+$0xFFFFFFD0];
	v6 =	vsel vm7, v8, v6  }
0x2c6: {  	v11 =	vsel vm4, $0x0, v16;
	v10 =	vld [tilespmem:s30+$0x20];
	vm0 =	vgt.s32 v5, v9;
	vm1 =	vlt.s32 v6, v16  }
0x2c7: {  	v15 =	vimm.s32 $0x80000000;
	v5 =	vsel vm0, v5, v9;
	v8 =	vsel vm1, v6, v16  }
0x2c8: {  	v13 =	vld [tilespmem:s30+$0x10];
	vm0 =	vgt.s32 v5, v11;
	v16 =	vimm.s32 $0x0;
	vm1 =	vlt.s32 v12, $0x0  }
0x2c9: {  	v8 =	vsel vm4, v8, v6;
	v9 =	vsel vm0, v5, v11;
	vm4 =	vlt.s32 v21, $0x0  }
0x2ca: {  	s31 =	spop (v2sf);
	vm0 =	vlt.s32 v7, $0x0;
	v6 =	vxor.u32 $0x7FFFFFFF, v7;
	v25 =	vsel vm4, v25, v21  }
0x2cb: {  	v11 =	vld [tilespmem:s30+$0x30];
	s24 =	sadd.s32 $0xFFFFFBFF, s31;
	v17 =	vsel vm0, v6, v7;
	vm0 =	vlt.s32 v10, $0x0;
	v6 =	vxor.u32 $0x7FFFFFFF, v10  }
0x2cc: {  	v18 =	vld [tilespmem:s30+$0xFFFFFFC0];
	v5 =	vmov s24;
	v7 =	vxor.u32 $0x7FFFFFFF, v12;
	v6 =	vsel vm0, v6, v10  }
0x2cd: {  	v7 =	vsel vm1, v7, v12;
	vm0 =	vlt.s32 v13, $0x0;
	v14 =	vshra.s32 v17, $0x15  }
0x2ce: {  	v12 =	vxor.u32 $0x7FFFFFFF, v13;
	v20 =	vshra.s32 v7, $0x15;
	vm6 =	veq.s32 v14, v5  }
0x2cf: {  	vm15 =	vlt.s32 v14, v5;
	v14 =	vshra.s32 v6, $0x15;
	v12 =	vsel vm0, v12, v13  }
0x2d0: {  	vm1 =	vlt.s32 v11, $0x0;
	v10 =	vxor.u32 $0x7FFFFFFF, v11;
	vm5 =	vlt.s32 v20, v5  }
0x2d1: {  	v10 =	vsel vm1, v10, v11;
	v11 =	vxor.u32 $0x7FFFFFFF, v18;
	vm1 =	vlt.s32 v18, $0x0  }
0x2d2: {  	v22 =	vmpcnt.ones.xlane vm6;
	vm0 =	veq.s32 v20, v5;
	v11 =	vsel vm1, v11, v18  }
0x2d3: {  	v20 =	vsel vm0, $0x1, v0;
	v13 =	vshra.s32 v10, $0x15;
	vm1 =	vgt.s32 v15, v11  }
0x2d4: {  	vm2 =	veq.s32 v13, v5;
	v18 =	vshra.s32 v11, $0x15;
	v24 =	vsel vm1, v15, v11  }
0x2d5: {  	vm7 =	vlt.s32 v18, v5;
	vm1 =	veq.s32 v18, v5;
	v55 =	vsel vm2, $0x1, v0  }
0x2d6: {  	v18 =	vsel vm7, v24, v15;
	v21 =	vmpcnt.ones.xlane vm1;
	v24 =	vshra.s32 v25, $0x15  }
0x2d7: {  	v15 =	vsel vm3, v23, v19;
	v58 =	vsel vm1, $0x1, v0;
	vm7 =	veq.s32 v24, v5  }
0x2d8: {  	vm4 =	vgt.s32 v18, v17;
	v23 =	vshra.s32 v15, $0x15;
	v26 =	vsel vm7, $0x1, v0  }
0x2d9: {  	vm8 =	vlt.s32 v24, v5;
	v19 =	vsel vm4, v18, v17;
	v21 =	vadd.s32 v16, v21;
	(xrf0) =	vadd.scan.msk.s32 $0xffff, v26  }
0x2da: {  	v27 =	vmpcnt.ones.xlane vm7;
	vm4 =	veq.s32 v23, v5;
	v18 =	vsel vm15, v19, v18  }
0x2db: {  	vm12 =	vlt.s32 v23, v5;
	v22 =	vadd.s32 v21, v22;
	(xrf0) =	vadd.scan.msk.s32 $0xffff, v20;
	vm13 =	vgt.s32 v18, v15  }
0x2dc: {  	v26 =	vshra.s32 v12, $0x15;
	v56 =	vsel vm4, $0x1, v0;
	(xrf0) =	vadd.scan.msk.s32 $0xffff, v55;
	v24 =	vsel vm13, v18, v15  }
0x2dd: {  	v54 =	vmpcnt.ones.xlane vm4;
	vm3 =	veq.s32 v26, v5;
	v20 =	vsel vm6, $0x1, v0;
	(xrf0) =	vadd.scan.msk.s32 $0xffff, v56  }
0x2de: {  	v19 =	vmpcnt.ones.xlane vm0;
	v57 =	vsel vm3, $0x1, v0;
	v18 =	vsel vm12, v24, v18;
	(xrf0) =	vadd.scan.msk.s32 $0xffff, v20  }
0x2df: {  	vm9 =	vlt.s32 v26, v5;
	v20 =	vadd.s32 v22, v54;
	vm14 =	vgt.s32 v18, v7;
	v24, _, _ =	vpop (xrf0);
	(xrf0) =	vadd.scan.msk.s32 $0xffff, v57  }
0x2e0: {  	v23 =	vmpcnt.ones.xlane vm3;
	v19 =	vadd.s32 v20, v19;
	v59 =	vsel vm14, v18, v7  }
0x2e1: {  	v27 =	vadd.s32 v19, v27;
	v28 =	vsel vm5, v59, v18;
	v24 =	vadd.s32 v24, v19;
	v26, _, _ =	vpop (xrf0);
	(xrf0) =	vadd.scan.msk.s32 $0xffff, v58  }
0x2e2: {  	vm5 =	veq.s32 v14, v5;
	vm12 =	vgt.s32 v28, v25;
	v24 =	vadd.s32 $0xFFFFFFFF, v24;
	v60, _, _ =	vpop (xrf0)  }
0x2e3: {  	v23 =	vadd.s32 v27, v23;
	v62 =	vsel vm12, v28, v25;
	vm15 =	vlt.s32 v24, $0x7FF;
	v18, _, _ =	vpop (xrf0)  }
0x2e4: {  	v61 =	vnsel vm15, $0x7FF, v24;
	v19, _, _ =	vpop (xrf0);
	v18 =	vadd.s32 v18, v22;
	v22 =	vsel vm5, $0x1, v0  }
0x2e5: {  	v24 =	vmpcnt.ones.xlane vm5;
	v19 =	vadd.s32 v19, v21;
	v18 =	vadd.s32 $0xFFFFFFFF, v18;
	v21, _, _ =	vpop (xrf0);
	(xrf0) =	vadd.scan.msk.s32 $0xffff, v22  }
0x2e6: {  	v22 =	vadd.s32 $0xFFFFFFFF, v19;
	v19 =	vadd.s32 v26, v20;
	v20 =	vadd.s32 v21, v27  }
0x2e7: {  	vm14 =	vlt.s32 v18, $0x7FF;
	vm13 =	vlt.s32 v22, $0x7FF;
	v26, _, _ =	vpop (xrf0);
	v21 =	vadd.s32 $0xFFFFFFFF, v20  }
0x2e8: {  	v22 =	vnsel vm13, $0x7FF, v22;
	v26 =	vadd.s32 v26, v16;
	v16 =	vadd.s32 v23, v24  }
0x2e9: {  	v20 =	vnsel vm14, $0x7FF, v18;
	vm15 =	vlt.s32 v21, $0x7FF;
	v24 =	vadd.s32 v60, v16  }
0x2ea: {  	v18 =	vnsel vm15, $0x7FF, v21;
	v21 =	vadd.s32 $0xFFFFFFFF, v26;
	v26 =	vsel vm8, v62, v28  }
0x2eb: {  	v27 =	vadd.s32 $0xFFFFFFFF, v24;
	v24 =	vmpcnt.ones.xlane vm2;
	vm8 =	vgt.s32 v26, v12;
	v63, _, _ =	vpop (xrf0)  }
0x2ec: {  	[tilespmem:v61+s18+$0x0] =	vst.idx.msk vm7, v25;
	vm7 =	vlt.s32 v27, $0x7FF;
	v25 =	vsel vm8, v26, v12;
	v28 =	vadd.s32 v63, v23  }
0x2ed: {  	s26 =	simm.s32 $0x20C0;
	s25 =	simm.s32 $0x0;
	[tilespmem:v22+s18+$0x0] =	vst.idx.msk vm6, v17;
	v23 =	vsel vm9, v25, v26;
	v17 =	vnsel vm7, $0x7FF, v27;
	v22 =	vadd.s32 $0xFFFFFFFF, v28  }
.LBB2_38:
0x2ee: {  	v25 =	vld [tilespmem:s26+$0xFFFFFFD0];
	s25 =	sadd.s32 $0x8, s25;
	v19 =	vadd.s32 $0xFFFFFFFF, v19;
	vm6 =	vgt.s32 v23, v6;
	v16 =	vadd.s32 v16, v24  }
0x2ef: {  	vm7 =	vlt.s32 v21, $0x7FF;
	vm8 =	vlt.s32 v14, v5;
	v24 =	vld [tilespmem:s26+$0x20];
	p0 =	slt.u32 s25, $0x1F8;
	v14 =	vsel vm6, v23, v6  }
0x2f0: {  	v21 =	vnsel vm7, $0x7FF, v21;
	vm6 =	vlt.s32 v19, $0x7FF;
	v26 =	vld [tilespmem:s26+$0xFFFFFFF0];
	v14 =	vsel vm8, v14, v23  }
0x2f1: {  	v23 =	vld [tilespmem:s26+$0x10];
	[tilespmem:v20+s18+$0x0] =	vst.idx.msk vm4, v15;
	v15 =	vnsel vm6, $0x7FF, v19;
	vm4 =	vlt.s32 v22, $0x7FF;
	vm6 =	vgt.s32 v14, v10  }
0x2f2: {  	v19 =	vld [tilespmem:s26+$0x30];
	v20 =	vnsel vm4, $0x7FF, v22;
	vm4 =	vlt.s32 v13, v5;
	[tilespmem:v17+s18+$0x0] =	vst.idx.msk vm2, v10;
	v10 =	vsel vm6, v14, v10  }
0x2f3: {  	vm2 =	vlt.s32 v25, $0x0;
	v13 =	vxor.u32 $0x7FFFFFFF, v25;
	v22 =	vld [tilespmem:s26+$0xFFFFFFE0];
	[tilespmem:v18+s18+$0x0] =	vst.idx.msk vm3, v12;
	v18 =	vsel vm4, v10, v14  }
0x2f4: {  	v27 =	vld [tilespmem:s26+$0xFFFFFFC0];
	v17 =	vsel vm2, v13, v25;
	vm2 =	vlt.s32 v24, $0x0;
	v10 =	vxor.u32 $0x7FFFFFFF, v24  }
0x2f5: {  	vm3 =	vlt.s32 v26, $0x0;
	v12 =	vxor.u32 $0x7FFFFFFF, v26;
	v10 =	vsel vm2, v10, v24;
	[tilespmem:v21+s18+$0x0] =	vst.idx.msk vm1, v11  }
0x2f6: {  	vm1 =	vlt.s32 v23, $0x0;
	v11 =	vxor.u32 $0x7FFFFFFF, v23;
	[tilespmem:v15+s18+$0x0] =	vst.idx.msk vm0, v7;
	v7 =	vsel vm3, v12, v26  }
0x2f7: {  	v15 =	vshra.s32 v7, $0x15;
	vm0 =	vlt.s32 v19, $0x0;
	v12 =	vxor.u32 $0x7FFFFFFF, v19;
	[tilespmem:v20+s18+$0x0] =	vst.idx.msk vm5, v6;
	v6 =	vmovc v10  }
0x2f8: {  	v13 =	vshra.s32 v17, $0x15;
	vm5 =	vlt.s32 v15, v5;
	v10 =	vsel vm0, v12, v19  }
0x2f9: {  	vm6 =	veq.s32 v13, v5;
	vm8 =	vlt.s32 v13, v5;
	v14 =	vshra.s32 v6, $0x15;
	v19 =	vld [tilespmem:s26+$0x0]  }
0x2fa: {  	v21 =	vmpcnt.ones.xlane vm6;
	v24 =	vxor.u32 $0x7FFFFFFF, v22;
	v20 =	vxor.u32 $0x7FFFFFFF, v27  }
0x2fb: {  	v12 =	vsel vm1, v11, v23;
	vm0 =	vlt.s32 v27, $0x0;
	v13 =	vshra.s32 v10, $0x15  }
0x2fc: {  	v11 =	vsel vm0, v20, v27;
	vm0 =	veq.s32 v15, v5;
	vm2 =	veq.s32 v13, v5  }
0x2fd: {  	v15 =	vshra.s32 v11, $0x15;
	vm1 =	vgt.s32 v18, v11;
	v20 =	vsel vm0, $0x1, v0  }
0x2fe: {  	vm3 =	vlt.s32 v22, $0x0;
	v23 =	vsel vm1, v18, v11;
	vm4 =	vlt.s32 v19, $0x0  }
0x2ff: {  	vm1 =	veq.s32 v15, v5;
	vm7 =	vlt.s32 v15, v5;
	v15 =	vxor.u32 $0x7FFFFFFF, v19  }
0x300: {  	v18 =	vsel vm7, v23, v18;
	v23 =	vmpcnt.ones.xlane vm1;
	v25 =	vsel vm4, v15, v19  }
0x301: {  	vm4 =	vgt.s32 v18, v17;
	v15 =	vsel vm3, v24, v22;
	v19 =	vshra.s32 v25, $0x15  }
0x302: {  	v22 =	vsel vm4, v18, v17;
	v24 =	vshra.s32 v15, $0x15;
	vm7 =	veq.s32 v19, v5  }
0x303: {  	v23 =	vadd.s32 v16, v23;
	v26 =	vsel vm7, $0x1, v0;
	v27 =	vmpcnt.ones.xlane vm7  }
0x304: {  	v28 =	vshra.s32 v12, $0x15;
	v21 =	vadd.s32 v23, v21;
	vm4 =	veq.s32 v24, v5;
	(xrf0) =	vadd.scan.msk.s32 $0xffff, v26  }
0x305: {  	v29 =	vsel vm2, $0x1, v0;
	vm3 =	veq.s32 v28, v5;
	v26 =	vmpcnt.ones.xlane vm4  }
0x306: {  	v30 =	vsel vm6, $0x1, v0;
	vm9 =	vlt.s32 v24, v5;
	v24 =	vmpcnt.ones.xlane vm3;
	(xrf0) =	vadd.scan.msk.s32 $0xffff, v20  }
0x307: {  	v18 =	vsel vm8, v22, v18;
	vm8 =	vlt.s32 v19, v5;
	v20 =	vsel vm4, $0x1, v0;
	(xrf0) =	vadd.scan.msk.s32 $0xffff, v29  }
0x308: {  	v22 =	vmpcnt.ones.xlane vm0;
	vm10 =	vgt.s32 v18, v15;
	v19 =	vadd.s32 v21, v26;
	(xrf0) =	vadd.scan.msk.s32 $0xffff, v20  }
0x309: {  	v31 =	vsel vm10, v18, v15;
	v29 =	vsel vm3, $0x1, v0;
	v20 =	vsel vm1, $0x1, v0;
	(xrf0) =	vadd.scan.msk.s32 $0xffff, v30  }
0x30a: {  	v18 =	vsel vm9, v31, v18;
	vm9 =	vlt.s32 v28, v5;
	v22 =	vadd.s32 v19, v22;
	v26, _, _ =	vpop (xrf0);
	(xrf0) =	vadd.scan.msk.s32 $0xffff, v29  }
0x30b: {  	vm10 =	vgt.s32 v18, v7;
	v26 =	vadd.s32 v26, v22;
	(xrf0) =	vadd.scan.msk.s32 $0xffff, v20  }
0x30c: {  	v30 =	vsel vm10, v18, v7;
	v22 =	vadd.s32 v22, v27;
	v26 =	vadd.s32 $0xFFFFFFFF, v26;
	v27, _, _ =	vpop (xrf0)  }
0x30d: {  	v28 =	vsel vm5, v30, v18;
	vm5 =	veq.s32 v14, v5;
	vm10 =	vlt.s32 v26, $0x7FF;
	v29, _, _ =	vpop (xrf0)  }
0x30e: {  	v18 =	vnsel vm10, $0x7FF, v26;
	vm10 =	vgt.s32 v28, v25;
	v26 =	vmpcnt.ones.xlane vm5;
	v20, _, _ =	vpop (xrf0)  }
0x30f: {  	v20 =	vadd.s32 v20, v21;
	v30 =	vsel vm10, v28, v25;
	v21 =	vsel vm5, $0x1, v0;
	v31, _, _ =	vpop (xrf0)  }
0x310: {  	v19 =	vadd.s32 v27, v19;
	v23 =	vadd.s32 v31, v23;
	v20 =	vadd.s32 $0xFFFFFFFF, v20;
	v27, _, _ =	vpop (xrf0);
	(xrf0) =	vadd.scan.msk.s32 $0xffff, v21  }
0x311: {  	v21 =	vadd.s32 $0xFFFFFFFF, v23;
	v23 =	vadd.s32 v27, v22;
	v22 =	vadd.s32 v22, v24;
	v24, _, _ =	vpop (xrf0)  }
0x312: {  	v24 =	vadd.s32 v24, v16;
	vm10 =	vlt.s32 v21, $0x7FF;
	v16 =	vadd.s32 $0xFFFFFFFF, v23  }
0x313: {  	v23 =	vnsel vm10, $0x7FF, v21;
	vm10 =	vlt.s32 v20, $0x7FF;
	[tilespmem:v18+s18+$0x0] =	vst.idx.msk vm7, v25;
	vm7 =	vlt.s32 v16, $0x7FF  }
.Ltmp25:
0x314: {  	v20 =	vnsel vm10, $0x7FF, v20;
	v18 =	vnsel vm7, $0x7FF, v16;
	v16 =	vadd.s32 v22, v26;
	(pc) =	sbr.rel @p0 .LBB2_38-.Ltmp25, $4  }
0x315: {  	v21 =	vadd.s32 $0xFFFFFFFF, v24;
	v25 =	vsel vm8, v30, v28;
	v24 =	vadd.s32 v29, v16  }
0x316: {  	vm7 =	vgt.s32 v25, v12;
	v26 =	vadd.s32 $0xFFFFFFFF, v24;
	v24 =	vmpcnt.ones.xlane vm2;
	v27, _, _ =	vpop (xrf0)  }
0x317: {  	v28 =	vsel vm7, v25, v12;
	v22 =	vadd.s32 v27, v22;
	vm7 =	vlt.s32 v26, $0x7FF  }
0x318: {  	s26 =	sadd.s32 $0x80, s26;
	[tilespmem:v23+s18+$0x0] =	vst.idx.msk vm6, v17;
	v23 =	vsel vm9, v28, v25;
	v22 =	vadd.s32 $0xFFFFFFFF, v22;
	v17 =	vnsel vm7, $0x7FF, v26  }
0x319: {  	v9 =	vxor.u32 $0x80000000, v9  }
0x31a: {  	v8 =	vxor.u32 $0x80000000, v8;
	(xrf0) =	vmax.scan.msk.u32 $0xffff, v9  }
0x31b: {  	(xrf0) =	vmin.scan.msk.u32 $0xffff, v8  }
0x31c: {  	vm6 =	vgt.s32 v23, v6  }
0x31d: {  	vm7 =	vlt.s32 v14, v5;
	v56 =	vsel vm6, v23, v6  }
0x31e: {  	v14 =	vsel vm7, v56, v23  }
0x31f: {  	vm11 =	vgt.s32 v14, v10  }
0x320: {  	vm12 =	vlt.s32 v13, v5;
	v57 =	vsel vm11, v14, v10;
	v58, _, _ =	vpop (xrf0)  }
0x321: {  	v8 =	vsel vm12, v57, v14;
	v59, _, _ =	vpop (xrf0);
	(v2sf) =	vpush v58, $0xF  }
0x322: {  	v8 =	vxor.u32 $0x80000000, v8;
	(v2sf) =	vpush v59, $0xF  }
0x323: {  	(xrf0) =	vmax.scan.msk.u32 $0xffff, v8;
	_ =	sdelay $0x5  }
0x324: {  	v60, _, _ =	vpop (xrf0)  }
0x325: {  	(v2sf) =	vpush v60, $0xF;
	_ =	sdelay $0x5  }
0x326: {  	s0 =	spop (v2sf)  }
0x327: {  	vm13 =	vlt.s32 v21, $0x7FF;
	s2 =	spop (v2sf)  }
0x328: {  	v61 =	vadd.s32 $0xFFFFFFFF, v19;
	vm15 =	vlt.s32 v22, $0x7FF;
	v62 =	vnsel vm13, $0x7FF, v21;
	s25 =	sxor.u32 $0x80000000, s0;
	s31 =	sxor.u32 $0x80000000, s2  }
0x329: {  	vm14 =	vlt.s32 v61, $0x7FF;
	v63 =	vnsel vm15, $0x7FF, v22;
	s0 =	ssub.s32 s31, s25  }
0x32a: {  	[tilespmem:v20+s18+$0x0] =	vst.idx.msk vm4, v15;
	v8 =	vnsel vm14, $0x7FF, v61;
	p0 =	sgt.s32 s0, $0x800  }
.Ltmp26:
0x32b: {  	[tilespmem:v17+s18+$0x0] =	vst.idx.msk vm2, v10;
	(pc) =	sbr.rel @p0 .LBB2_53-.Ltmp26, $4  }
0x32c: {  	[tilespmem:v18+s18+$0x0] =	vst.idx.msk vm3, v12  }
0x32d: {  	[tilespmem:v62+s18+$0x0] =	vst.idx.msk vm1, v11  }
0x32e: {  	s30 =	sshll.u32 s24, $0x15;
	[tilespmem:v63+s18+$0x0] =	vst.idx.msk vm5, v6  }
0x32f: {  	s29 =	simm.s32 $0x0;
	[tilespmem:v8+s18+$0x0] =	vst.idx.msk vm0, v7;
	s28 =	ssub.s32 $0x19A, s25;
	s26 =	spop (v2sf)  }
0x330: {  	p0 =	slt.s32 s0, $0x800  }
0x331: {  	p1 =	slt.s32 s0, $0xFFFFFFF2;
	s0 =	simm.s32 @!p0 $0x800  }
0x332: {  	s2 =	sadd.s32 $0xF, s0  }
0x333: {  	s3 =	sand.u32 $0xF, s2  }
.Ltmp27:
0x334: {  	s24 =	sshra.s32 s2, $0x1F;
	p6 =	sne.s32 s3, $0x0;
	(pc) =	sbr.rel .LBB2_41-.Ltmp27, $4  }
0x335: {  	s3 =	sshrl.u32 s24, $0x1C;
	p0 =	por !p1, !p6  }
0x336: {  	s2 =	sadd.s32 s3, s2;
	s3 =	simm.s32 $0x1;
	p0 =	por !p0, !p0  }
0x337: {  	s2 =	sshra.s32 s2, $0x4;
	s3 =	simm.s32 @!p0 $0x0  }
0x338: {  	v5 =	vmov s0;
	s0 =	simm.s32 $0x0;
	s31 =	ssub.s32 s2, s3  }
.LBB2_53:
0x339: {  	s0 =	simm.s32 $0x0  }
0x33a: {  	v6 =	vld [tilespmem:s0+$0x2000];
	_ =	sdelay $0x4  }
0x33b: {  	vm0 =	vlt.s32 v6, $0x0;
	v7 =	vxor.u32 $0x7FFFFFFF, v6  }
0x33c: {  	v7 =	vsel vm0, v7, v6  }
0x33d: {  	s31 =	sshrl.u32 s19, s29;
	s2 =	simm.s32 $0x10;
	v8 =	vshra.s32 v7, $0x15  }
0x33e: {  	s24 =	sor.u32 s31, s30;
	vm15 =	veq.s32 v8, v5;
	v8 =	vld [tilespmem:s2+$0x2000]  }
0x33f: {  	v6 =	vmov s24  }
0x340: {  	vm1 =	vge.s32 v7, v6  }
0x341: {  	vm0 =	vmand vm1, vm15  }
0x342: {  	s0 =	simm.s32 $0x80;
	v7 =	vimm.s32 $0x0;
	v9 =	vsel vm0, $0x1, v0  }
.LBB2_54:
0x343: {  	s2 =	sshra.s32 s0, $0x2;
	p0 =	sne.s32 s0, $0x7FC0;
	s0 =	sadd.s32 $0x40, s0;
	vm0 =	vlt.s32 v8, $0x0;
	v10 =	vxor.u32 $0x7FFFFFFF, v8;
	v7 =	vadd.s32 v9, v7  }
.Ltmp28:
0x344: {  	v9 =	vsel vm0, v10, v8;
	v8 =	vld [tilespmem:s2+$0x2000];
	(pc) =	sbr.rel @p0 .LBB2_54-.Ltmp28, $4  }
0x345: {  	v10 =	vshra.s32 v9, $0x15  }
0x346: {  	vm1 =	vge.s32 v9, v6;
	vm0 =	veq.s32 v10, v5  }
0x347: {  	vm0 =	vmand vm1, vm0  }
0x348: {  	v9 =	vsel vm0, $0x1, v0  }
0x349: {  	vm0 =	vlt.s32 v8, $0x0;
	v10 =	vxor.u32 $0x7FFFFFFF, v8  }
0x34a: {  	v8 =	vsel vm0, v10, v8  }
0x34b: {  	v10 =	vshra.s32 v8, $0x15  }
0x34c: {  	vm1 =	vge.s32 v8, v6;
	vm15 =	veq.s32 v10, v5  }
0x34d: {  	vm0 =	vmand vm1, vm15  }
0x34e: {  	v6 =	vadd.s32 v9, v7;
	v7 =	vsel vm0, $0x1, v0  }
0x34f: {  	v6 =	vadd.s32 v7, v6  }
0x350: {  	(xrf0) =	vadd.scan.msk.s32 $0xffff, v6;
	_ =	sdelay $0x5  }
0x351: {  	v6, _, _ =	vpop (xrf0)  }
0x352: {  	(v2sf) =	vpush v6, $0xF;
	_ =	sdelay $0xe  }
0x353: {  	s0 =	spop (v2sf)  }
0x354: {  	s29 =	sadd.s32 $0x1, s29;
	p0 =	slt.s32 s0, s28  }
0x355: {  	s24 =	smov.u32 @p0 s30;
	p0 =	sne.s32 s29, $0x15  }
.Ltmp29:
0x356: {  	_ = 	snop;
	(pc) =	sbr.rel @p0 .LBB2_53-.Ltmp29, $2  }
0x357: {  	_ =	sdelay $0x2  }
0x358: {  	s30 =	smov.u32 s24  }
0x359: {  	s28 =	simm.s32 $0x0  }
0x35a: {  	v6 =	vld [tilespmem:s28+$0x2000];
	_ =	sdelay $0x4  }
0x35b: {  	vm0 =	vlt.s32 v6, $0x0;
	v7 =	vxor.u32 $0x7FFFFFFF, v6  }
0x35c: {  	v7 =	vsel vm0, v7, v6  }
0x35d: {  	s0 =	simm.s32 $0x10;
	v8 =	vshra.s32 v7, $0x15  }
0x35e: {  	vm15 =	veq.s32 v8, v5;
	v8 =	vld [tilespmem:s0+$0x2000]  }
0x35f: {  	v6 =	vmov s24  }
0x360: {  	vm1 =	vge.s32 v7, v6  }
0x361: {  	vm0 =	vmand vm1, vm15  }
0x362: {  	s2 =	simm.s32 $0x80;
	v7 =	vimm.s32 $0x0;
	v9 =	vsel vm0, $0x1, v0  }
.LBB2_57:
0x363: {  	s3 =	sshra.s32 s2, $0x2;
	p0 =	sne.s32 s2, $0x7FC0;
	s2 =	sadd.s32 $0x40, s2;
	vm0 =	vlt.s32 v8, $0x0;
	v10 =	vxor.u32 $0x7FFFFFFF, v8;
	v7 =	vadd.s32 v9, v7  }
.Ltmp30:
0x364: {  	v9 =	vsel vm0, v10, v8;
	v8 =	vld [tilespmem:s3+$0x2000];
	(pc) =	sbr.rel @p0 .LBB2_57-.Ltmp30, $4  }
0x365: {  	v10 =	vshra.s32 v9, $0x15  }
0x366: {  	vm1 =	vge.s32 v9, v6;
	vm0 =	veq.s32 v10, v5  }
0x367: {  	vm0 =	vmand vm1, vm0  }
0x368: {  	v9 =	vsel vm0, $0x1, v0  }
0x369: {  	v10 =	vld [tilespmem:s28+$0x2000];
	_ =	sdelay $0x3  }
0x36a: {  	vm0 =	vlt.s32 v8, $0x0;
	v11 =	vxor.u32 $0x7FFFFFFF, v8  }
0x36b: {  	v8 =	vsel vm0, v11, v8;
	vm12 =	vlt.s32 v10, $0x0;
	v11 =	vxor.u32 $0x7FFFFFFF, v10  }
0x36c: {  	v10 =	vsel vm12, v11, v10;
	v11 =	vshra.s32 v8, $0x15  }
0x36d: {  	vm1 =	vge.s32 v8, v6;
	vm13 =	veq.s32 v11, v5  }
0x36e: {  	v8 =	vshra.s32 v10, $0x15;
	vm0 =	vmand vm1, vm13  }
0x36f: {  	v7 =	vadd.s32 v9, v7;
	vm14 =	veq.s32 v8, v5;
	v8 =	vsel vm0, $0x1, v0  }
0x370: {  	v9 =	vadd.s32 v8, v7;
	v8 =	vld [tilespmem:s0+$0x2000];
	_ =	sdelay $0x1  }
0x371: {  	vm2 =	vlt.s32 v10, v6  }
0x372: {  	vm15 =	vmand vm2, vm14  }
0x373: {  	s2 =	simm.s32 $0x80;
	v7 =	vimm.s32 $0x80000000;
	v10 =	vnsel vm15, $0x80000000, v10  }
.LBB2_59:
0x374: {  	s0 =	sshra.s32 s2, $0x2;
	p0 =	sne.s32 s2, $0x7FC0;
	s2 =	sadd.s32 $0x40, s2;
	vm0 =	vlt.s32 v8, $0x0;
	v11 =	vxor.u32 $0x7FFFFFFF, v8;
	vm1 =	vgt.s32 v7, v10  }
.Ltmp31:
0x375: {  	v11 =	vsel vm0, v11, v8;
	v8 =	vld [tilespmem:s0+$0x2000];
	v7 =	vsel vm1, v7, v10;
	(pc) =	sbr.rel @p0 .LBB2_59-.Ltmp31, $4  }
0x376: {  	v10 =	vshra.s32 v11, $0x15  }
0x377: {  	vm1 =	vlt.s32 v11, v6;
	vm0 =	veq.s32 v10, v5  }
0x378: {  	vm0 =	vmand vm1, vm0  }
0x379: {  	v10 =	vnsel vm0, $0x80000000, v11  }
0x37a: {  	(xrf0) =	vadd.scan.msk.s32 $0xffff, v9;
	_ =	sdelay $0x5  }
0x37b: {  	v9, _, _ =	vpop (xrf0)  }
0x37c: {  	(v2sf) =	vpush v9, $0xF;
	_ =	sdelay $0x6  }
0x37d: {  	vm0 =	vlt.s32 v8, $0x0;
	v63 =	vxor.u32 $0x7FFFFFFF, v8  }
0x37e: {  	v8 =	vsel vm0, v63, v8  }
0x37f: {  	v9 =	vshra.s32 v8, $0x15  }
0x380: {  	vm1 =	vlt.s32 v8, v6;
	vm14 =	veq.s32 v9, v5  }
.Ltmp32:
0x381: {  	vm15 =	vgt.s32 v7, v10;
	vm0 =	vmand vm1, vm14;
	(pc) =	sbr.rel .LBB2_61-.Ltmp32, $4  }
0x382: {  	v5 =	vsel vm15, v7, v10;
	v7 =	vnsel vm0, $0x80000000, v8  }
0x383: {  	vm0 =	vgt.s32 v5, v7  }
0x384: {  	v5 =	vsel vm0, v5, v7  }
0x385: {  	v7 =	vxor.u32 $0x80000000, v5;
	s0 =	spop (v2sf)  }
.LBB2_44:
0x386: {  	vm0 =	vmand vm0, vm1  }
0x387: {  	v7 =	vsel vm0, $0x1, v0  }
0x388: {  	v6 =	vadd.s32 v7, v6  }
.LBB2_45:
0x389: {  	(xrf0) =	vadd.scan.msk.s32 $0xffff, v6;
	_ =	sdelay $0x5  }
0x38a: {  	v6, _, _ =	vpop (xrf0)  }
0x38b: {  	(v2sf) =	vpush v6, $0xF;
	_ =	sdelay $0xe  }
0x38c: {  	s2 =	spop (v2sf)  }
0x38d: {  	s0 =	sadd.s32 $0x1, s0;
	p1 =	slt.s32 s2, s28  }
0x38e: {  	s24 =	smov.u32 @p1 s30;
	p1 =	sne.s32 s0, $0x15  }
.Ltmp33:
0x38f: {  	_ = 	snop;
	(pc) =	sbr.rel @!p1 .LBB2_46-.Ltmp33, $2  }
0x390: {  	_ =	sdelay $0x2  }
0x391: {  	s30 =	smov.u32 s24  }
.LBB2_41:
0x392: {  	p0 =	slt.s32 s31, $0x1  }
.Ltmp34:
0x393: {  	_ = 	snop;
	(pc) =	sbr.rel @p0 .LBB2_45-.Ltmp34, $3  }
0x394: {  	_ =	sdelay $0x1  }
0x395: {  	s2 =	sshrl.u32 s19, s0  }
0x396: {  	v6 =	vimm.s32 $0x0;
	s24 =	sor.u32 s2, s30  }
0x397: {  	s2 =	simm.s32 $0x6000  }
0x398: {  	p1 =	sne.s32 s31, $0x1;
	v8 =	vld [tilespmem:s2+$0x0]  }
.Ltmp35:
0x399: {  	_ = 	snop;
	(pc) =	sbr.rel @!p1 .LBB2_44-.Ltmp35, $3  }
0x39a: {  	_ =	sdelay $0x1  }
0x39b: {  	v7 =	vmov s24;
	v9 =	vor.u32 s29, v1  }
0x39c: {  	s12 =	simm.s32 $0x6010;
	s3 =	simm.s32 $0x0;
	s2 =	sadd.s32 $0xFFFFFFFF, s31;
	vm0 =	vlt.s32 v9, v5;
	vm1 =	vge.s32 v8, v7  }
.LBB2_43:
0x39d: {  	v8 =	vld [tilespmem:s12+$0x0];
	p1 =	sne.s32 s2, $0x1;
	s2 =	sadd.s32 $0xFFFFFFFF, s2;
	vm0 =	vmand vm0, vm1  }
.Ltmp36:
0x39e: {  	v9 =	vsel vm0, $0x1, v0;
	(pc) =	sbr.rel @p1 .LBB2_43-.Ltmp36, $4  }
0x39f: {  	v6 =	vadd.s32 v9, v6  }
0x3a0: {  	s3 =	sadd.s32 $0x10, s3  }
0x3a1: {  	v9 =	vor.u32 s3, v1  }
0x3a2: {  	s12 =	sadd.s32 $0x10, s12;
	vm0 =	vlt.s32 v9, v5;
	vm1 =	vge.s32 v8, v7  }
.Ltmp37:
0x3a3: {  	_ = 	snop;
	(pc) =	sbr.rel .LBB2_44-.Ltmp37, $1  }
0x3a4: {  	_ =	sdelay $0x3  }
.LBB2_46:
.Ltmp38:
0x3a5: {  	(pc) =	sbr.rel @p0 .LBB2_47-.Ltmp38, $2  }
0x3a6: {  	_ =	sdelay $0x2  }
0x3a7: {  	v6 =	vmov s24;
	v7 =	vimm.s32 $0x0  }
0x3a8: {  	s0 =	simm.s32 $0x6000  }
0x3a9: {  	p0 =	sne.s32 s31, $0x1;
	v8 =	vld [tilespmem:s0+$0x0]  }
.Ltmp39:
0x3aa: {  	_ = 	snop;
	(pc) =	sbr.rel @!p0 .LBB2_50-.Ltmp39, $4  }
0x3ab: {  	s28 =	simm.s32 $0x0  }
0x3ac: {  	v9 =	vor.u32 s28, v1  }
0x3ad: {  	vm0 =	vlt.s32 v9, v5  }
0x3ae: {  	s2 =	sadd.s32 $0xFFFFFFFF, s31;
	s29 =	simm.s32 $0x6010;
	s3 =	simm.s32 $0x0;
	vm2 =	vmmov vm0;
	vm1 =	vge.s32 v8, v6  }
.LBB2_49:
0x3af: {  	v8 =	vld [tilespmem:s29+$0x0];
	p1 =	sne.s32 s2, $0x1;
	s2 =	sadd.s32 $0xFFFFFFFF, s2;
	vm1 =	vmand vm2, vm1  }
.Ltmp40:
0x3b0: {  	v9 =	vsel vm1, $0x1, v0;
	(pc) =	sbr.rel @p1 .LBB2_49-.Ltmp40, $4  }
0x3b1: {  	v7 =	vadd.s32 v9, v7  }
0x3b2: {  	s3 =	sadd.s32 $0x10, s3  }
0x3b3: {  	v9 =	vor.u32 s3, v1  }
0x3b4: {  	s29 =	sadd.s32 $0x10, s29;
	vm2 =	vlt.s32 v9, v5;
	vm1 =	vge.s32 v8, v6  }
.LBB2_50:
0x3b5: {  	vm1 =	vmand vm2, vm1  }
0x3b6: {  	v8 =	vsel vm1, $0x1, v0  }
0x3b7: {  	v7 =	vadd.s32 v8, v7  }
0x3b8: {  	(xrf0) =	vadd.scan.msk.s32 $0xffff, v7;
	_ =	sdelay $0x5  }
0x3b9: {  	v7, _, _ =	vpop (xrf0)  }
0x3ba: {  	(v2sf) =	vpush v7, $0xF;
	_ =	sdelay $0x9  }
0x3bb: {  	v8 =	vld [tilespmem:s0+$0x0]  }
.Ltmp41:
0x3bc: {  	_ = 	snop;
	(pc) =	sbr.rel @!p0 .LBB2_52-.Ltmp41, $2  }
0x3bd: {  	_ =	sdelay $0x2  }
0x3be: {  	s2 =	sadd.s32 $0xFFFFFFFF, s31;
	s29 =	simm.s32 $0x6010;
	vm1 =	vlt.s32 v8, v6;
	v7 =	vimm.s32 $0x80000000;
	s0 =	spop (v2sf)  }
.LBB2_51:
0x3bf: {  	v9 =	vld [tilespmem:s29+$0x0];
	p0 =	sne.s32 s2, $0x1;
	s2 =	sadd.s32 $0xFFFFFFFF, s2;
	vm0 =	vmand vm0, vm1  }
.Ltmp42:
0x3c0: {  	v8 =	vnsel vm0, $0x80000000, v8;
	(pc) =	sbr.rel @p0 .LBB2_51-.Ltmp42, $4  }
0x3c1: {  	vm0 =	vgt.s32 v7, v8  }
0x3c2: {  	s28 =	sadd.s32 $0x10, s28;
	v7 =	vsel vm0, v7, v8  }
0x3c3: {  	v10 =	vor.u32 s28, v1  }
0x3c4: {  	s29 =	sadd.s32 $0x10, s29;
	vm0 =	vlt.s32 v10, v5;
	vm1 =	vlt.s32 v9, v6;
	v8 =	vmov v9  }
.LBB2_52:
.Ltmp43:
0x3c5: {  	vm0 =	vmand vm0, vm1;
	(pc) =	sbr.rel .LBB2_61-.Ltmp43, $4  }
0x3c6: {  	v5 =	vnsel vm0, $0x80000000, v8  }
0x3c7: {  	vm0 =	vgt.s32 v7, v5  }
0x3c8: {  	v5 =	vsel vm0, v7, v5  }
0x3c9: {  	v7 =	vxor.u32 $0x80000000, v5  }
.LBB2_47:
0x3ca: {  	s0 =	rddreg [dreg:$0x4]  }
.LBB2_61:
0x3cb: {  	(xrf0) =	vmax.scan.msk.u32 $0xffff, v7;
	_ =	sdelay $0x5  }
0x3cc: {  	v5, _, _ =	vpop (xrf0)  }
0x3cd: {  	(v2sf) =	vpush v5, $0xF;
	_ =	sdelay $0xe  }
0x3ce: {  	s2 =	spop (v2sf)  }
0x3cf: {  	s3 =	sxor.u32 $0x80000000, s26;
	s2 =	sxor.u32 $0x80000000, s2  }
0x3d0: {  	s0 =	sadd.s32 s25, s0;
	p0 =	sgt.s32 s3, s2  }
0x3d1: {  	p1 =	sgt.s32 s0, $0x19A;
	s2 =	smov.u32 @p0 s3  }
0x3d2: {  	s2 =	smov.u32 @p1 s24  }
0x3d3: {  	vm0 =	vlt.s32 v6, $0x0;
	v5 =	vmov s2  }
0x3d4: {  	v7 =	vxor.u32 $0x7FFFFFFF, v6;
	s24 =	simm.s32 $0x2040;
	vm1 =	vlt.s32 v5, $0x0;
	v5 =	vxor.u32 $0x7FFFFFFF, v5  }
0x3d5: {  	v6 =	vsel vm0, v7, v6;
	v7 =	vld [tilespmem:s24+$0x30];
	v5 =	vnsel vm1, s2, v5  }
0x3d6: {  	v10 =	vld [tilespmem:s24+$0xFFFFFFD0];
	v5 =	vadd.f32 v5, v6  }
0x3d7: {  	v12 =	vld [tilespmem:s24+$0xFFFFFFE0]  }
0x3d8: {  	v9 =	vld [tilespmem:s24+$0xFFFFFFF0];
	v5 =	vmul.f32 $5.000000000e-01, v5  }
0x3d9: {  	v8 =	vld [tilespmem:s24+$0x0]  }
0x3da: {  	v6 =	vld [tilespmem:s24+$0x10];
	vm0 =	vgt.f32 v7, v5  }
0x3db: {  	vm1 =	vgt.f32 v10, v5;
	v7 =	vld [tilespmem:s24+$0x20];
	v13 =	vsel vm0, $0x3F800000, v4  }
0x3dc: {  	s25 =	simm.s32 $0x20C0;
	s0 =	simm.s32 $0x0;
	v10 =	vld [tilespmem:s24+$0xFFFFFFC0];
	v11 =	vsel vm1, $0x3F800000, v4;
	vm0 =	vgt.f32 v12, v5;
	[tilespmem:s24+$0x30] =	vst v13  }
.LBB2_62:
0x3dd: {  	v12 =	vld [tilespmem:s25+$0x30];
	s0 =	sadd.s32 $0x8, s0;
	[tilespmem:s24+$0xFFFFFFD0] =	vst v11;
	v11 =	vsel vm0, $0x3F800000, v4;
	vm0 =	vgt.f32 v9, v5  }
0x3de: {  	v13 =	vld [tilespmem:s25+$0xFFFFFFD0];
	p0 =	slt.u32 s0, $0x1F8;
	[tilespmem:s24+$0xFFFFFFE0] =	vst v11;
	v9 =	vsel vm0, $0x3F800000, v4;
	vm0 =	vgt.f32 v8, v5  }
0x3df: {  	v14 =	vld [tilespmem:s25+$0xFFFFFFE0];
	[tilespmem:s24+$0xFFFFFFF0] =	vst v9;
	v8 =	vsel vm0, $0x3F800000, v4;
	vm0 =	vgt.f32 v6, v5  }
.Ltmp44:
0x3e0: {  	v9 =	vld [tilespmem:s25+$0xFFFFFFF0];
	[tilespmem:s24+$0x0] =	vst v8;
	v6 =	vsel vm0, $0x3F800000, v4;
	vm0 =	vgt.f32 v7, v5;
	(pc) =	sbr.rel @p0 .LBB2_62-.Ltmp44, $4  }
0x3e1: {  	v8 =	vld [tilespmem:s25+$0x0];
	vm1 =	vgt.f32 v10, v5;
	[tilespmem:s24+$0x10] =	vst v6;
	v7 =	vsel vm0, $0x3F800000, v4  }
0x3e2: {  	v6 =	vld [tilespmem:s25+$0x10];
	vm0 =	vgt.f32 v12, v5;
	v10 =	vsel vm1, $0x3F800000, v4;
	[tilespmem:s24+$0x20] =	vst v7  }
0x3e3: {  	vm1 =	vgt.f32 v13, v5;
	v7 =	vld [tilespmem:s25+$0x20];
	v12 =	vsel vm0, $0x3F800000, v4;
	[tilespmem:s24+$0xFFFFFFC0] =	vst v10;
	s24 =	smov.u32 s25  }
0x3e4: {  	s25 =	sadd.s32 $0x80, s25;
	v10 =	vld [tilespmem:s24+$0xFFFFFFC0];
	v11 =	vsel vm1, $0x3F800000, v4;
	vm0 =	vgt.f32 v14, v5;
	[tilespmem:s24+$0x30] =	vst v12  }
0x3e5: {  	[tilespmem:s24+$0xFFFFFFD0] =	vst v11;
	v11 =	vsel vm0, $0x3F800000, v4;
	vm0 =	vgt.f32 v9, v5  }
0x3e6: {  	[tilespmem:s24+$0xFFFFFFE0] =	vst v11;
	v9 =	vsel vm0, $0x3F800000, v4;
	vm0 =	vgt.f32 v8, v5  }
0x3e7: {  	[tilespmem:s24+$0xFFFFFFF0] =	vst v9;
	v8 =	vsel vm0, $0x3F800000, v4;
	vm0 =	vgt.f32 v6, v5  }
0x3e8: {  	[tilespmem:s24+$0x0] =	vst v8;
	v6 =	vsel vm0, $0x3F800000, v4;
	vm0 =	vgt.f32 v7, v5  }
0x3e9: {  	vm1 =	vgt.f32 v10, v5;
	[tilespmem:s24+$0x10] =	vst v6;
	v5 =	vsel vm0, $0x3F800000, v4  }
0x3ea: {  	v6 =	vsel vm1, $0x3F800000, v4;
	[tilespmem:s24+$0x20] =	vst v5  }
0x3eb: {  	[tilespmem:s24+$0xFFFFFFC0] =	vst v6  }
0x3ec: {  	[hbm4b:s7+s13] =	stream.strided.scatter [tilespmem:s16], [sflag:$0x4], $0x2000, s14, s13, $0x38;
	[tilespmem:$0x6800] =	vst v63  }
0x3ed: {  	_ =	swait.ge [sflag:s15], $0x2000  }
0x3ee: {  	[sflag:s15] =	ssyncset.done $0x0  }
0x3ef: {  	[sflag:s15] =	ssyncadd.s32 $0xFFFFE000  }
0x3f0: {  	_ =	swait.ge [sflag:s22], $0x2000  }
0x3f1: {  	[sflag:s22] =	ssyncset.done $0x0  }
0x3f2: {  	s0 =	simm.s32 $0x40;
	[sflag:s22] =	ssyncadd.s32 $0xFFFFE000  }
0x3f3: {  	[tilespmem:s16], [sflag:$0x2] =	stream.strided.gather [hbm4b:s8+s13], $0x2000, s14, s13, $0x38;
	[tilespmem:$0x6800] =	vst v63  }
0x3f4: {  	v6 =	vld [tilespmem:s0+$0xFFFFFFC0];
	_ =	sdelay $0x1  }
0x3f5: {  	v7 =	vld [tilespmem:s0+$0x20]  }
0x3f6: {  	v10 =	vld [tilespmem:s0+$0xFFFFFFF0]  }
0x3f7: {  	v12 =	vld [tilespmem:s0+$0xFFFFFFD0]  }
0x3f8: {  	v8 =	vld [tilespmem:s0+$0xFFFFFFE0];
	v11 =	vshra.s32 v6, $0x15  }
0x3f9: {  	v5 =	vld [tilespmem:s0+$0x0];
	vm0 =	vlt.s32 v6, $0x0;
	v6 =	vxor.u32 $0x3FF, v11  }
0x3fa: {  	v9 =	vld [tilespmem:s0+$0x30];
	v13 =	vshra.s32 v7, $0x15;
	v6 =	vsel vm0, v6, v11  }
0x3fb: {  	vm0 =	vlt.s32 v7, $0x0;
	v7 =	vxor.u32 $0x3FF, v13;
	v11 =	vadd.s32 v2, v6  }
0x3fc: {  	vm3 =	vlt.s32 v10, $0x0;
	v15 =	vshra.s32 v10, $0x15;
	v7 =	vsel vm0, v7, v13  }
0x3fd: {  	vm1 =	vlt.s32 v8, $0x0;
	vm2 =	vlt.s32 v12, $0x0;
	v10 =	vadd.s32 v2, v7;
	v7 =	vld [tilespmem:s0+$0x10]  }
0x3fe: {  	v16 =	vxor.u32 $0x3FF, v15;
	v6 =	vshra.s32 v5, $0x15;
	v13 =	vshra.s32 v12, $0x15  }
0x3ff: {  	s25 =	simm.s32 $0x0;
	s26 =	simm.s32 $0xC0;
	vm0 =	vlt.s32 v9, $0x0;
	v12 =	vsel vm3, v16, v15;
	v14 =	vxor.u32 $0x3FF, v13  }
.LBB2_64:
0x400: {  	s25 =	sadd.s32 $0x8, s25;
	[tilespmem:v11+s17+$0x0] =	vst.idx.add.s32.msk $0xffff, v3;
	v11 =	vsel vm2, v14, v13;
	v8 =	vshra.s32 v8, $0x15;
	v9 =	vshra.s32 v9, $0x15  }
0x401: {  	v13 =	vld [tilespmem:s26+$0x20];
	p0 =	slt.u32 s25, $0x1F8;
	v14 =	vadd.s32 v2, v11;
	v11 =	vxor.u32 $0x3FF, v8;
	v15 =	vxor.u32 $0x3FF, v9  }
0x402: {  	v12 =	vadd.s32 v2, v12;
	v16 =	vld [tilespmem:s26+$0xFFFFFFC0];
	v8 =	vsel vm1, v11, v8;
	vm1 =	vlt.s32 v7, $0x0  }
0x403: {  	vm2 =	vlt.s32 v5, $0x0;
	v5 =	vshra.s32 v7, $0x15;
	v17 =	vadd.s32 v2, v8;
	[tilespmem:v10+s17+$0x0] =	vst.idx.add.s32.msk $0xffff, v3  }
0x404: {  	v7 =	vxor.u32 $0x3FF, v6;
	v9 =	vsel vm0, v15, v9;
	v8 =	vxor.u32 $0x3FF, v5;
	v10 =	vld [tilespmem:s26+$0xFFFFFFF0]  }
0x405: {  	v6 =	vsel vm2, v7, v6;
	v11 =	vadd.s32 v2, v9;
	v7 =	vsel vm1, v8, v5;
	v18 =	vld [tilespmem:s26+$0xFFFFFFD0]  }
0x406: {  	v19 =	vadd.s32 v2, v7;
	v5 =	vld [tilespmem:s26+$0x0]  }
0x407: {  	v8 =	vld [tilespmem:s26+$0xFFFFFFE0]  }
0x408: {  	v21 =	vadd.s32 v2, v6;
	v20 =	vshra.s32 v16, $0x15;
	v9 =	vld [tilespmem:s26+$0x30]  }
0x409: {  	v22 =	vshra.s32 v13, $0x15;
	vm0 =	vlt.s32 v16, $0x0;
	v6 =	vxor.u32 $0x3FF, v20;
	v7 =	vld [tilespmem:s26+$0x10]  }
0x40a: {  	v15 =	vimm.s32 $0x0;
	v16 =	vimm.s32 $0x7FFFFFFF;
	v6 =	vsel vm0, v6, v20;
	[tilespmem:v11+s17+$0x0] =	vst.idx.add.s32.msk $0xffff, v3  }
.Ltmp45:
0x40b: {  	vm0 =	vlt.s32 v13, $0x0;
	v13 =	vxor.u32 $0x3FF, v22;
	v11 =	vadd.s32 v2, v6;
	[tilespmem:v17+s17+$0x0] =	vst.idx.add.s32.msk $0xffff, v3;
	(pc) =	sbr.rel @p0 .LBB2_64-.Ltmp45, $4  }
0x40c: {  	vm3 =	vlt.s32 v10, $0x0;
	v13 =	vsel vm0, v13, v22;
	v6 =	vshra.s32 v5, $0x15;
	[tilespmem:v14+s17+$0x0] =	vst.idx.add.s32.msk $0xffff, v3  }
0x40d: {  	v17 =	vshra.s32 v10, $0x15;
	v10 =	vadd.s32 v2, v13;
	vm0 =	vlt.s32 v9, $0x0;
	[tilespmem:v21+s17+$0x0] =	vst.idx.add.s32.msk $0xffff, v3  }
0x40e: {  	v13 =	vshra.s32 v18, $0x15;
	vm1 =	vlt.s32 v8, $0x0;
	v20 =	vxor.u32 $0x3FF, v17;
	[tilespmem:v12+s17+$0x0] =	vst.idx.add.s32.msk $0xffff, v3  }
0x40f: {  	s24 =	simm.s32 $0x57C0;
	s26 =	sadd.s32 $0x80, s26;
	vm2 =	vlt.s32 v18, $0x0;
	v14 =	vxor.u32 $0x3FF, v13;
	v12 =	vsel vm3, v20, v17;
	[tilespmem:v19+s17+$0x0] =	vst.idx.add.s32.msk $0xffff, v3  }
0x410: {  	v9 =	vshra.s32 v9, $0x15;
	v8 =	vshra.s32 v8, $0x15  }
0x411: {  	v13 =	vsel vm2, v14, v13;
	v17 =	vxor.u32 $0x3FF, v9;
	v18 =	vxor.u32 $0x3FF, v8  }
0x412: {  	v13 =	vadd.s32 v2, v13;
	v9 =	vsel vm0, v17, v9;
	v8 =	vsel vm1, v18, v8  }
0x413: {  	vm0 =	vlt.s32 v5, $0x0;
	v5 =	vxor.u32 $0x3FF, v6;
	v9 =	vadd.s32 v2, v9  }
0x414: {  	v14 =	vshra.s32 v7, $0x15;
	v8 =	vadd.s32 v2, v8;
	v5 =	vsel vm0, v5, v6  }
0x415: {  	[tilespmem:v11+s17+$0x0] =	vst.idx.add.s32.msk $0xffff, v3;
	vm0 =	vlt.s32 v7, $0x0;
	v6 =	vxor.u32 $0x3FF, v14;
	v7 =	vadd.s32 v2, v12  }
0x416: {  	[tilespmem:v10+s17+$0x0] =	vst.idx.add.s32.msk $0xffff, v3;
	v5 =	vadd.s32 v2, v5;
	v6 =	vsel vm0, v6, v14  }
0x417: {  	v6 =	vadd.s32 v2, v6;
	[tilespmem:v13+s17+$0x0] =	vst.idx.add.s32.msk $0xffff, v3  }
0x418: {  	[tilespmem:v9+s17+$0x0] =	vst.idx.add.s32.msk $0xffff, v3  }
0x419: {  	[tilespmem:v8+s17+$0x0] =	vst.idx.add.s32.msk $0xffff, v3  }
0x41a: {  	[tilespmem:v7+s17+$0x0] =	vst.idx.add.s32.msk $0xffff, v3  }
0x41b: {  	[tilespmem:v5+s17+$0x0] =	vst.idx.add.s32.msk $0xffff, v3  }
0x41c: {  	[tilespmem:v6+s17+$0x0] =	vst.idx.add.s32.msk $0xffff, v3  }
0x41d: {  	v5 =	vld [tilespmem:s24+$0xFFFFF830]  }
0x41e: {  	v6 =	vld [tilespmem:s24+$0xFFFFF800]  }
0x41f: {  	v7 =	vld [tilespmem:s24+$0xFFFFF000]  }
0x420: {  	v8 =	vld [tilespmem:s24+$0x10]  }
0x421: {  	v9 =	vld [tilespmem:s24+$0xFFFFF030]  }
0x422: {  	v10 =	vld [tilespmem:s24+$0x30]  }
0x423: {  	v11 =	vld [tilespmem:s24+$0x830]  }
0x424: {  	v12 =	vld [tilespmem:s24+$0xFFFFF810]  }
0x425: {  	v13 =	vld [tilespmem:s24+$0xFFFFF020];
	[tilespmem:s24+$0xFFFFF830] =	vst v0  }
0x426: {  	v14 =	vld [tilespmem:s24+$0xFFFFF010];
	[tilespmem:s24+$0xFFFFF800] =	vst v0;
	v5 =	vadd.s32 v9, v5  }
0x427: {  	[tilespmem:s24+$0x10] =	vst v0;
	v17 =	vld [tilespmem:s24+$0xFFFFF820];
	v5 =	vadd.s32 v10, v5  }
0x428: {  	[tilespmem:s24+$0x30] =	vst v0;
	v9 =	vld [tilespmem:s24+$0x810];
	v18 =	vadd.s32 v11, v5  }
0x429: {  	[tilespmem:s24+$0xFFFFF020] =	vst v0;
	v10 =	vld [tilespmem:s24+$0x0];
	(xrf0) =	vadd.scan.msk.s32 $0xffff, v18  }
0x42a: {  	[tilespmem:s24+$0xFFFFF030] =	vst v0;
	v11 =	vld [tilespmem:s24+$0x800]  }
0x42b: {  	v19 =	vld [tilespmem:s24+$0x20];
	[tilespmem:s24+$0xFFFFF010] =	vst v0  }
0x42c: {  	[tilespmem:s24+$0xFFFFF820] =	vst v0;
	v5 =	vadd.s32 v14, v12;
	v12 =	vld [tilespmem:s24+$0x820]  }
0x42d: {  	s25 =	simm.s32 $0x5780;
	[tilespmem:s24+$0x830] =	vst v0;
	v6 =	vadd.s32 v7, v6;
	v5 =	vadd.s32 v8, v5  }
0x42e: {  	[tilespmem:s24+$0x20] =	vst v0;
	v22 =	vld [tilespmem:s25+$0x830];
	v5 =	vadd.s32 v9, v5;
	v6 =	vadd.s32 v10, v6  }
0x42f: {  	[tilespmem:s24+$0xFFFFF810] =	vst v0;
	v26 =	vld [tilespmem:s25+$0xFFFFF010];
	v7 =	vadd.s32 v13, v17;
	(xrf0) =	vadd.scan.msk.s32 $0xffff, v5;
	v6 =	vadd.s32 v11, v6;
	v20, _, _ =	vpop (xrf0)  }
0x430: {  	[tilespmem:s24+$0xFFFFF000] =	vst v0;
	v27 =	vld [tilespmem:s25+$0x0];
	v7 =	vadd.s32 v19, v7;
	(xrf0) =	vadd.scan.msk.s32 $0xffff, v6;
	v8 =	vxor.u32 $0x80000000, v20  }
0x431: {  	v28 =	vld [tilespmem:s25+$0x820];
	[tilespmem:s24+$0x810] =	vst v0;
	v17 =	vadd.s32 v12, v7;
	(xrf0) =	vmax.scan.msk.u32 $0xffff, v8  }
0x432: {  	[tilespmem:s24+$0x0] =	vst v0;
	v14 =	vld [tilespmem:s25+$0x30];
	(xrf0) =	vadd.scan.msk.s32 $0xffff, v17  }
0x433: {  	[tilespmem:s24+$0x800] =	vst v0;
	v9 =	vld [tilespmem:s25+$0xFFFFF030]  }
0x434: {  	[tilespmem:s24+$0x820] =	vst v0;
	s24 =	simm.s32 $0x5740;
	v7 =	vld [tilespmem:s25+$0xFFFFF830]  }
0x435: {  	v29 =	vld [tilespmem:s24+$0xFFFFF020];
	v23, _, _ =	vpop (xrf0)  }
0x436: {  	v30 =	vld [tilespmem:s24+$0xFFFFF030];
	v13 =	vxor.u32 $0x80000000, v23;
	v24, _, _ =	vpop (xrf0)  }
0x437: {  	v31 =	vld [tilespmem:s24+$0xFFFFF010];
	(xrf0) =	vmax.scan.msk.u32 $0xffff, v13;
	v19, _, _ =	vpop (xrf0)  }
0x438: {  	v12 =	vld [tilespmem:s25+$0xFFFFF810];
	v13 =	vxor.u32 $0x80000000, v24;
	v21, _, _ =	vpop (xrf0)  }
0x439: {  	[tilespmem:s25+$0xFFFFF010] =	vst v0;
	v8 =	vld [tilespmem:s25+$0x10];
	v7 =	vadd.s32 v9, v7;
	(xrf0) =	vmax.scan.msk.u32 $0xffff, v13;
	v25 =	vxor.u32 $0x80000000, v21  }
0x43a: {  	[tilespmem:s25+$0x0] =	vst v0;
	v7 =	vadd.s32 v14, v7;
	(xrf0) =	vmax.scan.msk.u32 $0xffff, v25;
	v25 =	vld [tilespmem:s25+$0x810]  }
0x43b: {  	[tilespmem:s25+$0x830] =	vst v0;
	v10 =	vld [tilespmem:s25+$0xFFFFF800];
	(v2sf) =	vpush v19, $0xF  }
0x43c: {  	[tilespmem:s25+$0x820] =	vst v0;
	v11 =	vld [tilespmem:s25+$0xFFFFF000]  }
0x43d: {  	[tilespmem:s25+$0x30] =	vst v0;
	v12 =	vadd.s32 v26, v12;
	v14 =	vld [tilespmem:s25+$0x800];
	v9 =	vadd.s32 v22, v7;
	v7, _, _ =	vpop (xrf0)  }
0x43e: {  	[tilespmem:s24+$0xFFFFF030] =	vst v0;
	v13 =	vld [tilespmem:s25+$0xFFFFF020];
	(xrf0) =	vadd.scan.msk.s32 $0xffff, v9;
	(v2sf) =	vpush v7, $0xF;
	v7 =	vadd.s32 v8, v12  }
0x43f: {  	[tilespmem:s24+$0xFFFFF010] =	vst v0;
	v19 =	vld [tilespmem:s25+$0xFFFFF820];
	v8 =	vadd.s32 v25, v7  }
0x440: {  	[tilespmem:s24+$0xFFFFF020] =	vst v0;
	v26 =	vld [tilespmem:s25+$0x20];
	v22, _, _ =	vpop (xrf0);
	(xrf0) =	vadd.scan.msk.s32 $0xffff, v8  }
0x441: {  	v35 =	vld [tilespmem:s24+$0x810];
	[tilespmem:s24+$0x810] =	vst v0  }
0x442: {  	v36 =	vld [tilespmem:s24+$0x0];
	[tilespmem:s24+$0x0] =	vst v0;
	v7 =	vadd.s32 v11, v10  }
0x443: {  	v60 =	vld [tilespmem:s24+$0x800];
	[tilespmem:s24+$0x800] =	vst v0;
	v12, _, _ =	vpop (xrf0);
	v7 =	vadd.s32 v27, v7  }
0x444: {  	v61 =	vld [tilespmem:s24+$0xFFFFF820];
	[tilespmem:s24+$0xFFFFF820] =	vst v0;
	v10 =	vadd.s32 v13, v19;
	(v2sf) =	vpush v12, $0xF;
	v7 =	vadd.s32 v14, v7;
	v13, _, _ =	vpop (xrf0)  }
0x445: {  	v33 =	vld [tilespmem:s24+$0x830];
	[tilespmem:s24+$0x830] =	vst v0;
	v10 =	vadd.s32 v26, v10;
	(xrf0) =	vadd.scan.msk.s32 $0xffff, v7;
	v11 =	vxor.u32 $0x80000000, v13  }
0x446: {  	[tilespmem:s25+$0xFFFFF030] =	vst v0;
	v10 =	vadd.s32 v28, v10;
	(xrf0) =	vmax.scan.msk.u32 $0xffff, v11;
	v12, _, _ =	vpop (xrf0)  }
0x447: {  	[tilespmem:s25+$0xFFFFF800] =	vst v0;
	(xrf0) =	vadd.scan.msk.s32 $0xffff, v10;
	v11 =	vxor.u32 $0x80000000, v12  }
0x448: {  	[tilespmem:s25+$0xFFFFF830] =	vst v0;
	(v2sf) =	vpush v22, $0xF;
	(xrf0) =	vmax.scan.msk.u32 $0xffff, v11  }
0x449: {  	[tilespmem:s25+$0xFFFFF810] =	vst v0  }
0x44a: {  	[tilespmem:s25+$0xFFFFF000] =	vst v0;
	v19 =	vld [tilespmem:s24+$0xFFFFF830];
	s0 =	spop (v2sf)  }
0x44b: {  	[tilespmem:s25+$0x10] =	vst v0;
	v25 =	vld [tilespmem:s24+$0xFFFFF800];
	s0 =	sadd.s32 $0x0, s0;
	v11, _, _ =	vpop (xrf0)  }
0x44c: {  	[tilespmem:s25+$0x20] =	vst v0;
	v27 =	vld [tilespmem:s24+$0xFFFFF810];
	s0 =	sadd.s32 $0x80000000, s0;
	v32, _, _ =	vpop (xrf0)  }
0x44d: {  	[tilespmem:s25+$0x800] =	vst v0;
	v28 =	vld [tilespmem:s24+$0x30];
	v20 =	vsub.s32 s0, v20;
	v14, _, _ =	vpop (xrf0);
	(v2sf) =	vpush v32, $0xF  }
0x44e: {  	[tilespmem:s25+$0xFFFFF020] =	vst v0;
	v22 =	vld [tilespmem:s24+$0xFFFFF000];
	v34 =	vxor.u32 $0x80000000, v11;
	v37 =	vadd.s32 v18, v20;
	v18, _, _ =	vpop (xrf0)  }
0x44f: {  	[tilespmem:s25+$0xFFFFF820] =	vst v0;
	v26 =	vld [tilespmem:s24+$0x10];
	s2 =	spop (v2sf);
	(xrf0) =	vmax.scan.msk.u32 $0xffff, v34;
	v59 =	vxor.u32 $0x80000000, v14;
	(v2sf) =	vpush v18, $0xF  }
0x450: {  	[tilespmem:s25+$0x810] =	vst v0;
	(xrf0) =	vmax.scan.msk.u32 $0xffff, v59  }
0x451: {  	[tilespmem:s24+$0xFFFFF830] =	vst v0;
	v19 =	vadd.s32 v30, v19  }
0x452: {  	v29 =	vadd.s32 v29, v61;
	[tilespmem:s24+$0xFFFFF800] =	vst v0;
	v18 =	vadd.s32 v28, v19  }
0x453: {  	[tilespmem:s24+$0x10] =	vst v0;
	v20 =	vadd.s32 v22, v25;
	v19 =	vadd.s32 v31, v27;
	v27 =	vld [tilespmem:s24+$0x20];
	s3 =	spop (v2sf);
	v18 =	vadd.s32 v33, v18  }
0x454: {  	vm1 =	vgt.s32 v37, $0x199;
	v20 =	vadd.s32 v36, v20;
	v28 =	vld [tilespmem:s24+$0x820];
	v19 =	vadd.s32 v26, v19;
	s0 =	sadd.s32 s3, s0;
	(xrf0) =	vadd.scan.msk.s32 $0xffff, v18  }
0x455: {  	[tilespmem:s24+$0xFFFFF810] =	vst v0;
	vm0 =	vlt.s32 v16, v37;
	v22 =	vsel vm1, $0x1, v0;
	v19 =	vadd.s32 v35, v19;
	s0 =	sadd.s32 $0x80000000, s0;
	v25, _, _ =	vpop (xrf0)  }
0x456: {  	v20 =	vadd.s32 v60, v20;
	v62 =	vsel vm1, $0x0, v37;
	v63 =	vsel vm0, v16, v37;
	(xrf0) =	vadd.scan.msk.s32 $0xffff, v19;
	s2 =	sadd.s32 s2, s0;
	v26, _, _ =	vpop (xrf0)  }
0x457: {  	[tilespmem:s24+$0x30] =	vst v0;
	v22 =	vadd.s32 v22, v15;
	s31 =	spop (v2sf);
	v21 =	vsub.s32 s0, v21;
	s2 =	sadd.s32 $0x80000000, s2;
	(v2sf) =	vpush v26, $0xF  }
0x458: {  	vm2 =	vgt.s32 v15, v62;
	(xrf0) =	vadd.scan.msk.s32 $0xffff, v20;
	v27 =	vadd.s32 v27, v29;
	v21 =	vadd.s32 v17, v21;
	s3 =	sadd.s32 s31, s2  }
0x459: {  	[tilespmem:s24+$0x20] =	vst v0;
	v15 =	vsel vm2, v15, v62;
	v17 =	vadd.s32 v28, v27;
	vm0 =	vgt.s32 v21, $0x199;
	s28 =	sadd.s32 $0x80000000, s3  }
0x45a: {  	s26 =	simm.s32 $0x5700;
	s25 =	simm.s32 $0x8;
	[tilespmem:s24+$0x820] =	vst v0;
	v27 =	vsel vm1, v63, v16;
	v23 =	vsub.s32 s2, v23;
	v26 =	vsub.s32 s28, v24;
	v24, _, _ =	vpop (xrf0)  }
.LBB2_66:
0x45b: {  	v28 =	vld [tilespmem:s26+$0xFFFFF830];
	s25 =	sadd.s32 $0x4, s25;
	v29 =	vxor.u32 $0x80000000, v24;
	[tilespmem:s24+$0xFFFFF000] =	vst v0;
	(v2sf) =	vpush v25, $0xF;
	vm1 =	vlt.s32 v27, v21;
	v16 =	vmovc v12;
	s24 =	smov.u32 s26  }
0x45c: {  	v23 =	vadd.s32 v5, v23;
	v25 =	vadd.s32 v6, v26;
	[tilespmem:s26+$0xFFFFF830] =	vst v0;
	v30 =	vld [tilespmem:s26+$0xFFFFF800];
	p0 =	slt.u32 s25, $0x7C;
	(xrf0) =	vmax.scan.msk.u32 $0xffff, v29;
	v12, _, _ =	vpop (xrf0);
	s0 =	spop (v2sf)  }
0x45d: {  	v5 =	vmovc v8;
	v29 =	vsel vm1, v27, v21;
	v26 =	vld [tilespmem:s26+$0xFFFFF000];
	[tilespmem:s26+$0xFFFFF800] =	vst v0;
	v35 =	vxor.u32 $0x80000000, v12;
	(xrf0) =	vadd.scan.msk.s32 $0xffff, v17;
	s0 =	sadd.s32 s0, s28  }
0x45e: {  	vm2 =	vgt.s32 v23, $0x199;
	vm1 =	vgt.s32 v25, $0x199;
	v27 =	vsel vm0, v29, v27;
	v31 =	vld [tilespmem:s26+$0x10];
	(xrf0) =	vmax.scan.msk.u32 $0xffff, v35;
	v32, _, _ =	vpop (xrf0);
	s29 =	sadd.s32 $0x80000000, s0;
	s28 =	spop (v2sf)  }
0x45f: {  	v8 =	vmovc v19;
	v6 =	vmovc v7;
	vm3 =	vlt.s32 v27, v23;
	v29 =	vld [tilespmem:s26+$0xFFFFF810];
	[tilespmem:s26+$0x10] =	vst v0;
	v33 =	vxor.u32 $0x80000000, v32;
	v34 =	vsub.s32 s29, v13  }
0x460: {  	v7 =	vmovc v20;
	v35 =	vsel vm1, $0x0, v25;
	v37 =	vsel vm3, v27, v23;
	v19 =	vld [tilespmem:s26+$0x30];
	(xrf0) =	vmax.scan.msk.u32 $0xffff, v33;
	v33 =	vsel vm0, $0x1, v0  }
0x461: {  	v20 =	vsel vm0, $0x0, v21;
	v21 =	vsel vm2, $0x0, v23;
	v13 =	vmovc v24;
	v23 =	vsel vm2, v37, v27;
	[tilespmem:s26+$0x30] =	vst v0;
	v36 =	vld [tilespmem:s26+$0xFFFFF020]  }
0x462: {  	v34 =	vadd.s32 v9, v34;
	vm0 =	vgt.s32 v15, v20;
	vm3 =	vlt.s32 v23, v25;
	v24 =	vld [tilespmem:s26+$0xFFFFF030];
	[tilespmem:s26+$0xFFFFF020] =	vst v0;
	v27, _, _ =	vpop (xrf0)  }
0x463: {  	v15 =	vsel vm0, v15, v20;
	v20 =	vsel vm3, v23, v25;
	[tilespmem:s26+$0xFFFFF030] =	vst v0;
	v37 =	vld [tilespmem:s26+$0xFFFFF010];
	(v2sf) =	vpush v27, $0xF;
	v27, _, _ =	vpop (xrf0)  }
0x464: {  	v22 =	vadd.s32 v33, v22;
	v33 =	vsel vm2, $0x1, v0;
	v38 =	vld [tilespmem:s26+$0x830];
	[tilespmem:s26+$0xFFFFF010] =	vst v0;
	v41 =	vxor.u32 $0x80000000, v27;
	v25, _, _ =	vpop (xrf0)  }
0x465: {  	v40 =	vsel vm1, $0x1, v0;
	v9 =	vmovc v18;
	vm0 =	vgt.s32 v15, v21;
	v39 =	vld [tilespmem:s26+$0x810];
	(xrf0) =	vmax.scan.msk.u32 $0xffff, v41;
	(v2sf) =	vpush v25, $0xF  }
0x466: {  	v22 =	vadd.s32 v33, v22;
	v15 =	vsel vm0, v15, v21;
	v23 =	vsel vm1, v20, v23;
	[tilespmem:s26+$0x810] =	vst v0;
	v41 =	vld [tilespmem:s26+$0x0];
	v25, _, _ =	vpop (xrf0);
	s0 =	spop (v2sf)  }
0x467: {  	vm1 =	vgt.s32 v34, $0x199;
	vm0 =	vgt.s32 v15, v35;
	v18 =	vadd.s32 v24, v28;
	v20 =	vld [tilespmem:s26+$0x800];
	[tilespmem:s26+$0x0] =	vst v0;
	s0 =	sadd.s32 s0, s29  }
0x468: {  	v15 =	vsel vm0, v15, v35;
	v18 =	vadd.s32 v19, v18;
	v21 =	vld [tilespmem:s26+$0xFFFFF820];
	v19 =	vadd.s32 v37, v29;
	[tilespmem:s26+$0x800] =	vst v0;
	s0 =	sadd.s32 $0x80000000, s0  }
0x469: {  	v22 =	vadd.s32 v40, v22;
	v18 =	vadd.s32 v38, v18;
	v24 =	vld [tilespmem:s26+$0x20];
	[tilespmem:s26+$0xFFFFF820] =	vst v0;
	v19 =	vadd.s32 v31, v19;
	s2 =	sadd.s32 s28, s0  }
0x46a: {  	v26 =	vadd.s32 v26, v30;
	v29 =	vsel vm1, $0x1, v0;
	v28 =	vld [tilespmem:s26+$0x820];
	v19 =	vadd.s32 v39, v19;
	(xrf0) =	vadd.scan.msk.s32 $0xffff, v18;
	s3 =	spop (v2sf)  }
0x46b: {  	vm0 =	vlt.s32 v23, v34;
	v22 =	vadd.s32 v29, v22;
	s2 =	sadd.s32 $0x80000000, s2;
	[tilespmem:s26+$0x830] =	vst v0;
	v26 =	vadd.s32 v41, v26;
	v30, _, _ =	vpop (xrf0)  }
.Ltmp46:
0x46c: {  	v29 =	vsel vm1, $0x0, v34;
	v31 =	vsel vm0, v23, v34;
	s3 =	sadd.s32 s3, s2;
	v20 =	vadd.s32 v20, v26;
	(xrf0) =	vadd.scan.msk.s32 $0xffff, v19;
	(pc) =	sbr.rel @p0 .LBB2_66-.Ltmp46, $4  }
0x46d: {  	v26 =	vsub.s32 s0, v14;
	s28 =	sadd.s32 $0x80000000, s3;
	v14 =	vmovc v27;
	v21 =	vadd.s32 v36, v21;
	[tilespmem:s26+$0x20] =	vst v0;
	(v2sf) =	vpush v30, $0xF  }
0x46e: {  	v27 =	vadd.s32 v24, v21;
	(xrf0) =	vadd.scan.msk.s32 $0xffff, v20;
	v21 =	vadd.s32 v10, v26;
	v26 =	vsub.s32 s28, v11;
	v11 =	vmovc v32  }
0x46f: {  	vm2 =	vgt.s32 v15, v29;
	v10 =	vmovc v17;
	[tilespmem:s26+$0x820] =	vst v0;
	vm0 =	vgt.s32 v21, $0x199;
	v17 =	vadd.s32 v28, v27  }
0x470: {  	v15 =	vsel vm2, v15, v29;
	s26 =	sadd.s32 $0xFFFFFFC0, s26;
	v27 =	vsel vm1, v31, v23;
	v23 =	vsub.s32 s2, v16;
	[tilespmem:s24+$0xFFFFF810] =	vst v0;
	v24, _, _ =	vpop (xrf0)  }
0x471: {  	v16 =	vxor.u32 $0x80000000, v24  }
0x472: {  	(xrf0) =	vmax.scan.msk.u32 $0xffff, v16  }
0x473: {  	(xrf0) =	vadd.scan.msk.s32 $0xffff, v17;
	_ =	sdelay $0x2  }
0x474: {  	v16, _, _ =	vpop (xrf0)  }
0x475: {  	v28, _, _ =	vpop (xrf0)  }
0x476: {  	v29 =	vxor.u32 $0x80000000, v16;
	v30, _, _ =	vpop (xrf0)  }
0x477: {  	(xrf0) =	vmax.scan.msk.u32 $0xffff, v29;
	v51 =	vxor.u32 $0x80000000, v28;
	v31, _, _ =	vpop (xrf0)  }
0x478: {  	(xrf0) =	vmax.scan.msk.u32 $0xffff, v51;
	v52 =	vxor.u32 $0x80000000, v31  }
0x479: {  	(v2sf) =	vpush v25, $0xF;
	(xrf0) =	vmax.scan.msk.u32 $0xffff, v52;
	_ =	sdelay $0x3  }
0x47a: {  	v25, _, _ =	vpop (xrf0)  }
0x47b: {  	(v2sf) =	vpush v30, $0xF;
	v53, _, _ =	vpop (xrf0)  }
0x47c: {  	(v2sf) =	vpush v25, $0xF;
	v25, _, _ =	vpop (xrf0)  }
0x47d: {  	(v2sf) =	vpush v25, $0xF;
	_ =	sdelay $0x1  }
0x47e: {  	s0 =	spop (v2sf)  }
0x47f: {  	s0 =	sadd.s32 s0, s28;
	s2 =	spop (v2sf)  }
0x480: {  	s0 =	sadd.s32 $0x80000000, s0;
	s3 =	spop (v2sf);
	(v2sf) =	vpush v53, $0xF  }
0x481: {  	s3 =	sadd.s32 s3, s0  }
0x482: {  	vm1 =	vlt.s32 v27, v21;
	v5 =	vadd.s32 v5, v23;
	s3 =	sadd.s32 $0x80000000, s3  }
0x483: {  	v6 =	vadd.s32 v6, v26;
	v13 =	vsub.s32 s0, v13;
	s29 =	sadd.s32 s2, s3;
	v14 =	vsub.s32 s3, v14  }
0x484: {  	vm2 =	vgt.s32 v5, $0x199;
	v9 =	vadd.s32 v9, v13;
	s30 =	spop (v2sf);
	s0 =	sadd.s32 $0x80000000, s29;
	v10 =	vadd.s32 v10, v14  }
0x485: {  	vm3 =	vgt.s32 v9, $0x199;
	s2 =	sadd.s32 s30, s0;
	v12 =	vsub.s32 s0, v12;
	vm9 =	vgt.s32 v10, $0x199  }
0x486: {  	v25 =	vsel vm1, v27, v21;
	vm1 =	vgt.s32 v6, $0x199;
	s2 =	sadd.s32 $0x80000000, s2;
	v8 =	vadd.s32 v8, v12  }
0x487: {  	v23 =	vsel vm0, v25, v27;
	v25 =	vsel vm0, $0x1, v0;
	v11 =	vsub.s32 s2, v11  }
0x488: {  	vm8 =	vgt.s32 v8, $0x199;
	v13 =	vadd.s32 v25, v22;
	v22 =	vsel vm2, $0x1, v0  }
0x489: {  	vm4 =	vlt.s32 v23, v5;
	v25 =	vsel vm1, $0x1, v0;
	v13 =	vadd.s32 v22, v13;
	s31 =	spop (v2sf)  }
0x48a: {  	v7 =	vadd.s32 v7, v11;
	v13 =	vadd.s32 v25, v13;
	v25 =	vsel vm3, $0x1, v0;
	s3 =	sadd.s32 s31, s2;
	s25 =	spop (v2sf)  }
0x48b: {  	v11 =	vsel vm9, $0x1, v0;
	vm5 =	vgt.s32 v7, $0x199;
	v13 =	vadd.s32 v25, v13;
	s12 =	sadd.s32 $0x80000000, s3;
	s26 =	spop (v2sf)  }
0x48c: {  	v11 =	vadd.s32 v11, v13;
	v13 =	vsel vm8, $0x1, v0;
	v12 =	vsub.s32 s12, v24;
	s0 =	sadd.s32 s26, s12  }
0x48d: {  	v14 =	vsel vm5, $0x1, v0;
	v11 =	vadd.s32 v13, v11;
	v12 =	vadd.s32 v18, v12;
	s0 =	sadd.s32 $0x80000000, s0  }
0x48e: {  	v22 =	vsel vm4, v23, v5;
	v11 =	vadd.s32 v14, v11;
	vm6 =	vgt.s32 v12, $0x199;
	s28 =	sadd.s32 s25, s0  }
0x48f: {  	v18 =	vsel vm2, v22, v23;
	v14 =	vsel vm6, $0x1, v0;
	s29 =	spop (v2sf);
	v13 =	vsub.s32 s0, v31;
	s2 =	sadd.s32 $0x80000000, s28  }
0x490: {  	v11 =	vadd.s32 v14, v11;
	v13 =	vadd.s32 v17, v13;
	s0 =	sadd.s32 s29, s2;
	v14 =	vsub.s32 s2, v16  }
0x491: {  	vm11 =	vlt.s32 v18, v6;
	vm10 =	vgt.s32 v13, $0x199;
	s0 =	sadd.s32 $0x80000000, s0;
	v14 =	vadd.s32 v19, v14  }
0x492: {  	v17 =	vsel vm10, $0x1, v0;
	v16 =	vsub.s32 s0, v28;
	vm7 =	vgt.s32 v14, $0x199  }
0x493: {  	v11 =	vadd.s32 v17, v11;
	v16 =	vadd.s32 v20, v16;
	v17 =	vsel vm7, $0x1, v0  }
0x494: {  	vm4 =	vgt.s32 v16, $0x199;
	v11 =	vadd.s32 v17, v11;
	v17 =	vsel vm11, v18, v6  }
0x495: {  	v19 =	vsel vm4, $0x1, v0;
	v17 =	vsel vm1, v17, v18  }
0x496: {  	v11 =	vadd.s32 v19, v11;
	vm14 =	vlt.s32 v17, v9  }
0x497: {  	(xrf0) =	vadd.scan.msk.s32 $0xffff, v11;
	v11 =	vsel vm0, $0x0, v21;
	v18 =	vsel vm14, v17, v9  }
0x498: {  	vm0 =	vgt.s32 v15, v11;
	v17 =	vsel vm3, v18, v17  }
0x499: {  	v5 =	vsel vm2, $0x0, v5;
	v11 =	vsel vm0, v15, v11;
	vm0 =	vlt.s32 v17, v10  }
0x49a: {  	vm2 =	vgt.s32 v11, v5;
	v15 =	vsel vm0, v17, v10  }
0x49b: {  	v6 =	vsel vm1, $0x0, v6;
	v5 =	vsel vm2, v11, v5;
	v11 =	vsel vm9, v15, v17  }
0x49c: {  	vm0 =	vgt.s32 v5, v6;
	vm1 =	vlt.s32 v11, v8  }
0x49d: {  	v5 =	vsel vm0, v5, v6;
	v6 =	vsel vm3, $0x0, v9;
	v9 =	vsel vm1, v11, v8  }
0x49e: {  	vm0 =	vgt.s32 v5, v6;
	v9 =	vsel vm8, v9, v11  }
0x49f: {  	v15, _, _ =	vpop (xrf0);
	v5 =	vsel vm0, v5, v6;
	v6 =	vsel vm9, $0x0, v10;
	vm0 =	vlt.s32 v9, v7  }
0x4a0: {  	[tilespmem:s24+$0xFFFFF000] =	vst v0;
	s30 =	simm.s32 $0x40;
	(v2sf) =	vpush v15, $0xF;
	vm1 =	vgt.s32 v5, v6;
	v10 =	vsel vm0, v9, v7  }
0x4a1: {  	v19 =	vld [tilespmem:s30+$0xFFFFFFE0];
	v8 =	vsel vm8, $0x0, v8;
	v5 =	vsel vm1, v5, v6;
	v6 =	vsel vm5, v10, v9  }
0x4a2: {  	v21 =	vld [tilespmem:s30+$0x0];
	vm0 =	vgt.s32 v5, v8;
	vm1 =	vlt.s32 v6, v12  }
0x4a3: {  	v7 =	vsel vm5, $0x0, v7;
	v5 =	vsel vm0, v5, v8;
	v8 =	vsel vm1, v6, v12  }
0x4a4: {  	vm0 =	vgt.s32 v5, v7;
	v6 =	vsel vm6, v8, v6  }
0x4a5: {  	v5 =	vsel vm0, v5, v7;
	vm0 =	vlt.s32 v6, v13  }
0x4a6: {  	v23 =	vxor.u32 $0x7FFFFFFF, v19;
	v7 =	vsel vm6, $0x0, v12;
	v8 =	vsel vm0, v6, v13  }
0x4a7: {  	v25 =	vxor.u32 $0x7FFFFFFF, v21;
	vm1 =	vgt.s32 v5, v7;
	v6 =	vsel vm10, v8, v6  }
0x4a8: {  	v12 =	vld [tilespmem:s30+$0xFFFFFFF0];
	v5 =	vsel vm1, v5, v7;
	v7 =	vsel vm10, $0x0, v13;
	vm0 =	vlt.s32 v6, v14  }
0x4a9: {  	vm3 =	vlt.s32 v19, $0x0;
	vm1 =	vgt.s32 v5, v7;
	v8 =	vsel vm0, v6, v14  }
0x4aa: {  	v9 =	vsel vm7, $0x0, v14;
	v5 =	vsel vm1, v5, v7;
	v7 =	vld [tilespmem:s30+$0xFFFFFFD0];
	v6 =	vsel vm7, v8, v6  }
0x4ab: {  	v11 =	vsel vm4, $0x0, v16;
	v10 =	vld [tilespmem:s30+$0x20];
	vm0 =	vgt.s32 v5, v9;
	vm1 =	vlt.s32 v6, v16  }
0x4ac: {  	v15 =	vimm.s32 $0x80000000;
	v5 =	vsel vm0, v5, v9;
	v8 =	vsel vm1, v6, v16  }
0x4ad: {  	v13 =	vld [tilespmem:s30+$0x10];
	vm0 =	vgt.s32 v5, v11;
	v16 =	vimm.s32 $0x0;
	vm1 =	vlt.s32 v12, $0x0  }
0x4ae: {  	v8 =	vsel vm4, v8, v6;
	v9 =	vsel vm0, v5, v11;
	vm4 =	vlt.s32 v21, $0x0  }
0x4af: {  	s31 =	spop (v2sf);
	vm0 =	vlt.s32 v7, $0x0;
	v6 =	vxor.u32 $0x7FFFFFFF, v7;
	v25 =	vsel vm4, v25, v21  }
0x4b0: {  	v11 =	vld [tilespmem:s30+$0x30];
	s24 =	sadd.s32 $0xFFFFFBFF, s31;
	v17 =	vsel vm0, v6, v7;
	vm0 =	vlt.s32 v10, $0x0;
	v6 =	vxor.u32 $0x7FFFFFFF, v10  }
0x4b1: {  	v18 =	vld [tilespmem:s30+$0xFFFFFFC0];
	v5 =	vmov s24;
	v7 =	vxor.u32 $0x7FFFFFFF, v12;
	v6 =	vsel vm0, v6, v10  }
0x4b2: {  	v7 =	vsel vm1, v7, v12;
	vm0 =	vlt.s32 v13, $0x0;
	v14 =	vshra.s32 v17, $0x15  }
0x4b3: {  	v12 =	vxor.u32 $0x7FFFFFFF, v13;
	v20 =	vshra.s32 v7, $0x15;
	vm6 =	veq.s32 v14, v5  }
0x4b4: {  	vm15 =	vlt.s32 v14, v5;
	v14 =	vshra.s32 v6, $0x15;
	v12 =	vsel vm0, v12, v13  }
0x4b5: {  	vm1 =	vlt.s32 v11, $0x0;
	v10 =	vxor.u32 $0x7FFFFFFF, v11;
	vm5 =	vlt.s32 v20, v5  }
0x4b6: {  	v10 =	vsel vm1, v10, v11;
	v11 =	vxor.u32 $0x7FFFFFFF, v18;
	vm1 =	vlt.s32 v18, $0x0  }
0x4b7: {  	v22 =	vmpcnt.ones.xlane vm6;
	vm0 =	veq.s32 v20, v5;
	v11 =	vsel vm1, v11, v18  }
0x4b8: {  	v20 =	vsel vm0, $0x1, v0;
	v13 =	vshra.s32 v10, $0x15;
	vm1 =	vgt.s32 v15, v11  }
0x4b9: {  	vm2 =	veq.s32 v13, v5;
	v18 =	vshra.s32 v11, $0x15;
	v24 =	vsel vm1, v15, v11  }
0x4ba: {  	vm7 =	vlt.s32 v18, v5;
	vm1 =	veq.s32 v18, v5;
	v55 =	vsel vm2, $0x1, v0  }
0x4bb: {  	v18 =	vsel vm7, v24, v15;
	v21 =	vmpcnt.ones.xlane vm1;
	v24 =	vshra.s32 v25, $0x15  }
0x4bc: {  	v15 =	vsel vm3, v23, v19;
	v58 =	vsel vm1, $0x1, v0;
	vm7 =	veq.s32 v24, v5  }
0x4bd: {  	vm4 =	vgt.s32 v18, v17;
	v23 =	vshra.s32 v15, $0x15;
	v26 =	vsel vm7, $0x1, v0  }
0x4be: {  	vm8 =	vlt.s32 v24, v5;
	v19 =	vsel vm4, v18, v17;
	v21 =	vadd.s32 v16, v21;
	(xrf0) =	vadd.scan.msk.s32 $0xffff, v26  }
0x4bf: {  	v27 =	vmpcnt.ones.xlane vm7;
	vm4 =	veq.s32 v23, v5;
	v18 =	vsel vm15, v19, v18  }
0x4c0: {  	vm12 =	vlt.s32 v23, v5;
	v22 =	vadd.s32 v21, v22;
	(xrf0) =	vadd.scan.msk.s32 $0xffff, v20;
	vm13 =	vgt.s32 v18, v15  }
0x4c1: {  	v26 =	vshra.s32 v12, $0x15;
	v56 =	vsel vm4, $0x1, v0;
	(xrf0) =	vadd.scan.msk.s32 $0xffff, v55;
	v24 =	vsel vm13, v18, v15  }
0x4c2: {  	v54 =	vmpcnt.ones.xlane vm4;
	vm3 =	veq.s32 v26, v5;
	v20 =	vsel vm6, $0x1, v0;
	(xrf0) =	vadd.scan.msk.s32 $0xffff, v56  }
0x4c3: {  	v19 =	vmpcnt.ones.xlane vm0;
	v57 =	vsel vm3, $0x1, v0;
	v18 =	vsel vm12, v24, v18;
	(xrf0) =	vadd.scan.msk.s32 $0xffff, v20  }
0x4c4: {  	vm9 =	vlt.s32 v26, v5;
	v20 =	vadd.s32 v22, v54;
	vm14 =	vgt.s32 v18, v7;
	v24, _, _ =	vpop (xrf0);
	(xrf0) =	vadd.scan.msk.s32 $0xffff, v57  }
0x4c5: {  	v23 =	vmpcnt.ones.xlane vm3;
	v19 =	vadd.s32 v20, v19;
	v59 =	vsel vm14, v18, v7  }
0x4c6: {  	v27 =	vadd.s32 v19, v27;
	v28 =	vsel vm5, v59, v18;
	v24 =	vadd.s32 v24, v19;
	v26, _, _ =	vpop (xrf0);
	(xrf0) =	vadd.scan.msk.s32 $0xffff, v58  }
0x4c7: {  	vm5 =	veq.s32 v14, v5;
	vm12 =	vgt.s32 v28, v25;
	v24 =	vadd.s32 $0xFFFFFFFF, v24;
	v60, _, _ =	vpop (xrf0)  }
0x4c8: {  	v23 =	vadd.s32 v27, v23;
	v62 =	vsel vm12, v28, v25;
	vm15 =	vlt.s32 v24, $0x7FF;
	v18, _, _ =	vpop (xrf0)  }
0x4c9: {  	v61 =	vnsel vm15, $0x7FF, v24;
	v19, _, _ =	vpop (xrf0);
	v18 =	vadd.s32 v18, v22;
	v22 =	vsel vm5, $0x1, v0  }
0x4ca: {  	v24 =	vmpcnt.ones.xlane vm5;
	v19 =	vadd.s32 v19, v21;
	v18 =	vadd.s32 $0xFFFFFFFF, v18;
	v21, _, _ =	vpop (xrf0);
	(xrf0) =	vadd.scan.msk.s32 $0xffff, v22  }
0x4cb: {  	v22 =	vadd.s32 $0xFFFFFFFF, v19;
	v19 =	vadd.s32 v26, v20;
	v20 =	vadd.s32 v21, v27  }
0x4cc: {  	vm14 =	vlt.s32 v18, $0x7FF;
	vm13 =	vlt.s32 v22, $0x7FF;
	v26, _, _ =	vpop (xrf0);
	v21 =	vadd.s32 $0xFFFFFFFF, v20  }
0x4cd: {  	v22 =	vnsel vm13, $0x7FF, v22;
	v26 =	vadd.s32 v26, v16;
	v16 =	vadd.s32 v23, v24  }
0x4ce: {  	v20 =	vnsel vm14, $0x7FF, v18;
	vm15 =	vlt.s32 v21, $0x7FF;
	v24 =	vadd.s32 v60, v16  }
0x4cf: {  	v18 =	vnsel vm15, $0x7FF, v21;
	v21 =	vadd.s32 $0xFFFFFFFF, v26;
	v26 =	vsel vm8, v62, v28  }
0x4d0: {  	v27 =	vadd.s32 $0xFFFFFFFF, v24;
	v24 =	vmpcnt.ones.xlane vm2;
	vm8 =	vgt.s32 v26, v12;
	v63, _, _ =	vpop (xrf0)  }
0x4d1: {  	[tilespmem:v61+s18+$0x0] =	vst.idx.msk vm7, v25;
	vm7 =	vlt.s32 v27, $0x7FF;
	v25 =	vsel vm8, v26, v12;
	v28 =	vadd.s32 v63, v23  }
0x4d2: {  	s26 =	simm.s32 $0xC0;
	s25 =	simm.s32 $0x0;
	[tilespmem:v22+s18+$0x0] =	vst.idx.msk vm6, v17;
	v23 =	vsel vm9, v25, v26;
	v17 =	vnsel vm7, $0x7FF, v27;
	v22 =	vadd.s32 $0xFFFFFFFF, v28  }
.LBB2_68:
0x4d3: {  	v25 =	vld [tilespmem:s26+$0xFFFFFFD0];
	s25 =	sadd.s32 $0x8, s25;
	v19 =	vadd.s32 $0xFFFFFFFF, v19;
	vm6 =	vgt.s32 v23, v6;
	v16 =	vadd.s32 v16, v24  }
0x4d4: {  	vm7 =	vlt.s32 v21, $0x7FF;
	vm8 =	vlt.s32 v14, v5;
	v24 =	vld [tilespmem:s26+$0x20];
	p0 =	slt.u32 s25, $0x1F8;
	v14 =	vsel vm6, v23, v6  }
0x4d5: {  	v21 =	vnsel vm7, $0x7FF, v21;
	vm6 =	vlt.s32 v19, $0x7FF;
	v26 =	vld [tilespmem:s26+$0xFFFFFFF0];
	v14 =	vsel vm8, v14, v23  }
0x4d6: {  	v23 =	vld [tilespmem:s26+$0x10];
	[tilespmem:v20+s18+$0x0] =	vst.idx.msk vm4, v15;
	v15 =	vnsel vm6, $0x7FF, v19;
	vm4 =	vlt.s32 v22, $0x7FF;
	vm6 =	vgt.s32 v14, v10  }
0x4d7: {  	v19 =	vld [tilespmem:s26+$0x30];
	v20 =	vnsel vm4, $0x7FF, v22;
	vm4 =	vlt.s32 v13, v5;
	[tilespmem:v17+s18+$0x0] =	vst.idx.msk vm2, v10;
	v10 =	vsel vm6, v14, v10  }
0x4d8: {  	vm2 =	vlt.s32 v25, $0x0;
	v13 =	vxor.u32 $0x7FFFFFFF, v25;
	v22 =	vld [tilespmem:s26+$0xFFFFFFE0];
	[tilespmem:v18+s18+$0x0] =	vst.idx.msk vm3, v12;
	v18 =	vsel vm4, v10, v14  }
0x4d9: {  	v27 =	vld [tilespmem:s26+$0xFFFFFFC0];
	v17 =	vsel vm2, v13, v25;
	vm2 =	vlt.s32 v24, $0x0;
	v10 =	vxor.u32 $0x7FFFFFFF, v24  }
0x4da: {  	vm3 =	vlt.s32 v26, $0x0;
	v12 =	vxor.u32 $0x7FFFFFFF, v26;
	v10 =	vsel vm2, v10, v24;
	[tilespmem:v21+s18+$0x0] =	vst.idx.msk vm1, v11  }
0x4db: {  	vm1 =	vlt.s32 v23, $0x0;
	v11 =	vxor.u32 $0x7FFFFFFF, v23;
	[tilespmem:v15+s18+$0x0] =	vst.idx.msk vm0, v7;
	v7 =	vsel vm3, v12, v26  }
0x4dc: {  	v15 =	vshra.s32 v7, $0x15;
	vm0 =	vlt.s32 v19, $0x0;
	v12 =	vxor.u32 $0x7FFFFFFF, v19;
	[tilespmem:v20+s18+$0x0] =	vst.idx.msk vm5, v6;
	v6 =	vmovc v10  }
0x4dd: {  	v13 =	vshra.s32 v17, $0x15;
	vm5 =	vlt.s32 v15, v5;
	v10 =	vsel vm0, v12, v19  }
0x4de: {  	vm6 =	veq.s32 v13, v5;
	vm8 =	vlt.s32 v13, v5;
	v14 =	vshra.s32 v6, $0x15;
	v19 =	vld [tilespmem:s26+$0x0]  }
0x4df: {  	v21 =	vmpcnt.ones.xlane vm6;
	v24 =	vxor.u32 $0x7FFFFFFF, v22;
	v20 =	vxor.u32 $0x7FFFFFFF, v27  }
0x4e0: {  	v12 =	vsel vm1, v11, v23;
	vm0 =	vlt.s32 v27, $0x0;
	v13 =	vshra.s32 v10, $0x15  }
0x4e1: {  	v11 =	vsel vm0, v20, v27;
	vm0 =	veq.s32 v15, v5;
	vm2 =	veq.s32 v13, v5  }
0x4e2: {  	v15 =	vshra.s32 v11, $0x15;
	vm1 =	vgt.s32 v18, v11;
	v20 =	vsel vm0, $0x1, v0  }
0x4e3: {  	vm3 =	vlt.s32 v22, $0x0;
	v23 =	vsel vm1, v18, v11;
	vm4 =	vlt.s32 v19, $0x0  }
0x4e4: {  	vm1 =	veq.s32 v15, v5;
	vm7 =	vlt.s32 v15, v5;
	v15 =	vxor.u32 $0x7FFFFFFF, v19  }
0x4e5: {  	v18 =	vsel vm7, v23, v18;
	v23 =	vmpcnt.ones.xlane vm1;
	v25 =	vsel vm4, v15, v19  }
0x4e6: {  	vm4 =	vgt.s32 v18, v17;
	v15 =	vsel vm3, v24, v22;
	v19 =	vshra.s32 v25, $0x15  }
0x4e7: {  	v22 =	vsel vm4, v18, v17;
	v24 =	vshra.s32 v15, $0x15;
	vm7 =	veq.s32 v19, v5  }
0x4e8: {  	v23 =	vadd.s32 v16, v23;
	v26 =	vsel vm7, $0x1, v0;
	v27 =	vmpcnt.ones.xlane vm7  }
0x4e9: {  	v28 =	vshra.s32 v12, $0x15;
	v21 =	vadd.s32 v23, v21;
	vm4 =	veq.s32 v24, v5;
	(xrf0) =	vadd.scan.msk.s32 $0xffff, v26  }
0x4ea: {  	v29 =	vsel vm2, $0x1, v0;
	vm3 =	veq.s32 v28, v5;
	v26 =	vmpcnt.ones.xlane vm4  }
0x4eb: {  	v30 =	vsel vm6, $0x1, v0;
	vm9 =	vlt.s32 v24, v5;
	v24 =	vmpcnt.ones.xlane vm3;
	(xrf0) =	vadd.scan.msk.s32 $0xffff, v20  }
0x4ec: {  	v18 =	vsel vm8, v22, v18;
	vm8 =	vlt.s32 v19, v5;
	v20 =	vsel vm4, $0x1, v0;
	(xrf0) =	vadd.scan.msk.s32 $0xffff, v29  }
0x4ed: {  	v22 =	vmpcnt.ones.xlane vm0;
	vm10 =	vgt.s32 v18, v15;
	v19 =	vadd.s32 v21, v26;
	(xrf0) =	vadd.scan.msk.s32 $0xffff, v20  }
0x4ee: {  	v31 =	vsel vm10, v18, v15;
	v29 =	vsel vm3, $0x1, v0;
	v20 =	vsel vm1, $0x1, v0;
	(xrf0) =	vadd.scan.msk.s32 $0xffff, v30  }
0x4ef: {  	v18 =	vsel vm9, v31, v18;
	vm9 =	vlt.s32 v28, v5;
	v22 =	vadd.s32 v19, v22;
	v26, _, _ =	vpop (xrf0);
	(xrf0) =	vadd.scan.msk.s32 $0xffff, v29  }
0x4f0: {  	vm10 =	vgt.s32 v18, v7;
	v26 =	vadd.s32 v26, v22;
	(xrf0) =	vadd.scan.msk.s32 $0xffff, v20  }
0x4f1: {  	v30 =	vsel vm10, v18, v7;
	v22 =	vadd.s32 v22, v27;
	v26 =	vadd.s32 $0xFFFFFFFF, v26;
	v27, _, _ =	vpop (xrf0)  }
0x4f2: {  	v28 =	vsel vm5, v30, v18;
	vm5 =	veq.s32 v14, v5;
	vm10 =	vlt.s32 v26, $0x7FF;
	v29, _, _ =	vpop (xrf0)  }
0x4f3: {  	v18 =	vnsel vm10, $0x7FF, v26;
	vm10 =	vgt.s32 v28, v25;
	v26 =	vmpcnt.ones.xlane vm5;
	v20, _, _ =	vpop (xrf0)  }
0x4f4: {  	v20 =	vadd.s32 v20, v21;
	v30 =	vsel vm10, v28, v25;
	v21 =	vsel vm5, $0x1, v0;
	v31, _, _ =	vpop (xrf0)  }
0x4f5: {  	v19 =	vadd.s32 v27, v19;
	v23 =	vadd.s32 v31, v23;
	v20 =	vadd.s32 $0xFFFFFFFF, v20;
	v27, _, _ =	vpop (xrf0);
	(xrf0) =	vadd.scan.msk.s32 $0xffff, v21  }
0x4f6: {  	v21 =	vadd.s32 $0xFFFFFFFF, v23;
	v23 =	vadd.s32 v27, v22;
	v22 =	vadd.s32 v22, v24;
	v24, _, _ =	vpop (xrf0)  }
0x4f7: {  	v24 =	vadd.s32 v24, v16;
	vm10 =	vlt.s32 v21, $0x7FF;
	v16 =	vadd.s32 $0xFFFFFFFF, v23  }
0x4f8: {  	v23 =	vnsel vm10, $0x7FF, v21;
	vm10 =	vlt.s32 v20, $0x7FF;
	[tilespmem:v18+s18+$0x0] =	vst.idx.msk vm7, v25;
	vm7 =	vlt.s32 v16, $0x7FF  }
.Ltmp47:
0x4f9: {  	v20 =	vnsel vm10, $0x7FF, v20;
	v18 =	vnsel vm7, $0x7FF, v16;
	v16 =	vadd.s32 v22, v26;
	(pc) =	sbr.rel @p0 .LBB2_68-.Ltmp47, $4  }
0x4fa: {  	v21 =	vadd.s32 $0xFFFFFFFF, v24;
	v25 =	vsel vm8, v30, v28;
	v24 =	vadd.s32 v29, v16  }
0x4fb: {  	vm7 =	vgt.s32 v25, v12;
	v26 =	vadd.s32 $0xFFFFFFFF, v24;
	v24 =	vmpcnt.ones.xlane vm2;
	v27, _, _ =	vpop (xrf0)  }
0x4fc: {  	v28 =	vsel vm7, v25, v12;
	v22 =	vadd.s32 v27, v22;
	vm7 =	vlt.s32 v26, $0x7FF  }
0x4fd: {  	s26 =	sadd.s32 $0x80, s26;
	[tilespmem:v23+s18+$0x0] =	vst.idx.msk vm6, v17;
	v23 =	vsel vm9, v28, v25;
	v22 =	vadd.s32 $0xFFFFFFFF, v22;
	v17 =	vnsel vm7, $0x7FF, v26  }
0x4fe: {  	v9 =	vxor.u32 $0x80000000, v9  }
0x4ff: {  	v8 =	vxor.u32 $0x80000000, v8;
	(xrf0) =	vmax.scan.msk.u32 $0xffff, v9  }
0x500: {  	(xrf0) =	vmin.scan.msk.u32 $0xffff, v8  }
0x501: {  	vm6 =	vgt.s32 v23, v6  }
0x502: {  	vm7 =	vlt.s32 v14, v5;
	v56 =	vsel vm6, v23, v6  }
0x503: {  	v14 =	vsel vm7, v56, v23  }
0x504: {  	vm11 =	vgt.s32 v14, v10  }
0x505: {  	vm12 =	vlt.s32 v13, v5;
	v57 =	vsel vm11, v14, v10;
	v58, _, _ =	vpop (xrf0)  }
0x506: {  	v8 =	vsel vm12, v57, v14;
	v59, _, _ =	vpop (xrf0);
	(v2sf) =	vpush v58, $0xF  }
0x507: {  	v8 =	vxor.u32 $0x80000000, v8;
	(v2sf) =	vpush v59, $0xF  }
0x508: {  	(xrf0) =	vmax.scan.msk.u32 $0xffff, v8;
	_ =	sdelay $0x5  }
0x509: {  	v60, _, _ =	vpop (xrf0)  }
0x50a: {  	(v2sf) =	vpush v60, $0xF;
	_ =	sdelay $0x5  }
0x50b: {  	s0 =	spop (v2sf)  }
0x50c: {  	vm13 =	vlt.s32 v21, $0x7FF;
	s2 =	spop (v2sf)  }
0x50d: {  	v61 =	vadd.s32 $0xFFFFFFFF, v19;
	vm15 =	vlt.s32 v22, $0x7FF;
	v62 =	vnsel vm13, $0x7FF, v21;
	s25 =	sxor.u32 $0x80000000, s0;
	s31 =	sxor.u32 $0x80000000, s2  }
0x50e: {  	vm14 =	vlt.s32 v61, $0x7FF;
	v63 =	vnsel vm15, $0x7FF, v22;
	s0 =	ssub.s32 s31, s25  }
0x50f: {  	[tilespmem:v20+s18+$0x0] =	vst.idx.msk vm4, v15;
	v8 =	vnsel vm14, $0x7FF, v61;
	p0 =	sgt.s32 s0, $0x800  }
.Ltmp48:
0x510: {  	[tilespmem:v17+s18+$0x0] =	vst.idx.msk vm2, v10;
	(pc) =	sbr.rel @p0 .LBB2_83-.Ltmp48, $4  }
0x511: {  	[tilespmem:v18+s18+$0x0] =	vst.idx.msk vm3, v12  }
0x512: {  	[tilespmem:v62+s18+$0x0] =	vst.idx.msk vm1, v11  }
0x513: {  	s30 =	sshll.u32 s24, $0x15;
	[tilespmem:v63+s18+$0x0] =	vst.idx.msk vm5, v6  }
0x514: {  	s29 =	simm.s32 $0x0;
	[tilespmem:v8+s18+$0x0] =	vst.idx.msk vm0, v7;
	s28 =	ssub.s32 $0x19A, s25;
	s26 =	spop (v2sf)  }
0x515: {  	p0 =	slt.s32 s0, $0x800  }
0x516: {  	p1 =	slt.s32 s0, $0xFFFFFFF2;
	s0 =	simm.s32 @!p0 $0x800  }
0x517: {  	s2 =	sadd.s32 $0xF, s0  }
0x518: {  	s3 =	sand.u32 $0xF, s2  }
.Ltmp49:
0x519: {  	s24 =	sshra.s32 s2, $0x1F;
	p6 =	sne.s32 s3, $0x0;
	(pc) =	sbr.rel .LBB2_71-.Ltmp49, $4  }
0x51a: {  	s3 =	sshrl.u32 s24, $0x1C;
	p0 =	por !p1, !p6  }
0x51b: {  	s2 =	sadd.s32 s3, s2;
	s3 =	simm.s32 $0x1;
	p0 =	por !p0, !p0  }
0x51c: {  	s2 =	sshra.s32 s2, $0x4;
	s3 =	simm.s32 @!p0 $0x0  }
0x51d: {  	v5 =	vmov s0;
	s0 =	simm.s32 $0x0;
	s31 =	ssub.s32 s2, s3  }
.LBB2_83:
0x51e: {  	s0 =	simm.s32 $0x0  }
0x51f: {  	v6 =	vld [tilespmem:s0+$0x0];
	_ =	sdelay $0x4  }
0x520: {  	vm0 =	vlt.s32 v6, $0x0;
	v7 =	vxor.u32 $0x7FFFFFFF, v6  }
0x521: {  	v7 =	vsel vm0, v7, v6  }
0x522: {  	s31 =	sshrl.u32 s19, s29;
	s2 =	simm.s32 $0x10;
	v8 =	vshra.s32 v7, $0x15  }
0x523: {  	s24 =	sor.u32 s31, s30;
	vm15 =	veq.s32 v8, v5;
	v8 =	vld [tilespmem:s2+$0x0]  }
0x524: {  	v6 =	vmov s24  }
0x525: {  	vm1 =	vge.s32 v7, v6  }
0x526: {  	vm0 =	vmand vm1, vm15  }
0x527: {  	s0 =	simm.s32 $0x80;
	v7 =	vimm.s32 $0x0;
	v9 =	vsel vm0, $0x1, v0  }
.LBB2_84:
0x528: {  	s2 =	sshra.s32 s0, $0x2;
	p0 =	sne.s32 s0, $0x7FC0;
	s0 =	sadd.s32 $0x40, s0;
	vm0 =	vlt.s32 v8, $0x0;
	v10 =	vxor.u32 $0x7FFFFFFF, v8;
	v7 =	vadd.s32 v9, v7  }
.Ltmp50:
0x529: {  	v9 =	vsel vm0, v10, v8;
	v8 =	vld [tilespmem:s2+$0x0];
	(pc) =	sbr.rel @p0 .LBB2_84-.Ltmp50, $4  }
0x52a: {  	v10 =	vshra.s32 v9, $0x15  }
0x52b: {  	vm1 =	vge.s32 v9, v6;
	vm0 =	veq.s32 v10, v5  }
0x52c: {  	vm0 =	vmand vm1, vm0  }
0x52d: {  	v9 =	vsel vm0, $0x1, v0  }
0x52e: {  	vm0 =	vlt.s32 v8, $0x0;
	v10 =	vxor.u32 $0x7FFFFFFF, v8  }
0x52f: {  	v8 =	vsel vm0, v10, v8  }
0x530: {  	v10 =	vshra.s32 v8, $0x15  }
0x531: {  	vm1 =	vge.s32 v8, v6;
	vm15 =	veq.s32 v10, v5  }
0x532: {  	vm0 =	vmand vm1, vm15  }
0x533: {  	v6 =	vadd.s32 v9, v7;
	v7 =	vsel vm0, $0x1, v0  }
0x534: {  	v6 =	vadd.s32 v7, v6  }
0x535: {  	(xrf0) =	vadd.scan.msk.s32 $0xffff, v6;
	_ =	sdelay $0x5  }
0x536: {  	v6, _, _ =	vpop (xrf0)  }
0x537: {  	(v2sf) =	vpush v6, $0xF;
	_ =	sdelay $0xe  }
0x538: {  	s0 =	spop (v2sf)  }
0x539: {  	s29 =	sadd.s32 $0x1, s29;
	p0 =	slt.s32 s0, s28  }
0x53a: {  	s24 =	smov.u32 @p0 s30;
	p0 =	sne.s32 s29, $0x15  }
.Ltmp51:
0x53b: {  	_ = 	snop;
	(pc) =	sbr.rel @p0 .LBB2_83-.Ltmp51, $2  }
0x53c: {  	_ =	sdelay $0x2  }
0x53d: {  	s30 =	smov.u32 s24  }
0x53e: {  	s28 =	simm.s32 $0x0  }
0x53f: {  	v6 =	vld [tilespmem:s28+$0x0];
	_ =	sdelay $0x4  }
0x540: {  	vm0 =	vlt.s32 v6, $0x0;
	v7 =	vxor.u32 $0x7FFFFFFF, v6  }
0x541: {  	v7 =	vsel vm0, v7, v6  }
0x542: {  	s0 =	simm.s32 $0x10;
	v8 =	vshra.s32 v7, $0x15  }
0x543: {  	vm15 =	veq.s32 v8, v5;
	v8 =	vld [tilespmem:s0+$0x0]  }
0x544: {  	v6 =	vmov s24  }
0x545: {  	vm1 =	vge.s32 v7, v6  }
0x546: {  	vm0 =	vmand vm1, vm15  }
0x547: {  	s2 =	simm.s32 $0x80;
	v7 =	vimm.s32 $0x0;
	v9 =	vsel vm0, $0x1, v0  }
.LBB2_87:
0x548: {  	s3 =	sshra.s32 s2, $0x2;
	p0 =	sne.s32 s2, $0x7FC0;
	s2 =	sadd.s32 $0x40, s2;
	vm0 =	vlt.s32 v8, $0x0;
	v10 =	vxor.u32 $0x7FFFFFFF, v8;
	v7 =	vadd.s32 v9, v7  }
.Ltmp52:
0x549: {  	v9 =	vsel vm0, v10, v8;
	v8 =	vld [tilespmem:s3+$0x0];
	(pc) =	sbr.rel @p0 .LBB2_87-.Ltmp52, $4  }
0x54a: {  	v10 =	vshra.s32 v9, $0x15  }
0x54b: {  	vm1 =	vge.s32 v9, v6;
	vm0 =	veq.s32 v10, v5  }
0x54c: {  	vm0 =	vmand vm1, vm0  }
0x54d: {  	v9 =	vsel vm0, $0x1, v0  }
0x54e: {  	v10 =	vld [tilespmem:s28+$0x0];
	_ =	sdelay $0x3  }
0x54f: {  	vm0 =	vlt.s32 v8, $0x0;
	v11 =	vxor.u32 $0x7FFFFFFF, v8  }
0x550: {  	v8 =	vsel vm0, v11, v8;
	vm12 =	vlt.s32 v10, $0x0;
	v11 =	vxor.u32 $0x7FFFFFFF, v10  }
0x551: {  	v10 =	vsel vm12, v11, v10;
	v11 =	vshra.s32 v8, $0x15  }
0x552: {  	vm1 =	vge.s32 v8, v6;
	vm13 =	veq.s32 v11, v5  }
0x553: {  	v8 =	vshra.s32 v10, $0x15;
	vm0 =	vmand vm1, vm13  }
0x554: {  	v7 =	vadd.s32 v9, v7;
	vm14 =	veq.s32 v8, v5;
	v8 =	vsel vm0, $0x1, v0  }
0x555: {  	v9 =	vadd.s32 v8, v7;
	v8 =	vld [tilespmem:s0+$0x0];
	_ =	sdelay $0x1  }
0x556: {  	vm2 =	vlt.s32 v10, v6  }
0x557: {  	vm15 =	vmand vm2, vm14  }
0x558: {  	s2 =	simm.s32 $0x80;
	v7 =	vimm.s32 $0x80000000;
	v10 =	vnsel vm15, $0x80000000, v10  }
.LBB2_89:
0x559: {  	s0 =	sshra.s32 s2, $0x2;
	p0 =	sne.s32 s2, $0x7FC0;
	s2 =	sadd.s32 $0x40, s2;
	vm0 =	vlt.s32 v8, $0x0;
	v11 =	vxor.u32 $0x7FFFFFFF, v8;
	vm1 =	vgt.s32 v7, v10  }
.Ltmp53:
0x55a: {  	v11 =	vsel vm0, v11, v8;
	v8 =	vld [tilespmem:s0+$0x0];
	v7 =	vsel vm1, v7, v10;
	(pc) =	sbr.rel @p0 .LBB2_89-.Ltmp53, $4  }
0x55b: {  	v10 =	vshra.s32 v11, $0x15  }
0x55c: {  	vm1 =	vlt.s32 v11, v6;
	vm0 =	veq.s32 v10, v5  }
0x55d: {  	vm0 =	vmand vm1, vm0  }
0x55e: {  	v10 =	vnsel vm0, $0x80000000, v11  }
0x55f: {  	(xrf0) =	vadd.scan.msk.s32 $0xffff, v9;
	_ =	sdelay $0x5  }
0x560: {  	v9, _, _ =	vpop (xrf0)  }
0x561: {  	(v2sf) =	vpush v9, $0xF;
	_ =	sdelay $0x6  }
0x562: {  	vm0 =	vlt.s32 v8, $0x0;
	v63 =	vxor.u32 $0x7FFFFFFF, v8  }
0x563: {  	v8 =	vsel vm0, v63, v8  }
0x564: {  	v9 =	vshra.s32 v8, $0x15  }
0x565: {  	vm1 =	vlt.s32 v8, v6;
	vm14 =	veq.s32 v9, v5  }
.Ltmp54:
0x566: {  	vm15 =	vgt.s32 v7, v10;
	vm0 =	vmand vm1, vm14;
	(pc) =	sbr.rel .LBB2_91-.Ltmp54, $4  }
0x567: {  	v5 =	vsel vm15, v7, v10;
	v7 =	vnsel vm0, $0x80000000, v8  }
0x568: {  	vm0 =	vgt.s32 v5, v7  }
0x569: {  	v5 =	vsel vm0, v5, v7  }
0x56a: {  	v7 =	vxor.u32 $0x80000000, v5;
	s0 =	spop (v2sf)  }
.LBB2_74:
0x56b: {  	vm0 =	vmand vm0, vm1  }
0x56c: {  	v7 =	vsel vm0, $0x1, v0  }
0x56d: {  	v6 =	vadd.s32 v7, v6  }
.LBB2_75:
0x56e: {  	(xrf0) =	vadd.scan.msk.s32 $0xffff, v6;
	_ =	sdelay $0x5  }
0x56f: {  	v6, _, _ =	vpop (xrf0)  }
0x570: {  	(v2sf) =	vpush v6, $0xF;
	_ =	sdelay $0xe  }
0x571: {  	s2 =	spop (v2sf)  }
0x572: {  	s0 =	sadd.s32 $0x1, s0;
	p1 =	slt.s32 s2, s28  }
0x573: {  	s24 =	smov.u32 @p1 s30;
	p1 =	sne.s32 s0, $0x15  }
.Ltmp55:
0x574: {  	_ = 	snop;
	(pc) =	sbr.rel @!p1 .LBB2_76-.Ltmp55, $2  }
0x575: {  	_ =	sdelay $0x2  }
0x576: {  	s30 =	smov.u32 s24  }
.LBB2_71:
0x577: {  	p0 =	slt.s32 s31, $0x1  }
.Ltmp56:
0x578: {  	_ = 	snop;
	(pc) =	sbr.rel @p0 .LBB2_75-.Ltmp56, $3  }
0x579: {  	_ =	sdelay $0x1  }
0x57a: {  	s2 =	sshrl.u32 s19, s0  }
0x57b: {  	v6 =	vimm.s32 $0x0;
	s24 =	sor.u32 s2, s30  }
0x57c: {  	s2 =	simm.s32 $0x6000  }
0x57d: {  	p1 =	sne.s32 s31, $0x1;
	v8 =	vld [tilespmem:s2+$0x0]  }
.Ltmp57:
0x57e: {  	_ = 	snop;
	(pc) =	sbr.rel @!p1 .LBB2_74-.Ltmp57, $3  }
0x57f: {  	_ =	sdelay $0x1  }
0x580: {  	v7 =	vmov s24;
	v9 =	vor.u32 s29, v1  }
0x581: {  	s12 =	simm.s32 $0x6010;
	s3 =	simm.s32 $0x0;
	s2 =	sadd.s32 $0xFFFFFFFF, s31;
	vm0 =	vlt.s32 v9, v5;
	vm1 =	vge.s32 v8, v7  }
.LBB2_73:
0x582: {  	v8 =	vld [tilespmem:s12+$0x0];
	p1 =	sne.s32 s2, $0x1;
	s2 =	sadd.s32 $0xFFFFFFFF, s2;
	vm0 =	vmand vm0, vm1  }
.Ltmp58:
0x583: {  	v9 =	vsel vm0, $0x1, v0;
	(pc) =	sbr.rel @p1 .LBB2_73-.Ltmp58, $4  }
0x584: {  	v6 =	vadd.s32 v9, v6  }
0x585: {  	s3 =	sadd.s32 $0x10, s3  }
0x586: {  	v9 =	vor.u32 s3, v1  }
0x587: {  	s12 =	sadd.s32 $0x10, s12;
	vm0 =	vlt.s32 v9, v5;
	vm1 =	vge.s32 v8, v7  }
.Ltmp59:
0x588: {  	_ = 	snop;
	(pc) =	sbr.rel .LBB2_74-.Ltmp59, $1  }
0x589: {  	_ =	sdelay $0x3  }
.LBB2_76:
.Ltmp60:
0x58a: {  	(pc) =	sbr.rel @p0 .LBB2_77-.Ltmp60, $2  }
0x58b: {  	_ =	sdelay $0x2  }
0x58c: {  	v6 =	vmov s24;
	v7 =	vimm.s32 $0x0  }
0x58d: {  	s0 =	simm.s32 $0x6000  }
0x58e: {  	p0 =	sne.s32 s31, $0x1;
	v8 =	vld [tilespmem:s0+$0x0]  }
.Ltmp61:
0x58f: {  	_ = 	snop;
	(pc) =	sbr.rel @!p0 .LBB2_80-.Ltmp61, $4  }
0x590: {  	s28 =	simm.s32 $0x0  }
0x591: {  	v9 =	vor.u32 s28, v1  }
0x592: {  	vm0 =	vlt.s32 v9, v5  }
0x593: {  	s2 =	sadd.s32 $0xFFFFFFFF, s31;
	s29 =	simm.s32 $0x6010;
	s3 =	simm.s32 $0x0;
	vm2 =	vmmov vm0;
	vm1 =	vge.s32 v8, v6  }
.LBB2_79:
0x594: {  	v8 =	vld [tilespmem:s29+$0x0];
	p1 =	sne.s32 s2, $0x1;
	s2 =	sadd.s32 $0xFFFFFFFF, s2;
	vm1 =	vmand vm2, vm1  }
.Ltmp62:
0x595: {  	v9 =	vsel vm1, $0x1, v0;
	(pc) =	sbr.rel @p1 .LBB2_79-.Ltmp62, $4  }
0x596: {  	v7 =	vadd.s32 v9, v7  }
0x597: {  	s3 =	sadd.s32 $0x10, s3  }
0x598: {  	v9 =	vor.u32 s3, v1  }
0x599: {  	s29 =	sadd.s32 $0x10, s29;
	vm2 =	vlt.s32 v9, v5;
	vm1 =	vge.s32 v8, v6  }
.LBB2_80:
0x59a: {  	vm1 =	vmand vm2, vm1  }
0x59b: {  	v8 =	vsel vm1, $0x1, v0  }
0x59c: {  	v7 =	vadd.s32 v8, v7  }
0x59d: {  	(xrf0) =	vadd.scan.msk.s32 $0xffff, v7;
	_ =	sdelay $0x5  }
0x59e: {  	v7, _, _ =	vpop (xrf0)  }
0x59f: {  	(v2sf) =	vpush v7, $0xF;
	_ =	sdelay $0x9  }
0x5a0: {  	v8 =	vld [tilespmem:s0+$0x0]  }
.Ltmp63:
0x5a1: {  	_ = 	snop;
	(pc) =	sbr.rel @!p0 .LBB2_82-.Ltmp63, $2  }
0x5a2: {  	_ =	sdelay $0x2  }
0x5a3: {  	s2 =	sadd.s32 $0xFFFFFFFF, s31;
	s29 =	simm.s32 $0x6010;
	vm1 =	vlt.s32 v8, v6;
	v7 =	vimm.s32 $0x80000000;
	s0 =	spop (v2sf)  }
.LBB2_81:
0x5a4: {  	v9 =	vld [tilespmem:s29+$0x0];
	p0 =	sne.s32 s2, $0x1;
	s2 =	sadd.s32 $0xFFFFFFFF, s2;
	vm0 =	vmand vm0, vm1  }
.Ltmp64:
0x5a5: {  	v8 =	vnsel vm0, $0x80000000, v8;
	(pc) =	sbr.rel @p0 .LBB2_81-.Ltmp64, $4  }
0x5a6: {  	vm0 =	vgt.s32 v7, v8  }
0x5a7: {  	s28 =	sadd.s32 $0x10, s28;
	v7 =	vsel vm0, v7, v8  }
0x5a8: {  	v10 =	vor.u32 s28, v1  }
0x5a9: {  	s29 =	sadd.s32 $0x10, s29;
	vm0 =	vlt.s32 v10, v5;
	vm1 =	vlt.s32 v9, v6;
	v8 =	vmov v9  }
.LBB2_82:
.Ltmp65:
0x5aa: {  	vm0 =	vmand vm0, vm1;
	(pc) =	sbr.rel .LBB2_91-.Ltmp65, $4  }
0x5ab: {  	v5 =	vnsel vm0, $0x80000000, v8  }
0x5ac: {  	vm0 =	vgt.s32 v7, v5  }
0x5ad: {  	v5 =	vsel vm0, v7, v5  }
0x5ae: {  	v7 =	vxor.u32 $0x80000000, v5  }
.LBB2_77:
0x5af: {  	s0 =	rddreg [dreg:$0x4]  }
.LBB2_91:
0x5b0: {  	(xrf0) =	vmax.scan.msk.u32 $0xffff, v7;
	_ =	sdelay $0x5  }
0x5b1: {  	v5, _, _ =	vpop (xrf0)  }
0x5b2: {  	(v2sf) =	vpush v5, $0xF;
	_ =	sdelay $0xe  }
0x5b3: {  	s2 =	spop (v2sf)  }
0x5b4: {  	s3 =	sxor.u32 $0x80000000, s26;
	s2 =	sxor.u32 $0x80000000, s2  }
0x5b5: {  	s0 =	sadd.s32 s25, s0;
	p0 =	sgt.s32 s3, s2  }
0x5b6: {  	p1 =	sgt.s32 s0, $0x19A;
	s2 =	smov.u32 @p0 s3  }
0x5b7: {  	s2 =	smov.u32 @p1 s24  }
0x5b8: {  	vm0 =	vlt.s32 v6, $0x0;
	v5 =	vmov s2  }
0x5b9: {  	v7 =	vxor.u32 $0x7FFFFFFF, v6;
	s24 =	simm.s32 $0x40;
	vm1 =	vlt.s32 v5, $0x0;
	v5 =	vxor.u32 $0x7FFFFFFF, v5  }
0x5ba: {  	v6 =	vsel vm0, v7, v6;
	v7 =	vld [tilespmem:s24+$0x30];
	v5 =	vnsel vm1, s2, v5  }
0x5bb: {  	v10 =	vld [tilespmem:s24+$0xFFFFFFD0];
	v5 =	vadd.f32 v5, v6  }
0x5bc: {  	v12 =	vld [tilespmem:s24+$0xFFFFFFE0]  }
0x5bd: {  	v9 =	vld [tilespmem:s24+$0xFFFFFFF0];
	v5 =	vmul.f32 $5.000000000e-01, v5  }
0x5be: {  	v8 =	vld [tilespmem:s24+$0x0]  }
0x5bf: {  	v6 =	vld [tilespmem:s24+$0x10];
	vm0 =	vgt.f32 v7, v5  }
0x5c0: {  	vm1 =	vgt.f32 v10, v5;
	v7 =	vld [tilespmem:s24+$0x20];
	v13 =	vsel vm0, $0x3F800000, v4  }
0x5c1: {  	s25 =	simm.s32 $0xC0;
	s0 =	simm.s32 $0x0;
	v10 =	vld [tilespmem:s24+$0xFFFFFFC0];
	v11 =	vsel vm1, $0x3F800000, v4;
	vm0 =	vgt.f32 v12, v5;
	[tilespmem:s24+$0x30] =	vst v13  }
.LBB2_92:
0x5c2: {  	v12 =	vld [tilespmem:s25+$0x30];
	s0 =	sadd.s32 $0x8, s0;
	[tilespmem:s24+$0xFFFFFFD0] =	vst v11;
	v11 =	vsel vm0, $0x3F800000, v4;
	vm0 =	vgt.f32 v9, v5  }
0x5c3: {  	v13 =	vld [tilespmem:s25+$0xFFFFFFD0];
	p0 =	slt.u32 s0, $0x1F8;
	[tilespmem:s24+$0xFFFFFFE0] =	vst v11;
	v9 =	vsel vm0, $0x3F800000, v4;
	vm0 =	vgt.f32 v8, v5  }
0x5c4: {  	v14 =	vld [tilespmem:s25+$0xFFFFFFE0];
	[tilespmem:s24+$0xFFFFFFF0] =	vst v9;
	v8 =	vsel vm0, $0x3F800000, v4;
	vm0 =	vgt.f32 v6, v5  }
.Ltmp66:
0x5c5: {  	v9 =	vld [tilespmem:s25+$0xFFFFFFF0];
	[tilespmem:s24+$0x0] =	vst v8;
	v6 =	vsel vm0, $0x3F800000, v4;
	vm0 =	vgt.f32 v7, v5;
	(pc) =	sbr.rel @p0 .LBB2_92-.Ltmp66, $4  }
0x5c6: {  	v8 =	vld [tilespmem:s25+$0x0];
	vm1 =	vgt.f32 v10, v5;
	[tilespmem:s24+$0x10] =	vst v6;
	v7 =	vsel vm0, $0x3F800000, v4  }
0x5c7: {  	v6 =	vld [tilespmem:s25+$0x10];
	vm0 =	vgt.f32 v12, v5;
	v10 =	vsel vm1, $0x3F800000, v4;
	[tilespmem:s24+$0x20] =	vst v7  }
0x5c8: {  	vm1 =	vgt.f32 v13, v5;
	v7 =	vld [tilespmem:s25+$0x20];
	v12 =	vsel vm0, $0x3F800000, v4;
	[tilespmem:s24+$0xFFFFFFC0] =	vst v10;
	s24 =	smov.u32 s25  }
0x5c9: {  	s25 =	sadd.s32 $0x80, s25;
	v10 =	vld [tilespmem:s24+$0xFFFFFFC0];
	v11 =	vsel vm1, $0x3F800000, v4;
	vm0 =	vgt.f32 v14, v5;
	[tilespmem:s24+$0x30] =	vst v12  }
0x5ca: {  	[tilespmem:s24+$0xFFFFFFD0] =	vst v11;
	v11 =	vsel vm0, $0x3F800000, v4;
	vm0 =	vgt.f32 v9, v5  }
0x5cb: {  	[tilespmem:s24+$0xFFFFFFE0] =	vst v11;
	v9 =	vsel vm0, $0x3F800000, v4;
	vm0 =	vgt.f32 v8, v5  }
0x5cc: {  	[tilespmem:s24+$0xFFFFFFF0] =	vst v9;
	v8 =	vsel vm0, $0x3F800000, v4;
	vm0 =	vgt.f32 v6, v5  }
0x5cd: {  	[tilespmem:s24+$0x0] =	vst v8;
	v6 =	vsel vm0, $0x3F800000, v4;
	vm0 =	vgt.f32 v7, v5  }
0x5ce: {  	vm1 =	vgt.f32 v10, v5;
	[tilespmem:s24+$0x10] =	vst v6;
	v5 =	vsel vm0, $0x3F800000, v4  }
0x5cf: {  	v6 =	vsel vm1, $0x3F800000, v4;
	[tilespmem:s24+$0x20] =	vst v5  }
0x5d0: {  	[tilespmem:s24+$0xFFFFFFC0] =	vst v6  }
0x5d1: {  	[hbm4b:s9+s13] =	stream.strided.scatter [tilespmem:s1], [sflag:$0x3], $0x2000, s14, s13, $0x38;
	[tilespmem:$0x6800] =	vst v63  }
0x5d2: {  	_ =	swait.ge [sflag:s20], $0x2000  }
0x5d3: {  	[sflag:s20] =	ssyncset.done $0x0  }
0x5d4: {  	s0 =	simm.s32 $0x2040;
	[sflag:s20] =	ssyncadd.s32 $0xFFFFE000  }
0x5d5: {  	v6 =	vld [tilespmem:s0+$0xFFFFFFC0];
	_ =	sdelay $0x1  }
0x5d6: {  	v7 =	vld [tilespmem:s0+$0x20]  }
0x5d7: {  	v10 =	vld [tilespmem:s0+$0xFFFFFFF0]  }
0x5d8: {  	v12 =	vld [tilespmem:s0+$0xFFFFFFD0]  }
0x5d9: {  	v8 =	vld [tilespmem:s0+$0xFFFFFFE0];
	v11 =	vshra.s32 v6, $0x15  }
0x5da: {  	v5 =	vld [tilespmem:s0+$0x0];
	vm0 =	vlt.s32 v6, $0x0;
	v6 =	vxor.u32 $0x3FF, v11  }
0x5db: {  	v9 =	vld [tilespmem:s0+$0x30];
	v13 =	vshra.s32 v7, $0x15;
	v6 =	vsel vm0, v6, v11  }
0x5dc: {  	vm0 =	vlt.s32 v7, $0x0;
	v7 =	vxor.u32 $0x3FF, v13;
	v11 =	vadd.s32 v2, v6  }
0x5dd: {  	vm3 =	vlt.s32 v10, $0x0;
	v15 =	vshra.s32 v10, $0x15;
	v7 =	vsel vm0, v7, v13  }
0x5de: {  	vm1 =	vlt.s32 v8, $0x0;
	vm2 =	vlt.s32 v12, $0x0;
	v10 =	vadd.s32 v2, v7;
	v7 =	vld [tilespmem:s0+$0x10]  }
0x5df: {  	v16 =	vxor.u32 $0x3FF, v15;
	v6 =	vshra.s32 v5, $0x15;
	v13 =	vshra.s32 v12, $0x15  }
0x5e0: {  	s25 =	simm.s32 $0x0;
	s26 =	simm.s32 $0x20C0;
	vm0 =	vlt.s32 v9, $0x0;
	v12 =	vsel vm3, v16, v15;
	v14 =	vxor.u32 $0x3FF, v13  }
.LBB2_94:
0x5e1: {  	s25 =	sadd.s32 $0x8, s25;
	[tilespmem:v11+s17+$0x0] =	vst.idx.add.s32.msk $0xffff, v3;
	v11 =	vsel vm2, v14, v13;
	v8 =	vshra.s32 v8, $0x15;
	v9 =	vshra.s32 v9, $0x15  }
0x5e2: {  	v13 =	vld [tilespmem:s26+$0x20];
	p0 =	slt.u32 s25, $0x1F8;
	v14 =	vadd.s32 v2, v11;
	v11 =	vxor.u32 $0x3FF, v8;
	v15 =	vxor.u32 $0x3FF, v9  }
0x5e3: {  	v12 =	vadd.s32 v2, v12;
	v16 =	vld [tilespmem:s26+$0xFFFFFFC0];
	v8 =	vsel vm1, v11, v8;
	vm1 =	vlt.s32 v7, $0x0  }
0x5e4: {  	vm2 =	vlt.s32 v5, $0x0;
	v5 =	vshra.s32 v7, $0x15;
	v17 =	vadd.s32 v2, v8;
	[tilespmem:v10+s17+$0x0] =	vst.idx.add.s32.msk $0xffff, v3  }
0x5e5: {  	v7 =	vxor.u32 $0x3FF, v6;
	v9 =	vsel vm0, v15, v9;
	v8 =	vxor.u32 $0x3FF, v5;
	v10 =	vld [tilespmem:s26+$0xFFFFFFF0]  }
0x5e6: {  	v6 =	vsel vm2, v7, v6;
	v11 =	vadd.s32 v2, v9;
	v7 =	vsel vm1, v8, v5;
	v18 =	vld [tilespmem:s26+$0xFFFFFFD0]  }
0x5e7: {  	v19 =	vadd.s32 v2, v7;
	v5 =	vld [tilespmem:s26+$0x0]  }
0x5e8: {  	v8 =	vld [tilespmem:s26+$0xFFFFFFE0]  }
0x5e9: {  	v21 =	vadd.s32 v2, v6;
	v20 =	vshra.s32 v16, $0x15;
	v9 =	vld [tilespmem:s26+$0x30]  }
0x5ea: {  	v22 =	vshra.s32 v13, $0x15;
	vm0 =	vlt.s32 v16, $0x0;
	v6 =	vxor.u32 $0x3FF, v20;
	v7 =	vld [tilespmem:s26+$0x10]  }
0x5eb: {  	v15 =	vimm.s32 $0x0;
	v16 =	vimm.s32 $0x7FFFFFFF;
	v6 =	vsel vm0, v6, v20;
	[tilespmem:v11+s17+$0x0] =	vst.idx.add.s32.msk $0xffff, v3  }
.Ltmp67:
0x5ec: {  	vm0 =	vlt.s32 v13, $0x0;
	v13 =	vxor.u32 $0x3FF, v22;
	v11 =	vadd.s32 v2, v6;
	[tilespmem:v17+s17+$0x0] =	vst.idx.add.s32.msk $0xffff, v3;
	(pc) =	sbr.rel @p0 .LBB2_94-.Ltmp67, $4  }
0x5ed: {  	vm3 =	vlt.s32 v10, $0x0;
	v13 =	vsel vm0, v13, v22;
	v6 =	vshra.s32 v5, $0x15;
	[tilespmem:v14+s17+$0x0] =	vst.idx.add.s32.msk $0xffff, v3  }
0x5ee: {  	v17 =	vshra.s32 v10, $0x15;
	v10 =	vadd.s32 v2, v13;
	vm0 =	vlt.s32 v9, $0x0;
	[tilespmem:v21+s17+$0x0] =	vst.idx.add.s32.msk $0xffff, v3  }
0x5ef: {  	v13 =	vshra.s32 v18, $0x15;
	vm1 =	vlt.s32 v8, $0x0;
	v20 =	vxor.u32 $0x3FF, v17;
	[tilespmem:v12+s17+$0x0] =	vst.idx.add.s32.msk $0xffff, v3  }
0x5f0: {  	s24 =	simm.s32 $0x57C0;
	s26 =	sadd.s32 $0x80, s26;
	vm2 =	vlt.s32 v18, $0x0;
	v14 =	vxor.u32 $0x3FF, v13;
	v12 =	vsel vm3, v20, v17;
	[tilespmem:v19+s17+$0x0] =	vst.idx.add.s32.msk $0xffff, v3  }
0x5f1: {  	v9 =	vshra.s32 v9, $0x15;
	v8 =	vshra.s32 v8, $0x15  }
0x5f2: {  	v13 =	vsel vm2, v14, v13;
	v17 =	vxor.u32 $0x3FF, v9;
	v18 =	vxor.u32 $0x3FF, v8  }
0x5f3: {  	v13 =	vadd.s32 v2, v13;
	v9 =	vsel vm0, v17, v9;
	v8 =	vsel vm1, v18, v8  }
0x5f4: {  	vm0 =	vlt.s32 v5, $0x0;
	v5 =	vxor.u32 $0x3FF, v6;
	v9 =	vadd.s32 v2, v9  }
0x5f5: {  	v14 =	vshra.s32 v7, $0x15;
	v8 =	vadd.s32 v2, v8;
	v5 =	vsel vm0, v5, v6  }
0x5f6: {  	[tilespmem:v11+s17+$0x0] =	vst.idx.add.s32.msk $0xffff, v3;
	vm0 =	vlt.s32 v7, $0x0;
	v6 =	vxor.u32 $0x3FF, v14;
	v7 =	vadd.s32 v2, v12  }
0x5f7: {  	[tilespmem:v10+s17+$0x0] =	vst.idx.add.s32.msk $0xffff, v3;
	v5 =	vadd.s32 v2, v5;
	v6 =	vsel vm0, v6, v14  }
0x5f8: {  	v6 =	vadd.s32 v2, v6;
	[tilespmem:v13+s17+$0x0] =	vst.idx.add.s32.msk $0xffff, v3  }
0x5f9: {  	[tilespmem:v9+s17+$0x0] =	vst.idx.add.s32.msk $0xffff, v3  }
0x5fa: {  	[tilespmem:v8+s17+$0x0] =	vst.idx.add.s32.msk $0xffff, v3  }
0x5fb: {  	[tilespmem:v7+s17+$0x0] =	vst.idx.add.s32.msk $0xffff, v3  }
0x5fc: {  	[tilespmem:v5+s17+$0x0] =	vst.idx.add.s32.msk $0xffff, v3  }
0x5fd: {  	[tilespmem:v6+s17+$0x0] =	vst.idx.add.s32.msk $0xffff, v3  }
0x5fe: {  	v5 =	vld [tilespmem:s24+$0xFFFFF830]  }
0x5ff: {  	v6 =	vld [tilespmem:s24+$0xFFFFF800]  }
0x600: {  	v7 =	vld [tilespmem:s24+$0xFFFFF000]  }
0x601: {  	v8 =	vld [tilespmem:s24+$0x10]  }
0x602: {  	v9 =	vld [tilespmem:s24+$0xFFFFF030]  }
0x603: {  	v10 =	vld [tilespmem:s24+$0x30]  }
0x604: {  	v11 =	vld [tilespmem:s24+$0x830]  }
0x605: {  	v12 =	vld [tilespmem:s24+$0xFFFFF810]  }
0x606: {  	v13 =	vld [tilespmem:s24+$0xFFFFF020];
	[tilespmem:s24+$0xFFFFF830] =	vst v0  }
0x607: {  	v14 =	vld [tilespmem:s24+$0xFFFFF010];
	[tilespmem:s24+$0xFFFFF800] =	vst v0;
	v5 =	vadd.s32 v9, v5  }
0x608: {  	[tilespmem:s24+$0x10] =	vst v0;
	v17 =	vld [tilespmem:s24+$0xFFFFF820];
	v5 =	vadd.s32 v10, v5  }
0x609: {  	[tilespmem:s24+$0x30] =	vst v0;
	v9 =	vld [tilespmem:s24+$0x810];
	v18 =	vadd.s32 v11, v5  }
0x60a: {  	[tilespmem:s24+$0xFFFFF020] =	vst v0;
	v10 =	vld [tilespmem:s24+$0x0];
	(xrf0) =	vadd.scan.msk.s32 $0xffff, v18  }
0x60b: {  	[tilespmem:s24+$0xFFFFF030] =	vst v0;
	v11 =	vld [tilespmem:s24+$0x800]  }
0x60c: {  	v19 =	vld [tilespmem:s24+$0x20];
	[tilespmem:s24+$0xFFFFF010] =	vst v0  }
0x60d: {  	[tilespmem:s24+$0xFFFFF820] =	vst v0;
	v5 =	vadd.s32 v14, v12;
	v12 =	vld [tilespmem:s24+$0x820]  }
0x60e: {  	s25 =	simm.s32 $0x5780;
	[tilespmem:s24+$0x830] =	vst v0;
	v6 =	vadd.s32 v7, v6;
	v5 =	vadd.s32 v8, v5  }
0x60f: {  	[tilespmem:s24+$0x20] =	vst v0;
	v22 =	vld [tilespmem:s25+$0x830];
	v5 =	vadd.s32 v9, v5;
	v6 =	vadd.s32 v10, v6  }
0x610: {  	[tilespmem:s24+$0xFFFFF810] =	vst v0;
	v26 =	vld [tilespmem:s25+$0xFFFFF010];
	v7 =	vadd.s32 v13, v17;
	(xrf0) =	vadd.scan.msk.s32 $0xffff, v5;
	v6 =	vadd.s32 v11, v6;
	v20, _, _ =	vpop (xrf0)  }
0x611: {  	[tilespmem:s24+$0xFFFFF000] =	vst v0;
	v27 =	vld [tilespmem:s25+$0x0];
	v7 =	vadd.s32 v19, v7;
	(xrf0) =	vadd.scan.msk.s32 $0xffff, v6;
	v8 =	vxor.u32 $0x80000000, v20  }
0x612: {  	v28 =	vld [tilespmem:s25+$0x820];
	[tilespmem:s24+$0x810] =	vst v0;
	v17 =	vadd.s32 v12, v7;
	(xrf0) =	vmax.scan.msk.u32 $0xffff, v8  }
0x613: {  	[tilespmem:s24+$0x0] =	vst v0;
	v14 =	vld [tilespmem:s25+$0x30];
	(xrf0) =	vadd.scan.msk.s32 $0xffff, v17  }
0x614: {  	[tilespmem:s24+$0x800] =	vst v0;
	v9 =	vld [tilespmem:s25+$0xFFFFF030]  }
0x615: {  	[tilespmem:s24+$0x820] =	vst v0;
	s24 =	simm.s32 $0x5740;
	v7 =	vld [tilespmem:s25+$0xFFFFF830]  }
0x616: {  	v29 =	vld [tilespmem:s24+$0xFFFFF020];
	v23, _, _ =	vpop (xrf0)  }
0x617: {  	v30 =	vld [tilespmem:s24+$0xFFFFF030];
	v13 =	vxor.u32 $0x80000000, v23;
	v24, _, _ =	vpop (xrf0)  }
0x618: {  	v31 =	vld [tilespmem:s24+$0xFFFFF010];
	(xrf0) =	vmax.scan.msk.u32 $0xffff, v13;
	v19, _, _ =	vpop (xrf0)  }
0x619: {  	v12 =	vld [tilespmem:s25+$0xFFFFF810];
	v13 =	vxor.u32 $0x80000000, v24;
	v21, _, _ =	vpop (xrf0)  }
0x61a: {  	[tilespmem:s25+$0xFFFFF010] =	vst v0;
	v8 =	vld [tilespmem:s25+$0x10];
	v7 =	vadd.s32 v9, v7;
	(xrf0) =	vmax.scan.msk.u32 $0xffff, v13;
	v25 =	vxor.u32 $0x80000000, v21  }
0x61b: {  	[tilespmem:s25+$0x0] =	vst v0;
	v7 =	vadd.s32 v14, v7;
	(xrf0) =	vmax.scan.msk.u32 $0xffff, v25;
	v25 =	vld [tilespmem:s25+$0x810]  }
0x61c: {  	[tilespmem:s25+$0x830] =	vst v0;
	v10 =	vld [tilespmem:s25+$0xFFFFF800];
	(v2sf) =	vpush v19, $0xF  }
0x61d: {  	[tilespmem:s25+$0x820] =	vst v0;
	v11 =	vld [tilespmem:s25+$0xFFFFF000]  }
0x61e: {  	[tilespmem:s25+$0x30] =	vst v0;
	v12 =	vadd.s32 v26, v12;
	v14 =	vld [tilespmem:s25+$0x800];
	v9 =	vadd.s32 v22, v7;
	v7, _, _ =	vpop (xrf0)  }
0x61f: {  	[tilespmem:s24+$0xFFFFF030] =	vst v0;
	v13 =	vld [tilespmem:s25+$0xFFFFF020];
	(xrf0) =	vadd.scan.msk.s32 $0xffff, v9;
	(v2sf) =	vpush v7, $0xF;
	v7 =	vadd.s32 v8, v12  }
0x620: {  	[tilespmem:s24+$0xFFFFF010] =	vst v0;
	v19 =	vld [tilespmem:s25+$0xFFFFF820];
	v8 =	vadd.s32 v25, v7  }
0x621: {  	[tilespmem:s24+$0xFFFFF020] =	vst v0;
	v26 =	vld [tilespmem:s25+$0x20];
	v22, _, _ =	vpop (xrf0);
	(xrf0) =	vadd.scan.msk.s32 $0xffff, v8  }
0x622: {  	v35 =	vld [tilespmem:s24+$0x810];
	[tilespmem:s24+$0x810] =	vst v0  }
0x623: {  	v36 =	vld [tilespmem:s24+$0x0];
	[tilespmem:s24+$0x0] =	vst v0;
	v7 =	vadd.s32 v11, v10  }
0x624: {  	v60 =	vld [tilespmem:s24+$0x800];
	[tilespmem:s24+$0x800] =	vst v0;
	v12, _, _ =	vpop (xrf0);
	v7 =	vadd.s32 v27, v7  }
0x625: {  	v61 =	vld [tilespmem:s24+$0xFFFFF820];
	[tilespmem:s24+$0xFFFFF820] =	vst v0;
	v10 =	vadd.s32 v13, v19;
	(v2sf) =	vpush v12, $0xF;
	v7 =	vadd.s32 v14, v7;
	v13, _, _ =	vpop (xrf0)  }
0x626: {  	v33 =	vld [tilespmem:s24+$0x830];
	[tilespmem:s24+$0x830] =	vst v0;
	v10 =	vadd.s32 v26, v10;
	(xrf0) =	vadd.scan.msk.s32 $0xffff, v7;
	v11 =	vxor.u32 $0x80000000, v13  }
0x627: {  	[tilespmem:s25+$0xFFFFF030] =	vst v0;
	v10 =	vadd.s32 v28, v10;
	(xrf0) =	vmax.scan.msk.u32 $0xffff, v11;
	v12, _, _ =	vpop (xrf0)  }
0x628: {  	[tilespmem:s25+$0xFFFFF800] =	vst v0;
	(xrf0) =	vadd.scan.msk.s32 $0xffff, v10;
	v11 =	vxor.u32 $0x80000000, v12  }
0x629: {  	[tilespmem:s25+$0xFFFFF830] =	vst v0;
	(v2sf) =	vpush v22, $0xF;
	(xrf0) =	vmax.scan.msk.u32 $0xffff, v11  }
0x62a: {  	[tilespmem:s25+$0xFFFFF810] =	vst v0  }
0x62b: {  	[tilespmem:s25+$0xFFFFF000] =	vst v0;
	v19 =	vld [tilespmem:s24+$0xFFFFF830];
	s0 =	spop (v2sf)  }
0x62c: {  	[tilespmem:s25+$0x10] =	vst v0;
	v25 =	vld [tilespmem:s24+$0xFFFFF800];
	s0 =	sadd.s32 $0x0, s0;
	v11, _, _ =	vpop (xrf0)  }
0x62d: {  	[tilespmem:s25+$0x20] =	vst v0;
	v27 =	vld [tilespmem:s24+$0xFFFFF810];
	s0 =	sadd.s32 $0x80000000, s0;
	v32, _, _ =	vpop (xrf0)  }
0x62e: {  	[tilespmem:s25+$0x800] =	vst v0;
	v28 =	vld [tilespmem:s24+$0x30];
	v20 =	vsub.s32 s0, v20;
	v14, _, _ =	vpop (xrf0);
	(v2sf) =	vpush v32, $0xF  }
0x62f: {  	[tilespmem:s25+$0xFFFFF020] =	vst v0;
	v22 =	vld [tilespmem:s24+$0xFFFFF000];
	v34 =	vxor.u32 $0x80000000, v11;
	v37 =	vadd.s32 v18, v20;
	v18, _, _ =	vpop (xrf0)  }
0x630: {  	[tilespmem:s25+$0xFFFFF820] =	vst v0;
	v26 =	vld [tilespmem:s24+$0x10];
	s2 =	spop (v2sf);
	(xrf0) =	vmax.scan.msk.u32 $0xffff, v34;
	v59 =	vxor.u32 $0x80000000, v14;
	(v2sf) =	vpush v18, $0xF  }
0x631: {  	[tilespmem:s25+$0x810] =	vst v0;
	(xrf0) =	vmax.scan.msk.u32 $0xffff, v59  }
0x632: {  	[tilespmem:s24+$0xFFFFF830] =	vst v0;
	v19 =	vadd.s32 v30, v19  }
0x633: {  	v29 =	vadd.s32 v29, v61;
	[tilespmem:s24+$0xFFFFF800] =	vst v0;
	v18 =	vadd.s32 v28, v19  }
0x634: {  	[tilespmem:s24+$0x10] =	vst v0;
	v20 =	vadd.s32 v22, v25;
	v19 =	vadd.s32 v31, v27;
	v27 =	vld [tilespmem:s24+$0x20];
	s3 =	spop (v2sf);
	v18 =	vadd.s32 v33, v18  }
0x635: {  	vm1 =	vgt.s32 v37, $0x199;
	v20 =	vadd.s32 v36, v20;
	v28 =	vld [tilespmem:s24+$0x820];
	v19 =	vadd.s32 v26, v19;
	s0 =	sadd.s32 s3, s0;
	(xrf0) =	vadd.scan.msk.s32 $0xffff, v18  }
0x636: {  	[tilespmem:s24+$0xFFFFF810] =	vst v0;
	vm0 =	vlt.s32 v16, v37;
	v22 =	vsel vm1, $0x1, v0;
	v19 =	vadd.s32 v35, v19;
	s0 =	sadd.s32 $0x80000000, s0;
	v25, _, _ =	vpop (xrf0)  }
0x637: {  	v20 =	vadd.s32 v60, v20;
	v62 =	vsel vm1, $0x0, v37;
	v63 =	vsel vm0, v16, v37;
	(xrf0) =	vadd.scan.msk.s32 $0xffff, v19;
	s2 =	sadd.s32 s2, s0;
	v26, _, _ =	vpop (xrf0)  }
0x638: {  	[tilespmem:s24+$0x30] =	vst v0;
	v22 =	vadd.s32 v22, v15;
	s31 =	spop (v2sf);
	v21 =	vsub.s32 s0, v21;
	s2 =	sadd.s32 $0x80000000, s2;
	(v2sf) =	vpush v26, $0xF  }
0x639: {  	vm2 =	vgt.s32 v15, v62;
	(xrf0) =	vadd.scan.msk.s32 $0xffff, v20;
	v27 =	vadd.s32 v27, v29;
	v21 =	vadd.s32 v17, v21;
	s3 =	sadd.s32 s31, s2  }
0x63a: {  	[tilespmem:s24+$0x20] =	vst v0;
	v15 =	vsel vm2, v15, v62;
	v17 =	vadd.s32 v28, v27;
	vm0 =	vgt.s32 v21, $0x199;
	s28 =	sadd.s32 $0x80000000, s3  }
0x63b: {  	s26 =	simm.s32 $0x5700;
	s25 =	simm.s32 $0x8;
	[tilespmem:s24+$0x820] =	vst v0;
	v27 =	vsel vm1, v63, v16;
	v23 =	vsub.s32 s2, v23;
	v26 =	vsub.s32 s28, v24;
	v24, _, _ =	vpop (xrf0)  }
.LBB2_96:
0x63c: {  	v28 =	vld [tilespmem:s26+$0xFFFFF830];
	s25 =	sadd.s32 $0x4, s25;
	v29 =	vxor.u32 $0x80000000, v24;
	[tilespmem:s24+$0xFFFFF000] =	vst v0;
	(v2sf) =	vpush v25, $0xF;
	vm1 =	vlt.s32 v27, v21;
	v16 =	vmovc v12;
	s24 =	smov.u32 s26  }
0x63d: {  	v23 =	vadd.s32 v5, v23;
	v25 =	vadd.s32 v6, v26;
	[tilespmem:s26+$0xFFFFF830] =	vst v0;
	v30 =	vld [tilespmem:s26+$0xFFFFF800];
	p0 =	slt.u32 s25, $0x7C;
	(xrf0) =	vmax.scan.msk.u32 $0xffff, v29;
	v12, _, _ =	vpop (xrf0);
	s0 =	spop (v2sf)  }
0x63e: {  	v5 =	vmovc v8;
	v29 =	vsel vm1, v27, v21;
	v26 =	vld [tilespmem:s26+$0xFFFFF000];
	[tilespmem:s26+$0xFFFFF800] =	vst v0;
	v35 =	vxor.u32 $0x80000000, v12;
	(xrf0) =	vadd.scan.msk.s32 $0xffff, v17;
	s0 =	sadd.s32 s0, s28  }
0x63f: {  	vm2 =	vgt.s32 v23, $0x199;
	vm1 =	vgt.s32 v25, $0x199;
	v27 =	vsel vm0, v29, v27;
	v31 =	vld [tilespmem:s26+$0x10];
	(xrf0) =	vmax.scan.msk.u32 $0xffff, v35;
	v32, _, _ =	vpop (xrf0);
	s29 =	sadd.s32 $0x80000000, s0;
	s28 =	spop (v2sf)  }
0x640: {  	v8 =	vmovc v19;
	v6 =	vmovc v7;
	vm3 =	vlt.s32 v27, v23;
	v29 =	vld [tilespmem:s26+$0xFFFFF810];
	[tilespmem:s26+$0x10] =	vst v0;
	v33 =	vxor.u32 $0x80000000, v32;
	v34 =	vsub.s32 s29, v13  }
0x641: {  	v7 =	vmovc v20;
	v35 =	vsel vm1, $0x0, v25;
	v37 =	vsel vm3, v27, v23;
	v19 =	vld [tilespmem:s26+$0x30];
	(xrf0) =	vmax.scan.msk.u32 $0xffff, v33;
	v33 =	vsel vm0, $0x1, v0  }
0x642: {  	v20 =	vsel vm0, $0x0, v21;
	v21 =	vsel vm2, $0x0, v23;
	v13 =	vmovc v24;
	v23 =	vsel vm2, v37, v27;
	[tilespmem:s26+$0x30] =	vst v0;
	v36 =	vld [tilespmem:s26+$0xFFFFF020]  }
0x643: {  	v34 =	vadd.s32 v9, v34;
	vm0 =	vgt.s32 v15, v20;
	vm3 =	vlt.s32 v23, v25;
	v24 =	vld [tilespmem:s26+$0xFFFFF030];
	[tilespmem:s26+$0xFFFFF020] =	vst v0;
	v27, _, _ =	vpop (xrf0)  }
0x644: {  	v15 =	vsel vm0, v15, v20;
	v20 =	vsel vm3, v23, v25;
	[tilespmem:s26+$0xFFFFF030] =	vst v0;
	v37 =	vld [tilespmem:s26+$0xFFFFF010];
	(v2sf) =	vpush v27, $0xF;
	v27, _, _ =	vpop (xrf0)  }
0x645: {  	v22 =	vadd.s32 v33, v22;
	v33 =	vsel vm2, $0x1, v0;
	v38 =	vld [tilespmem:s26+$0x830];
	[tilespmem:s26+$0xFFFFF010] =	vst v0;
	v41 =	vxor.u32 $0x80000000, v27;
	v25, _, _ =	vpop (xrf0)  }
0x646: {  	v40 =	vsel vm1, $0x1, v0;
	v9 =	vmovc v18;
	vm0 =	vgt.s32 v15, v21;
	v39 =	vld [tilespmem:s26+$0x810];
	(xrf0) =	vmax.scan.msk.u32 $0xffff, v41;
	(v2sf) =	vpush v25, $0xF  }
0x647: {  	v22 =	vadd.s32 v33, v22;
	v15 =	vsel vm0, v15, v21;
	v23 =	vsel vm1, v20, v23;
	[tilespmem:s26+$0x810] =	vst v0;
	v41 =	vld [tilespmem:s26+$0x0];
	v25, _, _ =	vpop (xrf0);
	s0 =	spop (v2sf)  }
0x648: {  	vm1 =	vgt.s32 v34, $0x199;
	vm0 =	vgt.s32 v15, v35;
	v18 =	vadd.s32 v24, v28;
	v20 =	vld [tilespmem:s26+$0x800];
	[tilespmem:s26+$0x0] =	vst v0;
	s0 =	sadd.s32 s0, s29  }
0x649: {  	v15 =	vsel vm0, v15, v35;
	v18 =	vadd.s32 v19, v18;
	v21 =	vld [tilespmem:s26+$0xFFFFF820];
	v19 =	vadd.s32 v37, v29;
	[tilespmem:s26+$0x800] =	vst v0;
	s0 =	sadd.s32 $0x80000000, s0  }
0x64a: {  	v22 =	vadd.s32 v40, v22;
	v18 =	vadd.s32 v38, v18;
	v24 =	vld [tilespmem:s26+$0x20];
	[tilespmem:s26+$0xFFFFF820] =	vst v0;
	v19 =	vadd.s32 v31, v19;
	s2 =	sadd.s32 s28, s0  }
0x64b: {  	v26 =	vadd.s32 v26, v30;
	v29 =	vsel vm1, $0x1, v0;
	v28 =	vld [tilespmem:s26+$0x820];
	v19 =	vadd.s32 v39, v19;
	(xrf0) =	vadd.scan.msk.s32 $0xffff, v18;
	s3 =	spop (v2sf)  }
0x64c: {  	vm0 =	vlt.s32 v23, v34;
	v22 =	vadd.s32 v29, v22;
	s2 =	sadd.s32 $0x80000000, s2;
	[tilespmem:s26+$0x830] =	vst v0;
	v26 =	vadd.s32 v41, v26;
	v30, _, _ =	vpop (xrf0)  }
.Ltmp68:
0x64d: {  	v29 =	vsel vm1, $0x0, v34;
	v31 =	vsel vm0, v23, v34;
	s3 =	sadd.s32 s3, s2;
	v20 =	vadd.s32 v20, v26;
	(xrf0) =	vadd.scan.msk.s32 $0xffff, v19;
	(pc) =	sbr.rel @p0 .LBB2_96-.Ltmp68, $4  }
0x64e: {  	v26 =	vsub.s32 s0, v14;
	s28 =	sadd.s32 $0x80000000, s3;
	v14 =	vmovc v27;
	v21 =	vadd.s32 v36, v21;
	[tilespmem:s26+$0x20] =	vst v0;
	(v2sf) =	vpush v30, $0xF  }
0x64f: {  	v27 =	vadd.s32 v24, v21;
	(xrf0) =	vadd.scan.msk.s32 $0xffff, v20;
	v21 =	vadd.s32 v10, v26;
	v26 =	vsub.s32 s28, v11;
	v11 =	vmovc v32  }
0x650: {  	vm2 =	vgt.s32 v15, v29;
	v10 =	vmovc v17;
	[tilespmem:s26+$0x820] =	vst v0;
	vm0 =	vgt.s32 v21, $0x199;
	v17 =	vadd.s32 v28, v27  }
0x651: {  	v15 =	vsel vm2, v15, v29;
	s26 =	sadd.s32 $0xFFFFFFC0, s26;
	v27 =	vsel vm1, v31, v23;
	v23 =	vsub.s32 s2, v16;
	[tilespmem:s24+$0xFFFFF810] =	vst v0;
	v24, _, _ =	vpop (xrf0)  }
0x652: {  	v16 =	vxor.u32 $0x80000000, v24  }
0x653: {  	(xrf0) =	vmax.scan.msk.u32 $0xffff, v16  }
0x654: {  	(xrf0) =	vadd.scan.msk.s32 $0xffff, v17;
	_ =	sdelay $0x2  }
0x655: {  	v16, _, _ =	vpop (xrf0)  }
0x656: {  	v28, _, _ =	vpop (xrf0)  }
0x657: {  	v29 =	vxor.u32 $0x80000000, v16;
	v30, _, _ =	vpop (xrf0)  }
0x658: {  	(xrf0) =	vmax.scan.msk.u32 $0xffff, v29;
	v51 =	vxor.u32 $0x80000000, v28;
	v31, _, _ =	vpop (xrf0)  }
0x659: {  	(xrf0) =	vmax.scan.msk.u32 $0xffff, v51;
	v52 =	vxor.u32 $0x80000000, v31  }
0x65a: {  	(v2sf) =	vpush v25, $0xF;
	(xrf0) =	vmax.scan.msk.u32 $0xffff, v52;
	_ =	sdelay $0x3  }
0x65b: {  	v25, _, _ =	vpop (xrf0)  }
0x65c: {  	(v2sf) =	vpush v30, $0xF;
	v53, _, _ =	vpop (xrf0)  }
0x65d: {  	(v2sf) =	vpush v25, $0xF;
	v25, _, _ =	vpop (xrf0)  }
0x65e: {  	(v2sf) =	vpush v25, $0xF;
	_ =	sdelay $0x1  }
0x65f: {  	s0 =	spop (v2sf)  }
0x660: {  	s0 =	sadd.s32 s0, s28;
	s2 =	spop (v2sf)  }
0x661: {  	s0 =	sadd.s32 $0x80000000, s0;
	s3 =	spop (v2sf);
	(v2sf) =	vpush v53, $0xF  }
0x662: {  	s3 =	sadd.s32 s3, s0  }
0x663: {  	vm1 =	vlt.s32 v27, v21;
	v5 =	vadd.s32 v5, v23;
	s3 =	sadd.s32 $0x80000000, s3  }
0x664: {  	v6 =	vadd.s32 v6, v26;
	v13 =	vsub.s32 s0, v13;
	s29 =	sadd.s32 s2, s3;
	v14 =	vsub.s32 s3, v14  }
0x665: {  	vm2 =	vgt.s32 v5, $0x199;
	v9 =	vadd.s32 v9, v13;
	s30 =	spop (v2sf);
	s0 =	sadd.s32 $0x80000000, s29;
	v10 =	vadd.s32 v10, v14  }
0x666: {  	vm3 =	vgt.s32 v9, $0x199;
	s2 =	sadd.s32 s30, s0;
	v12 =	vsub.s32 s0, v12;
	vm9 =	vgt.s32 v10, $0x199  }
0x667: {  	v25 =	vsel vm1, v27, v21;
	vm1 =	vgt.s32 v6, $0x199;
	s2 =	sadd.s32 $0x80000000, s2;
	v8 =	vadd.s32 v8, v12  }
0x668: {  	v23 =	vsel vm0, v25, v27;
	v25 =	vsel vm0, $0x1, v0;
	v11 =	vsub.s32 s2, v11  }
0x669: {  	vm8 =	vgt.s32 v8, $0x199;
	v13 =	vadd.s32 v25, v22;
	v22 =	vsel vm2, $0x1, v0  }
0x66a: {  	vm4 =	vlt.s32 v23, v5;
	v25 =	vsel vm1, $0x1, v0;
	v13 =	vadd.s32 v22, v13;
	s31 =	spop (v2sf)  }
0x66b: {  	v7 =	vadd.s32 v7, v11;
	v13 =	vadd.s32 v25, v13;
	v25 =	vsel vm3, $0x1, v0;
	s3 =	sadd.s32 s31, s2;
	s25 =	spop (v2sf)  }
0x66c: {  	v11 =	vsel vm9, $0x1, v0;
	vm5 =	vgt.s32 v7, $0x199;
	v13 =	vadd.s32 v25, v13;
	s12 =	sadd.s32 $0x80000000, s3;
	s26 =	spop (v2sf)  }
0x66d: {  	v11 =	vadd.s32 v11, v13;
	v13 =	vsel vm8, $0x1, v0;
	v12 =	vsub.s32 s12, v24;
	s0 =	sadd.s32 s26, s12  }
0x66e: {  	v14 =	vsel vm5, $0x1, v0;
	v11 =	vadd.s32 v13, v11;
	v12 =	vadd.s32 v18, v12;
	s0 =	sadd.s32 $0x80000000, s0  }
0x66f: {  	v22 =	vsel vm4, v23, v5;
	v11 =	vadd.s32 v14, v11;
	vm6 =	vgt.s32 v12, $0x199;
	s28 =	sadd.s32 s25, s0  }
0x670: {  	v18 =	vsel vm2, v22, v23;
	v14 =	vsel vm6, $0x1, v0;
	s29 =	spop (v2sf);
	v13 =	vsub.s32 s0, v31;
	s2 =	sadd.s32 $0x80000000, s28  }
0x671: {  	v11 =	vadd.s32 v14, v11;
	v13 =	vadd.s32 v17, v13;
	s0 =	sadd.s32 s29, s2;
	v14 =	vsub.s32 s2, v16  }
0x672: {  	vm11 =	vlt.s32 v18, v6;
	vm10 =	vgt.s32 v13, $0x199;
	s0 =	sadd.s32 $0x80000000, s0;
	v14 =	vadd.s32 v19, v14  }
0x673: {  	v17 =	vsel vm10, $0x1, v0;
	v16 =	vsub.s32 s0, v28;
	vm7 =	vgt.s32 v14, $0x199  }
0x674: {  	v11 =	vadd.s32 v17, v11;
	v16 =	vadd.s32 v20, v16;
	v17 =	vsel vm7, $0x1, v0  }
0x675: {  	vm4 =	vgt.s32 v16, $0x199;
	v11 =	vadd.s32 v17, v11;
	v17 =	vsel vm11, v18, v6  }
0x676: {  	v19 =	vsel vm4, $0x1, v0;
	v17 =	vsel vm1, v17, v18  }
0x677: {  	v11 =	vadd.s32 v19, v11;
	vm14 =	vlt.s32 v17, v9  }
0x678: {  	(xrf0) =	vadd.scan.msk.s32 $0xffff, v11;
	v11 =	vsel vm0, $0x0, v21;
	v18 =	vsel vm14, v17, v9  }
0x679: {  	vm0 =	vgt.s32 v15, v11;
	v17 =	vsel vm3, v18, v17  }
0x67a: {  	v5 =	vsel vm2, $0x0, v5;
	v11 =	vsel vm0, v15, v11;
	vm0 =	vlt.s32 v17, v10  }
0x67b: {  	vm2 =	vgt.s32 v11, v5;
	v15 =	vsel vm0, v17, v10  }
0x67c: {  	v6 =	vsel vm1, $0x0, v6;
	v5 =	vsel vm2, v11, v5;
	v11 =	vsel vm9, v15, v17  }
0x67d: {  	vm0 =	vgt.s32 v5, v6;
	vm1 =	vlt.s32 v11, v8  }
0x67e: {  	v5 =	vsel vm0, v5, v6;
	v6 =	vsel vm3, $0x0, v9;
	v9 =	vsel vm1, v11, v8  }
0x67f: {  	vm0 =	vgt.s32 v5, v6;
	v9 =	vsel vm8, v9, v11  }
0x680: {  	v15, _, _ =	vpop (xrf0);
	v5 =	vsel vm0, v5, v6;
	v6 =	vsel vm9, $0x0, v10;
	vm0 =	vlt.s32 v9, v7  }
0x681: {  	[tilespmem:s24+$0xFFFFF000] =	vst v0;
	s30 =	simm.s32 $0x2040;
	(v2sf) =	vpush v15, $0xF;
	vm1 =	vgt.s32 v5, v6;
	v10 =	vsel vm0, v9, v7  }
0x682: {  	v19 =	vld [tilespmem:s30+$0xFFFFFFE0];
	v8 =	vsel vm8, $0x0, v8;
	v5 =	vsel vm1, v5, v6;
	v6 =	vsel vm5, v10, v9  }
0x683: {  	v21 =	vld [tilespmem:s30+$0x0];
	vm0 =	vgt.s32 v5, v8;
	vm1 =	vlt.s32 v6, v12  }
0x684: {  	v7 =	vsel vm5, $0x0, v7;
	v5 =	vsel vm0, v5, v8;
	v8 =	vsel vm1, v6, v12  }
0x685: {  	vm0 =	vgt.s32 v5, v7;
	v6 =	vsel vm6, v8, v6  }
0x686: {  	v5 =	vsel vm0, v5, v7;
	vm0 =	vlt.s32 v6, v13  }
0x687: {  	v23 =	vxor.u32 $0x7FFFFFFF, v19;
	v7 =	vsel vm6, $0x0, v12;
	v8 =	vsel vm0, v6, v13  }
0x688: {  	v25 =	vxor.u32 $0x7FFFFFFF, v21;
	vm1 =	vgt.s32 v5, v7;
	v6 =	vsel vm10, v8, v6  }
0x689: {  	v12 =	vld [tilespmem:s30+$0xFFFFFFF0];
	v5 =	vsel vm1, v5, v7;
	v7 =	vsel vm10, $0x0, v13;
	vm0 =	vlt.s32 v6, v14  }
0x68a: {  	vm3 =	vlt.s32 v19, $0x0;
	vm1 =	vgt.s32 v5, v7;
	v8 =	vsel vm0, v6, v14  }
0x68b: {  	v9 =	vsel vm7, $0x0, v14;
	v5 =	vsel vm1, v5, v7;
	v7 =	vld [tilespmem:s30+$0xFFFFFFD0];
	v6 =	vsel vm7, v8, v6  }
0x68c: {  	v11 =	vsel vm4, $0x0, v16;
	v10 =	vld [tilespmem:s30+$0x20];
	vm0 =	vgt.s32 v5, v9;
	vm1 =	vlt.s32 v6, v16  }
0x68d: {  	v15 =	vimm.s32 $0x80000000;
	v5 =	vsel vm0, v5, v9;
	v8 =	vsel vm1, v6, v16  }
0x68e: {  	v13 =	vld [tilespmem:s30+$0x10];
	vm0 =	vgt.s32 v5, v11;
	v16 =	vimm.s32 $0x0;
	vm1 =	vlt.s32 v12, $0x0  }
0x68f: {  	v8 =	vsel vm4, v8, v6;
	v9 =	vsel vm0, v5, v11;
	vm4 =	vlt.s32 v21, $0x0  }
0x690: {  	s31 =	spop (v2sf);
	vm0 =	vlt.s32 v7, $0x0;
	v6 =	vxor.u32 $0x7FFFFFFF, v7;
	v25 =	vsel vm4, v25, v21  }
0x691: {  	v11 =	vld [tilespmem:s30+$0x30];
	s24 =	sadd.s32 $0xFFFFFBFF, s31;
	v17 =	vsel vm0, v6, v7;
	vm0 =	vlt.s32 v10, $0x0;
	v6 =	vxor.u32 $0x7FFFFFFF, v10  }
0x692: {  	v18 =	vld [tilespmem:s30+$0xFFFFFFC0];
	v5 =	vmov s24;
	v7 =	vxor.u32 $0x7FFFFFFF, v12;
	v6 =	vsel vm0, v6, v10  }
0x693: {  	v7 =	vsel vm1, v7, v12;
	vm0 =	vlt.s32 v13, $0x0;
	v14 =	vshra.s32 v17, $0x15  }
0x694: {  	v12 =	vxor.u32 $0x7FFFFFFF, v13;
	v20 =	vshra.s32 v7, $0x15;
	vm6 =	veq.s32 v14, v5  }
0x695: {  	vm15 =	vlt.s32 v14, v5;
	v14 =	vshra.s32 v6, $0x15;
	v12 =	vsel vm0, v12, v13  }
0x696: {  	vm1 =	vlt.s32 v11, $0x0;
	v10 =	vxor.u32 $0x7FFFFFFF, v11;
	vm5 =	vlt.s32 v20, v5  }
0x697: {  	v10 =	vsel vm1, v10, v11;
	v11 =	vxor.u32 $0x7FFFFFFF, v18;
	vm1 =	vlt.s32 v18, $0x0  }
0x698: {  	v22 =	vmpcnt.ones.xlane vm6;
	vm0 =	veq.s32 v20, v5;
	v11 =	vsel vm1, v11, v18  }
0x699: {  	v20 =	vsel vm0, $0x1, v0;
	v13 =	vshra.s32 v10, $0x15;
	vm1 =	vgt.s32 v15, v11  }
0x69a: {  	vm2 =	veq.s32 v13, v5;
	v18 =	vshra.s32 v11, $0x15;
	v24 =	vsel vm1, v15, v11  }
0x69b: {  	vm7 =	vlt.s32 v18, v5;
	vm1 =	veq.s32 v18, v5;
	v55 =	vsel vm2, $0x1, v0  }
0x69c: {  	v18 =	vsel vm7, v24, v15;
	v21 =	vmpcnt.ones.xlane vm1;
	v24 =	vshra.s32 v25, $0x15  }
0x69d: {  	v15 =	vsel vm3, v23, v19;
	v58 =	vsel vm1, $0x1, v0;
	vm7 =	veq.s32 v24, v5  }
0x69e: {  	vm4 =	vgt.s32 v18, v17;
	v23 =	vshra.s32 v15, $0x15;
	v26 =	vsel vm7, $0x1, v0  }
0x69f: {  	vm8 =	vlt.s32 v24, v5;
	v19 =	vsel vm4, v18, v17;
	v21 =	vadd.s32 v16, v21;
	(xrf0) =	vadd.scan.msk.s32 $0xffff, v26  }
0x6a0: {  	v27 =	vmpcnt.ones.xlane vm7;
	vm4 =	veq.s32 v23, v5;
	v18 =	vsel vm15, v19, v18  }
0x6a1: {  	vm12 =	vlt.s32 v23, v5;
	v22 =	vadd.s32 v21, v22;
	(xrf0) =	vadd.scan.msk.s32 $0xffff, v20;
	vm13 =	vgt.s32 v18, v15  }
0x6a2: {  	v26 =	vshra.s32 v12, $0x15;
	v56 =	vsel vm4, $0x1, v0;
	(xrf0) =	vadd.scan.msk.s32 $0xffff, v55;
	v24 =	vsel vm13, v18, v15  }
0x6a3: {  	v54 =	vmpcnt.ones.xlane vm4;
	vm3 =	veq.s32 v26, v5;
	v20 =	vsel vm6, $0x1, v0;
	(xrf0) =	vadd.scan.msk.s32 $0xffff, v56  }
0x6a4: {  	v19 =	vmpcnt.ones.xlane vm0;
	v57 =	vsel vm3, $0x1, v0;
	v18 =	vsel vm12, v24, v18;
	(xrf0) =	vadd.scan.msk.s32 $0xffff, v20  }
0x6a5: {  	vm9 =	vlt.s32 v26, v5;
	v20 =	vadd.s32 v22, v54;
	vm14 =	vgt.s32 v18, v7;
	v24, _, _ =	vpop (xrf0);
	(xrf0) =	vadd.scan.msk.s32 $0xffff, v57  }
0x6a6: {  	v23 =	vmpcnt.ones.xlane vm3;
	v19 =	vadd.s32 v20, v19;
	v59 =	vsel vm14, v18, v7  }
0x6a7: {  	v27 =	vadd.s32 v19, v27;
	v28 =	vsel vm5, v59, v18;
	v24 =	vadd.s32 v24, v19;
	v26, _, _ =	vpop (xrf0);
	(xrf0) =	vadd.scan.msk.s32 $0xffff, v58  }
0x6a8: {  	vm5 =	veq.s32 v14, v5;
	vm12 =	vgt.s32 v28, v25;
	v24 =	vadd.s32 $0xFFFFFFFF, v24;
	v60, _, _ =	vpop (xrf0)  }
0x6a9: {  	v23 =	vadd.s32 v27, v23;
	v62 =	vsel vm12, v28, v25;
	vm15 =	vlt.s32 v24, $0x7FF;
	v18, _, _ =	vpop (xrf0)  }
0x6aa: {  	v61 =	vnsel vm15, $0x7FF, v24;
	v19, _, _ =	vpop (xrf0);
	v18 =	vadd.s32 v18, v22;
	v22 =	vsel vm5, $0x1, v0  }
0x6ab: {  	v24 =	vmpcnt.ones.xlane vm5;
	v19 =	vadd.s32 v19, v21;
	v18 =	vadd.s32 $0xFFFFFFFF, v18;
	v21, _, _ =	vpop (xrf0);
	(xrf0) =	vadd.scan.msk.s32 $0xffff, v22  }
0x6ac: {  	v22 =	vadd.s32 $0xFFFFFFFF, v19;
	v19 =	vadd.s32 v26, v20;
	v20 =	vadd.s32 v21, v27  }
0x6ad: {  	vm14 =	vlt.s32 v18, $0x7FF;
	vm13 =	vlt.s32 v22, $0x7FF;
	v26, _, _ =	vpop (xrf0);
	v21 =	vadd.s32 $0xFFFFFFFF, v20  }
0x6ae: {  	v22 =	vnsel vm13, $0x7FF, v22;
	v26 =	vadd.s32 v26, v16;
	v16 =	vadd.s32 v23, v24  }
0x6af: {  	v20 =	vnsel vm14, $0x7FF, v18;
	vm15 =	vlt.s32 v21, $0x7FF;
	v24 =	vadd.s32 v60, v16  }
0x6b0: {  	v18 =	vnsel vm15, $0x7FF, v21;
	v21 =	vadd.s32 $0xFFFFFFFF, v26;
	v26 =	vsel vm8, v62, v28  }
0x6b1: {  	v27 =	vadd.s32 $0xFFFFFFFF, v24;
	v24 =	vmpcnt.ones.xlane vm2;
	vm8 =	vgt.s32 v26, v12;
	v63, _, _ =	vpop (xrf0)  }
0x6b2: {  	[tilespmem:v61+s18+$0x0] =	vst.idx.msk vm7, v25;
	vm7 =	vlt.s32 v27, $0x7FF;
	v25 =	vsel vm8, v26, v12;
	v28 =	vadd.s32 v63, v23  }
0x6b3: {  	s26 =	simm.s32 $0x20C0;
	s25 =	simm.s32 $0x0;
	[tilespmem:v22+s18+$0x0] =	vst.idx.msk vm6, v17;
	v23 =	vsel vm9, v25, v26;
	v17 =	vnsel vm7, $0x7FF, v27;
	v22 =	vadd.s32 $0xFFFFFFFF, v28  }
.LBB2_98:
0x6b4: {  	v25 =	vld [tilespmem:s26+$0xFFFFFFD0];
	s25 =	sadd.s32 $0x8, s25;
	v19 =	vadd.s32 $0xFFFFFFFF, v19;
	vm6 =	vgt.s32 v23, v6;
	v16 =	vadd.s32 v16, v24  }
0x6b5: {  	vm7 =	vlt.s32 v21, $0x7FF;
	vm8 =	vlt.s32 v14, v5;
	v24 =	vld [tilespmem:s26+$0x20];
	p0 =	slt.u32 s25, $0x1F8;
	v14 =	vsel vm6, v23, v6  }
0x6b6: {  	v21 =	vnsel vm7, $0x7FF, v21;
	vm6 =	vlt.s32 v19, $0x7FF;
	v26 =	vld [tilespmem:s26+$0xFFFFFFF0];
	v14 =	vsel vm8, v14, v23  }
0x6b7: {  	v23 =	vld [tilespmem:s26+$0x10];
	[tilespmem:v20+s18+$0x0] =	vst.idx.msk vm4, v15;
	v15 =	vnsel vm6, $0x7FF, v19;
	vm4 =	vlt.s32 v22, $0x7FF;
	vm6 =	vgt.s32 v14, v10  }
0x6b8: {  	v19 =	vld [tilespmem:s26+$0x30];
	v20 =	vnsel vm4, $0x7FF, v22;
	vm4 =	vlt.s32 v13, v5;
	[tilespmem:v17+s18+$0x0] =	vst.idx.msk vm2, v10;
	v10 =	vsel vm6, v14, v10  }
0x6b9: {  	vm2 =	vlt.s32 v25, $0x0;
	v13 =	vxor.u32 $0x7FFFFFFF, v25;
	v22 =	vld [tilespmem:s26+$0xFFFFFFE0];
	[tilespmem:v18+s18+$0x0] =	vst.idx.msk vm3, v12;
	v18 =	vsel vm4, v10, v14  }
0x6ba: {  	v27 =	vld [tilespmem:s26+$0xFFFFFFC0];
	v17 =	vsel vm2, v13, v25;
	vm2 =	vlt.s32 v24, $0x0;
	v10 =	vxor.u32 $0x7FFFFFFF, v24  }
0x6bb: {  	vm3 =	vlt.s32 v26, $0x0;
	v12 =	vxor.u32 $0x7FFFFFFF, v26;
	v10 =	vsel vm2, v10, v24;
	[tilespmem:v21+s18+$0x0] =	vst.idx.msk vm1, v11  }
0x6bc: {  	vm1 =	vlt.s32 v23, $0x0;
	v11 =	vxor.u32 $0x7FFFFFFF, v23;
	[tilespmem:v15+s18+$0x0] =	vst.idx.msk vm0, v7;
	v7 =	vsel vm3, v12, v26  }
0x6bd: {  	v15 =	vshra.s32 v7, $0x15;
	vm0 =	vlt.s32 v19, $0x0;
	v12 =	vxor.u32 $0x7FFFFFFF, v19;
	[tilespmem:v20+s18+$0x0] =	vst.idx.msk vm5, v6;
	v6 =	vmovc v10  }
0x6be: {  	v13 =	vshra.s32 v17, $0x15;
	vm5 =	vlt.s32 v15, v5;
	v10 =	vsel vm0, v12, v19  }
0x6bf: {  	vm6 =	veq.s32 v13, v5;
	vm8 =	vlt.s32 v13, v5;
	v14 =	vshra.s32 v6, $0x15;
	v19 =	vld [tilespmem:s26+$0x0]  }
0x6c0: {  	v21 =	vmpcnt.ones.xlane vm6;
	v24 =	vxor.u32 $0x7FFFFFFF, v22;
	v20 =	vxor.u32 $0x7FFFFFFF, v27  }
0x6c1: {  	v12 =	vsel vm1, v11, v23;
	vm0 =	vlt.s32 v27, $0x0;
	v13 =	vshra.s32 v10, $0x15  }
0x6c2: {  	v11 =	vsel vm0, v20, v27;
	vm0 =	veq.s32 v15, v5;
	vm2 =	veq.s32 v13, v5  }
0x6c3: {  	v15 =	vshra.s32 v11, $0x15;
	vm1 =	vgt.s32 v18, v11;
	v20 =	vsel vm0, $0x1, v0  }
0x6c4: {  	vm3 =	vlt.s32 v22, $0x0;
	v23 =	vsel vm1, v18, v11;
	vm4 =	vlt.s32 v19, $0x0  }
0x6c5: {  	vm1 =	veq.s32 v15, v5;
	vm7 =	vlt.s32 v15, v5;
	v15 =	vxor.u32 $0x7FFFFFFF, v19  }
0x6c6: {  	v18 =	vsel vm7, v23, v18;
	v23 =	vmpcnt.ones.xlane vm1;
	v25 =	vsel vm4, v15, v19  }
0x6c7: {  	vm4 =	vgt.s32 v18, v17;
	v15 =	vsel vm3, v24, v22;
	v19 =	vshra.s32 v25, $0x15  }
0x6c8: {  	v22 =	vsel vm4, v18, v17;
	v24 =	vshra.s32 v15, $0x15;
	vm7 =	veq.s32 v19, v5  }
0x6c9: {  	v23 =	vadd.s32 v16, v23;
	v26 =	vsel vm7, $0x1, v0;
	v27 =	vmpcnt.ones.xlane vm7  }
0x6ca: {  	v28 =	vshra.s32 v12, $0x15;
	v21 =	vadd.s32 v23, v21;
	vm4 =	veq.s32 v24, v5;
	(xrf0) =	vadd.scan.msk.s32 $0xffff, v26  }
0x6cb: {  	v29 =	vsel vm2, $0x1, v0;
	vm3 =	veq.s32 v28, v5;
	v26 =	vmpcnt.ones.xlane vm4  }
0x6cc: {  	v30 =	vsel vm6, $0x1, v0;
	vm9 =	vlt.s32 v24, v5;
	v24 =	vmpcnt.ones.xlane vm3;
	(xrf0) =	vadd.scan.msk.s32 $0xffff, v20  }
0x6cd: {  	v18 =	vsel vm8, v22, v18;
	vm8 =	vlt.s32 v19, v5;
	v20 =	vsel vm4, $0x1, v0;
	(xrf0) =	vadd.scan.msk.s32 $0xffff, v29  }
0x6ce: {  	v22 =	vmpcnt.ones.xlane vm0;
	vm10 =	vgt.s32 v18, v15;
	v19 =	vadd.s32 v21, v26;
	(xrf0) =	vadd.scan.msk.s32 $0xffff, v20  }
0x6cf: {  	v31 =	vsel vm10, v18, v15;
	v29 =	vsel vm3, $0x1, v0;
	v20 =	vsel vm1, $0x1, v0;
	(xrf0) =	vadd.scan.msk.s32 $0xffff, v30  }
0x6d0: {  	v18 =	vsel vm9, v31, v18;
	vm9 =	vlt.s32 v28, v5;
	v22 =	vadd.s32 v19, v22;
	v26, _, _ =	vpop (xrf0);
	(xrf0) =	vadd.scan.msk.s32 $0xffff, v29  }
0x6d1: {  	vm10 =	vgt.s32 v18, v7;
	v26 =	vadd.s32 v26, v22;
	(xrf0) =	vadd.scan.msk.s32 $0xffff, v20  }
0x6d2: {  	v30 =	vsel vm10, v18, v7;
	v22 =	vadd.s32 v22, v27;
	v26 =	vadd.s32 $0xFFFFFFFF, v26;
	v27, _, _ =	vpop (xrf0)  }
0x6d3: {  	v28 =	vsel vm5, v30, v18;
	vm5 =	veq.s32 v14, v5;
	vm10 =	vlt.s32 v26, $0x7FF;
	v29, _, _ =	vpop (xrf0)  }
0x6d4: {  	v18 =	vnsel vm10, $0x7FF, v26;
	vm10 =	vgt.s32 v28, v25;
	v26 =	vmpcnt.ones.xlane vm5;
	v20, _, _ =	vpop (xrf0)  }
0x6d5: {  	v20 =	vadd.s32 v20, v21;
	v30 =	vsel vm10, v28, v25;
	v21 =	vsel vm5, $0x1, v0;
	v31, _, _ =	vpop (xrf0)  }
0x6d6: {  	v19 =	vadd.s32 v27, v19;
	v23 =	vadd.s32 v31, v23;
	v20 =	vadd.s32 $0xFFFFFFFF, v20;
	v27, _, _ =	vpop (xrf0);
	(xrf0) =	vadd.scan.msk.s32 $0xffff, v21  }
0x6d7: {  	v21 =	vadd.s32 $0xFFFFFFFF, v23;
	v23 =	vadd.s32 v27, v22;
	v22 =	vadd.s32 v22, v24;
	v24, _, _ =	vpop (xrf0)  }
0x6d8: {  	v24 =	vadd.s32 v24, v16;
	vm10 =	vlt.s32 v21, $0x7FF;
	v16 =	vadd.s32 $0xFFFFFFFF, v23  }
0x6d9: {  	v23 =	vnsel vm10, $0x7FF, v21;
	vm10 =	vlt.s32 v20, $0x7FF;
	[tilespmem:v18+s18+$0x0] =	vst.idx.msk vm7, v25;
	vm7 =	vlt.s32 v16, $0x7FF  }
.Ltmp69:
0x6da: {  	v20 =	vnsel vm10, $0x7FF, v20;
	v18 =	vnsel vm7, $0x7FF, v16;
	v16 =	vadd.s32 v22, v26;
	(pc) =	sbr.rel @p0 .LBB2_98-.Ltmp69, $4  }
0x6db: {  	v21 =	vadd.s32 $0xFFFFFFFF, v24;
	v25 =	vsel vm8, v30, v28;
	v24 =	vadd.s32 v29, v16  }
0x6dc: {  	vm7 =	vgt.s32 v25, v12;
	v26 =	vadd.s32 $0xFFFFFFFF, v24;
	v24 =	vmpcnt.ones.xlane vm2;
	v27, _, _ =	vpop (xrf0)  }
0x6dd: {  	v28 =	vsel vm7, v25, v12;
	v22 =	vadd.s32 v27, v22;
	vm7 =	vlt.s32 v26, $0x7FF  }
0x6de: {  	s26 =	sadd.s32 $0x80, s26;
	[tilespmem:v23+s18+$0x0] =	vst.idx.msk vm6, v17;
	v23 =	vsel vm9, v28, v25;
	v22 =	vadd.s32 $0xFFFFFFFF, v22;
	v17 =	vnsel vm7, $0x7FF, v26  }
0x6df: {  	v9 =	vxor.u32 $0x80000000, v9  }
0x6e0: {  	v8 =	vxor.u32 $0x80000000, v8;
	(xrf0) =	vmax.scan.msk.u32 $0xffff, v9  }
0x6e1: {  	(xrf0) =	vmin.scan.msk.u32 $0xffff, v8  }
0x6e2: {  	vm6 =	vgt.s32 v23, v6  }
0x6e3: {  	vm7 =	vlt.s32 v14, v5;
	v56 =	vsel vm6, v23, v6  }
0x6e4: {  	v14 =	vsel vm7, v56, v23  }
0x6e5: {  	vm11 =	vgt.s32 v14, v10  }
0x6e6: {  	vm12 =	vlt.s32 v13, v5;
	v57 =	vsel vm11, v14, v10;
	v58, _, _ =	vpop (xrf0)  }
0x6e7: {  	v8 =	vsel vm12, v57, v14;
	v59, _, _ =	vpop (xrf0);
	(v2sf) =	vpush v58, $0xF  }
0x6e8: {  	v8 =	vxor.u32 $0x80000000, v8;
	(v2sf) =	vpush v59, $0xF  }
0x6e9: {  	(xrf0) =	vmax.scan.msk.u32 $0xffff, v8;
	_ =	sdelay $0x5  }
0x6ea: {  	v60, _, _ =	vpop (xrf0)  }
0x6eb: {  	(v2sf) =	vpush v60, $0xF;
	_ =	sdelay $0x5  }
0x6ec: {  	s0 =	spop (v2sf)  }
0x6ed: {  	vm13 =	vlt.s32 v21, $0x7FF;
	s2 =	spop (v2sf)  }
0x6ee: {  	v61 =	vadd.s32 $0xFFFFFFFF, v19;
	vm15 =	vlt.s32 v22, $0x7FF;
	v62 =	vnsel vm13, $0x7FF, v21;
	s25 =	sxor.u32 $0x80000000, s0;
	s31 =	sxor.u32 $0x80000000, s2  }
0x6ef: {  	vm14 =	vlt.s32 v61, $0x7FF;
	v63 =	vnsel vm15, $0x7FF, v22;
	s0 =	ssub.s32 s31, s25  }
0x6f0: {  	[tilespmem:v20+s18+$0x0] =	vst.idx.msk vm4, v15;
	v8 =	vnsel vm14, $0x7FF, v61;
	p0 =	sgt.s32 s0, $0x800  }
.Ltmp70:
0x6f1: {  	[tilespmem:v17+s18+$0x0] =	vst.idx.msk vm2, v10;
	(pc) =	sbr.rel @p0 .LBB2_113-.Ltmp70, $4  }
0x6f2: {  	[tilespmem:v18+s18+$0x0] =	vst.idx.msk vm3, v12  }
0x6f3: {  	[tilespmem:v62+s18+$0x0] =	vst.idx.msk vm1, v11  }
0x6f4: {  	s30 =	sshll.u32 s24, $0x15;
	[tilespmem:v63+s18+$0x0] =	vst.idx.msk vm5, v6  }
0x6f5: {  	s29 =	simm.s32 $0x0;
	[tilespmem:v8+s18+$0x0] =	vst.idx.msk vm0, v7;
	s28 =	ssub.s32 $0x19A, s25;
	s26 =	spop (v2sf)  }
0x6f6: {  	p0 =	slt.s32 s0, $0x800  }
0x6f7: {  	p1 =	slt.s32 s0, $0xFFFFFFF2;
	s0 =	simm.s32 @!p0 $0x800  }
0x6f8: {  	s2 =	sadd.s32 $0xF, s0  }
0x6f9: {  	s3 =	sand.u32 $0xF, s2  }
.Ltmp71:
0x6fa: {  	s24 =	sshra.s32 s2, $0x1F;
	p6 =	sne.s32 s3, $0x0;
	(pc) =	sbr.rel .LBB2_101-.Ltmp71, $4  }
0x6fb: {  	s3 =	sshrl.u32 s24, $0x1C;
	p0 =	por !p1, !p6  }
0x6fc: {  	s2 =	sadd.s32 s3, s2;
	s3 =	simm.s32 $0x1;
	p0 =	por !p0, !p0  }
0x6fd: {  	s2 =	sshra.s32 s2, $0x4;
	s3 =	simm.s32 @!p0 $0x0  }
0x6fe: {  	v5 =	vmov s0;
	s0 =	simm.s32 $0x0;
	s31 =	ssub.s32 s2, s3  }
.LBB2_113:
0x6ff: {  	s0 =	simm.s32 $0x0  }
0x700: {  	v6 =	vld [tilespmem:s0+$0x2000];
	_ =	sdelay $0x4  }
0x701: {  	vm0 =	vlt.s32 v6, $0x0;
	v7 =	vxor.u32 $0x7FFFFFFF, v6  }
0x702: {  	v7 =	vsel vm0, v7, v6  }
0x703: {  	s31 =	sshrl.u32 s19, s29;
	s2 =	simm.s32 $0x10;
	v8 =	vshra.s32 v7, $0x15  }
0x704: {  	s24 =	sor.u32 s31, s30;
	vm15 =	veq.s32 v8, v5;
	v8 =	vld [tilespmem:s2+$0x2000]  }
0x705: {  	v6 =	vmov s24  }
0x706: {  	vm1 =	vge.s32 v7, v6  }
0x707: {  	vm0 =	vmand vm1, vm15  }
0x708: {  	s0 =	simm.s32 $0x80;
	v7 =	vimm.s32 $0x0;
	v9 =	vsel vm0, $0x1, v0  }
.LBB2_114:
0x709: {  	s2 =	sshra.s32 s0, $0x2;
	p0 =	sne.s32 s0, $0x7FC0;
	s0 =	sadd.s32 $0x40, s0;
	vm0 =	vlt.s32 v8, $0x0;
	v10 =	vxor.u32 $0x7FFFFFFF, v8;
	v7 =	vadd.s32 v9, v7  }
.Ltmp72:
0x70a: {  	v9 =	vsel vm0, v10, v8;
	v8 =	vld [tilespmem:s2+$0x2000];
	(pc) =	sbr.rel @p0 .LBB2_114-.Ltmp72, $4  }
0x70b: {  	v10 =	vshra.s32 v9, $0x15  }
0x70c: {  	vm1 =	vge.s32 v9, v6;
	vm0 =	veq.s32 v10, v5  }
0x70d: {  	vm0 =	vmand vm1, vm0  }
0x70e: {  	v9 =	vsel vm0, $0x1, v0  }
0x70f: {  	vm0 =	vlt.s32 v8, $0x0;
	v10 =	vxor.u32 $0x7FFFFFFF, v8  }
0x710: {  	v8 =	vsel vm0, v10, v8  }
0x711: {  	v10 =	vshra.s32 v8, $0x15  }
0x712: {  	vm1 =	vge.s32 v8, v6;
	vm15 =	veq.s32 v10, v5  }
0x713: {  	vm0 =	vmand vm1, vm15  }
0x714: {  	v6 =	vadd.s32 v9, v7;
	v7 =	vsel vm0, $0x1, v0  }
0x715: {  	v6 =	vadd.s32 v7, v6  }
0x716: {  	(xrf0) =	vadd.scan.msk.s32 $0xffff, v6;
	_ =	sdelay $0x5  }
0x717: {  	v6, _, _ =	vpop (xrf0)  }
0x718: {  	(v2sf) =	vpush v6, $0xF;
	_ =	sdelay $0xe  }
0x719: {  	s0 =	spop (v2sf)  }
0x71a: {  	s29 =	sadd.s32 $0x1, s29;
	p0 =	slt.s32 s0, s28  }
0x71b: {  	s24 =	smov.u32 @p0 s30;
	p0 =	sne.s32 s29, $0x15  }
.Ltmp73:
0x71c: {  	_ = 	snop;
	(pc) =	sbr.rel @p0 .LBB2_113-.Ltmp73, $2  }
0x71d: {  	_ =	sdelay $0x2  }
0x71e: {  	s30 =	smov.u32 s24  }
0x71f: {  	s28 =	simm.s32 $0x0  }
0x720: {  	v6 =	vld [tilespmem:s28+$0x2000];
	_ =	sdelay $0x4  }
0x721: {  	vm0 =	vlt.s32 v6, $0x0;
	v7 =	vxor.u32 $0x7FFFFFFF, v6  }
0x722: {  	v7 =	vsel vm0, v7, v6  }
0x723: {  	s0 =	simm.s32 $0x10;
	v8 =	vshra.s32 v7, $0x15  }
0x724: {  	vm15 =	veq.s32 v8, v5;
	v8 =	vld [tilespmem:s0+$0x2000]  }
0x725: {  	v6 =	vmov s24  }
0x726: {  	vm1 =	vge.s32 v7, v6  }
0x727: {  	vm0 =	vmand vm1, vm15  }
0x728: {  	s2 =	simm.s32 $0x80;
	v7 =	vimm.s32 $0x0;
	v9 =	vsel vm0, $0x1, v0  }
.LBB2_117:
0x729: {  	s3 =	sshra.s32 s2, $0x2;
	p0 =	sne.s32 s2, $0x7FC0;
	s2 =	sadd.s32 $0x40, s2;
	vm0 =	vlt.s32 v8, $0x0;
	v10 =	vxor.u32 $0x7FFFFFFF, v8;
	v7 =	vadd.s32 v9, v7  }
.Ltmp74:
0x72a: {  	v9 =	vsel vm0, v10, v8;
	v8 =	vld [tilespmem:s3+$0x2000];
	(pc) =	sbr.rel @p0 .LBB2_117-.Ltmp74, $4  }
0x72b: {  	v10 =	vshra.s32 v9, $0x15  }
0x72c: {  	vm1 =	vge.s32 v9, v6;
	vm0 =	veq.s32 v10, v5  }
0x72d: {  	vm0 =	vmand vm1, vm0  }
0x72e: {  	v9 =	vsel vm0, $0x1, v0  }
0x72f: {  	v10 =	vld [tilespmem:s28+$0x2000];
	_ =	sdelay $0x3  }
0x730: {  	vm0 =	vlt.s32 v8, $0x0;
	v11 =	vxor.u32 $0x7FFFFFFF, v8  }
0x731: {  	v8 =	vsel vm0, v11, v8;
	vm12 =	vlt.s32 v10, $0x0;
	v11 =	vxor.u32 $0x7FFFFFFF, v10  }
0x732: {  	v10 =	vsel vm12, v11, v10;
	v11 =	vshra.s32 v8, $0x15  }
0x733: {  	vm1 =	vge.s32 v8, v6;
	vm13 =	veq.s32 v11, v5  }
0x734: {  	v8 =	vshra.s32 v10, $0x15;
	vm0 =	vmand vm1, vm13  }
0x735: {  	v7 =	vadd.s32 v9, v7;
	vm14 =	veq.s32 v8, v5;
	v8 =	vsel vm0, $0x1, v0  }
0x736: {  	v9 =	vadd.s32 v8, v7;
	v8 =	vld [tilespmem:s0+$0x2000];
	_ =	sdelay $0x1  }
0x737: {  	vm2 =	vlt.s32 v10, v6  }
0x738: {  	vm15 =	vmand vm2, vm14  }
0x739: {  	s2 =	simm.s32 $0x80;
	v7 =	vimm.s32 $0x80000000;
	v10 =	vnsel vm15, $0x80000000, v10  }
.LBB2_119:
0x73a: {  	s0 =	sshra.s32 s2, $0x2;
	p0 =	sne.s32 s2, $0x7FC0;
	s2 =	sadd.s32 $0x40, s2;
	vm0 =	vlt.s32 v8, $0x0;
	v11 =	vxor.u32 $0x7FFFFFFF, v8;
	vm1 =	vgt.s32 v7, v10  }
.Ltmp75:
0x73b: {  	v11 =	vsel vm0, v11, v8;
	v8 =	vld [tilespmem:s0+$0x2000];
	v7 =	vsel vm1, v7, v10;
	(pc) =	sbr.rel @p0 .LBB2_119-.Ltmp75, $4  }
0x73c: {  	v10 =	vshra.s32 v11, $0x15  }
0x73d: {  	vm1 =	vlt.s32 v11, v6;
	vm0 =	veq.s32 v10, v5  }
0x73e: {  	vm0 =	vmand vm1, vm0  }
0x73f: {  	v10 =	vnsel vm0, $0x80000000, v11  }
0x740: {  	(xrf0) =	vadd.scan.msk.s32 $0xffff, v9;
	_ =	sdelay $0x5  }
0x741: {  	v9, _, _ =	vpop (xrf0)  }
0x742: {  	(v2sf) =	vpush v9, $0xF;
	_ =	sdelay $0x6  }
0x743: {  	vm0 =	vlt.s32 v8, $0x0;
	v63 =	vxor.u32 $0x7FFFFFFF, v8  }
0x744: {  	v8 =	vsel vm0, v63, v8  }
0x745: {  	v9 =	vshra.s32 v8, $0x15  }
0x746: {  	vm1 =	vlt.s32 v8, v6;
	vm14 =	veq.s32 v9, v5  }
.Ltmp76:
0x747: {  	vm15 =	vgt.s32 v7, v10;
	vm0 =	vmand vm1, vm14;
	(pc) =	sbr.rel .LBB2_121-.Ltmp76, $4  }
0x748: {  	v5 =	vsel vm15, v7, v10;
	v7 =	vnsel vm0, $0x80000000, v8  }
0x749: {  	vm0 =	vgt.s32 v5, v7  }
0x74a: {  	v5 =	vsel vm0, v5, v7  }
0x74b: {  	v7 =	vxor.u32 $0x80000000, v5;
	s0 =	spop (v2sf)  }
.LBB2_104:
0x74c: {  	vm0 =	vmand vm0, vm1  }
0x74d: {  	v7 =	vsel vm0, $0x1, v0  }
0x74e: {  	v6 =	vadd.s32 v7, v6  }
.LBB2_105:
0x74f: {  	(xrf0) =	vadd.scan.msk.s32 $0xffff, v6;
	_ =	sdelay $0x5  }
0x750: {  	v6, _, _ =	vpop (xrf0)  }
0x751: {  	(v2sf) =	vpush v6, $0xF;
	_ =	sdelay $0xe  }
0x752: {  	s2 =	spop (v2sf)  }
0x753: {  	s0 =	sadd.s32 $0x1, s0;
	p1 =	slt.s32 s2, s28  }
0x754: {  	s24 =	smov.u32 @p1 s30;
	p1 =	sne.s32 s0, $0x15  }
.Ltmp77:
0x755: {  	_ = 	snop;
	(pc) =	sbr.rel @!p1 .LBB2_106-.Ltmp77, $2  }
0x756: {  	_ =	sdelay $0x2  }
0x757: {  	s30 =	smov.u32 s24  }
.LBB2_101:
0x758: {  	p0 =	slt.s32 s31, $0x1  }
.Ltmp78:
0x759: {  	_ = 	snop;
	(pc) =	sbr.rel @p0 .LBB2_105-.Ltmp78, $3  }
0x75a: {  	_ =	sdelay $0x1  }
0x75b: {  	s2 =	sshrl.u32 s19, s0  }
0x75c: {  	v6 =	vimm.s32 $0x0;
	s24 =	sor.u32 s2, s30  }
0x75d: {  	s2 =	simm.s32 $0x6000  }
0x75e: {  	p1 =	sne.s32 s31, $0x1;
	v8 =	vld [tilespmem:s2+$0x0]  }
.Ltmp79:
0x75f: {  	_ = 	snop;
	(pc) =	sbr.rel @!p1 .LBB2_104-.Ltmp79, $3  }
0x760: {  	_ =	sdelay $0x1  }
0x761: {  	v7 =	vmov s24;
	v9 =	vor.u32 s29, v1  }
0x762: {  	s12 =	simm.s32 $0x6010;
	s3 =	simm.s32 $0x0;
	s2 =	sadd.s32 $0xFFFFFFFF, s31;
	vm0 =	vlt.s32 v9, v5;
	vm1 =	vge.s32 v8, v7  }
.LBB2_103:
0x763: {  	v8 =	vld [tilespmem:s12+$0x0];
	p1 =	sne.s32 s2, $0x1;
	s2 =	sadd.s32 $0xFFFFFFFF, s2;
	vm0 =	vmand vm0, vm1  }
.Ltmp80:
0x764: {  	v9 =	vsel vm0, $0x1, v0;
	(pc) =	sbr.rel @p1 .LBB2_103-.Ltmp80, $4  }
0x765: {  	v6 =	vadd.s32 v9, v6  }
0x766: {  	s3 =	sadd.s32 $0x10, s3  }
0x767: {  	v9 =	vor.u32 s3, v1  }
0x768: {  	s12 =	sadd.s32 $0x10, s12;
	vm0 =	vlt.s32 v9, v5;
	vm1 =	vge.s32 v8, v7  }
.Ltmp81:
0x769: {  	_ = 	snop;
	(pc) =	sbr.rel .LBB2_104-.Ltmp81, $1  }
0x76a: {  	_ =	sdelay $0x3  }
.LBB2_106:
.Ltmp82:
0x76b: {  	(pc) =	sbr.rel @p0 .LBB2_107-.Ltmp82, $2  }
0x76c: {  	_ =	sdelay $0x2  }
0x76d: {  	v6 =	vmov s24;
	v7 =	vimm.s32 $0x0  }
0x76e: {  	s0 =	simm.s32 $0x6000  }
0x76f: {  	p0 =	sne.s32 s31, $0x1;
	v8 =	vld [tilespmem:s0+$0x0]  }
.Ltmp83:
0x770: {  	_ = 	snop;
	(pc) =	sbr.rel @!p0 .LBB2_110-.Ltmp83, $4  }
0x771: {  	s28 =	simm.s32 $0x0  }
0x772: {  	v9 =	vor.u32 s28, v1  }
0x773: {  	vm0 =	vlt.s32 v9, v5  }
0x774: {  	s2 =	sadd.s32 $0xFFFFFFFF, s31;
	s29 =	simm.s32 $0x6010;
	s3 =	simm.s32 $0x0;
	vm2 =	vmmov vm0;
	vm1 =	vge.s32 v8, v6  }
.LBB2_109:
0x775: {  	v8 =	vld [tilespmem:s29+$0x0];
	p1 =	sne.s32 s2, $0x1;
	s2 =	sadd.s32 $0xFFFFFFFF, s2;
	vm1 =	vmand vm2, vm1  }
.Ltmp84:
0x776: {  	v9 =	vsel vm1, $0x1, v0;
	(pc) =	sbr.rel @p1 .LBB2_109-.Ltmp84, $4  }
0x777: {  	v7 =	vadd.s32 v9, v7  }
0x778: {  	s3 =	sadd.s32 $0x10, s3  }
0x779: {  	v9 =	vor.u32 s3, v1  }
0x77a: {  	s29 =	sadd.s32 $0x10, s29;
	vm2 =	vlt.s32 v9, v5;
	vm1 =	vge.s32 v8, v6  }
.LBB2_110:
0x77b: {  	vm1 =	vmand vm2, vm1  }
0x77c: {  	v8 =	vsel vm1, $0x1, v0  }
0x77d: {  	v7 =	vadd.s32 v8, v7  }
0x77e: {  	(xrf0) =	vadd.scan.msk.s32 $0xffff, v7;
	_ =	sdelay $0x5  }
0x77f: {  	v7, _, _ =	vpop (xrf0)  }
0x780: {  	(v2sf) =	vpush v7, $0xF;
	_ =	sdelay $0x9  }
0x781: {  	v8 =	vld [tilespmem:s0+$0x0]  }
.Ltmp85:
0x782: {  	_ = 	snop;
	(pc) =	sbr.rel @!p0 .LBB2_112-.Ltmp85, $2  }
0x783: {  	_ =	sdelay $0x2  }
0x784: {  	s2 =	sadd.s32 $0xFFFFFFFF, s31;
	s29 =	simm.s32 $0x6010;
	vm1 =	vlt.s32 v8, v6;
	v7 =	vimm.s32 $0x80000000;
	s0 =	spop (v2sf)  }
.LBB2_111:
0x785: {  	v9 =	vld [tilespmem:s29+$0x0];
	p0 =	sne.s32 s2, $0x1;
	s2 =	sadd.s32 $0xFFFFFFFF, s2;
	vm0 =	vmand vm0, vm1  }
.Ltmp86:
0x786: {  	v8 =	vnsel vm0, $0x80000000, v8;
	(pc) =	sbr.rel @p0 .LBB2_111-.Ltmp86, $4  }
0x787: {  	vm0 =	vgt.s32 v7, v8  }
0x788: {  	s28 =	sadd.s32 $0x10, s28;
	v7 =	vsel vm0, v7, v8  }
0x789: {  	v10 =	vor.u32 s28, v1  }
0x78a: {  	s29 =	sadd.s32 $0x10, s29;
	vm0 =	vlt.s32 v10, v5;
	vm1 =	vlt.s32 v9, v6;
	v8 =	vmov v9  }
.LBB2_112:
.Ltmp87:
0x78b: {  	vm0 =	vmand vm0, vm1;
	(pc) =	sbr.rel .LBB2_121-.Ltmp87, $4  }
0x78c: {  	v5 =	vnsel vm0, $0x80000000, v8  }
0x78d: {  	vm0 =	vgt.s32 v7, v5  }
0x78e: {  	v5 =	vsel vm0, v7, v5  }
0x78f: {  	v7 =	vxor.u32 $0x80000000, v5  }
.LBB2_107:
0x790: {  	s0 =	rddreg [dreg:$0x4]  }
.LBB2_121:
0x791: {  	(xrf0) =	vmax.scan.msk.u32 $0xffff, v7;
	_ =	sdelay $0x5  }
0x792: {  	v5, _, _ =	vpop (xrf0)  }
0x793: {  	(v2sf) =	vpush v5, $0xF;
	_ =	sdelay $0xe  }
0x794: {  	s2 =	spop (v2sf)  }
0x795: {  	s3 =	sxor.u32 $0x80000000, s26;
	s2 =	sxor.u32 $0x80000000, s2  }
0x796: {  	s0 =	sadd.s32 s25, s0;
	p0 =	sgt.s32 s3, s2  }
0x797: {  	p1 =	sgt.s32 s0, $0x19A;
	s2 =	smov.u32 @p0 s3  }
0x798: {  	s2 =	smov.u32 @p1 s24  }
0x799: {  	vm0 =	vlt.s32 v6, $0x0;
	v5 =	vmov s2  }
0x79a: {  	v7 =	vxor.u32 $0x7FFFFFFF, v6;
	s24 =	simm.s32 $0x2040;
	vm1 =	vlt.s32 v5, $0x0;
	v5 =	vxor.u32 $0x7FFFFFFF, v5  }
0x79b: {  	v6 =	vsel vm0, v7, v6;
	v7 =	vld [tilespmem:s24+$0x30];
	v5 =	vnsel vm1, s2, v5  }
0x79c: {  	v10 =	vld [tilespmem:s24+$0xFFFFFFD0];
	v5 =	vadd.f32 v5, v6  }
0x79d: {  	v12 =	vld [tilespmem:s24+$0xFFFFFFE0]  }
0x79e: {  	v9 =	vld [tilespmem:s24+$0xFFFFFFF0];
	v5 =	vmul.f32 $5.000000000e-01, v5  }
0x79f: {  	v8 =	vld [tilespmem:s24+$0x0]  }
0x7a0: {  	v6 =	vld [tilespmem:s24+$0x10];
	vm0 =	vgt.f32 v7, v5  }
0x7a1: {  	vm1 =	vgt.f32 v10, v5;
	v7 =	vld [tilespmem:s24+$0x20];
	v13 =	vsel vm0, $0x3F800000, v4  }
0x7a2: {  	s25 =	simm.s32 $0x20C0;
	s0 =	simm.s32 $0x0;
	v10 =	vld [tilespmem:s24+$0xFFFFFFC0];
	v11 =	vsel vm1, $0x3F800000, v4;
	vm0 =	vgt.f32 v12, v5;
	[tilespmem:s24+$0x30] =	vst v13  }
.LBB2_122:
0x7a3: {  	v12 =	vld [tilespmem:s25+$0x30];
	s0 =	sadd.s32 $0x8, s0;
	[tilespmem:s24+$0xFFFFFFD0] =	vst v11;
	v11 =	vsel vm0, $0x3F800000, v4;
	vm0 =	vgt.f32 v9, v5  }
0x7a4: {  	v13 =	vld [tilespmem:s25+$0xFFFFFFD0];
	p0 =	slt.u32 s0, $0x1F8;
	[tilespmem:s24+$0xFFFFFFE0] =	vst v11;
	v9 =	vsel vm0, $0x3F800000, v4;
	vm0 =	vgt.f32 v8, v5  }
0x7a5: {  	v14 =	vld [tilespmem:s25+$0xFFFFFFE0];
	[tilespmem:s24+$0xFFFFFFF0] =	vst v9;
	v8 =	vsel vm0, $0x3F800000, v4;
	vm0 =	vgt.f32 v6, v5  }
.Ltmp88:
0x7a6: {  	v9 =	vld [tilespmem:s25+$0xFFFFFFF0];
	[tilespmem:s24+$0x0] =	vst v8;
	v6 =	vsel vm0, $0x3F800000, v4;
	vm0 =	vgt.f32 v7, v5;
	(pc) =	sbr.rel @p0 .LBB2_122-.Ltmp88, $4  }
0x7a7: {  	v8 =	vld [tilespmem:s25+$0x0];
	vm1 =	vgt.f32 v10, v5;
	[tilespmem:s24+$0x10] =	vst v6;
	v7 =	vsel vm0, $0x3F800000, v4  }
0x7a8: {  	v6 =	vld [tilespmem:s25+$0x10];
	vm0 =	vgt.f32 v12, v5;
	v10 =	vsel vm1, $0x3F800000, v4;
	[tilespmem:s24+$0x20] =	vst v7  }
0x7a9: {  	vm1 =	vgt.f32 v13, v5;
	v7 =	vld [tilespmem:s25+$0x20];
	v12 =	vsel vm0, $0x3F800000, v4;
	[tilespmem:s24+$0xFFFFFFC0] =	vst v10;
	s24 =	smov.u32 s25  }
0x7aa: {  	s25 =	sadd.s32 $0x80, s25;
	v10 =	vld [tilespmem:s24+$0xFFFFFFC0];
	v11 =	vsel vm1, $0x3F800000, v4;
	vm0 =	vgt.f32 v14, v5;
	[tilespmem:s24+$0x30] =	vst v12  }
0x7ab: {  	[tilespmem:s24+$0xFFFFFFD0] =	vst v11;
	v63 =	vsel vm0, $0x3F800000, v4;
	vm12 =	vgt.f32 v9, v5  }
0x7ac: {  	[tilespmem:s24+$0xFFFFFFE0] =	vst v63;
	v9 =	vsel vm12, $0x3F800000, v4;
	vm13 =	vgt.f32 v8, v5  }
0x7ad: {  	[tilespmem:s24+$0xFFFFFFF0] =	vst v9;
	v8 =	vsel vm13, $0x3F800000, v4;
	vm14 =	vgt.f32 v6, v5  }
0x7ae: {  	[tilespmem:s24+$0x0] =	vst v8;
	v6 =	vsel vm14, $0x3F800000, v4;
	vm15 =	vgt.f32 v7, v5  }
0x7af: {  	vm1 =	vgt.f32 v10, v5;
	[tilespmem:s24+$0x10] =	vst v6;
	v5 =	vsel vm15, $0x3F800000, v4  }
0x7b0: {  	v6 =	vsel vm1, $0x3F800000, v4;
	[tilespmem:s24+$0x20] =	vst v5  }
0x7b1: {  	s23 =	sadd.s32 $0x1, s23;
	[tilespmem:s24+$0xFFFFFFC0] =	vst v6  }
0x7b2: {  	[hbm4b:s10+s13] =	stream.strided.scatter [tilespmem:s16], [sflag:$0x4], $0x2000, s14, s13, $0x38;
	[tilespmem:$0x6800] =	vst v63  }
0x7b3: {  	p0 =	sne.s32 s23, s11;
	_ =	swait.ge [sflag:s21], $0x2000  }
.Ltmp89:
0x7b4: {  	[sflag:s21] =	ssyncset.done $0x0;
	(pc) =	sbr.rel @p0 .LBB2_1-.Ltmp89, $4  }
0x7b5: {  	[sflag:s21] =	ssyncadd.s32 $0xFFFFE000  }
0x7b6: {  	_ =	swait.ge [sflag:s22], $0x2000  }
0x7b7: {  	[sflag:s22] =	ssyncset.done $0x0  }
0x7b8: {  	[sflag:s22] =	ssyncadd.s32 $0xFFFFE000  }
0x7b9: {  	_ =	sfence.sel $0x180000  }
0x7ba: {  	[bflag:$0x0] =	sbarrier.arrive $0xFFFF  }
0x7bb: {  	_ =	strace $0x90000047  }
0x7bc: {  	s0 =	stileid.u32;
	[bflag:$0x2] =	sbarrier.arrive $0xFFFF  }
0x7bd: {  	p0 =	sne.s32 s0, $0x0;
	s0 =	rddreg [dreg:$0x2]  }
0x7be: {  	s0 =	sadd.s32 @!p0 $0x100000, s0  }
0x7bf: {  	[sflag:s0] =	ssyncadd.tile.s32 @!p0 $0x1;
	_ =	shalt  }
.Lfunc_end2:
_tile_overlayer_lowered:
.L_overlay_start_2:
0x7c0: {  	(tag) =	ssettag $0x2  }
0x7c1: {  	s0 =	rddreg [dreg:$0x0];
	s2 =	stileid.u32  }
0x7c2: {  	s1 =	rddreg [dreg:$0x1];
	p0 =	sne.s32 s2, $0x0  }
0x7c3: {  	s3 =	rddreg [dreg:$0x2];
	[bflag:$0x3] =	sbarrier.arrive $0xFFFF;
	s2 =	simm.s32 @!p0 $0x1C05  }
0x7c4: {  	[timem:s3], [sflag:s2] =	dma.local @!p0 [hbm:s0], s1  }
0x7c5: {  	s0 =	simm.s32 @!p0 $0x5  }
0x7c6: {  	_ =	swait.ge @!p0 [sflag:s0], s1  }
0x7c7: {  	s1 =	ssub.s32 @!p0 $0x0, s1;
	[sflag:s0] =	ssyncset.done @!p0 $0x0  }
0x7c8: {  	[sflag:s0] =	ssyncadd.s32 @!p0 s1  }
0x7c9: {  	[bflag:$0x3] =	sbarrier.arrive $0xFFFF  }
0x7ca: {  	_ =	shalt  }

</sc_bundles>
